<compile_context>
chip_gen: v7x
topology: tpu7x:2x2x1
jax: 0.10.2.dev20260603
libtpu: 0.0.44.dev20260713+nightly
codegen_flags: <defaults>
</compile_context>

<pallas_src>
import functools

import jax
import jax.numpy as jnp
from jax import lax
from jax.experimental import pallas as pl
from jax.experimental.pallas import tpu as pltpu
from jax.experimental.pallas import tpu_sc as plsc

N, N1, E1, N2, E2 = 10000, 5000, 320000, 1250, 80000
NC, NS, L = 2, 16, 16
NW = NC * NS
E1P = E1 + 512
E2P = 81920
SEG1 = 160
N1P = SEG1 * NW
SEG2 = 40
N2P = SEG2 * NW
CB1 = 512
CB2 = 192
BB = 512
A1B = 1000
A2B = 512
GD = E2P // NW
DCH = 512
NPF = 30016


def _mesh():
    return plsc.VectorSubcoreMesh(
        core_axis_name="c", subcore_axis_name="s",
        num_cores=NC, num_subcores=NS)


def _wid():
    return lax.axis_index("s") * NC + lax.axis_index("c")



def _gather_pdiff_body(posf_h, idx1_h, row1_h, col1_h, idx2_h, row2_h,
                       col2_h, pd1_h, pd2_h,
                       posf_v, idx1_v, idx2_v, row_v, col_v, pd1_v, pd2_v):
    w = _wid()
    pltpu.sync_copy(posf_h, posf_v)
    pltpu.sync_copy(idx1_h, idx1_v)
    pltpu.sync_copy(idx2_h, idx2_v)

    base1 = w * (E1 // NW)

    def l1_blk(blk, _):
        e0 = base1 + blk * A1B
        pltpu.sync_copy(row1_h.at[pl.ds(e0, A1B)], row_v.at[pl.ds(0, A1B)])
        pltpu.sync_copy(col1_h.at[pl.ds(e0, A1B)], col_v.at[pl.ds(0, A1B)])

        def inner(e, _):
            c = col_v[pl.ds(e, L)][0]
            pj = posf_v[pl.ds(c * 3, L)]
            r = row_v[pl.ds(e, L)][0]
            i1 = idx1_v[pl.ds(r, L)][0]
            pi = posf_v[pl.ds(i1 * 3, L)]
            pd1_v[pl.ds(e * L, L)] = pj - pi
            return 0

        lax.fori_loop(0, A1B, inner, 0)
        pltpu.sync_copy(pd1_v, pd1_h.at[pl.ds(e0 * L, A1B * L)])
        return 0

    lax.fori_loop(0, (E1 // NW) // A1B, l1_blk, 0)

    base2 = w * (E2P // NW)

    def l2_blk(blk, _):
        e0 = base2 + blk * A2B
        pltpu.sync_copy(row2_h.at[pl.ds(e0, A2B)], row_v.at[pl.ds(0, A2B)])
        pltpu.sync_copy(col2_h.at[pl.ds(e0, A2B)], col_v.at[pl.ds(0, A2B)])

        def inner(e, _):
            c = col_v[pl.ds(e, L)][0]
            a = idx1_v[pl.ds(c, L)][0]
            pj = posf_v[pl.ds(a * 3, L)]
            r = jnp.minimum(row_v[pl.ds(e, L)][0], N2 - 1)
            b = idx2_v[pl.ds(r, L)][0]
            bb = idx1_v[pl.ds(b, L)][0]
            pi = posf_v[pl.ds(bb * 3, L)]
            pd2_v[pl.ds(e * L, L)] = pj - pi
            return 0

        lax.fori_loop(0, A2B, inner, 0)
        pltpu.sync_copy(pd2_v, pd2_h.at[pl.ds(e0 * L, A2B * L)])
        return 0

    lax.fori_loop(0, (E2P // NW) // A2B, l2_blk, 0)


def _gather_pdiff(posf, idx1p, row1, col1, idx2p, row2p, col2p):
    f = pl.kernel(
        _gather_pdiff_body,
        out_type=(jax.ShapeDtypeStruct((E1P * L,), jnp.float32),
                  jax.ShapeDtypeStruct((E2P * L,), jnp.float32)),
        mesh=_mesh(),
        scratch_types=[
            pltpu.VMEM((NPF,), jnp.float32),
            pltpu.VMEM((N1 + 2 * L,), jnp.int32),
            pltpu.VMEM((N2 + 2 * L,), jnp.int32),
            pltpu.VMEM((A1B + L,), jnp.int32),
            pltpu.VMEM((A1B + L,), jnp.int32),
            pltpu.VMEM((A1B * L,), jnp.float32),
            pltpu.VMEM((A2B * L,), jnp.float32),
        ],
    )
    return f(posf, idx1p, row1, col1, idx2p, row2p, col2p)



def _mlp1_body(pd, wa, ba, wb, bb_, wc, bc, out):
    pdm = pd[...]
    h = jnp.dot(pdm, wa[...], preferred_element_type=jnp.float32) + ba[...]
    h = jnp.maximum(h, 0.0)
    h = jnp.dot(h, wb[...], preferred_element_type=jnp.float32) + bb_[...]
    h = jnp.maximum(h, 0.0)
    out[...] = jnp.dot(h, wc[...], preferred_element_type=jnp.float32) + bc[...]


def _mlp1(pd1, W1a_p, b1a, W1b, b1b, W1c, b1c):
    return pl.pallas_call(
        _mlp1_body,
        grid=(E1P // BB,),
        in_specs=[
            pl.BlockSpec((BB, L), lambda i: (i, 0)),
            pl.BlockSpec((L, 64), lambda i: (0, 0)),
            pl.BlockSpec((1, 64), lambda i: (0, 0)),
            pl.BlockSpec((64, 64), lambda i: (0, 0)),
            pl.BlockSpec((1, 64), lambda i: (0, 0)),
            pl.BlockSpec((64, 128), lambda i: (0, 0)),
            pl.BlockSpec((1, 128), lambda i: (0, 0)),
        ],
        out_specs=pl.BlockSpec((BB, 128), lambda i: (i, 0)),
        out_shape=jax.ShapeDtypeStruct((E1P, 128), jnp.float32),
    )(pd1.reshape(E1P, L), W1a_p, b1a.reshape(1, 64), W1b, b1b.reshape(1, 64),
      W1c, b1c.reshape(1, 128))


def _mlp2_body(xg, pd, wax, wap, ba, wb, bb_, wc, bc, out):
    pdm = pd[...]
    h = (jnp.dot(xg[...], wax[...], preferred_element_type=jnp.float32)
         + jnp.dot(pdm, wap[...], preferred_element_type=jnp.float32)
         + ba[...])
    h = jnp.maximum(h, 0.0)
    h = jnp.dot(h, wb[...], preferred_element_type=jnp.float32) + bb_[...]
    h = jnp.maximum(h, 0.0)
    out[...] = jnp.dot(h, wc[...], preferred_element_type=jnp.float32) + bc[...]


def _mlp2(xg, pd2, W2ax, W2ap, b2a, W2b, b2b, W2c, b2c):
    return pl.pallas_call(
        _mlp2_body,
        grid=(E2P // BB,),
        in_specs=[
            pl.BlockSpec((BB, 128), lambda i: (i, 0)),
            pl.BlockSpec((BB, L), lambda i: (i, 0)),
            pl.BlockSpec((128, 128), lambda i: (0, 0)),
            pl.BlockSpec((L, 128), lambda i: (0, 0)),
            pl.BlockSpec((1, 128), lambda i: (0, 0)),
            pl.BlockSpec((128, 128), lambda i: (0, 0)),
            pl.BlockSpec((1, 128), lambda i: (0, 0)),
            pl.BlockSpec((128, 256), lambda i: (0, 0)),
            pl.BlockSpec((1, 256), lambda i: (0, 0)),
        ],
        out_specs=pl.BlockSpec((BB, 256), lambda i: (i, 0)),
        out_shape=jax.ShapeDtypeStruct((E2P, 256), jnp.float32),
    )(xg, pd2.reshape(E2P, L), W2ax, W2ap, b2a.reshape(1, 128),
      W2b, b2b.reshape(1, 128), W2c, b2c.reshape(1, 256))



def _segmax_body(m_h, rows_h, bnd_h, x_h, m_v, out_v, rows_v, bnd_v, cur_s,
                 *, F, CB, SEGS, NV):
    w = _wid()
    pltpu.sync_copy(bnd_h.at[pl.ds(w * 8, 8)], bnd_v.at[pl.ds(0, 8)])
    t = bnd_v[pl.ds(0, L)]
    s0 = pl.multiple_of(t[0], 8)
    s1 = t[1]
    e0 = pl.multiple_of(t[2], 8)
    nblk = t[3]
    zer = jnp.zeros((L,), jnp.float32)
    ninf = jnp.full((L,), -jnp.inf, jnp.float32)

    def zb(i, _):
        out_v[pl.ds(i * L, L)] = zer
        return 0

    lax.fori_loop(0, SEGS * NV, zb, 0)

    cur_s[0] = -1

    def flush(cur, acc):
        s = cur - s0
        for k in range(NV):
            out_v[pl.ds(s * F + k * L, L)] = acc[k]

    def blk(b, acc0):
        eb = pl.multiple_of(e0 + b * CB, 8)
        pltpu.sync_copy(m_h.at[pl.ds(eb * F, CB * F)], m_v)
        pltpu.sync_copy(rows_h.at[pl.ds(eb, CB)], rows_v.at[pl.ds(0, CB)])

        def ebody(e, acc):
            seg = rows_v[pl.ds(e, L)][0]
            cur = cur_s[0]
            is_new = seg != cur

            @pl.when(is_new & (cur >= s0) & (cur < s1))
            def _():
                flush(cur, acc)

            acc = tuple(jnp.where(is_new, ninf, acc[k]) for k in range(NV))
            acc = tuple(
                jnp.maximum(acc[k], m_v[pl.ds(e * F + k * L, L)])
                for k in range(NV))
            cur_s[0] = seg
            return acc

        return lax.fori_loop(0, CB, ebody, acc0)

    acc = lax.fori_loop(0, nblk, blk, (ninf,) * NV)
    cur = cur_s[0]

    @pl.when((cur >= s0) & (cur < s1))
    def _():
        flush(cur, acc)

    pltpu.sync_copy(out_v, x_h.at[pl.ds(s0 * F, SEGS * F)])


def _segmax(m, rowsp, bounds, F, CB, SEGS, NSEGP):
    NV = F // L
    body = functools.partial(_segmax_body, F=F, CB=CB, SEGS=SEGS, NV=NV)
    f = pl.kernel(
        body,
        out_type=jax.ShapeDtypeStruct((NSEGP * F,), jnp.float32),
        mesh=_mesh(),
        scratch_types=[
            pltpu.VMEM((CB * F,), jnp.float32),
            pltpu.VMEM((SEGS * F,), jnp.float32),
            pltpu.VMEM((CB + L,), jnp.int32),
            pltpu.VMEM((L,), jnp.int32),
            pltpu.SMEM((8,), jnp.int32),
        ],
    )
    return f(m.reshape(-1), rowsp, bounds).reshape(NSEGP, F)


def _bounds(rows, nseg_total, segs_per_w, cb):
    w = jnp.arange(NW, dtype=jnp.int32)
    s0 = w * segs_per_w
    s1 = s0 + segs_per_w
    e0 = jnp.searchsorted(rows, jnp.minimum(s0, nseg_total),
                          side="left").astype(jnp.int32)
    e0 = (e0 // 8) * 8
    ee = jnp.searchsorted(rows, jnp.minimum(s1, nseg_total),
                          side="left").astype(jnp.int32)
    nblk = jnp.where(ee > e0, (ee - e0 + cb - 1) // cb, 0).astype(jnp.int32)
    z = jnp.zeros_like(s0)
    return jnp.stack([s0, s1, e0, nblk, z, z, z, z], axis=1).reshape(-1)



def _gatherx_body(x1_h, col2_h, xg_h, idx_v, buf_v, sem):
    w = _wid()
    base = w * GD
    for c in range(GD // DCH):
        pltpu.sync_copy(col2_h.at[pl.ds(base + c * DCH, DCH)], idx_v)
        pltpu.async_copy(x1_h.at[idx_v], buf_v, sem).wait()
        pltpu.sync_copy(buf_v, xg_h.at[pl.ds(base + c * DCH, DCH)])


def _gather_x1(x1, col2p):
    f = pl.kernel(
        _gatherx_body,
        out_type=jax.ShapeDtypeStruct((E2P, 128), jnp.float32),
        mesh=_mesh(),
        scratch_types=[
            pltpu.VMEM((DCH,), jnp.int32),
            pltpu.VMEM((DCH, 128), jnp.float32),
            pltpu.SemaphoreType.DMA,
        ],
    )
    return f(x1, col2p)



def _head_body(x, w1, b1, w2, b2, w3r, b3, out):
    h = jnp.dot(x[...], w1[...], preferred_element_type=jnp.float32) + b1[...]
    h = jnp.maximum(h, 0.0)
    h = jnp.dot(h, w2[...], preferred_element_type=jnp.float32) + b2[...]
    h = jnp.maximum(h, 0.0)
    t = jnp.sum(h * w3r[...], axis=1, keepdims=True) + b3[...]
    out[...] = jax.nn.sigmoid(t)


def _head(x2, Wl1, bl1, Wl2, bl2, Wl3, bl3):
    return pl.pallas_call(
        _head_body,
        grid=(1,),
        in_specs=[
            pl.BlockSpec((N2P, 256), lambda i: (0, 0)),
            pl.BlockSpec((256, 256), lambda i: (0, 0)),
            pl.BlockSpec((1, 256), lambda i: (0, 0)),
            pl.BlockSpec((256, 128), lambda i: (0, 0)),
            pl.BlockSpec((1, 128), lambda i: (0, 0)),
            pl.BlockSpec((1, 128), lambda i: (0, 0)),
            pl.BlockSpec((1, 1), lambda i: (0, 0)),
        ],
        out_specs=pl.BlockSpec((N2P, 1), lambda i: (0, 0)),
        out_shape=jax.ShapeDtypeStruct((N2P, 1), jnp.float32),
    )(x2, Wl1, bl1.reshape(1, 256), Wl2, bl2.reshape(1, 128),
      Wl3.reshape(1, 128), bl3.reshape(1, 1))



def kernel(pos, batch, idx1, row1, col1, idx2, row2, col2,
           W1a, b1a, W1b, b1b, W1c, b1c,
           W2a, b2a, W2b, b2b, W2c, b2c,
           Wl1, bl1, Wl2, bl2, Wl3, bl3):
    f32 = jnp.float32
    i32 = jnp.int32
    posf = jnp.concatenate([pos.reshape(-1),
                            jnp.zeros((NPF - 3 * N,), f32)])
    idx1p = jnp.concatenate([idx1, jnp.zeros((2 * L,), i32)])
    idx2p = jnp.concatenate([idx2, jnp.zeros((2 * L,), i32)])
    row1p = jnp.concatenate([row1, jnp.full((E1P - E1,), N1, i32)])
    row2p = jnp.concatenate([row2, jnp.full((E2P - E2,), N2, i32)])
    col2p = jnp.concatenate([col2, jnp.zeros((E2P - E2,), i32)])

    pd1, pd2 = _gather_pdiff(posf, idx1p, row1, col1, idx2p, row2p, col2p)

    W1a_p = jnp.concatenate([W1a, jnp.zeros((L - 3, 64), f32)], axis=0)
    m1 = _mlp1(pd1, W1a_p, b1a, W1b, b1b, W1c, b1c)
    x1 = _segmax(m1, row1p, _bounds(row1, N1, SEG1, CB1),
                 F=128, CB=CB1, SEGS=SEG1, NSEGP=N1P)

    xg = _gather_x1(x1, col2p)
    W2ax = W2a[:128]
    W2ap = jnp.concatenate([W2a[128:], jnp.zeros((L - 3, 128), f32)], axis=0)
    m2 = _mlp2(xg, pd2, W2ax, W2ap, b2a, W2b, b2b, W2c, b2c)
    x2 = _segmax(m2, row2p, _bounds(row2, N2, SEG2, CB2),
                 F=256, CB=CB2, SEGS=SEG2, NSEGP=N2P)

    y = _head(x2, Wl1, bl1, Wl2, bl2, Wl3, bl3)
    return y[:N2]

# --- scband reference (transcript-rebuilt; emitter-appended) ---
"""Pipeline reference for scband-spine-segmentation-net-88029649699281 (READ-ONLY COPY).

The authoritative reference and input builder live on the scoring server;
editing this copy changes nothing except your own understanding.
"""

import jax, jax.numpy as jnp
import numpy as np

N, N1, E1, N2, E2 = 10000, 5000, 320000, 1250, 80000


def _lin(k, i, o):
    return jax.random.normal(k, (i, o), dtype=jnp.float32) / np.sqrt(i)


def setup_inputs(seed: int = 0):
    key = jax.random.key(seed)
    ks = jax.random.split(key, 20)
    pos = jax.random.normal(ks[0], (N, 3), dtype=jnp.float32)
    batch = jnp.zeros((N,), dtype=jnp.int32)
    idx1 = jnp.sort(jax.random.randint(ks[1], (N1,), 0, N, dtype=jnp.int32))
    row1 = jnp.sort(jax.random.randint(ks[2], (E1,), 0, N1, dtype=jnp.int32))
    col1 = jax.random.randint(ks[3], (E1,), 0, N, dtype=jnp.int32)
    idx2 = jnp.sort(jax.random.randint(ks[4], (N2,), 0, N1, dtype=jnp.int32))
    row2 = jnp.sort(jax.random.randint(ks[5], (E2,), 0, N2, dtype=jnp.int32))
    col2 = jax.random.randint(ks[6], (E2,), 0, N1, dtype=jnp.int32)
    out = {"pos": pos, "batch": batch, "idx1": idx1, "row1": row1, "col1": col1,
           "idx2": idx2, "row2": row2, "col2": col2}
    out.update(dict(
        W1a=_lin(ks[7], 3, 64), b1a=jnp.zeros((64,), jnp.float32),
        W1b=_lin(ks[8], 64, 64), b1b=jnp.zeros((64,), jnp.float32),
        W1c=_lin(ks[9], 64, 128), b1c=jnp.zeros((128,), jnp.float32),
        W2a=_lin(ks[10], 131, 128), b2a=jnp.zeros((128,), jnp.float32),
        W2b=_lin(ks[11], 128, 128), b2b=jnp.zeros((128,), jnp.float32),
        W2c=_lin(ks[12], 128, 256), b2c=jnp.zeros((256,), jnp.float32),
        Wl1=_lin(ks[13], 256, 256), bl1=jnp.zeros((256,), jnp.float32),
        Wl2=_lin(ks[14], 256, 128), bl2=jnp.zeros((128,), jnp.float32),
        Wl3=_lin(ks[15], 128, 1), bl3=jnp.zeros((1,), jnp.float32),
    ))
    return out


def _mlp3(h, Wa, ba, Wb, bb, Wc, bc):
    h = jax.nn.relu(h @ Wa + ba)
    h = jax.nn.relu(h @ Wb + bb)
    return h @ Wc + bc


def _point_conv(x_src, pos_src, pos_dst, row, col, num_dst, mlp):
    # PointNetConv message: nn(concat[x_j, pos_j - pos_i]), aggr='max'
    pdiff = pos_src[col] - pos_dst[row]
    msg_in = pdiff if x_src is None else jnp.concatenate([x_src[col], pdiff], axis=1)
    m = mlp(msg_in)
    agg = jax.ops.segment_max(m, row, num_segments=num_dst)
    return jnp.where(jnp.isfinite(agg), agg, 0.0)


def reference(pos, batch, idx1, row1, col1, idx2, row2, col2,
              W1a, b1a, W1b, b1b, W1c, b1c,
              W2a, b2a, W2b, b2b, W2c, b2c,
              Wl1, bl1, Wl2, bl2, Wl3, bl3):
    # SA module 1 (x is None: messages are relative positions only)
    pos1 = pos[idx1]
    x1 = _point_conv(None, pos, pos1, row1, col1, N1,
                     lambda h: _mlp3(h, W1a, b1a, W1b, b1b, W1c, b1c))
    # SA module 2
    pos2 = pos1[idx2]
    x2 = _point_conv(x1, pos1, pos2, row2, col2, N2,
                     lambda h: _mlp3(h, W2a, b2a, W2b, b2b, W2c, b2c))
    # head
    h = jax.nn.relu(x2 @ Wl1 + bl1)
    h = jax.nn.relu(h @ Wl2 + bl2)
    return jax.nn.sigmoid(h @ Wl3 + bl3)

if __name__ == "__main__":
    import jax
    _d = setup_inputs()
    print(jax.jit(kernel)(*tuple(_d.values())))

</pallas_src>

<mosaic_0001>
#map = affine_map<(d0, d1) -> (0)>
module attributes {stable_mosaic.version = 14 : i64} {
  func.func @_gather_pdiff_body(%arg0: i32, %arg1: i32, %arg2: memref<30016xf32, #tpu.memory_space<hbm>>, %arg3: memref<5032xi32, #tpu.memory_space<hbm>>, %arg4: memref<320000xi32, #tpu.memory_space<hbm>>, %arg5: memref<320000xi32, #tpu.memory_space<hbm>>, %arg6: memref<1282xi32, #tpu.memory_space<hbm>>, %arg7: memref<81920xi32, #tpu.memory_space<hbm>>, %arg8: memref<81920xi32, #tpu.memory_space<hbm>>, %arg9: memref<5128192xf32, #tpu.memory_space<hbm>>, %arg10: memref<1310720xf32, #tpu.memory_space<hbm>>, %arg11: memref<30016xf32, #tpu.memory_space<vmem>>, %arg12: memref<5032xi32, #tpu.memory_space<vmem>>, %arg13: memref<1282xi32, #tpu.memory_space<vmem>>, %arg14: memref<1016xi32, #tpu.memory_space<vmem>>, %arg15: memref<1016xi32, #tpu.memory_space<vmem>>, %arg16: memref<16000xf32, #tpu.memory_space<vmem>>, %arg17: memref<8192xf32, #tpu.memory_space<vmem>>) attributes {dimension_semantics = [#tpu.dimension_semantics<core_parallel>, #tpu.dimension_semantics<subcore_parallel>], iteration_bounds = array<i64: 2, 16>, scalar_prefetch = 0 : i64, scratch_operands = 7 : i64, tpu.core_type = #tpu.core_type<sc_vector_subcore>, window_params = [{transform_indices = #map}, {transform_indices = #map}, {transform_indices = #map}, {transform_indices = #map}, {transform_indices = #map}, {transform_indices = #map}, {transform_indices = #map}, {transform_indices = #map}, {transform_indices = #map}]} {
    %mul3A = arith.constant 2 : i32
    %mul3A_0 = arith.muli %arg1, %mul3A : i32
    %add3A = arith.addi %mul3A_0, %arg0 : i32
    "tpu.region"() ({
      %run_scoped3A = tpu.sem_alloc : memref<!tpu.dma_semaphore, #tpu.memory_space<semaphore_mem>>
      tpu.enqueue_dma source(%arg2 : memref<30016xf32, #tpu.memory_space<hbm>>) target(%arg11 : memref<30016xf32, #tpu.memory_space<vmem>>) target_semaphore(%run_scoped3A : memref<!tpu.dma_semaphore, #tpu.memory_space<semaphore_mem>>)
      tpu.wait_dma2 semaphore(%run_scoped3A : memref<!tpu.dma_semaphore, #tpu.memory_space<semaphore_mem>>) src(%arg2 : memref<30016xf32, #tpu.memory_space<hbm>>) dst(%arg11 : memref<30016xf32, #tpu.memory_space<vmem>>)
      tpu.yield
    }) : () -> ()
    "tpu.region"() ({
      %run_scoped3A = tpu.sem_alloc : memref<!tpu.dma_semaphore, #tpu.memory_space<semaphore_mem>>
      tpu.enqueue_dma source(%arg3 : memref<5032xi32, #tpu.memory_space<hbm>>) target(%arg12 : memref<5032xi32, #tpu.memory_space<vmem>>) target_semaphore(%run_scoped3A : memref<!tpu.dma_semaphore, #tpu.memory_space<semaphore_mem>>)
      tpu.wait_dma2 semaphore(%run_scoped3A : memref<!tpu.dma_semaphore, #tpu.memory_space<semaphore_mem>>) src(%arg3 : memref<5032xi32, #tpu.memory_space<hbm>>) dst(%arg12 : memref<5032xi32, #tpu.memory_space<vmem>>)
      tpu.yield
    }) : () -> ()
    "tpu.region"() ({
      %run_scoped3A = tpu.sem_alloc : memref<!tpu.dma_semaphore, #tpu.memory_space<semaphore_mem>>
      tpu.enqueue_dma source(%arg6 : memref<1282xi32, #tpu.memory_space<hbm>>) target(%arg13 : memref<1282xi32, #tpu.memory_space<vmem>>) target_semaphore(%run_scoped3A : memref<!tpu.dma_semaphore, #tpu.memory_space<semaphore_mem>>)
      tpu.wait_dma2 semaphore(%run_scoped3A : memref<!tpu.dma_semaphore, #tpu.memory_space<semaphore_mem>>) src(%arg6 : memref<1282xi32, #tpu.memory_space<hbm>>) dst(%arg13 : memref<1282xi32, #tpu.memory_space<vmem>>)
      tpu.yield
    }) : () -> ()
    %mul3A_1 = arith.constant 10000 : i32
    %mul3A_2 = arith.muli %add3A, %mul3A_1 : i32
    %scan3A = arith.constant 0 : i32
    %scan3A_3 = arith.constant 0 : i32
    %scan3A_4 = arith.constant 10 : i32
    %scan3A_5 = arith.addi %scan3A_3, %scan3A_4 : i32
    %scan3A_6 = arith.constant 1 : i32
    %scan3A_7 = scf.for %scan3A_18 = %scan3A_3 to %scan3A_5 step %scan3A_6 iter_args(%scan3A_19 = %scan3A) -> (i32)  : i32 {
      %mul3A_20 = arith.constant 1000 : i32
      %mul3A_21 = arith.muli %scan3A_18, %mul3A_20 : i32
      %add3A_22 = arith.addi %mul3A_2, %mul3A_21 : i32
      "tpu.region"() ({
        %run_scoped3A = tpu.sem_alloc : memref<!tpu.dma_semaphore, #tpu.memory_space<semaphore_mem>>
        %dma_start3A = arith.constant 0 : i32
        %dma_start3A_33 = tpu.memref_slice %arg14[%dma_start3A] : memref<1016xi32, #tpu.memory_space<vmem>> -> memref<1000xi32, #tpu.memory_space<vmem>>
        %dma_start3A_34 = tpu.memref_slice %arg4[%add3A_22] : memref<320000xi32, #tpu.memory_space<hbm>> -> memref<1000xi32, #tpu.memory_space<hbm>>
        %dma_start3A_35 = arith.constant 0 : i32
        %dma_start3A_36 = tpu.memref_slice %arg14[%dma_start3A_35] : memref<1016xi32, #tpu.memory_space<vmem>> -> memref<1000xi32, #tpu.memory_space<vmem>>
        %dma_start3A_37 = tpu.memref_slice %arg4[%add3A_22] : memref<320000xi32, #tpu.memory_space<hbm>> -> memref<1000xi32, #tpu.memory_space<hbm>>
        tpu.enqueue_dma source(%dma_start3A_37 : memref<1000xi32, #tpu.memory_space<hbm>>) target(%dma_start3A_36 : memref<1000xi32, #tpu.memory_space<vmem>>) target_semaphore(%run_scoped3A : memref<!tpu.dma_semaphore, #tpu.memory_space<semaphore_mem>>)
        %dma_wait3A = arith.constant 0 : i32
        %dma_wait3A_38 = tpu.memref_slice %arg14[%dma_wait3A] : memref<1016xi32, #tpu.memory_space<vmem>> -> memref<1000xi32, #tpu.memory_space<vmem>>
        %dma_wait3A_39 = tpu.memref_slice %arg4[%add3A_22] : memref<320000xi32, #tpu.memory_space<hbm>> -> memref<1000xi32, #tpu.memory_space<hbm>>
        %dma_wait3A_40 = arith.constant 0 : i32
        %dma_wait3A_41 = tpu.memref_slice %arg14[%dma_wait3A_40] : memref<1016xi32, #tpu.memory_space<vmem>> -> memref<1000xi32, #tpu.memory_space<vmem>>
        %dma_wait3A_42 = tpu.memref_slice %arg4[%add3A_22] : memref<320000xi32, #tpu.memory_space<hbm>> -> memref<1000xi32, #tpu.memory_space<hbm>>
        tpu.wait_dma2 semaphore(%run_scoped3A : memref<!tpu.dma_semaphore, #tpu.memory_space<semaphore_mem>>) src(%dma_wait3A_42 : memref<1000xi32, #tpu.memory_space<hbm>>) dst(%dma_wait3A_41 : memref<1000xi32, #tpu.memory_space<vmem>>)
        tpu.yield
      }) : () -> ()
      "tpu.region"() ({
        %run_scoped3A = tpu.sem_alloc : memref<!tpu.dma_semaphore, #tpu.memory_space<semaphore_mem>>
        %dma_start3A = arith.constant 0 : i32
        %dma_start3A_33 = tpu.memref_slice %arg15[%dma_start3A] : memref<1016xi32, #tpu.memory_space<vmem>> -> memref<1000xi32, #tpu.memory_space<vmem>>
        %dma_start3A_34 = tpu.memref_slice %arg5[%add3A_22] : memref<320000xi32, #tpu.memory_space<hbm>> -> memref<1000xi32, #tpu.memory_space<hbm>>
        %dma_start3A_35 = arith.constant 0 : i32
        %dma_start3A_36 = tpu.memref_slice %arg15[%dma_start3A_35] : memref<1016xi32, #tpu.memory_space<vmem>> -> memref<1000xi32, #tpu.memory_space<vmem>>
        %dma_start3A_37 = tpu.memref_slice %arg5[%add3A_22] : memref<320000xi32, #tpu.memory_space<hbm>> -> memref<1000xi32, #tpu.memory_space<hbm>>
        tpu.enqueue_dma source(%dma_start3A_37 : memref<1000xi32, #tpu.memory_space<hbm>>) target(%dma_start3A_36 : memref<1000xi32, #tpu.memory_space<vmem>>) target_semaphore(%run_scoped3A : memref<!tpu.dma_semaphore, #tpu.memory_space<semaphore_mem>>)
        %dma_wait3A = arith.constant 0 : i32
        %dma_wait3A_38 = tpu.memref_slice %arg15[%dma_wait3A] : memref<1016xi32, #tpu.memory_space<vmem>> -> memref<1000xi32, #tpu.memory_space<vmem>>
        %dma_wait3A_39 = tpu.memref_slice %arg5[%add3A_22] : memref<320000xi32, #tpu.memory_space<hbm>> -> memref<1000xi32, #tpu.memory_space<hbm>>
        %dma_wait3A_40 = arith.constant 0 : i32
        %dma_wait3A_41 = tpu.memref_slice %arg15[%dma_wait3A_40] : memref<1016xi32, #tpu.memory_space<vmem>> -> memref<1000xi32, #tpu.memory_space<vmem>>
        %dma_wait3A_42 = tpu.memref_slice %arg5[%add3A_22] : memref<320000xi32, #tpu.memory_space<hbm>> -> memref<1000xi32, #tpu.memory_space<hbm>>
        tpu.wait_dma2 semaphore(%run_scoped3A : memref<!tpu.dma_semaphore, #tpu.memory_space<semaphore_mem>>) src(%dma_wait3A_42 : memref<1000xi32, #tpu.memory_space<hbm>>) dst(%dma_wait3A_41 : memref<1000xi32, #tpu.memory_space<vmem>>)
        tpu.yield
      }) : () -> ()
      %scan3A_23 = arith.constant 0 : i32
      %scan3A_24 = arith.constant 0 : i32
      %scan3A_25 = arith.constant 1000 : i32
      %scan3A_26 = arith.addi %scan3A_24, %scan3A_25 : i32
      %scan3A_27 = arith.constant 1 : i32
      %scan3A_28 = scf.for %scan3A_33 = %scan3A_24 to %scan3A_26 step %scan3A_27 iter_args(%scan3A_34 = %scan3A_23) -> (i32)  : i32 {
        %get3A = arith.index_cast %scan3A_33 : i32 to index
        %get3A_35 = tpu.vector_load %arg15[%get3A] {strides = array<i32>} : memref<1016xi32, #tpu.memory_space<vmem>>, vector<16xi32>,
        %get3A_36 = vector.shape_cast %get3A_35 : vector<16xi32> to vector<16xi32>
        %slice3A = vector.extract_strided_slice %get3A_36 {offsets = [0], sizes = [1], strides = [1]} : vector<16xi32> to vector<1xi32>
        %squeeze3A = vector.extract %slice3A[0] : i32 from vector<1xi32>
        %mul3A_37 = arith.constant 3 : i32
        %mul3A_38 = arith.muli %squeeze3A, %mul3A_37 : i32
        %get3A_39 = arith.index_cast %mul3A_38 : i32 to index
        %get3A_40 = tpu.vector_load %arg11[%get3A_39] {strides = array<i32>} : memref<30016xf32, #tpu.memory_space<vmem>>, vector<16xf32>,
        %get3A_41 = vector.shape_cast %get3A_40 : vector<16xf32> to vector<16xf32>
        %get3A_42 = arith.index_cast %scan3A_33 : i32 to index
        %get3A_43 = tpu.vector_load %arg14[%get3A_42] {strides = array<i32>} : memref<1016xi32, #tpu.memory_space<vmem>>, vector<16xi32>,
        %get3A_44 = vector.shape_cast %get3A_43 : vector<16xi32> to vector<16xi32>
        %slice3A_45 = vector.extract_strided_slice %get3A_44 {offsets = [0], sizes = [1], strides = [1]} : vector<16xi32> to vector<1xi32>
        %squeeze3A_46 = vector.extract %slice3A_45[0] : i32 from vector<1xi32>
        %get3A_47 = arith.index_cast %squeeze3A_46 : i32 to index
        %get3A_48 = tpu.vector_load %arg12[%get3A_47] {strides = array<i32>} : memref<5032xi32, #tpu.memory_space<vmem>>, vector<16xi32>,
        %get3A_49 = vector.shape_cast %get3A_48 : vector<16xi32> to vector<16xi32>
        %slice3A_50 = vector.extract_strided_slice %get3A_49 {offsets = [0], sizes = [1], strides = [1]} : vector<16xi32> to vector<1xi32>
        %squeeze3A_51 = vector.extract %slice3A_50[0] : i32 from vector<1xi32>
        %mul3A_52 = arith.constant 3 : i32
        %mul3A_53 = arith.muli %squeeze3A_51, %mul3A_52 : i32
        %get3A_54 = arith.index_cast %mul3A_53 : i32 to index
        %get3A_55 = tpu.vector_load %arg11[%get3A_54] {strides = array<i32>} : memref<30016xf32, #tpu.memory_space<vmem>>, vector<16xf32>,
        %get3A_56 = vector.shape_cast %get3A_55 : vector<16xf32> to vector<16xf32>
        %sub3A = arith.subf %get3A_41, %get3A_56 : vector<16xf32>
        %mul3A_57 = arith.constant 16 : i32
        %mul3A_58 = arith.muli %scan3A_33, %mul3A_57 : i32
        %swap3A = arith.index_cast %mul3A_58 : i32 to index
        %swap3A_59 = tpu.vector_load %arg16[%swap3A] {strides = array<i32>} : memref<16000xf32, #tpu.memory_space<vmem>>, vector<16xf32>,
        %swap3A_60 = vector.shape_cast %swap3A_59 : vector<16xf32> to vector<16xf32>
        %swap3A_61 = vector.shape_cast %sub3A : vector<16xf32> to vector<16xf32>
        tpu.vector_store %arg16[%swap3A], %swap3A_61 {strides = array<i32>} : memref<16000xf32, #tpu.memory_space<vmem>>, vector<16xf32>,
        %scan3A_62 = arith.constant 0 : i32
        scf.yield %scan3A_62 : i32
      }
      %scan3A_29 = arith.constant 1000 : i32
      %mul3A_30 = arith.constant 16 : i32
      %mul3A_31 = arith.muli %add3A_22, %mul3A_30 : i32
      "tpu.region"() ({
        %run_scoped3A = tpu.sem_alloc : memref<!tpu.dma_semaphore, #tpu.memory_space<semaphore_mem>>
        %dma_start3A = tpu.memref_slice %arg9[%mul3A_31] : memref<5128192xf32, #tpu.memory_space<hbm>> -> memref<16000xf32, #tpu.memory_space<hbm>>
        %dma_start3A_33 = tpu.memref_slice %arg9[%mul3A_31] : memref<5128192xf32, #tpu.memory_space<hbm>> -> memref<16000xf32, #tpu.memory_space<hbm>>
        tpu.enqueue_dma source(%arg16 : memref<16000xf32, #tpu.memory_space<vmem>>) target(%dma_start3A_33 : memref<16000xf32, #tpu.memory_space<hbm>>) target_semaphore(%run_scoped3A : memref<!tpu.dma_semaphore, #tpu.memory_space<semaphore_mem>>)
        %dma_wait3A = tpu.memref_slice %arg9[%mul3A_31] : memref<5128192xf32, #tpu.memory_space<hbm>> -> memref<16000xf32, #tpu.memory_space<hbm>>
        %dma_wait3A_34 = tpu.memref_slice %arg9[%mul3A_31] : memref<5128192xf32, #tpu.memory_space<hbm>> -> memref<16000xf32, #tpu.memory_space<hbm>>
        tpu.wait_dma2 semaphore(%run_scoped3A : memref<!tpu.dma_semaphore, #tpu.memory_space<semaphore_mem>>) src(%arg16 : memref<16000xf32, #tpu.memory_space<vmem>>) dst(%dma_wait3A_34 : memref<16000xf32, #tpu.memory_space<hbm>>)
        tpu.yield
      }) : () -> ()
      %scan3A_32 = arith.constant 0 : i32
      scf.yield %scan3A_32 : i32
    }
    %scan3A_8 = arith.constant 10 : i32
    %mul3A_9 = arith.constant 2560 : i32
    %mul3A_10 = arith.muli %add3A, %mul3A_9 : i32
    %scan3A_11 = arith.constant 0 : i32
    %scan3A_12 = arith.constant 0 : i32
    %scan3A_13 = arith.constant 5 : i32
    %scan3A_14 = arith.addi %scan3A_12, %scan3A_13 : i32
    %scan3A_15 = arith.constant 1 : i32
    %scan3A_16 = scf.for %scan3A_18 = %scan3A_12 to %scan3A_14 step %scan3A_15 iter_args(%scan3A_19 = %scan3A_11) -> (i32)  : i32 {
      %mul3A_20 = arith.constant 512 : i32
      %mul3A_21 = arith.muli %scan3A_18, %mul3A_20 : i32
      %add3A_22 = arith.addi %mul3A_10, %mul3A_21 : i32
      "tpu.region"() ({
        %run_scoped3A = tpu.sem_alloc : memref<!tpu.dma_semaphore, #tpu.memory_space<semaphore_mem>>
        %dma_start3A = arith.constant 0 : i32
        %dma_start3A_33 = tpu.memref_slice %arg14[%dma_start3A] : memref<1016xi32, #tpu.memory_space<vmem>> -> memref<512xi32, #tpu.memory_space<vmem>>
        %dma_start3A_34 = tpu.memref_slice %arg7[%add3A_22] : memref<81920xi32, #tpu.memory_space<hbm>> -> memref<512xi32, #tpu.memory_space<hbm>>
        %dma_start3A_35 = arith.constant 0 : i32
        %dma_start3A_36 = tpu.memref_slice %arg14[%dma_start3A_35] : memref<1016xi32, #tpu.memory_space<vmem>> -> memref<512xi32, #tpu.memory_space<vmem>>
        %dma_start3A_37 = tpu.memref_slice %arg7[%add3A_22] : memref<81920xi32, #tpu.memory_space<hbm>> -> memref<512xi32, #tpu.memory_space<hbm>>
        tpu.enqueue_dma source(%dma_start3A_37 : memref<512xi32, #tpu.memory_space<hbm>>) target(%dma_start3A_36 : memref<512xi32, #tpu.memory_space<vmem>>) target_semaphore(%run_scoped3A : memref<!tpu.dma_semaphore, #tpu.memory_space<semaphore_mem>>)
        %dma_wait3A = arith.constant 0 : i32
        %dma_wait3A_38 = tpu.memref_slice %arg14[%dma_wait3A] : memref<1016xi32, #tpu.memory_space<vmem>> -> memref<512xi32, #tpu.memory_space<vmem>>
        %dma_wait3A_39 = tpu.memref_slice %arg7[%add3A_22] : memref<81920xi32, #tpu.memory_space<hbm>> -> memref<512xi32, #tpu.memory_space<hbm>>
        %dma_wait3A_40 = arith.constant 0 : i32
        %dma_wait3A_41 = tpu.memref_slice %arg14[%dma_wait3A_40] : memref<1016xi32, #tpu.memory_space<vmem>> -> memref<512xi32, #tpu.memory_space<vmem>>
        %dma_wait3A_42 = tpu.memref_slice %arg7[%add3A_22] : memref<81920xi32, #tpu.memory_space<hbm>> -> memref<512xi32, #tpu.memory_space<hbm>>
        tpu.wait_dma2 semaphore(%run_scoped3A : memref<!tpu.dma_semaphore, #tpu.memory_space<semaphore_mem>>) src(%dma_wait3A_42 : memref<512xi32, #tpu.memory_space<hbm>>) dst(%dma_wait3A_41 : memref<512xi32, #tpu.memory_space<vmem>>)
        tpu.yield
      }) : () -> ()
      "tpu.region"() ({
        %run_scoped3A = tpu.sem_alloc : memref<!tpu.dma_semaphore, #tpu.memory_space<semaphore_mem>>
        %dma_start3A = arith.constant 0 : i32
        %dma_start3A_33 = tpu.memref_slice %arg15[%dma_start3A] : memref<1016xi32, #tpu.memory_space<vmem>> -> memref<512xi32, #tpu.memory_space<vmem>>
        %dma_start3A_34 = tpu.memref_slice %arg8[%add3A_22] : memref<81920xi32, #tpu.memory_space<hbm>> -> memref<512xi32, #tpu.memory_space<hbm>>
        %dma_start3A_35 = arith.constant 0 : i32
        %dma_start3A_36 = tpu.memref_slice %arg15[%dma_start3A_35] : memref<1016xi32, #tpu.memory_space<vmem>> -> memref<512xi32, #tpu.memory_space<vmem>>
        %dma_start3A_37 = tpu.memref_slice %arg8[%add3A_22] : memref<81920xi32, #tpu.memory_space<hbm>> -> memref<512xi32, #tpu.memory_space<hbm>>
        tpu.enqueue_dma source(%dma_start3A_37 : memref<512xi32, #tpu.memory_space<hbm>>) target(%dma_start3A_36 : memref<512xi32, #tpu.memory_space<vmem>>) target_semaphore(%run_scoped3A : memref<!tpu.dma_semaphore, #tpu.memory_space<semaphore_mem>>)
        %dma_wait3A = arith.constant 0 : i32
        %dma_wait3A_38 = tpu.memref_slice %arg15[%dma_wait3A] : memref<1016xi32, #tpu.memory_space<vmem>> -> memref<512xi32, #tpu.memory_space<vmem>>
        %dma_wait3A_39 = tpu.memref_slice %arg8[%add3A_22] : memref<81920xi32, #tpu.memory_space<hbm>> -> memref<512xi32, #tpu.memory_space<hbm>>
        %dma_wait3A_40 = arith.constant 0 : i32
        %dma_wait3A_41 = tpu.memref_slice %arg15[%dma_wait3A_40] : memref<1016xi32, #tpu.memory_space<vmem>> -> memref<512xi32, #tpu.memory_space<vmem>>
        %dma_wait3A_42 = tpu.memref_slice %arg8[%add3A_22] : memref<81920xi32, #tpu.memory_space<hbm>> -> memref<512xi32, #tpu.memory_space<hbm>>
        tpu.wait_dma2 semaphore(%run_scoped3A : memref<!tpu.dma_semaphore, #tpu.memory_space<semaphore_mem>>) src(%dma_wait3A_42 : memref<512xi32, #tpu.memory_space<hbm>>) dst(%dma_wait3A_41 : memref<512xi32, #tpu.memory_space<vmem>>)
        tpu.yield
      }) : () -> ()
      %scan3A_23 = arith.constant 0 : i32
      %scan3A_24 = arith.constant 0 : i32
      %scan3A_25 = arith.constant 512 : i32
      %scan3A_26 = arith.addi %scan3A_24, %scan3A_25 : i32
      %scan3A_27 = arith.constant 1 : i32
      %scan3A_28 = scf.for %scan3A_33 = %scan3A_24 to %scan3A_26 step %scan3A_27 iter_args(%scan3A_34 = %scan3A_23) -> (i32)  : i32 {
        %get3A = arith.index_cast %scan3A_33 : i32 to index
        %get3A_35 = tpu.vector_load %arg15[%get3A] {strides = array<i32>} : memref<1016xi32, #tpu.memory_space<vmem>>, vector<16xi32>,
        %get3A_36 = vector.shape_cast %get3A_35 : vector<16xi32> to vector<16xi32>
        %slice3A = vector.extract_strided_slice %get3A_36 {offsets = [0], sizes = [1], strides = [1]} : vector<16xi32> to vector<1xi32>
        %squeeze3A = vector.extract %slice3A[0] : i32 from vector<1xi32>
        %get3A_37 = arith.index_cast %squeeze3A : i32 to index
        %get3A_38 = tpu.vector_load %arg12[%get3A_37] {strides = array<i32>} : memref<5032xi32, #tpu.memory_space<vmem>>, vector<16xi32>,
        %get3A_39 = vector.shape_cast %get3A_38 : vector<16xi32> to vector<16xi32>
        %slice3A_40 = vector.extract_strided_slice %get3A_39 {offsets = [0], sizes = [1], strides = [1]} : vector<16xi32> to vector<1xi32>
        %squeeze3A_41 = vector.extract %slice3A_40[0] : i32 from vector<1xi32>
        %mul3A_42 = arith.constant 3 : i32
        %mul3A_43 = arith.muli %squeeze3A_41, %mul3A_42 : i32
        %get3A_44 = arith.index_cast %mul3A_43 : i32 to index
        %get3A_45 = tpu.vector_load %arg11[%get3A_44] {strides = array<i32>} : memref<30016xf32, #tpu.memory_space<vmem>>, vector<16xf32>,
        %get3A_46 = vector.shape_cast %get3A_45 : vector<16xf32> to vector<16xf32>
        %get3A_47 = arith.index_cast %scan3A_33 : i32 to index
        %get3A_48 = tpu.vector_load %arg14[%get3A_47] {strides = array<i32>} : memref<1016xi32, #tpu.memory_space<vmem>>, vector<16xi32>,
        %get3A_49 = vector.shape_cast %get3A_48 : vector<16xi32> to vector<16xi32>
        %slice3A_50 = vector.extract_strided_slice %get3A_49 {offsets = [0], sizes = [1], strides = [1]} : vector<16xi32> to vector<1xi32>
        %squeeze3A_51 = vector.extract %slice3A_50[0] : i32 from vector<1xi32>
        %min3A = arith.constant 1249 : i32
        %min3A_52 = arith.minsi %squeeze3A_51, %min3A : i32
        %get3A_53 = arith.index_cast %min3A_52 : i32 to index
        %get3A_54 = tpu.vector_load %arg13[%get3A_53] {strides = array<i32>} : memref<1282xi32, #tpu.memory_space<vmem>>, vector<16xi32>,
        %get3A_55 = vector.shape_cast %get3A_54 : vector<16xi32> to vector<16xi32>
        %slice3A_56 = vector.extract_strided_slice %get3A_55 {offsets = [0], sizes = [1], strides = [1]} : vector<16xi32> to vector<1xi32>
        %squeeze3A_57 = vector.extract %slice3A_56[0] : i32 from vector<1xi32>
        %get3A_58 = arith.index_cast %squeeze3A_57 : i32 to index
        %get3A_59 = tpu.vector_load %arg12[%get3A_58] {strides = array<i32>} : memref<5032xi32, #tpu.memory_space<vmem>>, vector<16xi32>,
        %get3A_60 = vector.shape_cast %get3A_59 : vector<16xi32> to vector<16xi32>
        %slice3A_61 = vector.extract_strided_slice %get3A_60 {offsets = [0], sizes = [1], strides = [1]} : vector<16xi32> to vector<1xi32>
        %squeeze3A_62 = vector.extract %slice3A_61[0] : i32 from vector<1xi32>
        %mul3A_63 = arith.constant 3 : i32
        %mul3A_64 = arith.muli %squeeze3A_62, %mul3A_63 : i32
        %get3A_65 = arith.index_cast %mul3A_64 : i32 to index
        %get3A_66 = tpu.vector_load %arg11[%get3A_65] {strides = array<i32>} : memref<30016xf32, #tpu.memory_space<vmem>>, vector<16xf32>,
        %get3A_67 = vector.shape_cast %get3A_66 : vector<16xf32> to vector<16xf32>
        %sub3A = arith.subf %get3A_46, %get3A_67 : vector<16xf32>
        %mul3A_68 = arith.constant 16 : i32
        %mul3A_69 = arith.muli %scan3A_33, %mul3A_68 : i32
        %swap3A = arith.index_cast %mul3A_69 : i32 to index
        %swap3A_70 = tpu.vector_load %arg17[%swap3A] {strides = array<i32>} : memref<8192xf32, #tpu.memory_space<vmem>>, vector<16xf32>,
        %swap3A_71 = vector.shape_cast %swap3A_70 : vector<16xf32> to vector<16xf32>
        %swap3A_72 = vector.shape_cast %sub3A : vector<16xf32> to vector<16xf32>
        tpu.vector_store %arg17[%swap3A], %swap3A_72 {strides = array<i32>} : memref<8192xf32, #tpu.memory_space<vmem>>, vector<16xf32>,
        %scan3A_73 = arith.constant 0 : i32
        scf.yield %scan3A_73 : i32
      }
      %scan3A_29 = arith.constant 512 : i32
      %mul3A_30 = arith.constant 16 : i32
      %mul3A_31 = arith.muli %add3A_22, %mul3A_30 : i32
      "tpu.region"() ({
        %run_scoped3A = tpu.sem_alloc : memref<!tpu.dma_semaphore, #tpu.memory_space<semaphore_mem>>
        %dma_start3A = tpu.memref_slice %arg10[%mul3A_31] : memref<1310720xf32, #tpu.memory_space<hbm>> -> memref<8192xf32, #tpu.memory_space<hbm>>
        %dma_start3A_33 = tpu.memref_slice %arg10[%mul3A_31] : memref<1310720xf32, #tpu.memory_space<hbm>> -> memref<8192xf32, #tpu.memory_space<hbm>>
        tpu.enqueue_dma source(%arg17 : memref<8192xf32, #tpu.memory_space<vmem>>) target(%dma_start3A_33 : memref<8192xf32, #tpu.memory_space<hbm>>) target_semaphore(%run_scoped3A : memref<!tpu.dma_semaphore, #tpu.memory_space<semaphore_mem>>)
        %dma_wait3A = tpu.memref_slice %arg10[%mul3A_31] : memref<1310720xf32, #tpu.memory_space<hbm>> -> memref<8192xf32, #tpu.memory_space<hbm>>
        %dma_wait3A_34 = tpu.memref_slice %arg10[%mul3A_31] : memref<1310720xf32, #tpu.memory_space<hbm>> -> memref<8192xf32, #tpu.memory_space<hbm>>
        tpu.wait_dma2 semaphore(%run_scoped3A : memref<!tpu.dma_semaphore, #tpu.memory_space<semaphore_mem>>) src(%arg17 : memref<8192xf32, #tpu.memory_space<vmem>>) dst(%dma_wait3A_34 : memref<8192xf32, #tpu.memory_space<hbm>>)
        tpu.yield
      }) : () -> ()
      %scan3A_32 = arith.constant 0 : i32
      scf.yield %scan3A_32 : i32
    }
    %scan3A_17 = arith.constant 5 : i32
    return
  }
}

#map = affine_map<(d0, d1) -> (0, 0)>
#map1 = affine_map<(d0, d1) -> (0)>
module attributes {stable_mosaic.version = 14 : i64} {
  func.func @_gatherx_body(%arg0: i32, %arg1: i32, %arg2: memref<5120x128xf32, #tpu.memory_space<hbm>>, %arg3: memref<81920xi32, #tpu.memory_space<hbm>>, %arg4: memref<81920x128xf32, #tpu.memory_space<hbm>>, %arg5: memref<512xi32, #tpu.memory_space<vmem>>, %arg6: memref<512x128xf32, #tpu.memory_space<vmem>>, %arg7: memref<!tpu.dma_semaphore, #tpu.memory_space<semaphore_mem>>) attributes {dimension_semantics = [#tpu.dimension_semantics<core_parallel>, #tpu.dimension_semantics<subcore_parallel>], iteration_bounds = array<i64: 2, 16>, scalar_prefetch = 0 : i64, scratch_operands = 3 : i64, tpu.core_type = #tpu.core_type<sc_vector_subcore>, window_params = [{transform_indices = #map}, {transform_indices = #map1}, {transform_indices = #map}]} {
    %mul3A = arith.constant 2 : i32
    %mul3A_0 = arith.muli %arg1, %mul3A : i32
    %add3A = arith.addi %mul3A_0, %arg0 : i32
    %mul3A_1 = arith.constant 2560 : i32
    %mul3A_2 = arith.muli %add3A, %mul3A_1 : i32
    %add3A_3 = arith.constant 0 : i32
    %add3A_4 = arith.addi %mul3A_2, %add3A_3 : i32
    "tpu.region"() ({
      %run_scoped3A = tpu.sem_alloc : memref<!tpu.dma_semaphore, #tpu.memory_space<semaphore_mem>>
      %dma_start3A_51 = tpu.memref_slice %arg3[%add3A_4] : memref<81920xi32, #tpu.memory_space<hbm>> -> memref<512xi32, #tpu.memory_space<hbm>>
      %dma_start3A_52 = tpu.memref_slice %arg3[%add3A_4] : memref<81920xi32, #tpu.memory_space<hbm>> -> memref<512xi32, #tpu.memory_space<hbm>>
      tpu.enqueue_dma source(%dma_start3A_52 : memref<512xi32, #tpu.memory_space<hbm>>) target(%arg5 : memref<512xi32, #tpu.memory_space<vmem>>) target_semaphore(%run_scoped3A : memref<!tpu.dma_semaphore, #tpu.memory_space<semaphore_mem>>)
      %dma_wait3A_53 = tpu.memref_slice %arg3[%add3A_4] : memref<81920xi32, #tpu.memory_space<hbm>> -> memref<512xi32, #tpu.memory_space<hbm>>
      %dma_wait3A_54 = tpu.memref_slice %arg3[%add3A_4] : memref<81920xi32, #tpu.memory_space<hbm>> -> memref<512xi32, #tpu.memory_space<hbm>>
      tpu.wait_dma2 semaphore(%run_scoped3A : memref<!tpu.dma_semaphore, #tpu.memory_space<semaphore_mem>>) src(%dma_wait3A_54 : memref<512xi32, #tpu.memory_space<hbm>>) dst(%arg5 : memref<512xi32, #tpu.memory_space<vmem>>)
      tpu.yield
    }) : () -> ()
    %dma_start3A = arith.constant 0 : i32
    %dma_start3A_5 = arith.constant 0 : i32
    %dma_start3A_6 = tpu.memref_slice %arg2[%dma_start3A, %dma_start3A_5] : memref<5120x128xf32, #tpu.memory_space<hbm>> -> memref<5120x128xf32, #tpu.memory_space<hbm>>
    tpu.enqueue_indirect_dma source(%dma_start3A_6 : memref<5120x128xf32, #tpu.memory_space<hbm>>) target(%arg6 : memref<512x128xf32, #tpu.memory_space<vmem>>) offsets(%arg5 : memref<512xi32, #tpu.memory_space<vmem>>) semaphore(%arg7 : memref<!tpu.dma_semaphore, #tpu.memory_space<semaphore_mem>>)
    %dma_wait3A = arith.constant 0 : i32
    %dma_wait3A_7 = arith.constant 0 : i32
    %dma_wait3A_8 = tpu.memref_slice %arg2[%dma_wait3A, %dma_wait3A_7] : memref<5120x128xf32, #tpu.memory_space<hbm>> -> memref<5120x128xf32, #tpu.memory_space<hbm>>
    tpu.wait_indirect_dma semaphore(%arg7 : memref<!tpu.dma_semaphore, #tpu.memory_space<semaphore_mem>>) src(%dma_wait3A_8 : memref<5120x128xf32, #tpu.memory_space<hbm>>) dst(%arg6 : memref<512x128xf32, #tpu.memory_space<vmem>>)
    %add3A_9 = arith.constant 0 : i32
    %add3A_10 = arith.addi %mul3A_2, %add3A_9 : i32
    "tpu.region"() ({
      %run_scoped3A = tpu.sem_alloc : memref<!tpu.dma_semaphore, #tpu.memory_space<semaphore_mem>>
      %dma_start3A_51 = arith.constant 0 : i32
      %dma_start3A_52 = tpu.memref_slice %arg4[%add3A_10, %dma_start3A_51] : memref<81920x128xf32, #tpu.memory_space<hbm>> -> memref<512x128xf32, #tpu.memory_space<hbm>>
      %dma_start3A_53 = arith.constant 0 : i32
      %dma_start3A_54 = tpu.memref_slice %arg4[%add3A_10, %dma_start3A_53] : memref<81920x128xf32, #tpu.memory_space<hbm>> -> memref<512x128xf32, #tpu.memory_space<hbm>>
      tpu.enqueue_dma source(%arg6 : memref<512x128xf32, #tpu.memory_space<vmem>>) target(%dma_start3A_54 : memref<512x128xf32, #tpu.memory_space<hbm>>) target_semaphore(%run_scoped3A : memref<!tpu.dma_semaphore, #tpu.memory_space<semaphore_mem>>)
      %dma_wait3A_55 = arith.constant 0 : i32
      %dma_wait3A_56 = tpu.memref_slice %arg4[%add3A_10, %dma_wait3A_55] : memref<81920x128xf32, #tpu.memory_space<hbm>> -> memref<512x128xf32, #tpu.memory_space<hbm>>
      %dma_wait3A_57 = arith.constant 0 : i32
      %dma_wait3A_58 = tpu.memref_slice %arg4[%add3A_10, %dma_wait3A_57] : memref<81920x128xf32, #tpu.memory_space<hbm>> -> memref<512x128xf32, #tpu.memory_space<hbm>>
      tpu.wait_dma2 semaphore(%run_scoped3A : memref<!tpu.dma_semaphore, #tpu.memory_space<semaphore_mem>>) src(%arg6 : memref<512x128xf32, #tpu.memory_space<vmem>>) dst(%dma_wait3A_58 : memref<512x128xf32, #tpu.memory_space<hbm>>)
      tpu.yield
    }) : () -> ()
    %add3A_11 = arith.constant 512 : i32
    %add3A_12 = arith.addi %mul3A_2, %add3A_11 : i32
    "tpu.region"() ({
      %run_scoped3A = tpu.sem_alloc : memref<!tpu.dma_semaphore, #tpu.memory_space<semaphore_mem>>
      %dma_start3A_51 = tpu.memref_slice %arg3[%add3A_12] : memref<81920xi32, #tpu.memory_space<hbm>> -> memref<512xi32, #tpu.memory_space<hbm>>
      %dma_start3A_52 = tpu.memref_slice %arg3[%add3A_12] : memref<81920xi32, #tpu.memory_space<hbm>> -> memref<512xi32, #tpu.memory_space<hbm>>
      tpu.enqueue_dma source(%dma_start3A_52 : memref<512xi32, #tpu.memory_space<hbm>>) target(%arg5 : memref<512xi32, #tpu.memory_space<vmem>>) target_semaphore(%run_scoped3A : memref<!tpu.dma_semaphore, #tpu.memory_space<semaphore_mem>>)
      %dma_wait3A_53 = tpu.memref_slice %arg3[%add3A_12] : memref<81920xi32, #tpu.memory_space<hbm>> -> memref<512xi32, #tpu.memory_space<hbm>>
      %dma_wait3A_54 = tpu.memref_slice %arg3[%add3A_12] : memref<81920xi32, #tpu.memory_space<hbm>> -> memref<512xi32, #tpu.memory_space<hbm>>
      tpu.wait_dma2 semaphore(%run_scoped3A : memref<!tpu.dma_semaphore, #tpu.memory_space<semaphore_mem>>) src(%dma_wait3A_54 : memref<512xi32, #tpu.memory_space<hbm>>) dst(%arg5 : memref<512xi32, #tpu.memory_space<vmem>>)
      tpu.yield
    }) : () -> ()
    %dma_start3A_13 = arith.constant 0 : i32
    %dma_start3A_14 = arith.constant 0 : i32
    %dma_start3A_15 = tpu.memref_slice %arg2[%dma_start3A_13, %dma_start3A_14] : memref<5120x128xf32, #tpu.memory_space<hbm>> -> memref<5120x128xf32, #tpu.memory_space<hbm>>
    tpu.enqueue_indirect_dma source(%dma_start3A_15 : memref<5120x128xf32, #tpu.memory_space<hbm>>) target(%arg6 : memref<512x128xf32, #tpu.memory_space<vmem>>) offsets(%arg5 : memref<512xi32, #tpu.memory_space<vmem>>) semaphore(%arg7 : memref<!tpu.dma_semaphore, #tpu.memory_space<semaphore_mem>>)
    %dma_wait3A_16 = arith.constant 0 : i32
    %dma_wait3A_17 = arith.constant 0 : i32
    %dma_wait3A_18 = tpu.memref_slice %arg2[%dma_wait3A_16, %dma_wait3A_17] : memref<5120x128xf32, #tpu.memory_space<hbm>> -> memref<5120x128xf32, #tpu.memory_space<hbm>>
    tpu.wait_indirect_dma semaphore(%arg7 : memref<!tpu.dma_semaphore, #tpu.memory_space<semaphore_mem>>) src(%dma_wait3A_18 : memref<5120x128xf32, #tpu.memory_space<hbm>>) dst(%arg6 : memref<512x128xf32, #tpu.memory_space<vmem>>)
    %add3A_19 = arith.constant 512 : i32
    %add3A_20 = arith.addi %mul3A_2, %add3A_19 : i32
    "tpu.region"() ({
      %run_scoped3A = tpu.sem_alloc : memref<!tpu.dma_semaphore, #tpu.memory_space<semaphore_mem>>
      %dma_start3A_51 = arith.constant 0 : i32
      %dma_start3A_52 = tpu.memref_slice %arg4[%add3A_20, %dma_start3A_51] : memref<81920x128xf32, #tpu.memory_space<hbm>> -> memref<512x128xf32, #tpu.memory_space<hbm>>
      %dma_start3A_53 = arith.constant 0 : i32
      %dma_start3A_54 = tpu.memref_slice %arg4[%add3A_20, %dma_start3A_53] : memref<81920x128xf32, #tpu.memory_space<hbm>> -> memref<512x128xf32, #tpu.memory_space<hbm>>
      tpu.enqueue_dma source(%arg6 : memref<512x128xf32, #tpu.memory_space<vmem>>) target(%dma_start3A_54 : memref<512x128xf32, #tpu.memory_space<hbm>>) target_semaphore(%run_scoped3A : memref<!tpu.dma_semaphore, #tpu.memory_space<semaphore_mem>>)
      %dma_wait3A_55 = arith.constant 0 : i32
      %dma_wait3A_56 = tpu.memref_slice %arg4[%add3A_20, %dma_wait3A_55] : memref<81920x128xf32, #tpu.memory_space<hbm>> -> memref<512x128xf32, #tpu.memory_space<hbm>>
      %dma_wait3A_57 = arith.constant 0 : i32
      %dma_wait3A_58 = tpu.memref_slice %arg4[%add3A_20, %dma_wait3A_57] : memref<81920x128xf32, #tpu.memory_space<hbm>> -> memref<512x128xf32, #tpu.memory_space<hbm>>
      tpu.wait_dma2 semaphore(%run_scoped3A : memref<!tpu.dma_semaphore, #tpu.memory_space<semaphore_mem>>) src(%arg6 : memref<512x128xf32, #tpu.memory_space<vmem>>) dst(%dma_wait3A_58 : memref<512x128xf32, #tpu.memory_space<hbm>>)
      tpu.yield
    }) : () -> ()
    %add3A_21 = arith.constant 1024 : i32
    %add3A_22 = arith.addi %mul3A_2, %add3A_21 : i32
    "tpu.region"() ({
      %run_scoped3A = tpu.sem_alloc : memref<!tpu.dma_semaphore, #tpu.memory_space<semaphore_mem>>
      %dma_start3A_51 = tpu.memref_slice %arg3[%add3A_22] : memref<81920xi32, #tpu.memory_space<hbm>> -> memref<512xi32, #tpu.memory_space<hbm>>
      %dma_start3A_52 = tpu.memref_slice %arg3[%add3A_22] : memref<81920xi32, #tpu.memory_space<hbm>> -> memref<512xi32, #tpu.memory_space<hbm>>
      tpu.enqueue_dma source(%dma_start3A_52 : memref<512xi32, #tpu.memory_space<hbm>>) target(%arg5 : memref<512xi32, #tpu.memory_space<vmem>>) target_semaphore(%run_scoped3A : memref<!tpu.dma_semaphore, #tpu.memory_space<semaphore_mem>>)
      %dma_wait3A_53 = tpu.memref_slice %arg3[%add3A_22] : memref<81920xi32, #tpu.memory_space<hbm>> -> memref<512xi32, #tpu.memory_space<hbm>>
      %dma_wait3A_54 = tpu.memref_slice %arg3[%add3A_22] : memref<81920xi32, #tpu.memory_space<hbm>> -> memref<512xi32, #tpu.memory_space<hbm>>
      tpu.wait_dma2 semaphore(%run_scoped3A : memref<!tpu.dma_semaphore, #tpu.memory_space<semaphore_mem>>) src(%dma_wait3A_54 : memref<512xi32, #tpu.memory_space<hbm>>) dst(%arg5 : memref<512xi32, #tpu.memory_space<vmem>>)
      tpu.yield
    }) : () -> ()
    %dma_start3A_23 = arith.constant 0 : i32
    %dma_start3A_24 = arith.constant 0 : i32
    %dma_start3A_25 = tpu.memref_slice %arg2[%dma_start3A_23, %dma_start3A_24] : memref<5120x128xf32, #tpu.memory_space<hbm>> -> memref<5120x128xf32, #tpu.memory_space<hbm>>
    tpu.enqueue_indirect_dma source(%dma_start3A_25 : memref<5120x128xf32, #tpu.memory_space<hbm>>) target(%arg6 : memref<512x128xf32, #tpu.memory_space<vmem>>) offsets(%arg5 : memref<512xi32, #tpu.memory_space<vmem>>) semaphore(%arg7 : memref<!tpu.dma_semaphore, #tpu.memory_space<semaphore_mem>>)
    %dma_wait3A_26 = arith.constant 0 : i32
    %dma_wait3A_27 = arith.constant 0 : i32
    %dma_wait3A_28 = tpu.memref_slice %arg2[%dma_wait3A_26, %dma_wait3A_27] : memref<5120x128xf32, #tpu.memory_space<hbm>> -> memref<5120x128xf32, #tpu.memory_space<hbm>>
    tpu.wait_indirect_dma semaphore(%arg7 : memref<!tpu.dma_semaphore, #tpu.memory_space<semaphore_mem>>) src(%dma_wait3A_28 : memref<5120x128xf32, #tpu.memory_space<hbm>>) dst(%arg6 : memref<512x128xf32, #tpu.memory_space<vmem>>)
    %add3A_29 = arith.constant 1024 : i32
    %add3A_30 = arith.addi %mul3A_2, %add3A_29 : i32
    "tpu.region"() ({
      %run_scoped3A = tpu.sem_alloc : memref<!tpu.dma_semaphore, #tpu.memory_space<semaphore_mem>>
      %dma_start3A_51 = arith.constant 0 : i32
      %dma_start3A_52 = tpu.memref_slice %arg4[%add3A_30, %dma_start3A_51] : memref<81920x128xf32, #tpu.memory_space<hbm>> -> memref<512x128xf32, #tpu.memory_space<hbm>>
      %dma_start3A_53 = arith.constant 0 : i32
      %dma_start3A_54 = tpu.memref_slice %arg4[%add3A_30, %dma_start3A_53] : memref<81920x128xf32, #tpu.memory_space<hbm>> -> memref<512x128xf32, #tpu.memory_space<hbm>>
      tpu.enqueue_dma source(%arg6 : memref<512x128xf32, #tpu.memory_space<vmem>>) target(%dma_start3A_54 : memref<512x128xf32, #tpu.memory_space<hbm>>) target_semaphore(%run_scoped3A : memref<!tpu.dma_semaphore, #tpu.memory_space<semaphore_mem>>)
      %dma_wait3A_55 = arith.constant 0 : i32
      %dma_wait3A_56 = tpu.memref_slice %arg4[%add3A_30, %dma_wait3A_55] : memref<81920x128xf32, #tpu.memory_space<hbm>> -> memref<512x128xf32, #tpu.memory_space<hbm>>
      %dma_wait3A_57 = arith.constant 0 : i32
      %dma_wait3A_58 = tpu.memref_slice %arg4[%add3A_30, %dma_wait3A_57] : memref<81920x128xf32, #tpu.memory_space<hbm>> -> memref<512x128xf32, #tpu.memory_space<hbm>>
      tpu.wait_dma2 semaphore(%run_scoped3A : memref<!tpu.dma_semaphore, #tpu.memory_space<semaphore_mem>>) src(%arg6 : memref<512x128xf32, #tpu.memory_space<vmem>>) dst(%dma_wait3A_58 : memref<512x128xf32, #tpu.memory_space<hbm>>)
      tpu.yield
    }) : () -> ()
    %add3A_31 = arith.constant 1536 : i32
    %add3A_32 = arith.addi %mul3A_2, %add3A_31 : i32
    "tpu.region"() ({
      %run_scoped3A = tpu.sem_alloc : memref<!tpu.dma_semaphore, #tpu.memory_space<semaphore_mem>>
      %dma_start3A_51 = tpu.memref_slice %arg3[%add3A_32] : memref<81920xi32, #tpu.memory_space<hbm>> -> memref<512xi32, #tpu.memory_space<hbm>>
      %dma_start3A_52 = tpu.memref_slice %arg3[%add3A_32] : memref<81920xi32, #tpu.memory_space<hbm>> -> memref<512xi32, #tpu.memory_space<hbm>>
      tpu.enqueue_dma source(%dma_start3A_52 : memref<512xi32, #tpu.memory_space<hbm>>) target(%arg5 : memref<512xi32, #tpu.memory_space<vmem>>) target_semaphore(%run_scoped3A : memref<!tpu.dma_semaphore, #tpu.memory_space<semaphore_mem>>)
      %dma_wait3A_53 = tpu.memref_slice %arg3[%add3A_32] : memref<81920xi32, #tpu.memory_space<hbm>> -> memref<512xi32, #tpu.memory_space<hbm>>
      %dma_wait3A_54 = tpu.memref_slice %arg3[%add3A_32] : memref<81920xi32, #tpu.memory_space<hbm>> -> memref<512xi32, #tpu.memory_space<hbm>>
      tpu.wait_dma2 semaphore(%run_scoped3A : memref<!tpu.dma_semaphore, #tpu.memory_space<semaphore_mem>>) src(%dma_wait3A_54 : memref<512xi32, #tpu.memory_space<hbm>>) dst(%arg5 : memref<512xi32, #tpu.memory_space<vmem>>)
      tpu.yield
    }) : () -> ()
    %dma_start3A_33 = arith.constant 0 : i32
    %dma_start3A_34 = arith.constant 0 : i32
    %dma_start3A_35 = tpu.memref_slice %arg2[%dma_start3A_33, %dma_start3A_34] : memref<5120x128xf32, #tpu.memory_space<hbm>> -> memref<5120x128xf32, #tpu.memory_space<hbm>>
    tpu.enqueue_indirect_dma source(%dma_start3A_35 : memref<5120x128xf32, #tpu.memory_space<hbm>>) target(%arg6 : memref<512x128xf32, #tpu.memory_space<vmem>>) offsets(%arg5 : memref<512xi32, #tpu.memory_space<vmem>>) semaphore(%arg7 : memref<!tpu.dma_semaphore, #tpu.memory_space<semaphore_mem>>)
    %dma_wait3A_36 = arith.constant 0 : i32
    %dma_wait3A_37 = arith.constant 0 : i32
    %dma_wait3A_38 = tpu.memref_slice %arg2[%dma_wait3A_36, %dma_wait3A_37] : memref<5120x128xf32, #tpu.memory_space<hbm>> -> memref<5120x128xf32, #tpu.memory_space<hbm>>
    tpu.wait_indirect_dma semaphore(%arg7 : memref<!tpu.dma_semaphore, #tpu.memory_space<semaphore_mem>>) src(%dma_wait3A_38 : memref<5120x128xf32, #tpu.memory_space<hbm>>) dst(%arg6 : memref<512x128xf32, #tpu.memory_space<vmem>>)
    %add3A_39 = arith.constant 1536 : i32
    %add3A_40 = arith.addi %mul3A_2, %add3A_39 : i32
    "tpu.region"() ({
      %run_scoped3A = tpu.sem_alloc : memref<!tpu.dma_semaphore, #tpu.memory_space<semaphore_mem>>
      %dma_start3A_51 = arith.constant 0 : i32
      %dma_start3A_52 = tpu.memref_slice %arg4[%add3A_40, %dma_start3A_51] : memref<81920x128xf32, #tpu.memory_space<hbm>> -> memref<512x128xf32, #tpu.memory_space<hbm>>
      %dma_start3A_53 = arith.constant 0 : i32
      %dma_start3A_54 = tpu.memref_slice %arg4[%add3A_40, %dma_start3A_53] : memref<81920x128xf32, #tpu.memory_space<hbm>> -> memref<512x128xf32, #tpu.memory_space<hbm>>
      tpu.enqueue_dma source(%arg6 : memref<512x128xf32, #tpu.memory_space<vmem>>) target(%dma_start3A_54 : memref<512x128xf32, #tpu.memory_space<hbm>>) target_semaphore(%run_scoped3A : memref<!tpu.dma_semaphore, #tpu.memory_space<semaphore_mem>>)
      %dma_wait3A_55 = arith.constant 0 : i32
      %dma_wait3A_56 = tpu.memref_slice %arg4[%add3A_40, %dma_wait3A_55] : memref<81920x128xf32, #tpu.memory_space<hbm>> -> memref<512x128xf32, #tpu.memory_space<hbm>>
      %dma_wait3A_57 = arith.constant 0 : i32
      %dma_wait3A_58 = tpu.memref_slice %arg4[%add3A_40, %dma_wait3A_57] : memref<81920x128xf32, #tpu.memory_space<hbm>> -> memref<512x128xf32, #tpu.memory_space<hbm>>
      tpu.wait_dma2 semaphore(%run_scoped3A : memref<!tpu.dma_semaphore, #tpu.memory_space<semaphore_mem>>) src(%arg6 : memref<512x128xf32, #tpu.memory_space<vmem>>) dst(%dma_wait3A_58 : memref<512x128xf32, #tpu.memory_space<hbm>>)
      tpu.yield
    }) : () -> ()
    %add3A_41 = arith.constant 2048 : i32
    %add3A_42 = arith.addi %mul3A_2, %add3A_41 : i32
    "tpu.region"() ({
      %run_scoped3A = tpu.sem_alloc : memref<!tpu.dma_semaphore, #tpu.memory_space<semaphore_mem>>
      %dma_start3A_51 = tpu.memref_slice %arg3[%add3A_42] : memref<81920xi32, #tpu.memory_space<hbm>> -> memref<512xi32, #tpu.memory_space<hbm>>
      %dma_start3A_52 = tpu.memref_slice %arg3[%add3A_42] : memref<81920xi32, #tpu.memory_space<hbm>> -> memref<512xi32, #tpu.memory_space<hbm>>
      tpu.enqueue_dma source(%dma_start3A_52 : memref<512xi32, #tpu.memory_space<hbm>>) target(%arg5 : memref<512xi32, #tpu.memory_space<vmem>>) target_semaphore(%run_scoped3A : memref<!tpu.dma_semaphore, #tpu.memory_space<semaphore_mem>>)
      %dma_wait3A_53 = tpu.memref_slice %arg3[%add3A_42] : memref<81920xi32, #tpu.memory_space<hbm>> -> memref<512xi32, #tpu.memory_space<hbm>>
      %dma_wait3A_54 = tpu.memref_slice %arg3[%add3A_42] : memref<81920xi32, #tpu.memory_space<hbm>> -> memref<512xi32, #tpu.memory_space<hbm>>
      tpu.wait_dma2 semaphore(%run_scoped3A : memref<!tpu.dma_semaphore, #tpu.memory_space<semaphore_mem>>) src(%dma_wait3A_54 : memref<512xi32, #tpu.memory_space<hbm>>) dst(%arg5 : memref<512xi32, #tpu.memory_space<vmem>>)
      tpu.yield
    }) : () -> ()
    %dma_start3A_43 = arith.constant 0 : i32
    %dma_start3A_44 = arith.constant 0 : i32
    %dma_start3A_45 = tpu.memref_slice %arg2[%dma_start3A_43, %dma_start3A_44] : memref<5120x128xf32, #tpu.memory_space<hbm>> -> memref<5120x128xf32, #tpu.memory_space<hbm>>
    tpu.enqueue_indirect_dma source(%dma_start3A_45 : memref<5120x128xf32, #tpu.memory_space<hbm>>) target(%arg6 : memref<512x128xf32, #tpu.memory_space<vmem>>) offsets(%arg5 : memref<512xi32, #tpu.memory_space<vmem>>) semaphore(%arg7 : memref<!tpu.dma_semaphore, #tpu.memory_space<semaphore_mem>>)
    %dma_wait3A_46 = arith.constant 0 : i32
    %dma_wait3A_47 = arith.constant 0 : i32
    %dma_wait3A_48 = tpu.memref_slice %arg2[%dma_wait3A_46, %dma_wait3A_47] : memref<5120x128xf32, #tpu.memory_space<hbm>> -> memref<5120x128xf32, #tpu.memory_space<hbm>>
    tpu.wait_indirect_dma semaphore(%arg7 : memref<!tpu.dma_semaphore, #tpu.memory_space<semaphore_mem>>) src(%dma_wait3A_48 : memref<5120x128xf32, #tpu.memory_space<hbm>>) dst(%arg6 : memref<512x128xf32, #tpu.memory_space<vmem>>)
    %add3A_49 = arith.constant 2048 : i32
    %add3A_50 = arith.addi %mul3A_2, %add3A_49 : i32
    "tpu.region"() ({
      %run_scoped3A = tpu.sem_alloc : memref<!tpu.dma_semaphore, #tpu.memory_space<semaphore_mem>>
      %dma_start3A_51 = arith.constant 0 : i32
      %dma_start3A_52 = tpu.memref_slice %arg4[%add3A_50, %dma_start3A_51] : memref<81920x128xf32, #tpu.memory_space<hbm>> -> memref<512x128xf32, #tpu.memory_space<hbm>>
      %dma_start3A_53 = arith.constant 0 : i32
      %dma_start3A_54 = tpu.memref_slice %arg4[%add3A_50, %dma_start3A_53] : memref<81920x128xf32, #tpu.memory_space<hbm>> -> memref<512x128xf32, #tpu.memory_space<hbm>>
      tpu.enqueue_dma source(%arg6 : memref<512x128xf32, #tpu.memory_space<vmem>>) target(%dma_start3A_54 : memref<512x128xf32, #tpu.memory_space<hbm>>) target_semaphore(%run_scoped3A : memref<!tpu.dma_semaphore, #tpu.memory_space<semaphore_mem>>)
      %dma_wait3A_55 = arith.constant 0 : i32
      %dma_wait3A_56 = tpu.memref_slice %arg4[%add3A_50, %dma_wait3A_55] : memref<81920x128xf32, #tpu.memory_space<hbm>> -> memref<512x128xf32, #tpu.memory_space<hbm>>
      %dma_wait3A_57 = arith.constant 0 : i32
      %dma_wait3A_58 = tpu.memref_slice %arg4[%add3A_50, %dma_wait3A_57] : memref<81920x128xf32, #tpu.memory_space<hbm>> -> memref<512x128xf32, #tpu.memory_space<hbm>>
      tpu.wait_dma2 semaphore(%run_scoped3A : memref<!tpu.dma_semaphore, #tpu.memory_space<semaphore_mem>>) src(%arg6 : memref<512x128xf32, #tpu.memory_space<vmem>>) dst(%dma_wait3A_58 : memref<512x128xf32, #tpu.memory_space<hbm>>)
      tpu.yield
    }) : () -> ()
    return
  }
}

#map = affine_map<(d0, d1) -> (0)>
module attributes {stable_mosaic.version = 14 : i64} {
  func.func @_segmax_body(%arg0: i32, %arg1: i32, %arg2: memref<41025536xf32, #tpu.memory_space<hbm>>, %arg3: memref<320512xi32, #tpu.memory_space<hbm>>, %arg4: memref<256xi32, #tpu.memory_space<hbm>>, %arg5: memref<655360xf32, #tpu.memory_space<hbm>>, %arg6: memref<65536xf32, #tpu.memory_space<vmem>>, %arg7: memref<20480xf32, #tpu.memory_space<vmem>>, %arg8: memref<528xi32, #tpu.memory_space<vmem>>, %arg9: memref<16xi32, #tpu.memory_space<vmem>>, %arg10: memref<8xi32, #tpu.memory_space<smem>>) attributes {dimension_semantics = [#tpu.dimension_semantics<core_parallel>, #tpu.dimension_semantics<subcore_parallel>], iteration_bounds = array<i64: 2, 16>, scalar_prefetch = 0 : i64, scratch_operands = 5 : i64, tpu.core_type = #tpu.core_type<sc_vector_subcore>, window_params = [{transform_indices = #map}, {transform_indices = #map}, {transform_indices = #map}, {transform_indices = #map}]} {
    %mul3A = arith.constant 2 : i32
    %mul3A_0 = arith.muli %arg1, %mul3A : i32
    %add3A = arith.addi %mul3A_0, %arg0 : i32
    %mul3A_1 = arith.constant 8 : i32
    %mul3A_2 = arith.muli %add3A, %mul3A_1 : i32
    "tpu.region"() ({
      %run_scoped3A = tpu.sem_alloc : memref<!tpu.dma_semaphore, #tpu.memory_space<semaphore_mem>>
      %dma_start3A = arith.constant 0 : i32
      %dma_start3A_40 = tpu.memref_slice %arg9[%dma_start3A] : memref<16xi32, #tpu.memory_space<vmem>> -> memref<8xi32, #tpu.memory_space<vmem>>
      %dma_start3A_41 = tpu.memref_slice %arg4[%mul3A_2] : memref<256xi32, #tpu.memory_space<hbm>> -> memref<8xi32, #tpu.memory_space<hbm>>
      %dma_start3A_42 = arith.constant 0 : i32
      %dma_start3A_43 = tpu.memref_slice %arg9[%dma_start3A_42] : memref<16xi32, #tpu.memory_space<vmem>> -> memref<8xi32, #tpu.memory_space<vmem>>
      %dma_start3A_44 = tpu.memref_slice %arg4[%mul3A_2] : memref<256xi32, #tpu.memory_space<hbm>> -> memref<8xi32, #tpu.memory_space<hbm>>
      tpu.enqueue_dma source(%dma_start3A_44 : memref<8xi32, #tpu.memory_space<hbm>>) target(%dma_start3A_43 : memref<8xi32, #tpu.memory_space<vmem>>) target_semaphore(%run_scoped3A : memref<!tpu.dma_semaphore, #tpu.memory_space<semaphore_mem>>)
      %dma_wait3A = arith.constant 0 : i32
      %dma_wait3A_45 = tpu.memref_slice %arg9[%dma_wait3A] : memref<16xi32, #tpu.memory_space<vmem>> -> memref<8xi32, #tpu.memory_space<vmem>>
      %dma_wait3A_46 = tpu.memref_slice %arg4[%mul3A_2] : memref<256xi32, #tpu.memory_space<hbm>> -> memref<8xi32, #tpu.memory_space<hbm>>
      %dma_wait3A_47 = arith.constant 0 : i32
      %dma_wait3A_48 = tpu.memref_slice %arg9[%dma_wait3A_47] : memref<16xi32, #tpu.memory_space<vmem>> -> memref<8xi32, #tpu.memory_space<vmem>>
      %dma_wait3A_49 = tpu.memref_slice %arg4[%mul3A_2] : memref<256xi32, #tpu.memory_space<hbm>> -> memref<8xi32, #tpu.memory_space<hbm>>
      tpu.wait_dma2 semaphore(%run_scoped3A : memref<!tpu.dma_semaphore, #tpu.memory_space<semaphore_mem>>) src(%dma_wait3A_49 : memref<8xi32, #tpu.memory_space<hbm>>) dst(%dma_wait3A_48 : memref<8xi32, #tpu.memory_space<vmem>>)
      tpu.yield
    }) : () -> ()
    %get3A = arith.constant 0 : index
    %get3A_3 = tpu.vector_load %arg9[%get3A] {strides = array<i32>} : memref<16xi32, #tpu.memory_space<vmem>>, vector<16xi32>,
    %get3A_4 = vector.shape_cast %get3A_3 : vector<16xi32> to vector<16xi32>
    %slice3A = vector.extract_strided_slice %get3A_4 {offsets = [0], sizes = [1], strides = [1]} : vector<16xi32> to vector<1xi32>
    %squeeze3A = vector.extract %slice3A[0] : i32 from vector<1xi32>
    %multiple_of3A = tpu.assume_multiple %squeeze3A, 8 : i32
    %slice3A_5 = vector.extract_strided_slice %get3A_4 {offsets = [1], sizes = [1], strides = [1]} : vector<16xi32> to vector<1xi32>
    %squeeze3A_6 = vector.extract %slice3A_5[0] : i32 from vector<1xi32>
    %slice3A_7 = vector.extract_strided_slice %get3A_4 {offsets = [2], sizes = [1], strides = [1]} : vector<16xi32> to vector<1xi32>
    %squeeze3A_8 = vector.extract %slice3A_7[0] : i32 from vector<1xi32>
    %multiple_of3A_9 = tpu.assume_multiple %squeeze3A_8, 8 : i32
    %slice3A_10 = vector.extract_strided_slice %get3A_4 {offsets = [3], sizes = [1], strides = [1]} : vector<16xi32> to vector<1xi32>
    %squeeze3A_11 = vector.extract %slice3A_10[0] : i32 from vector<1xi32>
    %broadcast_in_dim3A = arith.constant 0.000000e+00 : f32
    %broadcast_in_dim3A_12 = vector.broadcast %broadcast_in_dim3A : f32 to vector<16xf32>
    %broadcast_in_dim3A_13 = arith.constant 0xFF800000 : f32
    %broadcast_in_dim3A_14 = vector.broadcast %broadcast_in_dim3A_13 : f32 to vector<16xf32>
    %scan3A = arith.constant 0 : i32
    %scan3A_15 = arith.constant 0 : i32
    %scan3A_16 = arith.constant 1280 : i32
    %scan3A_17 = arith.addi %scan3A_15, %scan3A_16 : i32
    %scan3A_18 = arith.constant 1 : i32
    %scan3A_19 = scf.for %scan3A_40 = %scan3A_15 to %scan3A_17 step %scan3A_18 iter_args(%scan3A_41 = %scan3A) -> (i32)  : i32 {
      %mul3A_42 = arith.constant 16 : i32
      %mul3A_43 = arith.muli %scan3A_40, %mul3A_42 : i32
      %swap3A_44 = arith.index_cast %mul3A_43 : i32 to index
      %swap3A_45 = tpu.vector_load %arg7[%swap3A_44] {strides = array<i32>} : memref<20480xf32, #tpu.memory_space<vmem>>, vector<16xf32>,
      %swap3A_46 = vector.shape_cast %swap3A_45 : vector<16xf32> to vector<16xf32>
      %swap3A_47 = vector.shape_cast %broadcast_in_dim3A_12 : vector<16xf32> to vector<16xf32>
      tpu.vector_store %arg7[%swap3A_44], %swap3A_47 {strides = array<i32>} : memref<20480xf32, #tpu.memory_space<vmem>>, vector<16xf32>,
      %scan3A_48 = arith.constant 0 : i32
      scf.yield %scan3A_48 : i32
    }
    %scan3A_20 = arith.constant 1280 : i32
    %swap3A = arith.constant -1 : i32
    %swap3A_21 = arith.constant 0 : i32
    %swap3A_22 = arith.index_cast %swap3A_21 : i32 to index
    %swap3A_23 = memref.load %arg10[%swap3A_22] : memref<8xi32, #tpu.memory_space<smem>>
    memref.store %swap3A, %arg10[%swap3A_22] : memref<8xi32, #tpu.memory_space<smem>>
    %while3A = arith.constant 0 : i32
    %while3A_24 = arith.subi %squeeze3A_11, %while3A : i32
    %while3A_25 = arith.addi %while3A, %while3A_24 : i32
    %while3A_26 = arith.constant 1 : i32
    %while3A_27 = arith.divsi %while3A_24, %while3A_26 : i32
    %while3A_28 = arith.muli %while3A_27, %while3A_26 : i32
    %while3A_29 = arith.addi %while3A, %while3A_28 : i32
    %while3A_30 = arith.constant 1 : i32
    %while3A_31:8 = scf.for %while3A_40 = %while3A to %while3A_29 step %while3A_30 iter_args(%while3A_41 = %broadcast_in_dim3A_14, %while3A_42 = %broadcast_in_dim3A_14, %while3A_43 = %broadcast_in_dim3A_14, %while3A_44 = %broadcast_in_dim3A_14, %while3A_45 = %broadcast_in_dim3A_14, %while3A_46 = %broadcast_in_dim3A_14, %while3A_47 = %broadcast_in_dim3A_14, %while3A_48 = %broadcast_in_dim3A_14) -> (vector<16xf32>, vector<16xf32>, vector<16xf32>, vector<16xf32>, vector<16xf32>, vector<16xf32>, vector<16xf32>, vector<16xf32>)  : i32 {
      %mul3A_49 = arith.constant 512 : i32
      %mul3A_50 = arith.muli %while3A_40, %mul3A_49 : i32
      %add3A_51 = arith.addi %multiple_of3A_9, %mul3A_50 : i32
      %multiple_of3A_52 = tpu.assume_multiple %add3A_51, 8 : i32
      %mul3A_53 = arith.constant 128 : i32
      %mul3A_54 = arith.muli %multiple_of3A_52, %mul3A_53 : i32
      "tpu.region"() ({
        %run_scoped3A = tpu.sem_alloc : memref<!tpu.dma_semaphore, #tpu.memory_space<semaphore_mem>>
        %dma_start3A = tpu.memref_slice %arg2[%mul3A_54] : memref<41025536xf32, #tpu.memory_space<hbm>> -> memref<65536xf32, #tpu.memory_space<hbm>>
        %dma_start3A_61 = tpu.memref_slice %arg2[%mul3A_54] : memref<41025536xf32, #tpu.memory_space<hbm>> -> memref<65536xf32, #tpu.memory_space<hbm>>
        tpu.enqueue_dma source(%dma_start3A_61 : memref<65536xf32, #tpu.memory_space<hbm>>) target(%arg6 : memref<65536xf32, #tpu.memory_space<vmem>>) target_semaphore(%run_scoped3A : memref<!tpu.dma_semaphore, #tpu.memory_space<semaphore_mem>>)
        %dma_wait3A = tpu.memref_slice %arg2[%mul3A_54] : memref<41025536xf32, #tpu.memory_space<hbm>> -> memref<65536xf32, #tpu.memory_space<hbm>>
        %dma_wait3A_62 = tpu.memref_slice %arg2[%mul3A_54] : memref<41025536xf32, #tpu.memory_space<hbm>> -> memref<65536xf32, #tpu.memory_space<hbm>>
        tpu.wait_dma2 semaphore(%run_scoped3A : memref<!tpu.dma_semaphore, #tpu.memory_space<semaphore_mem>>) src(%dma_wait3A_62 : memref<65536xf32, #tpu.memory_space<hbm>>) dst(%arg6 : memref<65536xf32, #tpu.memory_space<vmem>>)
        tpu.yield
      }) : () -> ()
      "tpu.region"() ({
        %run_scoped3A = tpu.sem_alloc : memref<!tpu.dma_semaphore, #tpu.memory_space<semaphore_mem>>
        %dma_start3A = arith.constant 0 : i32
        %dma_start3A_61 = tpu.memref_slice %arg8[%dma_start3A] : memref<528xi32, #tpu.memory_space<vmem>> -> memref<512xi32, #tpu.memory_space<vmem>>
        %dma_start3A_62 = tpu.memref_slice %arg3[%multiple_of3A_52] : memref<320512xi32, #tpu.memory_space<hbm>> -> memref<512xi32, #tpu.memory_space<hbm>>
        %dma_start3A_63 = arith.constant 0 : i32
        %dma_start3A_64 = tpu.memref_slice %arg8[%dma_start3A_63] : memref<528xi32, #tpu.memory_space<vmem>> -> memref<512xi32, #tpu.memory_space<vmem>>
        %dma_start3A_65 = tpu.memref_slice %arg3[%multiple_of3A_52] : memref<320512xi32, #tpu.memory_space<hbm>> -> memref<512xi32, #tpu.memory_space<hbm>>
        tpu.enqueue_dma source(%dma_start3A_65 : memref<512xi32, #tpu.memory_space<hbm>>) target(%dma_start3A_64 : memref<512xi32, #tpu.memory_space<vmem>>) target_semaphore(%run_scoped3A : memref<!tpu.dma_semaphore, #tpu.memory_space<semaphore_mem>>)
        %dma_wait3A = arith.constant 0 : i32
        %dma_wait3A_66 = tpu.memref_slice %arg8[%dma_wait3A] : memref<528xi32, #tpu.memory_space<vmem>> -> memref<512xi32, #tpu.memory_space<vmem>>
        %dma_wait3A_67 = tpu.memref_slice %arg3[%multiple_of3A_52] : memref<320512xi32, #tpu.memory_space<hbm>> -> memref<512xi32, #tpu.memory_space<hbm>>
        %dma_wait3A_68 = arith.constant 0 : i32
        %dma_wait3A_69 = tpu.memref_slice %arg8[%dma_wait3A_68] : memref<528xi32, #tpu.memory_space<vmem>> -> memref<512xi32, #tpu.memory_space<vmem>>
        %dma_wait3A_70 = tpu.memref_slice %arg3[%multiple_of3A_52] : memref<320512xi32, #tpu.memory_space<hbm>> -> memref<512xi32, #tpu.memory_space<hbm>>
        tpu.wait_dma2 semaphore(%run_scoped3A : memref<!tpu.dma_semaphore, #tpu.memory_space<semaphore_mem>>) src(%dma_wait3A_70 : memref<512xi32, #tpu.memory_space<hbm>>) dst(%dma_wait3A_69 : memref<512xi32, #tpu.memory_space<vmem>>)
        tpu.yield
      }) : () -> ()
      %scan3A_55 = arith.constant 0 : i32
      %scan3A_56 = arith.constant 512 : i32
      %scan3A_57 = arith.addi %scan3A_55, %scan3A_56 : i32
      %scan3A_58 = arith.constant 1 : i32
      %scan3A_59:8 = scf.for %scan3A_61 = %scan3A_55 to %scan3A_57 step %scan3A_58 iter_args(%scan3A_62 = %while3A_41, %scan3A_63 = %while3A_42, %scan3A_64 = %while3A_43, %scan3A_65 = %while3A_44, %scan3A_66 = %while3A_45, %scan3A_67 = %while3A_46, %scan3A_68 = %while3A_47, %scan3A_69 = %while3A_48) -> (vector<16xf32>, vector<16xf32>, vector<16xf32>, vector<16xf32>, vector<16xf32>, vector<16xf32>, vector<16xf32>, vector<16xf32>)  : i32 {
        %get3A_70 = arith.index_cast %scan3A_61 : i32 to index
        %get3A_71 = tpu.vector_load %arg8[%get3A_70] {strides = array<i32>} : memref<528xi32, #tpu.memory_space<vmem>>, vector<16xi32>,
        %get3A_72 = vector.shape_cast %get3A_71 : vector<16xi32> to vector<16xi32>
        %slice3A_73 = vector.extract_strided_slice %get3A_72 {offsets = [0], sizes = [1], strides = [1]} : vector<16xi32> to vector<1xi32>
        %squeeze3A_74 = vector.extract %slice3A_73[0] : i32 from vector<1xi32>
        %get3A_75 = arith.constant 0 : i32
        %get3A_76 = arith.index_cast %get3A_75 : i32 to index
        %get3A_77 = memref.load %arg10[%get3A_76] : memref<8xi32, #tpu.memory_space<smem>>
        %ne3A = arith.cmpi ne, %squeeze3A_74, %get3A_77 : i32
        %ge3A_78 = arith.cmpi sge, %get3A_77, %multiple_of3A : i32
        %and3A_79 = arith.andi %ne3A, %ge3A_78 : i1
        %lt3A_80 = arith.cmpi slt, %get3A_77, %squeeze3A_6 : i32
        %and3A_81 = arith.andi %and3A_79, %lt3A_80 : i1
        %convert_element_type3A_82 = arith.extui %and3A_81 : i1 to i32
        %cond3A_83 = arith.constant 0 : i32
        %cond3A_84 = arith.cmpi ne, %convert_element_type3A_82, %cond3A_83 : i32
        scf.if %cond3A_84 {
          %sub3A = arith.subi %get3A_77, %multiple_of3A : i32
          %mul3A_158 = arith.constant 128 : i32
          %mul3A_159 = arith.muli %sub3A, %mul3A_158 : i32
          %add3A_160 = arith.constant 0 : i32
          %add3A_161 = arith.addi %mul3A_159, %add3A_160 : i32
          %swap3A_162 = arith.index_cast %add3A_161 : i32 to index
          %swap3A_163 = tpu.vector_load %arg7[%swap3A_162] {strides = array<i32>} : memref<20480xf32, #tpu.memory_space<vmem>>, vector<16xf32>,
          %swap3A_164 = vector.shape_cast %swap3A_163 : vector<16xf32> to vector<16xf32>
          %swap3A_165 = vector.shape_cast %scan3A_62 : vector<16xf32> to vector<16xf32>
          tpu.vector_store %arg7[%swap3A_162], %swap3A_165 {strides = array<i32>} : memref<20480xf32, #tpu.memory_space<vmem>>, vector<16xf32>,
          %mul3A_166 = arith.constant 128 : i32
          %mul3A_167 = arith.muli %sub3A, %mul3A_166 : i32
          %add3A_168 = arith.constant 16 : i32
          %add3A_169 = arith.addi %mul3A_167, %add3A_168 : i32
          %swap3A_170 = arith.index_cast %add3A_169 : i32 to index
          %swap3A_171 = tpu.vector_load %arg7[%swap3A_170] {strides = array<i32>} : memref<20480xf32, #tpu.memory_space<vmem>>, vector<16xf32>,
          %swap3A_172 = vector.shape_cast %swap3A_171 : vector<16xf32> to vector<16xf32>
          %swap3A_173 = vector.shape_cast %scan3A_63 : vector<16xf32> to vector<16xf32>
          tpu.vector_store %arg7[%swap3A_170], %swap3A_173 {strides = array<i32>} : memref<20480xf32, #tpu.memory_space<vmem>>, vector<16xf32>,
          %mul3A_174 = arith.constant 128 : i32
          %mul3A_175 = arith.muli %sub3A, %mul3A_174 : i32
          %add3A_176 = arith.constant 32 : i32
          %add3A_177 = arith.addi %mul3A_175, %add3A_176 : i32
          %swap3A_178 = arith.index_cast %add3A_177 : i32 to index
          %swap3A_179 = tpu.vector_load %arg7[%swap3A_178] {strides = array<i32>} : memref<20480xf32, #tpu.memory_space<vmem>>, vector<16xf32>,
          %swap3A_180 = vector.shape_cast %swap3A_179 : vector<16xf32> to vector<16xf32>
          %swap3A_181 = vector.shape_cast %scan3A_64 : vector<16xf32> to vector<16xf32>
          tpu.vector_store %arg7[%swap3A_178], %swap3A_181 {strides = array<i32>} : memref<20480xf32, #tpu.memory_space<vmem>>, vector<16xf32>,
          %mul3A_182 = arith.constant 128 : i32
          %mul3A_183 = arith.muli %sub3A, %mul3A_182 : i32
          %add3A_184 = arith.constant 48 : i32
          %add3A_185 = arith.addi %mul3A_183, %add3A_184 : i32
          %swap3A_186 = arith.index_cast %add3A_185 : i32 to index
          %swap3A_187 = tpu.vector_load %arg7[%swap3A_186] {strides = array<i32>} : memref<20480xf32, #tpu.memory_space<vmem>>, vector<16xf32>,
          %swap3A_188 = vector.shape_cast %swap3A_187 : vector<16xf32> to vector<16xf32>
          %swap3A_189 = vector.shape_cast %scan3A_65 : vector<16xf32> to vector<16xf32>
          tpu.vector_store %arg7[%swap3A_186], %swap3A_189 {strides = array<i32>} : memref<20480xf32, #tpu.memory_space<vmem>>, vector<16xf32>,
          %mul3A_190 = arith.constant 128 : i32
          %mul3A_191 = arith.muli %sub3A, %mul3A_190 : i32
          %add3A_192 = arith.constant 64 : i32
          %add3A_193 = arith.addi %mul3A_191, %add3A_192 : i32
          %swap3A_194 = arith.index_cast %add3A_193 : i32 to index
          %swap3A_195 = tpu.vector_load %arg7[%swap3A_194] {strides = array<i32>} : memref<20480xf32, #tpu.memory_space<vmem>>, vector<16xf32>,
          %swap3A_196 = vector.shape_cast %swap3A_195 : vector<16xf32> to vector<16xf32>
          %swap3A_197 = vector.shape_cast %scan3A_66 : vector<16xf32> to vector<16xf32>
          tpu.vector_store %arg7[%swap3A_194], %swap3A_197 {strides = array<i32>} : memref<20480xf32, #tpu.memory_space<vmem>>, vector<16xf32>,
          %mul3A_198 = arith.constant 128 : i32
          %mul3A_199 = arith.muli %sub3A, %mul3A_198 : i32
          %add3A_200 = arith.constant 80 : i32
          %add3A_201 = arith.addi %mul3A_199, %add3A_200 : i32
          %swap3A_202 = arith.index_cast %add3A_201 : i32 to index
          %swap3A_203 = tpu.vector_load %arg7[%swap3A_202] {strides = array<i32>} : memref<20480xf32, #tpu.memory_space<vmem>>, vector<16xf32>,
          %swap3A_204 = vector.shape_cast %swap3A_203 : vector<16xf32> to vector<16xf32>
          %swap3A_205 = vector.shape_cast %scan3A_67 : vector<16xf32> to vector<16xf32>
          tpu.vector_store %arg7[%swap3A_202], %swap3A_205 {strides = array<i32>} : memref<20480xf32, #tpu.memory_space<vmem>>, vector<16xf32>,
          %mul3A_206 = arith.constant 128 : i32
          %mul3A_207 = arith.muli %sub3A, %mul3A_206 : i32
          %add3A_208 = arith.constant 96 : i32
          %add3A_209 = arith.addi %mul3A_207, %add3A_208 : i32
          %swap3A_210 = arith.index_cast %add3A_209 : i32 to index
          %swap3A_211 = tpu.vector_load %arg7[%swap3A_210] {strides = array<i32>} : memref<20480xf32, #tpu.memory_space<vmem>>, vector<16xf32>,
          %swap3A_212 = vector.shape_cast %swap3A_211 : vector<16xf32> to vector<16xf32>
          %swap3A_213 = vector.shape_cast %scan3A_68 : vector<16xf32> to vector<16xf32>
          tpu.vector_store %arg7[%swap3A_210], %swap3A_213 {strides = array<i32>} : memref<20480xf32, #tpu.memory_space<vmem>>, vector<16xf32>,
          %mul3A_214 = arith.constant 128 : i32
          %mul3A_215 = arith.muli %sub3A, %mul3A_214 : i32
          %add3A_216 = arith.constant 112 : i32
          %add3A_217 = arith.addi %mul3A_215, %add3A_216 : i32
          %swap3A_218 = arith.index_cast %add3A_217 : i32 to index
          %swap3A_219 = tpu.vector_load %arg7[%swap3A_218] {strides = array<i32>} : memref<20480xf32, #tpu.memory_space<vmem>>, vector<16xf32>,
          %swap3A_220 = vector.shape_cast %swap3A_219 : vector<16xf32> to vector<16xf32>
          %swap3A_221 = vector.shape_cast %scan3A_69 : vector<16xf32> to vector<16xf32>
          tpu.vector_store %arg7[%swap3A_218], %swap3A_221 {strides = array<i32>} : memref<20480xf32, #tpu.memory_space<vmem>>, vector<16xf32>,
        } else {
        }
        %select_n3A = arith.select %ne3A, %broadcast_in_dim3A_14, %scan3A_62 : vector<16xf32>
        %select_n3A_85 = arith.select %ne3A, %broadcast_in_dim3A_14, %scan3A_63 : vector<16xf32>
        %select_n3A_86 = arith.select %ne3A, %broadcast_in_dim3A_14, %scan3A_64 : vector<16xf32>
        %select_n3A_87 = arith.select %ne3A, %broadcast_in_dim3A_14, %scan3A_65 : vector<16xf32>
        %select_n3A_88 = arith.select %ne3A, %broadcast_in_dim3A_14, %scan3A_66 : vector<16xf32>
        %select_n3A_89 = arith.select %ne3A, %broadcast_in_dim3A_14, %scan3A_67 : vector<16xf32>
        %select_n3A_90 = arith.select %ne3A, %broadcast_in_dim3A_14, %scan3A_68 : vector<16xf32>
        %select_n3A_91 = arith.select %ne3A, %broadcast_in_dim3A_14, %scan3A_69 : vector<16xf32>
        %mul3A_92 = arith.constant 128 : i32
        %mul3A_93 = arith.muli %scan3A_61, %mul3A_92 : i32
        %add3A_94 = arith.constant 0 : i32
        %add3A_95 = arith.addi %mul3A_93, %add3A_94 : i32
        %get3A_96 = arith.index_cast %add3A_95 : i32 to index
        %get3A_97 = tpu.vector_load %arg6[%get3A_96] {strides = array<i32>} : memref<65536xf32, #tpu.memory_space<vmem>>, vector<16xf32>,
        %get3A_98 = vector.shape_cast %get3A_97 : vector<16xf32> to vector<16xf32>
        %max3A = arith.maximumf %select_n3A, %get3A_98 : vector<16xf32>
        %mul3A_99 = arith.constant 128 : i32
        %mul3A_100 = arith.muli %scan3A_61, %mul3A_99 : i32
        %add3A_101 = arith.constant 16 : i32
        %add3A_102 = arith.addi %mul3A_100, %add3A_101 : i32
        %get3A_103 = arith.index_cast %add3A_102 : i32 to index
        %get3A_104 = tpu.vector_load %arg6[%get3A_103] {strides = array<i32>} : memref<65536xf32, #tpu.memory_space<vmem>>, vector<16xf32>,
        %get3A_105 = vector.shape_cast %get3A_104 : vector<16xf32> to vector<16xf32>
        %max3A_106 = arith.maximumf %select_n3A_85, %get3A_105 : vector<16xf32>
        %mul3A_107 = arith.constant 128 : i32
        %mul3A_108 = arith.muli %scan3A_61, %mul3A_107 : i32
        %add3A_109 = arith.constant 32 : i32
        %add3A_110 = arith.addi %mul3A_108, %add3A_109 : i32
        %get3A_111 = arith.index_cast %add3A_110 : i32 to index
        %get3A_112 = tpu.vector_load %arg6[%get3A_111] {strides = array<i32>} : memref<65536xf32, #tpu.memory_space<vmem>>, vector<16xf32>,
        %get3A_113 = vector.shape_cast %get3A_112 : vector<16xf32> to vector<16xf32>
        %max3A_114 = arith.maximumf %select_n3A_86, %get3A_113 : vector<16xf32>
        %mul3A_115 = arith.constant 128 : i32
        %mul3A_116 = arith.muli %scan3A_61, %mul3A_115 : i32
        %add3A_117 = arith.constant 48 : i32
        %add3A_118 = arith.addi %mul3A_116, %add3A_117 : i32
        %get3A_119 = arith.index_cast %add3A_118 : i32 to index
        %get3A_120 = tpu.vector_load %arg6[%get3A_119] {strides = array<i32>} : memref<65536xf32, #tpu.memory_space<vmem>>, vector<16xf32>,
        %get3A_121 = vector.shape_cast %get3A_120 : vector<16xf32> to vector<16xf32>
        %max3A_122 = arith.maximumf %select_n3A_87, %get3A_121 : vector<16xf32>
        %mul3A_123 = arith.constant 128 : i32
        %mul3A_124 = arith.muli %scan3A_61, %mul3A_123 : i32
        %add3A_125 = arith.constant 64 : i32
        %add3A_126 = arith.addi %mul3A_124, %add3A_125 : i32
        %get3A_127 = arith.index_cast %add3A_126 : i32 to index
        %get3A_128 = tpu.vector_load %arg6[%get3A_127] {strides = array<i32>} : memref<65536xf32, #tpu.memory_space<vmem>>, vector<16xf32>,
        %get3A_129 = vector.shape_cast %get3A_128 : vector<16xf32> to vector<16xf32>
        %max3A_130 = arith.maximumf %select_n3A_88, %get3A_129 : vector<16xf32>
        %mul3A_131 = arith.constant 128 : i32
        %mul3A_132 = arith.muli %scan3A_61, %mul3A_131 : i32
        %add3A_133 = arith.constant 80 : i32
        %add3A_134 = arith.addi %mul3A_132, %add3A_133 : i32
        %get3A_135 = arith.index_cast %add3A_134 : i32 to index
        %get3A_136 = tpu.vector_load %arg6[%get3A_135] {strides = array<i32>} : memref<65536xf32, #tpu.memory_space<vmem>>, vector<16xf32>,
        %get3A_137 = vector.shape_cast %get3A_136 : vector<16xf32> to vector<16xf32>
        %max3A_138 = arith.maximumf %select_n3A_89, %get3A_137 : vector<16xf32>
        %mul3A_139 = arith.constant 128 : i32
        %mul3A_140 = arith.muli %scan3A_61, %mul3A_139 : i32
        %add3A_141 = arith.constant 96 : i32
        %add3A_142 = arith.addi %mul3A_140, %add3A_141 : i32
        %get3A_143 = arith.index_cast %add3A_142 : i32 to index
        %get3A_144 = tpu.vector_load %arg6[%get3A_143] {strides = array<i32>} : memref<65536xf32, #tpu.memory_space<vmem>>, vector<16xf32>,
        %get3A_145 = vector.shape_cast %get3A_144 : vector<16xf32> to vector<16xf32>
        %max3A_146 = arith.maximumf %select_n3A_90, %get3A_145 : vector<16xf32>
        %mul3A_147 = arith.constant 128 : i32
        %mul3A_148 = arith.muli %scan3A_61, %mul3A_147 : i32
        %add3A_149 = arith.constant 112 : i32
        %add3A_150 = arith.addi %mul3A_148, %add3A_149 : i32
        %get3A_151 = arith.index_cast %add3A_150 : i32 to index
        %get3A_152 = tpu.vector_load %arg6[%get3A_151] {strides = array<i32>} : memref<65536xf32, #tpu.memory_space<vmem>>, vector<16xf32>,
        %get3A_153 = vector.shape_cast %get3A_152 : vector<16xf32> to vector<16xf32>
        %max3A_154 = arith.maximumf %select_n3A_91, %get3A_153 : vector<16xf32>
        %swap3A_155 = arith.constant 0 : i32
        %swap3A_156 = arith.index_cast %swap3A_155 : i32 to index
        %swap3A_157 = memref.load %arg10[%swap3A_156] : memref<8xi32, #tpu.memory_space<smem>>
        memref.store %squeeze3A_74, %arg10[%swap3A_156] : memref<8xi32, #tpu.memory_space<smem>>
        scf.yield %max3A, %max3A_106, %max3A_114, %max3A_122, %max3A_130, %max3A_138, %max3A_146, %max3A_154 : vector<16xf32>, vector<16xf32>, vector<16xf32>, vector<16xf32>, vector<16xf32>, vector<16xf32>, vector<16xf32>, vector<16xf32>
      }
      %scan3A_60 = arith.constant 512 : i32
      scf.yield %scan3A_59#0, %scan3A_59#1, %scan3A_59#2, %scan3A_59#3, %scan3A_59#4, %scan3A_59#5, %scan3A_59#6, %scan3A_59#7 : vector<16xf32>, vector<16xf32>, vector<16xf32>, vector<16xf32>, vector<16xf32>, vector<16xf32>, vector<16xf32>, vector<16xf32>
    }
    %while3A_32 = arith.constant 1 : i32
    %while3A_33:8 = scf.for %while3A_40 = %while3A_29 to %while3A_25 step %while3A_32 iter_args(%while3A_41 = %while3A_31#0, %while3A_42 = %while3A_31#1, %while3A_43 = %while3A_31#2, %while3A_44 = %while3A_31#3, %while3A_45 = %while3A_31#4, %while3A_46 = %while3A_31#5, %while3A_47 = %while3A_31#6, %while3A_48 = %while3A_31#7) -> (vector<16xf32>, vector<16xf32>, vector<16xf32>, vector<16xf32>, vector<16xf32>, vector<16xf32>, vector<16xf32>, vector<16xf32>)  : i32 {
      %mul3A_49 = arith.constant 512 : i32
      %mul3A_50 = arith.muli %while3A_40, %mul3A_49 : i32
      %add3A_51 = arith.addi %multiple_of3A_9, %mul3A_50 : i32
      %multiple_of3A_52 = tpu.assume_multiple %add3A_51, 8 : i32
      %mul3A_53 = arith.constant 128 : i32
      %mul3A_54 = arith.muli %multiple_of3A_52, %mul3A_53 : i32
      "tpu.region"() ({
        %run_scoped3A = tpu.sem_alloc : memref<!tpu.dma_semaphore, #tpu.memory_space<semaphore_mem>>
        %dma_start3A = tpu.memref_slice %arg2[%mul3A_54] : memref<41025536xf32, #tpu.memory_space<hbm>> -> memref<65536xf32, #tpu.memory_space<hbm>>
        %dma_start3A_61 = tpu.memref_slice %arg2[%mul3A_54] : memref<41025536xf32, #tpu.memory_space<hbm>> -> memref<65536xf32, #tpu.memory_space<hbm>>
        tpu.enqueue_dma source(%dma_start3A_61 : memref<65536xf32, #tpu.memory_space<hbm>>) target(%arg6 : memref<65536xf32, #tpu.memory_space<vmem>>) target_semaphore(%run_scoped3A : memref<!tpu.dma_semaphore, #tpu.memory_space<semaphore_mem>>)
        %dma_wait3A = tpu.memref_slice %arg2[%mul3A_54] : memref<41025536xf32, #tpu.memory_space<hbm>> -> memref<65536xf32, #tpu.memory_space<hbm>>
        %dma_wait3A_62 = tpu.memref_slice %arg2[%mul3A_54] : memref<41025536xf32, #tpu.memory_space<hbm>> -> memref<65536xf32, #tpu.memory_space<hbm>>
        tpu.wait_dma2 semaphore(%run_scoped3A : memref<!tpu.dma_semaphore, #tpu.memory_space<semaphore_mem>>) src(%dma_wait3A_62 : memref<65536xf32, #tpu.memory_space<hbm>>) dst(%arg6 : memref<65536xf32, #tpu.memory_space<vmem>>)
        tpu.yield
      }) : () -> ()
      "tpu.region"() ({
        %run_scoped3A = tpu.sem_alloc : memref<!tpu.dma_semaphore, #tpu.memory_space<semaphore_mem>>
        %dma_start3A = arith.constant 0 : i32
        %dma_start3A_61 = tpu.memref_slice %arg8[%dma_start3A] : memref<528xi32, #tpu.memory_space<vmem>> -> memref<512xi32, #tpu.memory_space<vmem>>
        %dma_start3A_62 = tpu.memref_slice %arg3[%multiple_of3A_52] : memref<320512xi32, #tpu.memory_space<hbm>> -> memref<512xi32, #tpu.memory_space<hbm>>
        %dma_start3A_63 = arith.constant 0 : i32
        %dma_start3A_64 = tpu.memref_slice %arg8[%dma_start3A_63] : memref<528xi32, #tpu.memory_space<vmem>> -> memref<512xi32, #tpu.memory_space<vmem>>
        %dma_start3A_65 = tpu.memref_slice %arg3[%multiple_of3A_52] : memref<320512xi32, #tpu.memory_space<hbm>> -> memref<512xi32, #tpu.memory_space<hbm>>
        tpu.enqueue_dma source(%dma_start3A_65 : memref<512xi32, #tpu.memory_space<hbm>>) target(%dma_start3A_64 : memref<512xi32, #tpu.memory_space<vmem>>) target_semaphore(%run_scoped3A : memref<!tpu.dma_semaphore, #tpu.memory_space<semaphore_mem>>)
        %dma_wait3A = arith.constant 0 : i32
        %dma_wait3A_66 = tpu.memref_slice %arg8[%dma_wait3A] : memref<528xi32, #tpu.memory_space<vmem>> -> memref<512xi32, #tpu.memory_space<vmem>>
        %dma_wait3A_67 = tpu.memref_slice %arg3[%multiple_of3A_52] : memref<320512xi32, #tpu.memory_space<hbm>> -> memref<512xi32, #tpu.memory_space<hbm>>
        %dma_wait3A_68 = arith.constant 0 : i32
        %dma_wait3A_69 = tpu.memref_slice %arg8[%dma_wait3A_68] : memref<528xi32, #tpu.memory_space<vmem>> -> memref<512xi32, #tpu.memory_space<vmem>>
        %dma_wait3A_70 = tpu.memref_slice %arg3[%multiple_of3A_52] : memref<320512xi32, #tpu.memory_space<hbm>> -> memref<512xi32, #tpu.memory_space<hbm>>
        tpu.wait_dma2 semaphore(%run_scoped3A : memref<!tpu.dma_semaphore, #tpu.memory_space<semaphore_mem>>) src(%dma_wait3A_70 : memref<512xi32, #tpu.memory_space<hbm>>) dst(%dma_wait3A_69 : memref<512xi32, #tpu.memory_space<vmem>>)
        tpu.yield
      }) : () -> ()
      %scan3A_55 = arith.constant 0 : i32
      %scan3A_56 = arith.constant 512 : i32
      %scan3A_57 = arith.addi %scan3A_55, %scan3A_56 : i32
      %scan3A_58 = arith.constant 1 : i32
      %scan3A_59:8 = scf.for %scan3A_61 = %scan3A_55 to %scan3A_57 step %scan3A_58 iter_args(%scan3A_62 = %while3A_41, %scan3A_63 = %while3A_42, %scan3A_64 = %while3A_43, %scan3A_65 = %while3A_44, %scan3A_66 = %while3A_45, %scan3A_67 = %while3A_46, %scan3A_68 = %while3A_47, %scan3A_69 = %while3A_48) -> (vector<16xf32>, vector<16xf32>, vector<16xf32>, vector<16xf32>, vector<16xf32>, vector<16xf32>, vector<16xf32>, vector<16xf32>)  : i32 {
        %get3A_70 = arith.index_cast %scan3A_61 : i32 to index
        %get3A_71 = tpu.vector_load %arg8[%get3A_70] {strides = array<i32>} : memref<528xi32, #tpu.memory_space<vmem>>, vector<16xi32>,
        %get3A_72 = vector.shape_cast %get3A_71 : vector<16xi32> to vector<16xi32>
        %slice3A_73 = vector.extract_strided_slice %get3A_72 {offsets = [0], sizes = [1], strides = [1]} : vector<16xi32> to vector<1xi32>
        %squeeze3A_74 = vector.extract %slice3A_73[0] : i32 from vector<1xi32>
        %get3A_75 = arith.constant 0 : i32
        %get3A_76 = arith.index_cast %get3A_75 : i32 to index
        %get3A_77 = memref.load %arg10[%get3A_76] : memref<8xi32, #tpu.memory_space<smem>>
        %ne3A = arith.cmpi ne, %squeeze3A_74, %get3A_77 : i32
        %ge3A_78 = arith.cmpi sge, %get3A_77, %multiple_of3A : i32
        %and3A_79 = arith.andi %ne3A, %ge3A_78 : i1
        %lt3A_80 = arith.cmpi slt, %get3A_77, %squeeze3A_6 : i32
        %and3A_81 = arith.andi %and3A_79, %lt3A_80 : i1
        %convert_element_type3A_82 = arith.extui %and3A_81 : i1 to i32
        %cond3A_83 = arith.constant 0 : i32
        %cond3A_84 = arith.cmpi ne, %convert_element_type3A_82, %cond3A_83 : i32
        scf.if %cond3A_84 {
          %sub3A = arith.subi %get3A_77, %multiple_of3A : i32
          %mul3A_158 = arith.constant 128 : i32
          %mul3A_159 = arith.muli %sub3A, %mul3A_158 : i32
          %add3A_160 = arith.constant 0 : i32
          %add3A_161 = arith.addi %mul3A_159, %add3A_160 : i32
          %swap3A_162 = arith.index_cast %add3A_161 : i32 to index
          %swap3A_163 = tpu.vector_load %arg7[%swap3A_162] {strides = array<i32>} : memref<20480xf32, #tpu.memory_space<vmem>>, vector<16xf32>,
          %swap3A_164 = vector.shape_cast %swap3A_163 : vector<16xf32> to vector<16xf32>
          %swap3A_165 = vector.shape_cast %scan3A_62 : vector<16xf32> to vector<16xf32>
          tpu.vector_store %arg7[%swap3A_162], %swap3A_165 {strides = array<i32>} : memref<20480xf32, #tpu.memory_space<vmem>>, vector<16xf32>,
          %mul3A_166 = arith.constant 128 : i32
          %mul3A_167 = arith.muli %sub3A, %mul3A_166 : i32
          %add3A_168 = arith.constant 16 : i32
          %add3A_169 = arith.addi %mul3A_167, %add3A_168 : i32
          %swap3A_170 = arith.index_cast %add3A_169 : i32 to index
          %swap3A_171 = tpu.vector_load %arg7[%swap3A_170] {strides = array<i32>} : memref<20480xf32, #tpu.memory_space<vmem>>, vector<16xf32>,
          %swap3A_172 = vector.shape_cast %swap3A_171 : vector<16xf32> to vector<16xf32>
          %swap3A_173 = vector.shape_cast %scan3A_63 : vector<16xf32> to vector<16xf32>
          tpu.vector_store %arg7[%swap3A_170], %swap3A_173 {strides = array<i32>} : memref<20480xf32, #tpu.memory_space<vmem>>, vector<16xf32>,
          %mul3A_174 = arith.constant 128 : i32
          %mul3A_175 = arith.muli %sub3A, %mul3A_174 : i32
          %add3A_176 = arith.constant 32 : i32
          %add3A_177 = arith.addi %mul3A_175, %add3A_176 : i32
          %swap3A_178 = arith.index_cast %add3A_177 : i32 to index
          %swap3A_179 = tpu.vector_load %arg7[%swap3A_178] {strides = array<i32>} : memref<20480xf32, #tpu.memory_space<vmem>>, vector<16xf32>,
          %swap3A_180 = vector.shape_cast %swap3A_179 : vector<16xf32> to vector<16xf32>
          %swap3A_181 = vector.shape_cast %scan3A_64 : vector<16xf32> to vector<16xf32>
          tpu.vector_store %arg7[%swap3A_178], %swap3A_181 {strides = array<i32>} : memref<20480xf32, #tpu.memory_space<vmem>>, vector<16xf32>,
          %mul3A_182 = arith.constant 128 : i32
          %mul3A_183 = arith.muli %sub3A, %mul3A_182 : i32
          %add3A_184 = arith.constant 48 : i32
          %add3A_185 = arith.addi %mul3A_183, %add3A_184 : i32
          %swap3A_186 = arith.index_cast %add3A_185 : i32 to index
          %swap3A_187 = tpu.vector_load %arg7[%swap3A_186] {strides = array<i32>} : memref<20480xf32, #tpu.memory_space<vmem>>, vector<16xf32>,
          %swap3A_188 = vector.shape_cast %swap3A_187 : vector<16xf32> to vector<16xf32>
          %swap3A_189 = vector.shape_cast %scan3A_65 : vector<16xf32> to vector<16xf32>
          tpu.vector_store %arg7[%swap3A_186], %swap3A_189 {strides = array<i32>} : memref<20480xf32, #tpu.memory_space<vmem>>, vector<16xf32>,
          %mul3A_190 = arith.constant 128 : i32
          %mul3A_191 = arith.muli %sub3A, %mul3A_190 : i32
          %add3A_192 = arith.constant 64 : i32
          %add3A_193 = arith.addi %mul3A_191, %add3A_192 : i32
          %swap3A_194 = arith.index_cast %add3A_193 : i32 to index
          %swap3A_195 = tpu.vector_load %arg7[%swap3A_194] {strides = array<i32>} : memref<20480xf32, #tpu.memory_space<vmem>>, vector<16xf32>,
          %swap3A_196 = vector.shape_cast %swap3A_195 : vector<16xf32> to vector<16xf32>
          %swap3A_197 = vector.shape_cast %scan3A_66 : vector<16xf32> to vector<16xf32>
          tpu.vector_store %arg7[%swap3A_194], %swap3A_197 {strides = array<i32>} : memref<20480xf32, #tpu.memory_space<vmem>>, vector<16xf32>,
          %mul3A_198 = arith.constant 128 : i32
          %mul3A_199 = arith.muli %sub3A, %mul3A_198 : i32
          %add3A_200 = arith.constant 80 : i32
          %add3A_201 = arith.addi %mul3A_199, %add3A_200 : i32
          %swap3A_202 = arith.index_cast %add3A_201 : i32 to index
          %swap3A_203 = tpu.vector_load %arg7[%swap3A_202] {strides = array<i32>} : memref<20480xf32, #tpu.memory_space<vmem>>, vector<16xf32>,
          %swap3A_204 = vector.shape_cast %swap3A_203 : vector<16xf32> to vector<16xf32>
          %swap3A_205 = vector.shape_cast %scan3A_67 : vector<16xf32> to vector<16xf32>
          tpu.vector_store %arg7[%swap3A_202], %swap3A_205 {strides = array<i32>} : memref<20480xf32, #tpu.memory_space<vmem>>, vector<16xf32>,
          %mul3A_206 = arith.constant 128 : i32
          %mul3A_207 = arith.muli %sub3A, %mul3A_206 : i32
          %add3A_208 = arith.constant 96 : i32
          %add3A_209 = arith.addi %mul3A_207, %add3A_208 : i32
          %swap3A_210 = arith.index_cast %add3A_209 : i32 to index
          %swap3A_211 = tpu.vector_load %arg7[%swap3A_210] {strides = array<i32>} : memref<20480xf32, #tpu.memory_space<vmem>>, vector<16xf32>,
          %swap3A_212 = vector.shape_cast %swap3A_211 : vector<16xf32> to vector<16xf32>
          %swap3A_213 = vector.shape_cast %scan3A_68 : vector<16xf32> to vector<16xf32>
          tpu.vector_store %arg7[%swap3A_210], %swap3A_213 {strides = array<i32>} : memref<20480xf32, #tpu.memory_space<vmem>>, vector<16xf32>,
          %mul3A_214 = arith.constant 128 : i32
          %mul3A_215 = arith.muli %sub3A, %mul3A_214 : i32
          %add3A_216 = arith.constant 112 : i32
          %add3A_217 = arith.addi %mul3A_215, %add3A_216 : i32
          %swap3A_218 = arith.index_cast %add3A_217 : i32 to index
          %swap3A_219 = tpu.vector_load %arg7[%swap3A_218] {strides = array<i32>} : memref<20480xf32, #tpu.memory_space<vmem>>, vector<16xf32>,
          %swap3A_220 = vector.shape_cast %swap3A_219 : vector<16xf32> to vector<16xf32>
          %swap3A_221 = vector.shape_cast %scan3A_69 : vector<16xf32> to vector<16xf32>
          tpu.vector_store %arg7[%swap3A_218], %swap3A_221 {strides = array<i32>} : memref<20480xf32, #tpu.memory_space<vmem>>, vector<16xf32>,
        } else {
        }
        %select_n3A = arith.select %ne3A, %broadcast_in_dim3A_14, %scan3A_62 : vector<16xf32>
        %select_n3A_85 = arith.select %ne3A, %broadcast_in_dim3A_14, %scan3A_63 : vector<16xf32>
        %select_n3A_86 = arith.select %ne3A, %broadcast_in_dim3A_14, %scan3A_64 : vector<16xf32>
        %select_n3A_87 = arith.select %ne3A, %broadcast_in_dim3A_14, %scan3A_65 : vector<16xf32>
        %select_n3A_88 = arith.select %ne3A, %broadcast_in_dim3A_14, %scan3A_66 : vector<16xf32>
        %select_n3A_89 = arith.select %ne3A, %broadcast_in_dim3A_14, %scan3A_67 : vector<16xf32>
        %select_n3A_90 = arith.select %ne3A, %broadcast_in_dim3A_14, %scan3A_68 : vector<16xf32>
        %select_n3A_91 = arith.select %ne3A, %broadcast_in_dim3A_14, %scan3A_69 : vector<16xf32>
        %mul3A_92 = arith.constant 128 : i32
        %mul3A_93 = arith.muli %scan3A_61, %mul3A_92 : i32
        %add3A_94 = arith.constant 0 : i32
        %add3A_95 = arith.addi %mul3A_93, %add3A_94 : i32
        %get3A_96 = arith.index_cast %add3A_95 : i32 to index
        %get3A_97 = tpu.vector_load %arg6[%get3A_96] {strides = array<i32>} : memref<65536xf32, #tpu.memory_space<vmem>>, vector<16xf32>,
        %get3A_98 = vector.shape_cast %get3A_97 : vector<16xf32> to vector<16xf32>
        %max3A = arith.maximumf %select_n3A, %get3A_98 : vector<16xf32>
        %mul3A_99 = arith.constant 128 : i32
        %mul3A_100 = arith.muli %scan3A_61, %mul3A_99 : i32
        %add3A_101 = arith.constant 16 : i32
        %add3A_102 = arith.addi %mul3A_100, %add3A_101 : i32
        %get3A_103 = arith.index_cast %add3A_102 : i32 to index
        %get3A_104 = tpu.vector_load %arg6[%get3A_103] {strides = array<i32>} : memref<65536xf32, #tpu.memory_space<vmem>>, vector<16xf32>,
        %get3A_105 = vector.shape_cast %get3A_104 : vector<16xf32> to vector<16xf32>
        %max3A_106 = arith.maximumf %select_n3A_85, %get3A_105 : vector<16xf32>
        %mul3A_107 = arith.constant 128 : i32
        %mul3A_108 = arith.muli %scan3A_61, %mul3A_107 : i32
        %add3A_109 = arith.constant 32 : i32
        %add3A_110 = arith.addi %mul3A_108, %add3A_109 : i32
        %get3A_111 = arith.index_cast %add3A_110 : i32 to index
        %get3A_112 = tpu.vector_load %arg6[%get3A_111] {strides = array<i32>} : memref<65536xf32, #tpu.memory_space<vmem>>, vector<16xf32>,
        %get3A_113 = vector.shape_cast %get3A_112 : vector<16xf32> to vector<16xf32>
        %max3A_114 = arith.maximumf %select_n3A_86, %get3A_113 : vector<16xf32>
        %mul3A_115 = arith.constant 128 : i32
        %mul3A_116 = arith.muli %scan3A_61, %mul3A_115 : i32
        %add3A_117 = arith.constant 48 : i32
        %add3A_118 = arith.addi %mul3A_116, %add3A_117 : i32
        %get3A_119 = arith.index_cast %add3A_118 : i32 to index
        %get3A_120 = tpu.vector_load %arg6[%get3A_119] {strides = array<i32>} : memref<65536xf32, #tpu.memory_space<vmem>>, vector<16xf32>,
        %get3A_121 = vector.shape_cast %get3A_120 : vector<16xf32> to vector<16xf32>
        %max3A_122 = arith.maximumf %select_n3A_87, %get3A_121 : vector<16xf32>
        %mul3A_123 = arith.constant 128 : i32
        %mul3A_124 = arith.muli %scan3A_61, %mul3A_123 : i32
        %add3A_125 = arith.constant 64 : i32
        %add3A_126 = arith.addi %mul3A_124, %add3A_125 : i32
        %get3A_127 = arith.index_cast %add3A_126 : i32 to index
        %get3A_128 = tpu.vector_load %arg6[%get3A_127] {strides = array<i32>} : memref<65536xf32, #tpu.memory_space<vmem>>, vector<16xf32>,
        %get3A_129 = vector.shape_cast %get3A_128 : vector<16xf32> to vector<16xf32>
        %max3A_130 = arith.maximumf %select_n3A_88, %get3A_129 : vector<16xf32>
        %mul3A_131 = arith.constant 128 : i32
        %mul3A_132 = arith.muli %scan3A_61, %mul3A_131 : i32
        %add3A_133 = arith.constant 80 : i32
        %add3A_134 = arith.addi %mul3A_132, %add3A_133 : i32
        %get3A_135 = arith.index_cast %add3A_134 : i32 to index
        %get3A_136 = tpu.vector_load %arg6[%get3A_135] {strides = array<i32>} : memref<65536xf32, #tpu.memory_space<vmem>>, vector<16xf32>,
        %get3A_137 = vector.shape_cast %get3A_136 : vector<16xf32> to vector<16xf32>
        %max3A_138 = arith.maximumf %select_n3A_89, %get3A_137 : vector<16xf32>
        %mul3A_139 = arith.constant 128 : i32
        %mul3A_140 = arith.muli %scan3A_61, %mul3A_139 : i32
        %add3A_141 = arith.constant 96 : i32
        %add3A_142 = arith.addi %mul3A_140, %add3A_141 : i32
        %get3A_143 = arith.index_cast %add3A_142 : i32 to index
        %get3A_144 = tpu.vector_load %arg6[%get3A_143] {strides = array<i32>} : memref<65536xf32, #tpu.memory_space<vmem>>, vector<16xf32>,
        %get3A_145 = vector.shape_cast %get3A_144 : vector<16xf32> to vector<16xf32>
        %max3A_146 = arith.maximumf %select_n3A_90, %get3A_145 : vector<16xf32>
        %mul3A_147 = arith.constant 128 : i32
        %mul3A_148 = arith.muli %scan3A_61, %mul3A_147 : i32
        %add3A_149 = arith.constant 112 : i32
        %add3A_150 = arith.addi %mul3A_148, %add3A_149 : i32
        %get3A_151 = arith.index_cast %add3A_150 : i32 to index
        %get3A_152 = tpu.vector_load %arg6[%get3A_151] {strides = array<i32>} : memref<65536xf32, #tpu.memory_space<vmem>>, vector<16xf32>,
        %get3A_153 = vector.shape_cast %get3A_152 : vector<16xf32> to vector<16xf32>
        %max3A_154 = arith.maximumf %select_n3A_91, %get3A_153 : vector<16xf32>
        %swap3A_155 = arith.constant 0 : i32
        %swap3A_156 = arith.index_cast %swap3A_155 : i32 to index
        %swap3A_157 = memref.load %arg10[%swap3A_156] : memref<8xi32, #tpu.memory_space<smem>>
        memref.store %squeeze3A_74, %arg10[%swap3A_156] : memref<8xi32, #tpu.memory_space<smem>>
        scf.yield %max3A, %max3A_106, %max3A_114, %max3A_122, %max3A_130, %max3A_138, %max3A_146, %max3A_154 : vector<16xf32>, vector<16xf32>, vector<16xf32>, vector<16xf32>, vector<16xf32>, vector<16xf32>, vector<16xf32>, vector<16xf32>
      }
      %scan3A_60 = arith.constant 512 : i32
      scf.yield %scan3A_59#0, %scan3A_59#1, %scan3A_59#2, %scan3A_59#3, %scan3A_59#4, %scan3A_59#5, %scan3A_59#6, %scan3A_59#7 : vector<16xf32>, vector<16xf32>, vector<16xf32>, vector<16xf32>, vector<16xf32>, vector<16xf32>, vector<16xf32>, vector<16xf32>
    }
    %get3A_34 = arith.constant 0 : i32
    %get3A_35 = arith.index_cast %get3A_34 : i32 to index
    %get3A_36 = memref.load %arg10[%get3A_35] : memref<8xi32, #tpu.memory_space<smem>>
    %ge3A = arith.cmpi sge, %get3A_36, %multiple_of3A : i32
    %lt3A = arith.cmpi slt, %get3A_36, %squeeze3A_6 : i32
    %and3A = arith.andi %ge3A, %lt3A : i1
    %convert_element_type3A = arith.extui %and3A : i1 to i32
    %cond3A = arith.constant 0 : i32
    %cond3A_37 = arith.cmpi ne, %convert_element_type3A, %cond3A : i32
    scf.if %cond3A_37 {
      %sub3A = arith.subi %get3A_36, %multiple_of3A : i32
      %mul3A_40 = arith.constant 128 : i32
      %mul3A_41 = arith.muli %sub3A, %mul3A_40 : i32
      %add3A_42 = arith.constant 0 : i32
      %add3A_43 = arith.addi %mul3A_41, %add3A_42 : i32
      %swap3A_44 = arith.index_cast %add3A_43 : i32 to index
      %swap3A_45 = tpu.vector_load %arg7[%swap3A_44] {strides = array<i32>} : memref<20480xf32, #tpu.memory_space<vmem>>, vector<16xf32>,
      %swap3A_46 = vector.shape_cast %swap3A_45 : vector<16xf32> to vector<16xf32>
      %swap3A_47 = vector.shape_cast %while3A_33#0 : vector<16xf32> to vector<16xf32>
      tpu.vector_store %arg7[%swap3A_44], %swap3A_47 {strides = array<i32>} : memref<20480xf32, #tpu.memory_space<vmem>>, vector<16xf32>,
      %mul3A_48 = arith.constant 128 : i32
      %mul3A_49 = arith.muli %sub3A, %mul3A_48 : i32
      %add3A_50 = arith.constant 16 : i32
      %add3A_51 = arith.addi %mul3A_49, %add3A_50 : i32
      %swap3A_52 = arith.index_cast %add3A_51 : i32 to index
      %swap3A_53 = tpu.vector_load %arg7[%swap3A_52] {strides = array<i32>} : memref<20480xf32, #tpu.memory_space<vmem>>, vector<16xf32>,
      %swap3A_54 = vector.shape_cast %swap3A_53 : vector<16xf32> to vector<16xf32>
      %swap3A_55 = vector.shape_cast %while3A_33#1 : vector<16xf32> to vector<16xf32>
      tpu.vector_store %arg7[%swap3A_52], %swap3A_55 {strides = array<i32>} : memref<20480xf32, #tpu.memory_space<vmem>>, vector<16xf32>,
      %mul3A_56 = arith.constant 128 : i32
      %mul3A_57 = arith.muli %sub3A, %mul3A_56 : i32
      %add3A_58 = arith.constant 32 : i32
      %add3A_59 = arith.addi %mul3A_57, %add3A_58 : i32
      %swap3A_60 = arith.index_cast %add3A_59 : i32 to index
      %swap3A_61 = tpu.vector_load %arg7[%swap3A_60] {strides = array<i32>} : memref<20480xf32, #tpu.memory_space<vmem>>, vector<16xf32>,
      %swap3A_62 = vector.shape_cast %swap3A_61 : vector<16xf32> to vector<16xf32>
      %swap3A_63 = vector.shape_cast %while3A_33#2 : vector<16xf32> to vector<16xf32>
      tpu.vector_store %arg7[%swap3A_60], %swap3A_63 {strides = array<i32>} : memref<20480xf32, #tpu.memory_space<vmem>>, vector<16xf32>,
      %mul3A_64 = arith.constant 128 : i32
      %mul3A_65 = arith.muli %sub3A, %mul3A_64 : i32
      %add3A_66 = arith.constant 48 : i32
      %add3A_67 = arith.addi %mul3A_65, %add3A_66 : i32
      %swap3A_68 = arith.index_cast %add3A_67 : i32 to index
      %swap3A_69 = tpu.vector_load %arg7[%swap3A_68] {strides = array<i32>} : memref<20480xf32, #tpu.memory_space<vmem>>, vector<16xf32>,
      %swap3A_70 = vector.shape_cast %swap3A_69 : vector<16xf32> to vector<16xf32>
      %swap3A_71 = vector.shape_cast %while3A_33#3 : vector<16xf32> to vector<16xf32>
      tpu.vector_store %arg7[%swap3A_68], %swap3A_71 {strides = array<i32>} : memref<20480xf32, #tpu.memory_space<vmem>>, vector<16xf32>,
      %mul3A_72 = arith.constant 128 : i32
      %mul3A_73 = arith.muli %sub3A, %mul3A_72 : i32
      %add3A_74 = arith.constant 64 : i32
      %add3A_75 = arith.addi %mul3A_73, %add3A_74 : i32
      %swap3A_76 = arith.index_cast %add3A_75 : i32 to index
      %swap3A_77 = tpu.vector_load %arg7[%swap3A_76] {strides = array<i32>} : memref<20480xf32, #tpu.memory_space<vmem>>, vector<16xf32>,
      %swap3A_78 = vector.shape_cast %swap3A_77 : vector<16xf32> to vector<16xf32>
      %swap3A_79 = vector.shape_cast %while3A_33#4 : vector<16xf32> to vector<16xf32>
      tpu.vector_store %arg7[%swap3A_76], %swap3A_79 {strides = array<i32>} : memref<20480xf32, #tpu.memory_space<vmem>>, vector<16xf32>,
      %mul3A_80 = arith.constant 128 : i32
      %mul3A_81 = arith.muli %sub3A, %mul3A_80 : i32
      %add3A_82 = arith.constant 80 : i32
      %add3A_83 = arith.addi %mul3A_81, %add3A_82 : i32
      %swap3A_84 = arith.index_cast %add3A_83 : i32 to index
      %swap3A_85 = tpu.vector_load %arg7[%swap3A_84] {strides = array<i32>} : memref<20480xf32, #tpu.memory_space<vmem>>, vector<16xf32>,
      %swap3A_86 = vector.shape_cast %swap3A_85 : vector<16xf32> to vector<16xf32>
      %swap3A_87 = vector.shape_cast %while3A_33#5 : vector<16xf32> to vector<16xf32>
      tpu.vector_store %arg7[%swap3A_84], %swap3A_87 {strides = array<i32>} : memref<20480xf32, #tpu.memory_space<vmem>>, vector<16xf32>,
      %mul3A_88 = arith.constant 128 : i32
      %mul3A_89 = arith.muli %sub3A, %mul3A_88 : i32
      %add3A_90 = arith.constant 96 : i32
      %add3A_91 = arith.addi %mul3A_89, %add3A_90 : i32
      %swap3A_92 = arith.index_cast %add3A_91 : i32 to index
      %swap3A_93 = tpu.vector_load %arg7[%swap3A_92] {strides = array<i32>} : memref<20480xf32, #tpu.memory_space<vmem>>, vector<16xf32>,
      %swap3A_94 = vector.shape_cast %swap3A_93 : vector<16xf32> to vector<16xf32>
      %swap3A_95 = vector.shape_cast %while3A_33#6 : vector<16xf32> to vector<16xf32>
      tpu.vector_store %arg7[%swap3A_92], %swap3A_95 {strides = array<i32>} : memref<20480xf32, #tpu.memory_space<vmem>>, vector<16xf32>,
      %mul3A_96 = arith.constant 128 : i32
      %mul3A_97 = arith.muli %sub3A, %mul3A_96 : i32
      %add3A_98 = arith.constant 112 : i32
      %add3A_99 = arith.addi %mul3A_97, %add3A_98 : i32
      %swap3A_100 = arith.index_cast %add3A_99 : i32 to index
      %swap3A_101 = tpu.vector_load %arg7[%swap3A_100] {strides = array<i32>} : memref<20480xf32, #tpu.memory_space<vmem>>, vector<16xf32>,
      %swap3A_102 = vector.shape_cast %swap3A_101 : vector<16xf32> to vector<16xf32>
      %swap3A_103 = vector.shape_cast %while3A_33#7 : vector<16xf32> to vector<16xf32>
      tpu.vector_store %arg7[%swap3A_100], %swap3A_103 {strides = array<i32>} : memref<20480xf32, #tpu.memory_space<vmem>>, vector<16xf32>,
    } else {
    }
    %mul3A_38 = arith.constant 128 : i32
    %mul3A_39 = arith.muli %multiple_of3A, %mul3A_38 : i32
    "tpu.region"() ({
      %run_scoped3A = tpu.sem_alloc : memref<!tpu.dma_semaphore, #tpu.memory_space<semaphore_mem>>
      %dma_start3A = tpu.memref_slice %arg5[%mul3A_39] : memref<655360xf32, #tpu.memory_space<hbm>> -> memref<20480xf32, #tpu.memory_space<hbm>>
      %dma_start3A_40 = tpu.memref_slice %arg5[%mul3A_39] : memref<655360xf32, #tpu.memory_space<hbm>> -> memref<20480xf32, #tpu.memory_space<hbm>>
      tpu.enqueue_dma source(%arg7 : memref<20480xf32, #tpu.memory_space<vmem>>) target(%dma_start3A_40 : memref<20480xf32, #tpu.memory_space<hbm>>) target_semaphore(%run_scoped3A : memref<!tpu.dma_semaphore, #tpu.memory_space<semaphore_mem>>)
      %dma_wait3A = tpu.memref_slice %arg5[%mul3A_39] : memref<655360xf32, #tpu.memory_space<hbm>> -> memref<20480xf32, #tpu.memory_space<hbm>>
      %dma_wait3A_41 = tpu.memref_slice %arg5[%mul3A_39] : memref<655360xf32, #tpu.memory_space<hbm>> -> memref<20480xf32, #tpu.memory_space<hbm>>
      tpu.wait_dma2 semaphore(%run_scoped3A : memref<!tpu.dma_semaphore, #tpu.memory_space<semaphore_mem>>) src(%arg7 : memref<20480xf32, #tpu.memory_space<vmem>>) dst(%dma_wait3A_41 : memref<20480xf32, #tpu.memory_space<hbm>>)
      tpu.yield
    }) : () -> ()
    return
  }
}

#map = affine_map<(d0, d1) -> (0)>
module attributes {stable_mosaic.version = 14 : i64} {
  func.func @_segmax_body(%arg0: i32, %arg1: i32, %arg2: memref<20971520xf32, #tpu.memory_space<hbm>>, %arg3: memref<81920xi32, #tpu.memory_space<hbm>>, %arg4: memref<256xi32, #tpu.memory_space<hbm>>, %arg5: memref<327680xf32, #tpu.memory_space<hbm>>, %arg6: memref<49152xf32, #tpu.memory_space<vmem>>, %arg7: memref<10240xf32, #tpu.memory_space<vmem>>, %arg8: memref<208xi32, #tpu.memory_space<vmem>>, %arg9: memref<16xi32, #tpu.memory_space<vmem>>, %arg10: memref<8xi32, #tpu.memory_space<smem>>) attributes {dimension_semantics = [#tpu.dimension_semantics<core_parallel>, #tpu.dimension_semantics<subcore_parallel>], iteration_bounds = array<i64: 2, 16>, scalar_prefetch = 0 : i64, scratch_operands = 5 : i64, tpu.core_type = #tpu.core_type<sc_vector_subcore>, window_params = [{transform_indices = #map}, {transform_indices = #map}, {transform_indices = #map}, {transform_indices = #map}]} {
    %mul3A = arith.constant 2 : i32
    %mul3A_0 = arith.muli %arg1, %mul3A : i32
    %add3A = arith.addi %mul3A_0, %arg0 : i32
    %mul3A_1 = arith.constant 8 : i32
    %mul3A_2 = arith.muli %add3A, %mul3A_1 : i32
    "tpu.region"() ({
      %run_scoped3A = tpu.sem_alloc : memref<!tpu.dma_semaphore, #tpu.memory_space<semaphore_mem>>
      %dma_start3A = arith.constant 0 : i32
      %dma_start3A_40 = tpu.memref_slice %arg9[%dma_start3A] : memref<16xi32, #tpu.memory_space<vmem>> -> memref<8xi32, #tpu.memory_space<vmem>>
      %dma_start3A_41 = tpu.memref_slice %arg4[%mul3A_2] : memref<256xi32, #tpu.memory_space<hbm>> -> memref<8xi32, #tpu.memory_space<hbm>>
      %dma_start3A_42 = arith.constant 0 : i32
      %dma_start3A_43 = tpu.memref_slice %arg9[%dma_start3A_42] : memref<16xi32, #tpu.memory_space<vmem>> -> memref<8xi32, #tpu.memory_space<vmem>>
      %dma_start3A_44 = tpu.memref_slice %arg4[%mul3A_2] : memref<256xi32, #tpu.memory_space<hbm>> -> memref<8xi32, #tpu.memory_space<hbm>>
      tpu.enqueue_dma source(%dma_start3A_44 : memref<8xi32, #tpu.memory_space<hbm>>) target(%dma_start3A_43 : memref<8xi32, #tpu.memory_space<vmem>>) target_semaphore(%run_scoped3A : memref<!tpu.dma_semaphore, #tpu.memory_space<semaphore_mem>>)
      %dma_wait3A = arith.constant 0 : i32
      %dma_wait3A_45 = tpu.memref_slice %arg9[%dma_wait3A] : memref<16xi32, #tpu.memory_space<vmem>> -> memref<8xi32, #tpu.memory_space<vmem>>
      %dma_wait3A_46 = tpu.memref_slice %arg4[%mul3A_2] : memref<256xi32, #tpu.memory_space<hbm>> -> memref<8xi32, #tpu.memory_space<hbm>>
      %dma_wait3A_47 = arith.constant 0 : i32
      %dma_wait3A_48 = tpu.memref_slice %arg9[%dma_wait3A_47] : memref<16xi32, #tpu.memory_space<vmem>> -> memref<8xi32, #tpu.memory_space<vmem>>
      %dma_wait3A_49 = tpu.memref_slice %arg4[%mul3A_2] : memref<256xi32, #tpu.memory_space<hbm>> -> memref<8xi32, #tpu.memory_space<hbm>>
      tpu.wait_dma2 semaphore(%run_scoped3A : memref<!tpu.dma_semaphore, #tpu.memory_space<semaphore_mem>>) src(%dma_wait3A_49 : memref<8xi32, #tpu.memory_space<hbm>>) dst(%dma_wait3A_48 : memref<8xi32, #tpu.memory_space<vmem>>)
      tpu.yield
    }) : () -> ()
    %get3A = arith.constant 0 : index
    %get3A_3 = tpu.vector_load %arg9[%get3A] {strides = array<i32>} : memref<16xi32, #tpu.memory_space<vmem>>, vector<16xi32>,
    %get3A_4 = vector.shape_cast %get3A_3 : vector<16xi32> to vector<16xi32>
    %slice3A = vector.extract_strided_slice %get3A_4 {offsets = [0], sizes = [1], strides = [1]} : vector<16xi32> to vector<1xi32>
    %squeeze3A = vector.extract %slice3A[0] : i32 from vector<1xi32>
    %multiple_of3A = tpu.assume_multiple %squeeze3A, 8 : i32
    %slice3A_5 = vector.extract_strided_slice %get3A_4 {offsets = [1], sizes = [1], strides = [1]} : vector<16xi32> to vector<1xi32>
    %squeeze3A_6 = vector.extract %slice3A_5[0] : i32 from vector<1xi32>
    %slice3A_7 = vector.extract_strided_slice %get3A_4 {offsets = [2], sizes = [1], strides = [1]} : vector<16xi32> to vector<1xi32>
    %squeeze3A_8 = vector.extract %slice3A_7[0] : i32 from vector<1xi32>
    %multiple_of3A_9 = tpu.assume_multiple %squeeze3A_8, 8 : i32
    %slice3A_10 = vector.extract_strided_slice %get3A_4 {offsets = [3], sizes = [1], strides = [1]} : vector<16xi32> to vector<1xi32>
    %squeeze3A_11 = vector.extract %slice3A_10[0] : i32 from vector<1xi32>
    %broadcast_in_dim3A = arith.constant 0.000000e+00 : f32
    %broadcast_in_dim3A_12 = vector.broadcast %broadcast_in_dim3A : f32 to vector<16xf32>
    %broadcast_in_dim3A_13 = arith.constant 0xFF800000 : f32
    %broadcast_in_dim3A_14 = vector.broadcast %broadcast_in_dim3A_13 : f32 to vector<16xf32>
    %scan3A = arith.constant 0 : i32
    %scan3A_15 = arith.constant 0 : i32
    %scan3A_16 = arith.constant 640 : i32
    %scan3A_17 = arith.addi %scan3A_15, %scan3A_16 : i32
    %scan3A_18 = arith.constant 1 : i32
    %scan3A_19 = scf.for %scan3A_40 = %scan3A_15 to %scan3A_17 step %scan3A_18 iter_args(%scan3A_41 = %scan3A) -> (i32)  : i32 {
      %mul3A_42 = arith.constant 16 : i32
      %mul3A_43 = arith.muli %scan3A_40, %mul3A_42 : i32
      %swap3A_44 = arith.index_cast %mul3A_43 : i32 to index
      %swap3A_45 = tpu.vector_load %arg7[%swap3A_44] {strides = array<i32>} : memref<10240xf32, #tpu.memory_space<vmem>>, vector<16xf32>,
      %swap3A_46 = vector.shape_cast %swap3A_45 : vector<16xf32> to vector<16xf32>
      %swap3A_47 = vector.shape_cast %broadcast_in_dim3A_12 : vector<16xf32> to vector<16xf32>
      tpu.vector_store %arg7[%swap3A_44], %swap3A_47 {strides = array<i32>} : memref<10240xf32, #tpu.memory_space<vmem>>, vector<16xf32>,
      %scan3A_48 = arith.constant 0 : i32
      scf.yield %scan3A_48 : i32
    }
    %scan3A_20 = arith.constant 640 : i32
    %swap3A = arith.constant -1 : i32
    %swap3A_21 = arith.constant 0 : i32
    %swap3A_22 = arith.index_cast %swap3A_21 : i32 to index
    %swap3A_23 = memref.load %arg10[%swap3A_22] : memref<8xi32, #tpu.memory_space<smem>>
    memref.store %swap3A, %arg10[%swap3A_22] : memref<8xi32, #tpu.memory_space<smem>>
    %while3A = arith.constant 0 : i32
    %while3A_24 = arith.subi %squeeze3A_11, %while3A : i32
    %while3A_25 = arith.addi %while3A, %while3A_24 : i32
    %while3A_26 = arith.constant 1 : i32
    %while3A_27 = arith.divsi %while3A_24, %while3A_26 : i32
    %while3A_28 = arith.muli %while3A_27, %while3A_26 : i32
    %while3A_29 = arith.addi %while3A, %while3A_28 : i32
    %while3A_30 = arith.constant 1 : i32
    %while3A_31:16 = scf.for %while3A_40 = %while3A to %while3A_29 step %while3A_30 iter_args(%while3A_41 = %broadcast_in_dim3A_14, %while3A_42 = %broadcast_in_dim3A_14, %while3A_43 = %broadcast_in_dim3A_14, %while3A_44 = %broadcast_in_dim3A_14, %while3A_45 = %broadcast_in_dim3A_14, %while3A_46 = %broadcast_in_dim3A_14, %while3A_47 = %broadcast_in_dim3A_14, %while3A_48 = %broadcast_in_dim3A_14, %while3A_49 = %broadcast_in_dim3A_14, %while3A_50 = %broadcast_in_dim3A_14, %while3A_51 = %broadcast_in_dim3A_14, %while3A_52 = %broadcast_in_dim3A_14, %while3A_53 = %broadcast_in_dim3A_14, %while3A_54 = %broadcast_in_dim3A_14, %while3A_55 = %broadcast_in_dim3A_14, %while3A_56 = %broadcast_in_dim3A_14) -> (vector<16xf32>, vector<16xf32>, vector<16xf32>, vector<16xf32>, vector<16xf32>, vector<16xf32>, vector<16xf32>, vector<16xf32>, vector<16xf32>, vector<16xf32>, vector<16xf32>, vector<16xf32>, vector<16xf32>, vector<16xf32>, vector<16xf32>, vector<16xf32>)  : i32 {
      %mul3A_57 = arith.constant 192 : i32
      %mul3A_58 = arith.muli %while3A_40, %mul3A_57 : i32
      %add3A_59 = arith.addi %multiple_of3A_9, %mul3A_58 : i32
      %multiple_of3A_60 = tpu.assume_multiple %add3A_59, 8 : i32
      %mul3A_61 = arith.constant 256 : i32
      %mul3A_62 = arith.muli %multiple_of3A_60, %mul3A_61 : i32
      "tpu.region"() ({
        %run_scoped3A = tpu.sem_alloc : memref<!tpu.dma_semaphore, #tpu.memory_space<semaphore_mem>>
        %dma_start3A = tpu.memref_slice %arg2[%mul3A_62] : memref<20971520xf32, #tpu.memory_space<hbm>> -> memref<49152xf32, #tpu.memory_space<hbm>>
        %dma_start3A_69 = tpu.memref_slice %arg2[%mul3A_62] : memref<20971520xf32, #tpu.memory_space<hbm>> -> memref<49152xf32, #tpu.memory_space<hbm>>
        tpu.enqueue_dma source(%dma_start3A_69 : memref<49152xf32, #tpu.memory_space<hbm>>) target(%arg6 : memref<49152xf32, #tpu.memory_space<vmem>>) target_semaphore(%run_scoped3A : memref<!tpu.dma_semaphore, #tpu.memory_space<semaphore_mem>>)
        %dma_wait3A = tpu.memref_slice %arg2[%mul3A_62] : memref<20971520xf32, #tpu.memory_space<hbm>> -> memref<49152xf32, #tpu.memory_space<hbm>>
        %dma_wait3A_70 = tpu.memref_slice %arg2[%mul3A_62] : memref<20971520xf32, #tpu.memory_space<hbm>> -> memref<49152xf32, #tpu.memory_space<hbm>>
        tpu.wait_dma2 semaphore(%run_scoped3A : memref<!tpu.dma_semaphore, #tpu.memory_space<semaphore_mem>>) src(%dma_wait3A_70 : memref<49152xf32, #tpu.memory_space<hbm>>) dst(%arg6 : memref<49152xf32, #tpu.memory_space<vmem>>)
        tpu.yield
      }) : () -> ()
      "tpu.region"() ({
        %run_scoped3A = tpu.sem_alloc : memref<!tpu.dma_semaphore, #tpu.memory_space<semaphore_mem>>
        %dma_start3A = arith.constant 0 : i32
        %dma_start3A_69 = tpu.memref_slice %arg8[%dma_start3A] : memref<208xi32, #tpu.memory_space<vmem>> -> memref<192xi32, #tpu.memory_space<vmem>>
        %dma_start3A_70 = tpu.memref_slice %arg3[%multiple_of3A_60] : memref<81920xi32, #tpu.memory_space<hbm>> -> memref<192xi32, #tpu.memory_space<hbm>>
        %dma_start3A_71 = arith.constant 0 : i32
        %dma_start3A_72 = tpu.memref_slice %arg8[%dma_start3A_71] : memref<208xi32, #tpu.memory_space<vmem>> -> memref<192xi32, #tpu.memory_space<vmem>>
        %dma_start3A_73 = tpu.memref_slice %arg3[%multiple_of3A_60] : memref<81920xi32, #tpu.memory_space<hbm>> -> memref<192xi32, #tpu.memory_space<hbm>>
        tpu.enqueue_dma source(%dma_start3A_73 : memref<192xi32, #tpu.memory_space<hbm>>) target(%dma_start3A_72 : memref<192xi32, #tpu.memory_space<vmem>>) target_semaphore(%run_scoped3A : memref<!tpu.dma_semaphore, #tpu.memory_space<semaphore_mem>>)
        %dma_wait3A = arith.constant 0 : i32
        %dma_wait3A_74 = tpu.memref_slice %arg8[%dma_wait3A] : memref<208xi32, #tpu.memory_space<vmem>> -> memref<192xi32, #tpu.memory_space<vmem>>
        %dma_wait3A_75 = tpu.memref_slice %arg3[%multiple_of3A_60] : memref<81920xi32, #tpu.memory_space<hbm>> -> memref<192xi32, #tpu.memory_space<hbm>>
        %dma_wait3A_76 = arith.constant 0 : i32
        %dma_wait3A_77 = tpu.memref_slice %arg8[%dma_wait3A_76] : memref<208xi32, #tpu.memory_space<vmem>> -> memref<192xi32, #tpu.memory_space<vmem>>
        %dma_wait3A_78 = tpu.memref_slice %arg3[%multiple_of3A_60] : memref<81920xi32, #tpu.memory_space<hbm>> -> memref<192xi32, #tpu.memory_space<hbm>>
        tpu.wait_dma2 semaphore(%run_scoped3A : memref<!tpu.dma_semaphore, #tpu.memory_space<semaphore_mem>>) src(%dma_wait3A_78 : memref<192xi32, #tpu.memory_space<hbm>>) dst(%dma_wait3A_77 : memref<192xi32, #tpu.memory_space<vmem>>)
        tpu.yield
      }) : () -> ()
      %scan3A_63 = arith.constant 0 : i32
      %scan3A_64 = arith.constant 192 : i32
      %scan3A_65 = arith.addi %scan3A_63, %scan3A_64 : i32
      %scan3A_66 = arith.constant 1 : i32
      %scan3A_67:16 = scf.for %scan3A_69 = %scan3A_63 to %scan3A_65 step %scan3A_66 iter_args(%scan3A_70 = %while3A_41, %scan3A_71 = %while3A_42, %scan3A_72 = %while3A_43, %scan3A_73 = %while3A_44, %scan3A_74 = %while3A_45, %scan3A_75 = %while3A_46, %scan3A_76 = %while3A_47, %scan3A_77 = %while3A_48, %scan3A_78 = %while3A_49, %scan3A_79 = %while3A_50, %scan3A_80 = %while3A_51, %scan3A_81 = %while3A_52, %scan3A_82 = %while3A_53, %scan3A_83 = %while3A_54, %scan3A_84 = %while3A_55, %scan3A_85 = %while3A_56) -> (vector<16xf32>, vector<16xf32>, vector<16xf32>, vector<16xf32>, vector<16xf32>, vector<16xf32>, vector<16xf32>, vector<16xf32>, vector<16xf32>, vector<16xf32>, vector<16xf32>, vector<16xf32>, vector<16xf32>, vector<16xf32>, vector<16xf32>, vector<16xf32>)  : i32 {
        %get3A_86 = arith.index_cast %scan3A_69 : i32 to index
        %get3A_87 = tpu.vector_load %arg8[%get3A_86] {strides = array<i32>} : memref<208xi32, #tpu.memory_space<vmem>>, vector<16xi32>,
        %get3A_88 = vector.shape_cast %get3A_87 : vector<16xi32> to vector<16xi32>
        %slice3A_89 = vector.extract_strided_slice %get3A_88 {offsets = [0], sizes = [1], strides = [1]} : vector<16xi32> to vector<1xi32>
        %squeeze3A_90 = vector.extract %slice3A_89[0] : i32 from vector<1xi32>
        %get3A_91 = arith.constant 0 : i32
        %get3A_92 = arith.index_cast %get3A_91 : i32 to index
        %get3A_93 = memref.load %arg10[%get3A_92] : memref<8xi32, #tpu.memory_space<smem>>
        %ne3A = arith.cmpi ne, %squeeze3A_90, %get3A_93 : i32
        %ge3A_94 = arith.cmpi sge, %get3A_93, %multiple_of3A : i32
        %and3A_95 = arith.andi %ne3A, %ge3A_94 : i1
        %lt3A_96 = arith.cmpi slt, %get3A_93, %squeeze3A_6 : i32
        %and3A_97 = arith.andi %and3A_95, %lt3A_96 : i1
        %convert_element_type3A_98 = arith.extui %and3A_97 : i1 to i32
        %cond3A_99 = arith.constant 0 : i32
        %cond3A_100 = arith.cmpi ne, %convert_element_type3A_98, %cond3A_99 : i32
        scf.if %cond3A_100 {
          %sub3A = arith.subi %get3A_93, %multiple_of3A : i32
          %mul3A_246 = arith.constant 256 : i32
          %mul3A_247 = arith.muli %sub3A, %mul3A_246 : i32
          %add3A_248 = arith.constant 0 : i32
          %add3A_249 = arith.addi %mul3A_247, %add3A_248 : i32
          %swap3A_250 = arith.index_cast %add3A_249 : i32 to index
          %swap3A_251 = tpu.vector_load %arg7[%swap3A_250] {strides = array<i32>} : memref<10240xf32, #tpu.memory_space<vmem>>, vector<16xf32>,
          %swap3A_252 = vector.shape_cast %swap3A_251 : vector<16xf32> to vector<16xf32>
          %swap3A_253 = vector.shape_cast %scan3A_70 : vector<16xf32> to vector<16xf32>
          tpu.vector_store %arg7[%swap3A_250], %swap3A_253 {strides = array<i32>} : memref<10240xf32, #tpu.memory_space<vmem>>, vector<16xf32>,
          %mul3A_254 = arith.constant 256 : i32
          %mul3A_255 = arith.muli %sub3A, %mul3A_254 : i32
          %add3A_256 = arith.constant 16 : i32
          %add3A_257 = arith.addi %mul3A_255, %add3A_256 : i32
          %swap3A_258 = arith.index_cast %add3A_257 : i32 to index
          %swap3A_259 = tpu.vector_load %arg7[%swap3A_258] {strides = array<i32>} : memref<10240xf32, #tpu.memory_space<vmem>>, vector<16xf32>,
          %swap3A_260 = vector.shape_cast %swap3A_259 : vector<16xf32> to vector<16xf32>
          %swap3A_261 = vector.shape_cast %scan3A_71 : vector<16xf32> to vector<16xf32>
          tpu.vector_store %arg7[%swap3A_258], %swap3A_261 {strides = array<i32>} : memref<10240xf32, #tpu.memory_space<vmem>>, vector<16xf32>,
          %mul3A_262 = arith.constant 256 : i32
          %mul3A_263 = arith.muli %sub3A, %mul3A_262 : i32
          %add3A_264 = arith.constant 32 : i32
          %add3A_265 = arith.addi %mul3A_263, %add3A_264 : i32
          %swap3A_266 = arith.index_cast %add3A_265 : i32 to index
          %swap3A_267 = tpu.vector_load %arg7[%swap3A_266] {strides = array<i32>} : memref<10240xf32, #tpu.memory_space<vmem>>, vector<16xf32>,
          %swap3A_268 = vector.shape_cast %swap3A_267 : vector<16xf32> to vector<16xf32>
          %swap3A_269 = vector.shape_cast %scan3A_72 : vector<16xf32> to vector<16xf32>
          tpu.vector_store %arg7[%swap3A_266], %swap3A_269 {strides = array<i32>} : memref<10240xf32, #tpu.memory_space<vmem>>, vector<16xf32>,
          %mul3A_270 = arith.constant 256 : i32
          %mul3A_271 = arith.muli %sub3A, %mul3A_270 : i32
          %add3A_272 = arith.constant 48 : i32
          %add3A_273 = arith.addi %mul3A_271, %add3A_272 : i32
          %swap3A_274 = arith.index_cast %add3A_273 : i32 to index
          %swap3A_275 = tpu.vector_load %arg7[%swap3A_274] {strides = array<i32>} : memref<10240xf32, #tpu.memory_space<vmem>>, vector<16xf32>,
          %swap3A_276 = vector.shape_cast %swap3A_275 : vector<16xf32> to vector<16xf32>
          %swap3A_277 = vector.shape_cast %scan3A_73 : vector<16xf32> to vector<16xf32>
          tpu.vector_store %arg7[%swap3A_274], %swap3A_277 {strides = array<i32>} : memref<10240xf32, #tpu.memory_space<vmem>>, vector<16xf32>,
          %mul3A_278 = arith.constant 256 : i32
          %mul3A_279 = arith.muli %sub3A, %mul3A_278 : i32
          %add3A_280 = arith.constant 64 : i32
          %add3A_281 = arith.addi %mul3A_279, %add3A_280 : i32
          %swap3A_282 = arith.index_cast %add3A_281 : i32 to index
          %swap3A_283 = tpu.vector_load %arg7[%swap3A_282] {strides = array<i32>} : memref<10240xf32, #tpu.memory_space<vmem>>, vector<16xf32>,
          %swap3A_284 = vector.shape_cast %swap3A_283 : vector<16xf32> to vector<16xf32>
          %swap3A_285 = vector.shape_cast %scan3A_74 : vector<16xf32> to vector<16xf32>
          tpu.vector_store %arg7[%swap3A_282], %swap3A_285 {strides = array<i32>} : memref<10240xf32, #tpu.memory_space<vmem>>, vector<16xf32>,
          %mul3A_286 = arith.constant 256 : i32
          %mul3A_287 = arith.muli %sub3A, %mul3A_286 : i32
          %add3A_288 = arith.constant 80 : i32
          %add3A_289 = arith.addi %mul3A_287, %add3A_288 : i32
          %swap3A_290 = arith.index_cast %add3A_289 : i32 to index
          %swap3A_291 = tpu.vector_load %arg7[%swap3A_290] {strides = array<i32>} : memref<10240xf32, #tpu.memory_space<vmem>>, vector<16xf32>,
          %swap3A_292 = vector.shape_cast %swap3A_291 : vector<16xf32> to vector<16xf32>
          %swap3A_293 = vector.shape_cast %scan3A_75 : vector<16xf32> to vector<16xf32>
          tpu.vector_store %arg7[%swap3A_290], %swap3A_293 {strides = array<i32>} : memref<10240xf32, #tpu.memory_space<vmem>>, vector<16xf32>,
          %mul3A_294 = arith.constant 256 : i32
          %mul3A_295 = arith.muli %sub3A, %mul3A_294 : i32
          %add3A_296 = arith.constant 96 : i32
          %add3A_297 = arith.addi %mul3A_295, %add3A_296 : i32
          %swap3A_298 = arith.index_cast %add3A_297 : i32 to index
          %swap3A_299 = tpu.vector_load %arg7[%swap3A_298] {strides = array<i32>} : memref<10240xf32, #tpu.memory_space<vmem>>, vector<16xf32>,
          %swap3A_300 = vector.shape_cast %swap3A_299 : vector<16xf32> to vector<16xf32>
          %swap3A_301 = vector.shape_cast %scan3A_76 : vector<16xf32> to vector<16xf32>
          tpu.vector_store %arg7[%swap3A_298], %swap3A_301 {strides = array<i32>} : memref<10240xf32, #tpu.memory_space<vmem>>, vector<16xf32>,
          %mul3A_302 = arith.constant 256 : i32
          %mul3A_303 = arith.muli %sub3A, %mul3A_302 : i32
          %add3A_304 = arith.constant 112 : i32
          %add3A_305 = arith.addi %mul3A_303, %add3A_304 : i32
          %swap3A_306 = arith.index_cast %add3A_305 : i32 to index
          %swap3A_307 = tpu.vector_load %arg7[%swap3A_306] {strides = array<i32>} : memref<10240xf32, #tpu.memory_space<vmem>>, vector<16xf32>,
          %swap3A_308 = vector.shape_cast %swap3A_307 : vector<16xf32> to vector<16xf32>
          %swap3A_309 = vector.shape_cast %scan3A_77 : vector<16xf32> to vector<16xf32>
          tpu.vector_store %arg7[%swap3A_306], %swap3A_309 {strides = array<i32>} : memref<10240xf32, #tpu.memory_space<vmem>>, vector<16xf32>,
          %mul3A_310 = arith.constant 256 : i32
          %mul3A_311 = arith.muli %sub3A, %mul3A_310 : i32
          %add3A_312 = arith.constant 128 : i32
          %add3A_313 = arith.addi %mul3A_311, %add3A_312 : i32
          %swap3A_314 = arith.index_cast %add3A_313 : i32 to index
          %swap3A_315 = tpu.vector_load %arg7[%swap3A_314] {strides = array<i32>} : memref<10240xf32, #tpu.memory_space<vmem>>, vector<16xf32>,
          %swap3A_316 = vector.shape_cast %swap3A_315 : vector<16xf32> to vector<16xf32>
          %swap3A_317 = vector.shape_cast %scan3A_78 : vector<16xf32> to vector<16xf32>
          tpu.vector_store %arg7[%swap3A_314], %swap3A_317 {strides = array<i32>} : memref<10240xf32, #tpu.memory_space<vmem>>, vector<16xf32>,
          %mul3A_318 = arith.constant 256 : i32
          %mul3A_319 = arith.muli %sub3A, %mul3A_318 : i32
          %add3A_320 = arith.constant 144 : i32
          %add3A_321 = arith.addi %mul3A_319, %add3A_320 : i32
          %swap3A_322 = arith.index_cast %add3A_321 : i32 to index
          %swap3A_323 = tpu.vector_load %arg7[%swap3A_322] {strides = array<i32>} : memref<10240xf32, #tpu.memory_space<vmem>>, vector<16xf32>,
          %swap3A_324 = vector.shape_cast %swap3A_323 : vector<16xf32> to vector<16xf32>
          %swap3A_325 = vector.shape_cast %scan3A_79 : vector<16xf32> to vector<16xf32>
          tpu.vector_store %arg7[%swap3A_322], %swap3A_325 {strides = array<i32>} : memref<10240xf32, #tpu.memory_space<vmem>>, vector<16xf32>,
          %mul3A_326 = arith.constant 256 : i32
          %mul3A_327 = arith.muli %sub3A, %mul3A_326 : i32
          %add3A_328 = arith.constant 160 : i32
          %add3A_329 = arith.addi %mul3A_327, %add3A_328 : i32
          %swap3A_330 = arith.index_cast %add3A_329 : i32 to index
          %swap3A_331 = tpu.vector_load %arg7[%swap3A_330] {strides = array<i32>} : memref<10240xf32, #tpu.memory_space<vmem>>, vector<16xf32>,
          %swap3A_332 = vector.shape_cast %swap3A_331 : vector<16xf32> to vector<16xf32>
          %swap3A_333 = vector.shape_cast %scan3A_80 : vector<16xf32> to vector<16xf32>
          tpu.vector_store %arg7[%swap3A_330], %swap3A_333 {strides = array<i32>} : memref<10240xf32, #tpu.memory_space<vmem>>, vector<16xf32>,
          %mul3A_334 = arith.constant 256 : i32
          %mul3A_335 = arith.muli %sub3A, %mul3A_334 : i32
          %add3A_336 = arith.constant 176 : i32
          %add3A_337 = arith.addi %mul3A_335, %add3A_336 : i32
          %swap3A_338 = arith.index_cast %add3A_337 : i32 to index
          %swap3A_339 = tpu.vector_load %arg7[%swap3A_338] {strides = array<i32>} : memref<10240xf32, #tpu.memory_space<vmem>>, vector<16xf32>,
          %swap3A_340 = vector.shape_cast %swap3A_339 : vector<16xf32> to vector<16xf32>
          %swap3A_341 = vector.shape_cast %scan3A_81 : vector<16xf32> to vector<16xf32>
          tpu.vector_store %arg7[%swap3A_338], %swap3A_341 {strides = array<i32>} : memref<10240xf32, #tpu.memory_space<vmem>>, vector<16xf32>,
          %mul3A_342 = arith.constant 256 : i32
          %mul3A_343 = arith.muli %sub3A, %mul3A_342 : i32
          %add3A_344 = arith.constant 192 : i32
          %add3A_345 = arith.addi %mul3A_343, %add3A_344 : i32
          %swap3A_346 = arith.index_cast %add3A_345 : i32 to index
          %swap3A_347 = tpu.vector_load %arg7[%swap3A_346] {strides = array<i32>} : memref<10240xf32, #tpu.memory_space<vmem>>, vector<16xf32>,
          %swap3A_348 = vector.shape_cast %swap3A_347 : vector<16xf32> to vector<16xf32>
          %swap3A_349 = vector.shape_cast %scan3A_82 : vector<16xf32> to vector<16xf32>
          tpu.vector_store %arg7[%swap3A_346], %swap3A_349 {strides = array<i32>} : memref<10240xf32, #tpu.memory_space<vmem>>, vector<16xf32>,
          %mul3A_350 = arith.constant 256 : i32
          %mul3A_351 = arith.muli %sub3A, %mul3A_350 : i32
          %add3A_352 = arith.constant 208 : i32
          %add3A_353 = arith.addi %mul3A_351, %add3A_352 : i32
          %swap3A_354 = arith.index_cast %add3A_353 : i32 to index
          %swap3A_355 = tpu.vector_load %arg7[%swap3A_354] {strides = array<i32>} : memref<10240xf32, #tpu.memory_space<vmem>>, vector<16xf32>,
          %swap3A_356 = vector.shape_cast %swap3A_355 : vector<16xf32> to vector<16xf32>
          %swap3A_357 = vector.shape_cast %scan3A_83 : vector<16xf32> to vector<16xf32>
          tpu.vector_store %arg7[%swap3A_354], %swap3A_357 {strides = array<i32>} : memref<10240xf32, #tpu.memory_space<vmem>>, vector<16xf32>,
          %mul3A_358 = arith.constant 256 : i32
          %mul3A_359 = arith.muli %sub3A, %mul3A_358 : i32
          %add3A_360 = arith.constant 224 : i32
          %add3A_361 = arith.addi %mul3A_359, %add3A_360 : i32
          %swap3A_362 = arith.index_cast %add3A_361 : i32 to index
          %swap3A_363 = tpu.vector_load %arg7[%swap3A_362] {strides = array<i32>} : memref<10240xf32, #tpu.memory_space<vmem>>, vector<16xf32>,
          %swap3A_364 = vector.shape_cast %swap3A_363 : vector<16xf32> to vector<16xf32>
          %swap3A_365 = vector.shape_cast %scan3A_84 : vector<16xf32> to vector<16xf32>
          tpu.vector_store %arg7[%swap3A_362], %swap3A_365 {strides = array<i32>} : memref<10240xf32, #tpu.memory_space<vmem>>, vector<16xf32>,
          %mul3A_366 = arith.constant 256 : i32
          %mul3A_367 = arith.muli %sub3A, %mul3A_366 : i32
          %add3A_368 = arith.constant 240 : i32
          %add3A_369 = arith.addi %mul3A_367, %add3A_368 : i32
          %swap3A_370 = arith.index_cast %add3A_369 : i32 to index
          %swap3A_371 = tpu.vector_load %arg7[%swap3A_370] {strides = array<i32>} : memref<10240xf32, #tpu.memory_space<vmem>>, vector<16xf32>,
          %swap3A_372 = vector.shape_cast %swap3A_371 : vector<16xf32> to vector<16xf32>
          %swap3A_373 = vector.shape_cast %scan3A_85 : vector<16xf32> to vector<16xf32>
          tpu.vector_store %arg7[%swap3A_370], %swap3A_373 {strides = array<i32>} : memref<10240xf32, #tpu.memory_space<vmem>>, vector<16xf32>,
        } else {
        }
        %select_n3A = arith.select %ne3A, %broadcast_in_dim3A_14, %scan3A_70 : vector<16xf32>
        %select_n3A_101 = arith.select %ne3A, %broadcast_in_dim3A_14, %scan3A_71 : vector<16xf32>
        %select_n3A_102 = arith.select %ne3A, %broadcast_in_dim3A_14, %scan3A_72 : vector<16xf32>
        %select_n3A_103 = arith.select %ne3A, %broadcast_in_dim3A_14, %scan3A_73 : vector<16xf32>
        %select_n3A_104 = arith.select %ne3A, %broadcast_in_dim3A_14, %scan3A_74 : vector<16xf32>
        %select_n3A_105 = arith.select %ne3A, %broadcast_in_dim3A_14, %scan3A_75 : vector<16xf32>
        %select_n3A_106 = arith.select %ne3A, %broadcast_in_dim3A_14, %scan3A_76 : vector<16xf32>
        %select_n3A_107 = arith.select %ne3A, %broadcast_in_dim3A_14, %scan3A_77 : vector<16xf32>
        %select_n3A_108 = arith.select %ne3A, %broadcast_in_dim3A_14, %scan3A_78 : vector<16xf32>
        %select_n3A_109 = arith.select %ne3A, %broadcast_in_dim3A_14, %scan3A_79 : vector<16xf32>
        %select_n3A_110 = arith.select %ne3A, %broadcast_in_dim3A_14, %scan3A_80 : vector<16xf32>
        %select_n3A_111 = arith.select %ne3A, %broadcast_in_dim3A_14, %scan3A_81 : vector<16xf32>
        %select_n3A_112 = arith.select %ne3A, %broadcast_in_dim3A_14, %scan3A_82 : vector<16xf32>
        %select_n3A_113 = arith.select %ne3A, %broadcast_in_dim3A_14, %scan3A_83 : vector<16xf32>
        %select_n3A_114 = arith.select %ne3A, %broadcast_in_dim3A_14, %scan3A_84 : vector<16xf32>
        %select_n3A_115 = arith.select %ne3A, %broadcast_in_dim3A_14, %scan3A_85 : vector<16xf32>
        %mul3A_116 = arith.constant 256 : i32
        %mul3A_117 = arith.muli %scan3A_69, %mul3A_116 : i32
        %add3A_118 = arith.constant 0 : i32
        %add3A_119 = arith.addi %mul3A_117, %add3A_118 : i32
        %get3A_120 = arith.index_cast %add3A_119 : i32 to index
        %get3A_121 = tpu.vector_load %arg6[%get3A_120] {strides = array<i32>} : memref<49152xf32, #tpu.memory_space<vmem>>, vector<16xf32>,
        %get3A_122 = vector.shape_cast %get3A_121 : vector<16xf32> to vector<16xf32>
        %max3A = arith.maximumf %select_n3A, %get3A_122 : vector<16xf32>
        %mul3A_123 = arith.constant 256 : i32
        %mul3A_124 = arith.muli %scan3A_69, %mul3A_123 : i32
        %add3A_125 = arith.constant 16 : i32
        %add3A_126 = arith.addi %mul3A_124, %add3A_125 : i32
        %get3A_127 = arith.index_cast %add3A_126 : i32 to index
        %get3A_128 = tpu.vector_load %arg6[%get3A_127] {strides = array<i32>} : memref<49152xf32, #tpu.memory_space<vmem>>, vector<16xf32>,
        %get3A_129 = vector.shape_cast %get3A_128 : vector<16xf32> to vector<16xf32>
        %max3A_130 = arith.maximumf %select_n3A_101, %get3A_129 : vector<16xf32>
        %mul3A_131 = arith.constant 256 : i32
        %mul3A_132 = arith.muli %scan3A_69, %mul3A_131 : i32
        %add3A_133 = arith.constant 32 : i32
        %add3A_134 = arith.addi %mul3A_132, %add3A_133 : i32
        %get3A_135 = arith.index_cast %add3A_134 : i32 to index
        %get3A_136 = tpu.vector_load %arg6[%get3A_135] {strides = array<i32>} : memref<49152xf32, #tpu.memory_space<vmem>>, vector<16xf32>,
        %get3A_137 = vector.shape_cast %get3A_136 : vector<16xf32> to vector<16xf32>
        %max3A_138 = arith.maximumf %select_n3A_102, %get3A_137 : vector<16xf32>
        %mul3A_139 = arith.constant 256 : i32
        %mul3A_140 = arith.muli %scan3A_69, %mul3A_139 : i32
        %add3A_141 = arith.constant 48 : i32
        %add3A_142 = arith.addi %mul3A_140, %add3A_141 : i32
        %get3A_143 = arith.index_cast %add3A_142 : i32 to index
        %get3A_144 = tpu.vector_load %arg6[%get3A_143] {strides = array<i32>} : memref<49152xf32, #tpu.memory_space<vmem>>, vector<16xf32>,
        %get3A_145 = vector.shape_cast %get3A_144 : vector<16xf32> to vector<16xf32>
        %max3A_146 = arith.maximumf %select_n3A_103, %get3A_145 : vector<16xf32>
        %mul3A_147 = arith.constant 256 : i32
        %mul3A_148 = arith.muli %scan3A_69, %mul3A_147 : i32
        %add3A_149 = arith.constant 64 : i32
        %add3A_150 = arith.addi %mul3A_148, %add3A_149 : i32
        %get3A_151 = arith.index_cast %add3A_150 : i32 to index
        %get3A_152 = tpu.vector_load %arg6[%get3A_151] {strides = array<i32>} : memref<49152xf32, #tpu.memory_space<vmem>>, vector<16xf32>,
        %get3A_153 = vector.shape_cast %get3A_152 : vector<16xf32> to vector<16xf32>
        %max3A_154 = arith.maximumf %select_n3A_104, %get3A_153 : vector<16xf32>
        %mul3A_155 = arith.constant 256 : i32
        %mul3A_156 = arith.muli %scan3A_69, %mul3A_155 : i32
        %add3A_157 = arith.constant 80 : i32
        %add3A_158 = arith.addi %mul3A_156, %add3A_157 : i32
        %get3A_159 = arith.index_cast %add3A_158 : i32 to index
        %get3A_160 = tpu.vector_load %arg6[%get3A_159] {strides = array<i32>} : memref<49152xf32, #tpu.memory_space<vmem>>, vector<16xf32>,
        %get3A_161 = vector.shape_cast %get3A_160 : vector<16xf32> to vector<16xf32>
        %max3A_162 = arith.maximumf %select_n3A_105, %get3A_161 : vector<16xf32>
        %mul3A_163 = arith.constant 256 : i32
        %mul3A_164 = arith.muli %scan3A_69, %mul3A_163 : i32
        %add3A_165 = arith.constant 96 : i32
        %add3A_166 = arith.addi %mul3A_164, %add3A_165 : i32
        %get3A_167 = arith.index_cast %add3A_166 : i32 to index
        %get3A_168 = tpu.vector_load %arg6[%get3A_167] {strides = array<i32>} : memref<49152xf32, #tpu.memory_space<vmem>>, vector<16xf32>,
        %get3A_169 = vector.shape_cast %get3A_168 : vector<16xf32> to vector<16xf32>
        %max3A_170 = arith.maximumf %select_n3A_106, %get3A_169 : vector<16xf32>
        %mul3A_171 = arith.constant 256 : i32
        %mul3A_172 = arith.muli %scan3A_69, %mul3A_171 : i32
        %add3A_173 = arith.constant 112 : i32
        %add3A_174 = arith.addi %mul3A_172, %add3A_173 : i32
        %get3A_175 = arith.index_cast %add3A_174 : i32 to index
        %get3A_176 = tpu.vector_load %arg6[%get3A_175] {strides = array<i32>} : memref<49152xf32, #tpu.memory_space<vmem>>, vector<16xf32>,
        %get3A_177 = vector.shape_cast %get3A_176 : vector<16xf32> to vector<16xf32>
        %max3A_178 = arith.maximumf %select_n3A_107, %get3A_177 : vector<16xf32>
        %mul3A_179 = arith.constant 256 : i32
        %mul3A_180 = arith.muli %scan3A_69, %mul3A_179 : i32
        %add3A_181 = arith.constant 128 : i32
        %add3A_182 = arith.addi %mul3A_180, %add3A_181 : i32
        %get3A_183 = arith.index_cast %add3A_182 : i32 to index
        %get3A_184 = tpu.vector_load %arg6[%get3A_183] {strides = array<i32>} : memref<49152xf32, #tpu.memory_space<vmem>>, vector<16xf32>,
        %get3A_185 = vector.shape_cast %get3A_184 : vector<16xf32> to vector<16xf32>
        %max3A_186 = arith.maximumf %select_n3A_108, %get3A_185 : vector<16xf32>
        %mul3A_187 = arith.constant 256 : i32
        %mul3A_188 = arith.muli %scan3A_69, %mul3A_187 : i32
        %add3A_189 = arith.constant 144 : i32
        %add3A_190 = arith.addi %mul3A_188, %add3A_189 : i32
        %get3A_191 = arith.index_cast %add3A_190 : i32 to index
        %get3A_192 = tpu.vector_load %arg6[%get3A_191] {strides = array<i32>} : memref<49152xf32, #tpu.memory_space<vmem>>, vector<16xf32>,
        %get3A_193 = vector.shape_cast %get3A_192 : vector<16xf32> to vector<16xf32>
        %max3A_194 = arith.maximumf %select_n3A_109, %get3A_193 : vector<16xf32>
        %mul3A_195 = arith.constant 256 : i32
        %mul3A_196 = arith.muli %scan3A_69, %mul3A_195 : i32
        %add3A_197 = arith.constant 160 : i32
        %add3A_198 = arith.addi %mul3A_196, %add3A_197 : i32
        %get3A_199 = arith.index_cast %add3A_198 : i32 to index
        %get3A_200 = tpu.vector_load %arg6[%get3A_199] {strides = array<i32>} : memref<49152xf32, #tpu.memory_space<vmem>>, vector<16xf32>,
        %get3A_201 = vector.shape_cast %get3A_200 : vector<16xf32> to vector<16xf32>
        %max3A_202 = arith.maximumf %select_n3A_110, %get3A_201 : vector<16xf32>
        %mul3A_203 = arith.constant 256 : i32
        %mul3A_204 = arith.muli %scan3A_69, %mul3A_203 : i32
        %add3A_205 = arith.constant 176 : i32
        %add3A_206 = arith.addi %mul3A_204, %add3A_205 : i32
        %get3A_207 = arith.index_cast %add3A_206 : i32 to index
        %get3A_208 = tpu.vector_load %arg6[%get3A_207] {strides = array<i32>} : memref<49152xf32, #tpu.memory_space<vmem>>, vector<16xf32>,
        %get3A_209 = vector.shape_cast %get3A_208 : vector<16xf32> to vector<16xf32>
        %max3A_210 = arith.maximumf %select_n3A_111, %get3A_209 : vector<16xf32>
        %mul3A_211 = arith.constant 256 : i32
        %mul3A_212 = arith.muli %scan3A_69, %mul3A_211 : i32
        %add3A_213 = arith.constant 192 : i32
        %add3A_214 = arith.addi %mul3A_212, %add3A_213 : i32
        %get3A_215 = arith.index_cast %add3A_214 : i32 to index
        %get3A_216 = tpu.vector_load %arg6[%get3A_215] {strides = array<i32>} : memref<49152xf32, #tpu.memory_space<vmem>>, vector<16xf32>,
        %get3A_217 = vector.shape_cast %get3A_216 : vector<16xf32> to vector<16xf32>
        %max3A_218 = arith.maximumf %select_n3A_112, %get3A_217 : vector<16xf32>
        %mul3A_219 = arith.constant 256 : i32
        %mul3A_220 = arith.muli %scan3A_69, %mul3A_219 : i32
        %add3A_221 = arith.constant 208 : i32
        %add3A_222 = arith.addi %mul3A_220, %add3A_221 : i32
        %get3A_223 = arith.index_cast %add3A_222 : i32 to index
        %get3A_224 = tpu.vector_load %arg6[%get3A_223] {strides = array<i32>} : memref<49152xf32, #tpu.memory_space<vmem>>, vector<16xf32>,
        %get3A_225 = vector.shape_cast %get3A_224 : vector<16xf32> to vector<16xf32>
        %max3A_226 = arith.maximumf %select_n3A_113, %get3A_225 : vector<16xf32>
        %mul3A_227 = arith.constant 256 : i32
        %mul3A_228 = arith.muli %scan3A_69, %mul3A_227 : i32
        %add3A_229 = arith.constant 224 : i32
        %add3A_230 = arith.addi %mul3A_228, %add3A_229 : i32
        %get3A_231 = arith.index_cast %add3A_230 : i32 to index
        %get3A_232 = tpu.vector_load %arg6[%get3A_231] {strides = array<i32>} : memref<49152xf32, #tpu.memory_space<vmem>>, vector<16xf32>,
        %get3A_233 = vector.shape_cast %get3A_232 : vector<16xf32> to vector<16xf32>
        %max3A_234 = arith.maximumf %select_n3A_114, %get3A_233 : vector<16xf32>
        %mul3A_235 = arith.constant 256 : i32
        %mul3A_236 = arith.muli %scan3A_69, %mul3A_235 : i32
        %add3A_237 = arith.constant 240 : i32
        %add3A_238 = arith.addi %mul3A_236, %add3A_237 : i32
        %get3A_239 = arith.index_cast %add3A_238 : i32 to index
        %get3A_240 = tpu.vector_load %arg6[%get3A_239] {strides = array<i32>} : memref<49152xf32, #tpu.memory_space<vmem>>, vector<16xf32>,
        %get3A_241 = vector.shape_cast %get3A_240 : vector<16xf32> to vector<16xf32>
        %max3A_242 = arith.maximumf %select_n3A_115, %get3A_241 : vector<16xf32>
        %swap3A_243 = arith.constant 0 : i32
        %swap3A_244 = arith.index_cast %swap3A_243 : i32 to index
        %swap3A_245 = memref.load %arg10[%swap3A_244] : memref<8xi32, #tpu.memory_space<smem>>
        memref.store %squeeze3A_90, %arg10[%swap3A_244] : memref<8xi32, #tpu.memory_space<smem>>
        scf.yield %max3A, %max3A_130, %max3A_138, %max3A_146, %max3A_154, %max3A_162, %max3A_170, %max3A_178, %max3A_186, %max3A_194, %max3A_202, %max3A_210, %max3A_218, %max3A_226, %max3A_234, %max3A_242 : vector<16xf32>, vector<16xf32>, vector<16xf32>, vector<16xf32>, vector<16xf32>, vector<16xf32>, vector<16xf32>, vector<16xf32>, vector<16xf32>, vector<16xf32>, vector<16xf32>, vector<16xf32>, vector<16xf32>, vector<16xf32>, vector<16xf32>, vector<16xf32>
      }
      %scan3A_68 = arith.constant 192 : i32
      scf.yield %scan3A_67#0, %scan3A_67#1, %scan3A_67#2, %scan3A_67#3, %scan3A_67#4, %scan3A_67#5, %scan3A_67#6, %scan3A_67#7, %scan3A_67#8, %scan3A_67#9, %scan3A_67#10, %scan3A_67#11, %scan3A_67#12, %scan3A_67#13, %scan3A_67#14, %scan3A_67#15 : vector<16xf32>, vector<16xf32>, vector<16xf32>, vector<16xf32>, vector<16xf32>, vector<16xf32>, vector<16xf32>, vector<16xf32>, vector<16xf32>, vector<16xf32>, vector<16xf32>, vector<16xf32>, vector<16xf32>, vector<16xf32>, vector<16xf32>, vector<16xf32>
    }
    %while3A_32 = arith.constant 1 : i32
    %while3A_33:16 = scf.for %while3A_40 = %while3A_29 to %while3A_25 step %while3A_32 iter_args(%while3A_41 = %while3A_31#0, %while3A_42 = %while3A_31#1, %while3A_43 = %while3A_31#2, %while3A_44 = %while3A_31#3, %while3A_45 = %while3A_31#4, %while3A_46 = %while3A_31#5, %while3A_47 = %while3A_31#6, %while3A_48 = %while3A_31#7, %while3A_49 = %while3A_31#8, %while3A_50 = %while3A_31#9, %while3A_51 = %while3A_31#10, %while3A_52 = %while3A_31#11, %while3A_53 = %while3A_31#12, %while3A_54 = %while3A_31#13, %while3A_55 = %while3A_31#14, %while3A_56 = %while3A_31#15) -> (vector<16xf32>, vector<16xf32>, vector<16xf32>, vector<16xf32>, vector<16xf32>, vector<16xf32>, vector<16xf32>, vector<16xf32>, vector<16xf32>, vector<16xf32>, vector<16xf32>, vector<16xf32>, vector<16xf32>, vector<16xf32>, vector<16xf32>, vector<16xf32>)  : i32 {
      %mul3A_57 = arith.constant 192 : i32
      %mul3A_58 = arith.muli %while3A_40, %mul3A_57 : i32
      %add3A_59 = arith.addi %multiple_of3A_9, %mul3A_58 : i32
      %multiple_of3A_60 = tpu.assume_multiple %add3A_59, 8 : i32
      %mul3A_61 = arith.constant 256 : i32
      %mul3A_62 = arith.muli %multiple_of3A_60, %mul3A_61 : i32
      "tpu.region"() ({
        %run_scoped3A = tpu.sem_alloc : memref<!tpu.dma_semaphore, #tpu.memory_space<semaphore_mem>>
        %dma_start3A = tpu.memref_slice %arg2[%mul3A_62] : memref<20971520xf32, #tpu.memory_space<hbm>> -> memref<49152xf32, #tpu.memory_space<hbm>>
        %dma_start3A_69 = tpu.memref_slice %arg2[%mul3A_62] : memref<20971520xf32, #tpu.memory_space<hbm>> -> memref<49152xf32, #tpu.memory_space<hbm>>
        tpu.enqueue_dma source(%dma_start3A_69 : memref<49152xf32, #tpu.memory_space<hbm>>) target(%arg6 : memref<49152xf32, #tpu.memory_space<vmem>>) target_semaphore(%run_scoped3A : memref<!tpu.dma_semaphore, #tpu.memory_space<semaphore_mem>>)
        %dma_wait3A = tpu.memref_slice %arg2[%mul3A_62] : memref<20971520xf32, #tpu.memory_space<hbm>> -> memref<49152xf32, #tpu.memory_space<hbm>>
        %dma_wait3A_70 = tpu.memref_slice %arg2[%mul3A_62] : memref<20971520xf32, #tpu.memory_space<hbm>> -> memref<49152xf32, #tpu.memory_space<hbm>>
        tpu.wait_dma2 semaphore(%run_scoped3A : memref<!tpu.dma_semaphore, #tpu.memory_space<semaphore_mem>>) src(%dma_wait3A_70 : memref<49152xf32, #tpu.memory_space<hbm>>) dst(%arg6 : memref<49152xf32, #tpu.memory_space<vmem>>)
        tpu.yield
      }) : () -> ()
      "tpu.region"() ({
        %run_scoped3A = tpu.sem_alloc : memref<!tpu.dma_semaphore, #tpu.memory_space<semaphore_mem>>
        %dma_start3A = arith.constant 0 : i32
        %dma_start3A_69 = tpu.memref_slice %arg8[%dma_start3A] : memref<208xi32, #tpu.memory_space<vmem>> -> memref<192xi32, #tpu.memory_space<vmem>>
        %dma_start3A_70 = tpu.memref_slice %arg3[%multiple_of3A_60] : memref<81920xi32, #tpu.memory_space<hbm>> -> memref<192xi32, #tpu.memory_space<hbm>>
        %dma_start3A_71 = arith.constant 0 : i32
        %dma_start3A_72 = tpu.memref_slice %arg8[%dma_start3A_71] : memref<208xi32, #tpu.memory_space<vmem>> -> memref<192xi32, #tpu.memory_space<vmem>>
        %dma_start3A_73 = tpu.memref_slice %arg3[%multiple_of3A_60] : memref<81920xi32, #tpu.memory_space<hbm>> -> memref<192xi32, #tpu.memory_space<hbm>>
        tpu.enqueue_dma source(%dma_start3A_73 : memref<192xi32, #tpu.memory_space<hbm>>) target(%dma_start3A_72 : memref<192xi32, #tpu.memory_space<vmem>>) target_semaphore(%run_scoped3A : memref<!tpu.dma_semaphore, #tpu.memory_space<semaphore_mem>>)
        %dma_wait3A = arith.constant 0 : i32
        %dma_wait3A_74 = tpu.memref_slice %arg8[%dma_wait3A] : memref<208xi32, #tpu.memory_space<vmem>> -> memref<192xi32, #tpu.memory_space<vmem>>
        %dma_wait3A_75 = tpu.memref_slice %arg3[%multiple_of3A_60] : memref<81920xi32, #tpu.memory_space<hbm>> -> memref<192xi32, #tpu.memory_space<hbm>>
        %dma_wait3A_76 = arith.constant 0 : i32
        %dma_wait3A_77 = tpu.memref_slice %arg8[%dma_wait3A_76] : memref<208xi32, #tpu.memory_space<vmem>> -> memref<192xi32, #tpu.memory_space<vmem>>
        %dma_wait3A_78 = tpu.memref_slice %arg3[%multiple_of3A_60] : memref<81920xi32, #tpu.memory_space<hbm>> -> memref<192xi32, #tpu.memory_space<hbm>>
        tpu.wait_dma2 semaphore(%run_scoped3A : memref<!tpu.dma_semaphore, #tpu.memory_space<semaphore_mem>>) src(%dma_wait3A_78 : memref<192xi32, #tpu.memory_space<hbm>>) dst(%dma_wait3A_77 : memref<192xi32, #tpu.memory_space<vmem>>)
        tpu.yield
      }) : () -> ()
      %scan3A_63 = arith.constant 0 : i32
      %scan3A_64 = arith.constant 192 : i32
      %scan3A_65 = arith.addi %scan3A_63, %scan3A_64 : i32
      %scan3A_66 = arith.constant 1 : i32
      %scan3A_67:16 = scf.for %scan3A_69 = %scan3A_63 to %scan3A_65 step %scan3A_66 iter_args(%scan3A_70 = %while3A_41, %scan3A_71 = %while3A_42, %scan3A_72 = %while3A_43, %scan3A_73 = %while3A_44, %scan3A_74 = %while3A_45, %scan3A_75 = %while3A_46, %scan3A_76 = %while3A_47, %scan3A_77 = %while3A_48, %scan3A_78 = %while3A_49, %scan3A_79 = %while3A_50, %scan3A_80 = %while3A_51, %scan3A_81 = %while3A_52, %scan3A_82 = %while3A_53, %scan3A_83 = %while3A_54, %scan3A_84 = %while3A_55, %scan3A_85 = %while3A_56) -> (vector<16xf32>, vector<16xf32>, vector<16xf32>, vector<16xf32>, vector<16xf32>, vector<16xf32>, vector<16xf32>, vector<16xf32>, vector<16xf32>, vector<16xf32>, vector<16xf32>, vector<16xf32>, vector<16xf32>, vector<16xf32>, vector<16xf32>, vector<16xf32>)  : i32 {
        %get3A_86 = arith.index_cast %scan3A_69 : i32 to index
        %get3A_87 = tpu.vector_load %arg8[%get3A_86] {strides = array<i32>} : memref<208xi32, #tpu.memory_space<vmem>>, vector<16xi32>,
        %get3A_88 = vector.shape_cast %get3A_87 : vector<16xi32> to vector<16xi32>
        %slice3A_89 = vector.extract_strided_slice %get3A_88 {offsets = [0], sizes = [1], strides = [1]} : vector<16xi32> to vector<1xi32>
        %squeeze3A_90 = vector.extract %slice3A_89[0] : i32 from vector<1xi32>
        %get3A_91 = arith.constant 0 : i32
        %get3A_92 = arith.index_cast %get3A_91 : i32 to index
        %get3A_93 = memref.load %arg10[%get3A_92] : memref<8xi32, #tpu.memory_space<smem>>
        %ne3A = arith.cmpi ne, %squeeze3A_90, %get3A_93 : i32
        %ge3A_94 = arith.cmpi sge, %get3A_93, %multiple_of3A : i32
        %and3A_95 = arith.andi %ne3A, %ge3A_94 : i1
        %lt3A_96 = arith.cmpi slt, %get3A_93, %squeeze3A_6 : i32
        %and3A_97 = arith.andi %and3A_95, %lt3A_96 : i1
        %convert_element_type3A_98 = arith.extui %and3A_97 : i1 to i32
        %cond3A_99 = arith.constant 0 : i32
        %cond3A_100 = arith.cmpi ne, %convert_element_type3A_98, %cond3A_99 : i32
        scf.if %cond3A_100 {
          %sub3A = arith.subi %get3A_93, %multiple_of3A : i32
          %mul3A_246 = arith.constant 256 : i32
          %mul3A_247 = arith.muli %sub3A, %mul3A_246 : i32
          %add3A_248 = arith.constant 0 : i32
          %add3A_249 = arith.addi %mul3A_247, %add3A_248 : i32
          %swap3A_250 = arith.index_cast %add3A_249 : i32 to index
          %swap3A_251 = tpu.vector_load %arg7[%swap3A_250] {strides = array<i32>} : memref<10240xf32, #tpu.memory_space<vmem>>, vector<16xf32>,
          %swap3A_252 = vector.shape_cast %swap3A_251 : vector<16xf32> to vector<16xf32>
          %swap3A_253 = vector.shape_cast %scan3A_70 : vector<16xf32> to vector<16xf32>
          tpu.vector_store %arg7[%swap3A_250], %swap3A_253 {strides = array<i32>} : memref<10240xf32, #tpu.memory_space<vmem>>, vector<16xf32>,
          %mul3A_254 = arith.constant 256 : i32
          %mul3A_255 = arith.muli %sub3A, %mul3A_254 : i32
          %add3A_256 = arith.constant 16 : i32
          %add3A_257 = arith.addi %mul3A_255, %add3A_256 : i32
          %swap3A_258 = arith.index_cast %add3A_257 : i32 to index
          %swap3A_259 = tpu.vector_load %arg7[%swap3A_258] {strides = array<i32>} : memref<10240xf32, #tpu.memory_space<vmem>>, vector<16xf32>,
          %swap3A_260 = vector.shape_cast %swap3A_259 : vector<16xf32> to vector<16xf32>
          %swap3A_261 = vector.shape_cast %scan3A_71 : vector<16xf32> to vector<16xf32>
          tpu.vector_store %arg7[%swap3A_258], %swap3A_261 {strides = array<i32>} : memref<10240xf32, #tpu.memory_space<vmem>>, vector<16xf32>,
          %mul3A_262 = arith.constant 256 : i32
          %mul3A_263 = arith.muli %sub3A, %mul3A_262 : i32
          %add3A_264 = arith.constant 32 : i32
          %add3A_265 = arith.addi %mul3A_263, %add3A_264 : i32
          %swap3A_266 = arith.index_cast %add3A_265 : i32 to index
          %swap3A_267 = tpu.vector_load %arg7[%swap3A_266] {strides = array<i32>} : memref<10240xf32, #tpu.memory_space<vmem>>, vector<16xf32>,
          %swap3A_268 = vector.shape_cast %swap3A_267 : vector<16xf32> to vector<16xf32>
          %swap3A_269 = vector.shape_cast %scan3A_72 : vector<16xf32> to vector<16xf32>
          tpu.vector_store %arg7[%swap3A_266], %swap3A_269 {strides = array<i32>} : memref<10240xf32, #tpu.memory_space<vmem>>, vector<16xf32>,
          %mul3A_270 = arith.constant 256 : i32
          %mul3A_271 = arith.muli %sub3A, %mul3A_270 : i32
          %add3A_272 = arith.constant 48 : i32
          %add3A_273 = arith.addi %mul3A_271, %add3A_272 : i32
          %swap3A_274 = arith.index_cast %add3A_273 : i32 to index
          %swap3A_275 = tpu.vector_load %arg7[%swap3A_274] {strides = array<i32>} : memref<10240xf32, #tpu.memory_space<vmem>>, vector<16xf32>,
          %swap3A_276 = vector.shape_cast %swap3A_275 : vector<16xf32> to vector<16xf32>
          %swap3A_277 = vector.shape_cast %scan3A_73 : vector<16xf32> to vector<16xf32>
          tpu.vector_store %arg7[%swap3A_274], %swap3A_277 {strides = array<i32>} : memref<10240xf32, #tpu.memory_space<vmem>>, vector<16xf32>,
          %mul3A_278 = arith.constant 256 : i32
          %mul3A_279 = arith.muli %sub3A, %mul3A_278 : i32
          %add3A_280 = arith.constant 64 : i32
          %add3A_281 = arith.addi %mul3A_279, %add3A_280 : i32
          %swap3A_282 = arith.index_cast %add3A_281 : i32 to index
          %swap3A_283 = tpu.vector_load %arg7[%swap3A_282] {strides = array<i32>} : memref<10240xf32, #tpu.memory_space<vmem>>, vector<16xf32>,
          %swap3A_284 = vector.shape_cast %swap3A_283 : vector<16xf32> to vector<16xf32>
          %swap3A_285 = vector.shape_cast %scan3A_74 : vector<16xf32> to vector<16xf32>
          tpu.vector_store %arg7[%swap3A_282], %swap3A_285 {strides = array<i32>} : memref<10240xf32, #tpu.memory_space<vmem>>, vector<16xf32>,
          %mul3A_286 = arith.constant 256 : i32
          %mul3A_287 = arith.muli %sub3A, %mul3A_286 : i32
          %add3A_288 = arith.constant 80 : i32
          %add3A_289 = arith.addi %mul3A_287, %add3A_288 : i32
          %swap3A_290 = arith.index_cast %add3A_289 : i32 to index
          %swap3A_291 = tpu.vector_load %arg7[%swap3A_290] {strides = array<i32>} : memref<10240xf32, #tpu.memory_space<vmem>>, vector<16xf32>,
          %swap3A_292 = vector.shape_cast %swap3A_291 : vector<16xf32> to vector<16xf32>
          %swap3A_293 = vector.shape_cast %scan3A_75 : vector<16xf32> to vector<16xf32>
          tpu.vector_store %arg7[%swap3A_290], %swap3A_293 {strides = array<i32>} : memref<10240xf32, #tpu.memory_space<vmem>>, vector<16xf32>,
          %mul3A_294 = arith.constant 256 : i32
          %mul3A_295 = arith.muli %sub3A, %mul3A_294 : i32
          %add3A_296 = arith.constant 96 : i32
          %add3A_297 = arith.addi %mul3A_295, %add3A_296 : i32
          %swap3A_298 = arith.index_cast %add3A_297 : i32 to index
          %swap3A_299 = tpu.vector_load %arg7[%swap3A_298] {strides = array<i32>} : memref<10240xf32, #tpu.memory_space<vmem>>, vector<16xf32>,
          %swap3A_300 = vector.shape_cast %swap3A_299 : vector<16xf32> to vector<16xf32>
          %swap3A_301 = vector.shape_cast %scan3A_76 : vector<16xf32> to vector<16xf32>
          tpu.vector_store %arg7[%swap3A_298], %swap3A_301 {strides = array<i32>} : memref<10240xf32, #tpu.memory_space<vmem>>, vector<16xf32>,
          %mul3A_302 = arith.constant 256 : i32
          %mul3A_303 = arith.muli %sub3A, %mul3A_302 : i32
          %add3A_304 = arith.constant 112 : i32
          %add3A_305 = arith.addi %mul3A_303, %add3A_304 : i32
          %swap3A_306 = arith.index_cast %add3A_305 : i32 to index
          %swap3A_307 = tpu.vector_load %arg7[%swap3A_306] {strides = array<i32>} : memref<10240xf32, #tpu.memory_space<vmem>>, vector<16xf32>,
          %swap3A_308 = vector.shape_cast %swap3A_307 : vector<16xf32> to vector<16xf32>
          %swap3A_309 = vector.shape_cast %scan3A_77 : vector<16xf32> to vector<16xf32>
          tpu.vector_store %arg7[%swap3A_306], %swap3A_309 {strides = array<i32>} : memref<10240xf32, #tpu.memory_space<vmem>>, vector<16xf32>,
          %mul3A_310 = arith.constant 256 : i32
          %mul3A_311 = arith.muli %sub3A, %mul3A_310 : i32
          %add3A_312 = arith.constant 128 : i32
          %add3A_313 = arith.addi %mul3A_311, %add3A_312 : i32
          %swap3A_314 = arith.index_cast %add3A_313 : i32 to index
          %swap3A_315 = tpu.vector_load %arg7[%swap3A_314] {strides = array<i32>} : memref<10240xf32, #tpu.memory_space<vmem>>, vector<16xf32>,
          %swap3A_316 = vector.shape_cast %swap3A_315 : vector<16xf32> to vector<16xf32>
          %swap3A_317 = vector.shape_cast %scan3A_78 : vector<16xf32> to vector<16xf32>
          tpu.vector_store %arg7[%swap3A_314], %swap3A_317 {strides = array<i32>} : memref<10240xf32, #tpu.memory_space<vmem>>, vector<16xf32>,
          %mul3A_318 = arith.constant 256 : i32
          %mul3A_319 = arith.muli %sub3A, %mul3A_318 : i32
          %add3A_320 = arith.constant 144 : i32
          %add3A_321 = arith.addi %mul3A_319, %add3A_320 : i32
          %swap3A_322 = arith.index_cast %add3A_321 : i32 to index
          %swap3A_323 = tpu.vector_load %arg7[%swap3A_322] {strides = array<i32>} : memref<10240xf32, #tpu.memory_space<vmem>>, vector<16xf32>,
          %swap3A_324 = vector.shape_cast %swap3A_323 : vector<16xf32> to vector<16xf32>
          %swap3A_325 = vector.shape_cast %scan3A_79 : vector<16xf32> to vector<16xf32>
          tpu.vector_store %arg7[%swap3A_322], %swap3A_325 {strides = array<i32>} : memref<10240xf32, #tpu.memory_space<vmem>>, vector<16xf32>,
          %mul3A_326 = arith.constant 256 : i32
          %mul3A_327 = arith.muli %sub3A, %mul3A_326 : i32
          %add3A_328 = arith.constant 160 : i32
          %add3A_329 = arith.addi %mul3A_327, %add3A_328 : i32
          %swap3A_330 = arith.index_cast %add3A_329 : i32 to index
          %swap3A_331 = tpu.vector_load %arg7[%swap3A_330] {strides = array<i32>} : memref<10240xf32, #tpu.memory_space<vmem>>, vector<16xf32>,
          %swap3A_332 = vector.shape_cast %swap3A_331 : vector<16xf32> to vector<16xf32>
          %swap3A_333 = vector.shape_cast %scan3A_80 : vector<16xf32> to vector<16xf32>
          tpu.vector_store %arg7[%swap3A_330], %swap3A_333 {strides = array<i32>} : memref<10240xf32, #tpu.memory_space<vmem>>, vector<16xf32>,
          %mul3A_334 = arith.constant 256 : i32
          %mul3A_335 = arith.muli %sub3A, %mul3A_334 : i32
          %add3A_336 = arith.constant 176 : i32
          %add3A_337 = arith.addi %mul3A_335, %add3A_336 : i32
          %swap3A_338 = arith.index_cast %add3A_337 : i32 to index
          %swap3A_339 = tpu.vector_load %arg7[%swap3A_338] {strides = array<i32>} : memref<10240xf32, #tpu.memory_space<vmem>>, vector<16xf32>,
          %swap3A_340 = vector.shape_cast %swap3A_339 : vector<16xf32> to vector<16xf32>
          %swap3A_341 = vector.shape_cast %scan3A_81 : vector<16xf32> to vector<16xf32>
          tpu.vector_store %arg7[%swap3A_338], %swap3A_341 {strides = array<i32>} : memref<10240xf32, #tpu.memory_space<vmem>>, vector<16xf32>,
          %mul3A_342 = arith.constant 256 : i32
          %mul3A_343 = arith.muli %sub3A, %mul3A_342 : i32
          %add3A_344 = arith.constant 192 : i32
          %add3A_345 = arith.addi %mul3A_343, %add3A_344 : i32
          %swap3A_346 = arith.index_cast %add3A_345 : i32 to index
          %swap3A_347 = tpu.vector_load %arg7[%swap3A_346] {strides = array<i32>} : memref<10240xf32, #tpu.memory_space<vmem>>, vector<16xf32>,
          %swap3A_348 = vector.shape_cast %swap3A_347 : vector<16xf32> to vector<16xf32>
          %swap3A_349 = vector.shape_cast %scan3A_82 : vector<16xf32> to vector<16xf32>
          tpu.vector_store %arg7[%swap3A_346], %swap3A_349 {strides = array<i32>} : memref<10240xf32, #tpu.memory_space<vmem>>, vector<16xf32>,
          %mul3A_350 = arith.constant 256 : i32
          %mul3A_351 = arith.muli %sub3A, %mul3A_350 : i32
          %add3A_352 = arith.constant 208 : i32
          %add3A_353 = arith.addi %mul3A_351, %add3A_352 : i32
          %swap3A_354 = arith.index_cast %add3A_353 : i32 to index
          %swap3A_355 = tpu.vector_load %arg7[%swap3A_354] {strides = array<i32>} : memref<10240xf32, #tpu.memory_space<vmem>>, vector<16xf32>,
          %swap3A_356 = vector.shape_cast %swap3A_355 : vector<16xf32> to vector<16xf32>
          %swap3A_357 = vector.shape_cast %scan3A_83 : vector<16xf32> to vector<16xf32>
          tpu.vector_store %arg7[%swap3A_354], %swap3A_357 {strides = array<i32>} : memref<10240xf32, #tpu.memory_space<vmem>>, vector<16xf32>,
          %mul3A_358 = arith.constant 256 : i32
          %mul3A_359 = arith.muli %sub3A, %mul3A_358 : i32
          %add3A_360 = arith.constant 224 : i32
          %add3A_361 = arith.addi %mul3A_359, %add3A_360 : i32
          %swap3A_362 = arith.index_cast %add3A_361 : i32 to index
          %swap3A_363 = tpu.vector_load %arg7[%swap3A_362] {strides = array<i32>} : memref<10240xf32, #tpu.memory_space<vmem>>, vector<16xf32>,
          %swap3A_364 = vector.shape_cast %swap3A_363 : vector<16xf32> to vector<16xf32>
          %swap3A_365 = vector.shape_cast %scan3A_84 : vector<16xf32> to vector<16xf32>
          tpu.vector_store %arg7[%swap3A_362], %swap3A_365 {strides = array<i32>} : memref<10240xf32, #tpu.memory_space<vmem>>, vector<16xf32>,
          %mul3A_366 = arith.constant 256 : i32
          %mul3A_367 = arith.muli %sub3A, %mul3A_366 : i32
          %add3A_368 = arith.constant 240 : i32
          %add3A_369 = arith.addi %mul3A_367, %add3A_368 : i32
          %swap3A_370 = arith.index_cast %add3A_369 : i32 to index
          %swap3A_371 = tpu.vector_load %arg7[%swap3A_370] {strides = array<i32>} : memref<10240xf32, #tpu.memory_space<vmem>>, vector<16xf32>,
          %swap3A_372 = vector.shape_cast %swap3A_371 : vector<16xf32> to vector<16xf32>
          %swap3A_373 = vector.shape_cast %scan3A_85 : vector<16xf32> to vector<16xf32>
          tpu.vector_store %arg7[%swap3A_370], %swap3A_373 {strides = array<i32>} : memref<10240xf32, #tpu.memory_space<vmem>>, vector<16xf32>,
        } else {
        }
        %select_n3A = arith.select %ne3A, %broadcast_in_dim3A_14, %scan3A_70 : vector<16xf32>
        %select_n3A_101 = arith.select %ne3A, %broadcast_in_dim3A_14, %scan3A_71 : vector<16xf32>
        %select_n3A_102 = arith.select %ne3A, %broadcast_in_dim3A_14, %scan3A_72 : vector<16xf32>
        %select_n3A_103 = arith.select %ne3A, %broadcast_in_dim3A_14, %scan3A_73 : vector<16xf32>
        %select_n3A_104 = arith.select %ne3A, %broadcast_in_dim3A_14, %scan3A_74 : vector<16xf32>
        %select_n3A_105 = arith.select %ne3A, %broadcast_in_dim3A_14, %scan3A_75 : vector<16xf32>
        %select_n3A_106 = arith.select %ne3A, %broadcast_in_dim3A_14, %scan3A_76 : vector<16xf32>
        %select_n3A_107 = arith.select %ne3A, %broadcast_in_dim3A_14, %scan3A_77 : vector<16xf32>
        %select_n3A_108 = arith.select %ne3A, %broadcast_in_dim3A_14, %scan3A_78 : vector<16xf32>
        %select_n3A_109 = arith.select %ne3A, %broadcast_in_dim3A_14, %scan3A_79 : vector<16xf32>
        %select_n3A_110 = arith.select %ne3A, %broadcast_in_dim3A_14, %scan3A_80 : vector<16xf32>
        %select_n3A_111 = arith.select %ne3A, %broadcast_in_dim3A_14, %scan3A_81 : vector<16xf32>
        %select_n3A_112 = arith.select %ne3A, %broadcast_in_dim3A_14, %scan3A_82 : vector<16xf32>
        %select_n3A_113 = arith.select %ne3A, %broadcast_in_dim3A_14, %scan3A_83 : vector<16xf32>
        %select_n3A_114 = arith.select %ne3A, %broadcast_in_dim3A_14, %scan3A_84 : vector<16xf32>
        %select_n3A_115 = arith.select %ne3A, %broadcast_in_dim3A_14, %scan3A_85 : vector<16xf32>
        %mul3A_116 = arith.constant 256 : i32
        %mul3A_117 = arith.muli %scan3A_69, %mul3A_116 : i32
        %add3A_118 = arith.constant 0 : i32
        %add3A_119 = arith.addi %mul3A_117, %add3A_118 : i32
        %get3A_120 = arith.index_cast %add3A_119 : i32 to index
        %get3A_121 = tpu.vector_load %arg6[%get3A_120] {strides = array<i32>} : memref<49152xf32, #tpu.memory_space<vmem>>, vector<16xf32>,
        %get3A_122 = vector.shape_cast %get3A_121 : vector<16xf32> to vector<16xf32>
        %max3A = arith.maximumf %select_n3A, %get3A_122 : vector<16xf32>
        %mul3A_123 = arith.constant 256 : i32
        %mul3A_124 = arith.muli %scan3A_69, %mul3A_123 : i32
        %add3A_125 = arith.constant 16 : i32
        %add3A_126 = arith.addi %mul3A_124, %add3A_125 : i32
        %get3A_127 = arith.index_cast %add3A_126 : i32 to index
        %get3A_128 = tpu.vector_load %arg6[%get3A_127] {strides = array<i32>} : memref<49152xf32, #tpu.memory_space<vmem>>, vector<16xf32>,
        %get3A_129 = vector.shape_cast %get3A_128 : vector<16xf32> to vector<16xf32>
        %max3A_130 = arith.maximumf %select_n3A_101, %get3A_129 : vector<16xf32>
        %mul3A_131 = arith.constant 256 : i32
        %mul3A_132 = arith.muli %scan3A_69, %mul3A_131 : i32
        %add3A_133 = arith.constant 32 : i32
        %add3A_134 = arith.addi %mul3A_132, %add3A_133 : i32
        %get3A_135 = arith.index_cast %add3A_134 : i32 to index
        %get3A_136 = tpu.vector_load %arg6[%get3A_135] {strides = array<i32>} : memref<49152xf32, #tpu.memory_space<vmem>>, vector<16xf32>,
        %get3A_137 = vector.shape_cast %get3A_136 : vector<16xf32> to vector<16xf32>
        %max3A_138 = arith.maximumf %select_n3A_102, %get3A_137 : vector<16xf32>
        %mul3A_139 = arith.constant 256 : i32
        %mul3A_140 = arith.muli %scan3A_69, %mul3A_139 : i32
        %add3A_141 = arith.constant 48 : i32
        %add3A_142 = arith.addi %mul3A_140, %add3A_141 : i32
        %get3A_143 = arith.index_cast %add3A_142 : i32 to index
        %get3A_144 = tpu.vector_load %arg6[%get3A_143] {strides = array<i32>} : memref<49152xf32, #tpu.memory_space<vmem>>, vector<16xf32>,
        %get3A_145 = vector.shape_cast %get3A_144 : vector<16xf32> to vector<16xf32>
        %max3A_146 = arith.maximumf %select_n3A_103, %get3A_145 : vector<16xf32>
        %mul3A_147 = arith.constant 256 : i32
        %mul3A_148 = arith.muli %scan3A_69, %mul3A_147 : i32
        %add3A_149 = arith.constant 64 : i32
        %add3A_150 = arith.addi %mul3A_148, %add3A_149 : i32
        %get3A_151 = arith.index_cast %add3A_150 : i32 to index
        %get3A_152 = tpu.vector_load %arg6[%get3A_151] {strides = array<i32>} : memref<49152xf32, #tpu.memory_space<vmem>>, vector<16xf32>,
        %get3A_153 = vector.shape_cast %get3A_152 : vector<16xf32> to vector<16xf32>
        %max3A_154 = arith.maximumf %select_n3A_104, %get3A_153 : vector<16xf32>
        %mul3A_155 = arith.constant 256 : i32
        %mul3A_156 = arith.muli %scan3A_69, %mul3A_155 : i32
        %add3A_157 = arith.constant 80 : i32
        %add3A_158 = arith.addi %mul3A_156, %add3A_157 : i32
        %get3A_159 = arith.index_cast %add3A_158 : i32 to index
        %get3A_160 = tpu.vector_load %arg6[%get3A_159] {strides = array<i32>} : memref<49152xf32, #tpu.memory_space<vmem>>, vector<16xf32>,
        %get3A_161 = vector.shape_cast %get3A_160 : vector<16xf32> to vector<16xf32>
        %max3A_162 = arith.maximumf %select_n3A_105, %get3A_161 : vector<16xf32>
        %mul3A_163 = arith.constant 256 : i32
        %mul3A_164 = arith.muli %scan3A_69, %mul3A_163 : i32
        %add3A_165 = arith.constant 96 : i32
        %add3A_166 = arith.addi %mul3A_164, %add3A_165 : i32
        %get3A_167 = arith.index_cast %add3A_166 : i32 to index
        %get3A_168 = tpu.vector_load %arg6[%get3A_167] {strides = array<i32>} : memref<49152xf32, #tpu.memory_space<vmem>>, vector<16xf32>,
        %get3A_169 = vector.shape_cast %get3A_168 : vector<16xf32> to vector<16xf32>
        %max3A_170 = arith.maximumf %select_n3A_106, %get3A_169 : vector<16xf32>
        %mul3A_171 = arith.constant 256 : i32
        %mul3A_172 = arith.muli %scan3A_69, %mul3A_171 : i32
        %add3A_173 = arith.constant 112 : i32
        %add3A_174 = arith.addi %mul3A_172, %add3A_173 : i32
        %get3A_175 = arith.index_cast %add3A_174 : i32 to index
        %get3A_176 = tpu.vector_load %arg6[%get3A_175] {strides = array<i32>} : memref<49152xf32, #tpu.memory_space<vmem>>, vector<16xf32>,
        %get3A_177 = vector.shape_cast %get3A_176 : vector<16xf32> to vector<16xf32>
        %max3A_178 = arith.maximumf %select_n3A_107, %get3A_177 : vector<16xf32>
        %mul3A_179 = arith.constant 256 : i32
        %mul3A_180 = arith.muli %scan3A_69, %mul3A_179 : i32
        %add3A_181 = arith.constant 128 : i32
        %add3A_182 = arith.addi %mul3A_180, %add3A_181 : i32
        %get3A_183 = arith.index_cast %add3A_182 : i32 to index
        %get3A_184 = tpu.vector_load %arg6[%get3A_183] {strides = array<i32>} : memref<49152xf32, #tpu.memory_space<vmem>>, vector<16xf32>,
        %get3A_185 = vector.shape_cast %get3A_184 : vector<16xf32> to vector<16xf32>
        %max3A_186 = arith.maximumf %select_n3A_108, %get3A_185 : vector<16xf32>
        %mul3A_187 = arith.constant 256 : i32
        %mul3A_188 = arith.muli %scan3A_69, %mul3A_187 : i32
        %add3A_189 = arith.constant 144 : i32
        %add3A_190 = arith.addi %mul3A_188, %add3A_189 : i32
        %get3A_191 = arith.index_cast %add3A_190 : i32 to index
        %get3A_192 = tpu.vector_load %arg6[%get3A_191] {strides = array<i32>} : memref<49152xf32, #tpu.memory_space<vmem>>, vector<16xf32>,
        %get3A_193 = vector.shape_cast %get3A_192 : vector<16xf32> to vector<16xf32>
        %max3A_194 = arith.maximumf %select_n3A_109, %get3A_193 : vector<16xf32>
        %mul3A_195 = arith.constant 256 : i32
        %mul3A_196 = arith.muli %scan3A_69, %mul3A_195 : i32
        %add3A_197 = arith.constant 160 : i32
        %add3A_198 = arith.addi %mul3A_196, %add3A_197 : i32
        %get3A_199 = arith.index_cast %add3A_198 : i32 to index
        %get3A_200 = tpu.vector_load %arg6[%get3A_199] {strides = array<i32>} : memref<49152xf32, #tpu.memory_space<vmem>>, vector<16xf32>,
        %get3A_201 = vector.shape_cast %get3A_200 : vector<16xf32> to vector<16xf32>
        %max3A_202 = arith.maximumf %select_n3A_110, %get3A_201 : vector<16xf32>
        %mul3A_203 = arith.constant 256 : i32
        %mul3A_204 = arith.muli %scan3A_69, %mul3A_203 : i32
        %add3A_205 = arith.constant 176 : i32
        %add3A_206 = arith.addi %mul3A_204, %add3A_205 : i32
        %get3A_207 = arith.index_cast %add3A_206 : i32 to index
        %get3A_208 = tpu.vector_load %arg6[%get3A_207] {strides = array<i32>} : memref<49152xf32, #tpu.memory_space<vmem>>, vector<16xf32>,
        %get3A_209 = vector.shape_cast %get3A_208 : vector<16xf32> to vector<16xf32>
        %max3A_210 = arith.maximumf %select_n3A_111, %get3A_209 : vector<16xf32>
        %mul3A_211 = arith.constant 256 : i32
        %mul3A_212 = arith.muli %scan3A_69, %mul3A_211 : i32
        %add3A_213 = arith.constant 192 : i32
        %add3A_214 = arith.addi %mul3A_212, %add3A_213 : i32
        %get3A_215 = arith.index_cast %add3A_214 : i32 to index
        %get3A_216 = tpu.vector_load %arg6[%get3A_215] {strides = array<i32>} : memref<49152xf32, #tpu.memory_space<vmem>>, vector<16xf32>,
        %get3A_217 = vector.shape_cast %get3A_216 : vector<16xf32> to vector<16xf32>
        %max3A_218 = arith.maximumf %select_n3A_112, %get3A_217 : vector<16xf32>
        %mul3A_219 = arith.constant 256 : i32
        %mul3A_220 = arith.muli %scan3A_69, %mul3A_219 : i32
        %add3A_221 = arith.constant 208 : i32
        %add3A_222 = arith.addi %mul3A_220, %add3A_221 : i32
        %get3A_223 = arith.index_cast %add3A_222 : i32 to index
        %get3A_224 = tpu.vector_load %arg6[%get3A_223] {strides = array<i32>} : memref<49152xf32, #tpu.memory_space<vmem>>, vector<16xf32>,
        %get3A_225 = vector.shape_cast %get3A_224 : vector<16xf32> to vector<16xf32>
        %max3A_226 = arith.maximumf %select_n3A_113, %get3A_225 : vector<16xf32>
        %mul3A_227 = arith.constant 256 : i32
        %mul3A_228 = arith.muli %scan3A_69, %mul3A_227 : i32
        %add3A_229 = arith.constant 224 : i32
        %add3A_230 = arith.addi %mul3A_228, %add3A_229 : i32
        %get3A_231 = arith.index_cast %add3A_230 : i32 to index
        %get3A_232 = tpu.vector_load %arg6[%get3A_231] {strides = array<i32>} : memref<49152xf32, #tpu.memory_space<vmem>>, vector<16xf32>,
        %get3A_233 = vector.shape_cast %get3A_232 : vector<16xf32> to vector<16xf32>
        %max3A_234 = arith.maximumf %select_n3A_114, %get3A_233 : vector<16xf32>
        %mul3A_235 = arith.constant 256 : i32
        %mul3A_236 = arith.muli %scan3A_69, %mul3A_235 : i32
        %add3A_237 = arith.constant 240 : i32
        %add3A_238 = arith.addi %mul3A_236, %add3A_237 : i32
        %get3A_239 = arith.index_cast %add3A_238 : i32 to index
        %get3A_240 = tpu.vector_load %arg6[%get3A_239] {strides = array<i32>} : memref<49152xf32, #tpu.memory_space<vmem>>, vector<16xf32>,
        %get3A_241 = vector.shape_cast %get3A_240 : vector<16xf32> to vector<16xf32>
        %max3A_242 = arith.maximumf %select_n3A_115, %get3A_241 : vector<16xf32>
        %swap3A_243 = arith.constant 0 : i32
        %swap3A_244 = arith.index_cast %swap3A_243 : i32 to index
        %swap3A_245 = memref.load %arg10[%swap3A_244] : memref<8xi32, #tpu.memory_space<smem>>
        memref.store %squeeze3A_90, %arg10[%swap3A_244] : memref<8xi32, #tpu.memory_space<smem>>
        scf.yield %max3A, %max3A_130, %max3A_138, %max3A_146, %max3A_154, %max3A_162, %max3A_170, %max3A_178, %max3A_186, %max3A_194, %max3A_202, %max3A_210, %max3A_218, %max3A_226, %max3A_234, %max3A_242 : vector<16xf32>, vector<16xf32>, vector<16xf32>, vector<16xf32>, vector<16xf32>, vector<16xf32>, vector<16xf32>, vector<16xf32>, vector<16xf32>, vector<16xf32>, vector<16xf32>, vector<16xf32>, vector<16xf32>, vector<16xf32>, vector<16xf32>, vector<16xf32>
      }
      %scan3A_68 = arith.constant 192 : i32
      scf.yield %scan3A_67#0, %scan3A_67#1, %scan3A_67#2, %scan3A_67#3, %scan3A_67#4, %scan3A_67#5, %scan3A_67#6, %scan3A_67#7, %scan3A_67#8, %scan3A_67#9, %scan3A_67#10, %scan3A_67#11, %scan3A_67#12, %scan3A_67#13, %scan3A_67#14, %scan3A_67#15 : vector<16xf32>, vector<16xf32>, vector<16xf32>, vector<16xf32>, vector<16xf32>, vector<16xf32>, vector<16xf32>, vector<16xf32>, vector<16xf32>, vector<16xf32>, vector<16xf32>, vector<16xf32>, vector<16xf32>, vector<16xf32>, vector<16xf32>, vector<16xf32>
    }
    %get3A_34 = arith.constant 0 : i32
    %get3A_35 = arith.index_cast %get3A_34 : i32 to index
    %get3A_36 = memref.load %arg10[%get3A_35] : memref<8xi32, #tpu.memory_space<smem>>
    %ge3A = arith.cmpi sge, %get3A_36, %multiple_of3A : i32
    %lt3A = arith.cmpi slt, %get3A_36, %squeeze3A_6 : i32
    %and3A = arith.andi %ge3A, %lt3A : i1
    %convert_element_type3A = arith.extui %and3A : i1 to i32
    %cond3A = arith.constant 0 : i32
    %cond3A_37 = arith.cmpi ne, %convert_element_type3A, %cond3A : i32
    scf.if %cond3A_37 {
      %sub3A = arith.subi %get3A_36, %multiple_of3A : i32
      %mul3A_40 = arith.constant 256 : i32
      %mul3A_41 = arith.muli %sub3A, %mul3A_40 : i32
      %add3A_42 = arith.constant 0 : i32
      %add3A_43 = arith.addi %mul3A_41, %add3A_42 : i32
      %swap3A_44 = arith.index_cast %add3A_43 : i32 to index
      %swap3A_45 = tpu.vector_load %arg7[%swap3A_44] {strides = array<i32>} : memref<10240xf32, #tpu.memory_space<vmem>>, vector<16xf32>,
      %swap3A_46 = vector.shape_cast %swap3A_45 : vector<16xf32> to vector<16xf32>
      %swap3A_47 = vector.shape_cast %while3A_33#0 : vector<16xf32> to vector<16xf32>
      tpu.vector_store %arg7[%swap3A_44], %swap3A_47 {strides = array<i32>} : memref<10240xf32, #tpu.memory_space<vmem>>, vector<16xf32>,
      %mul3A_48 = arith.constant 256 : i32
      %mul3A_49 = arith.muli %sub3A, %mul3A_48 : i32
      %add3A_50 = arith.constant 16 : i32
      %add3A_51 = arith.addi %mul3A_49, %add3A_50 : i32
      %swap3A_52 = arith.index_cast %add3A_51 : i32 to index
      %swap3A_53 = tpu.vector_load %arg7[%swap3A_52] {strides = array<i32>} : memref<10240xf32, #tpu.memory_space<vmem>>, vector<16xf32>,
      %swap3A_54 = vector.shape_cast %swap3A_53 : vector<16xf32> to vector<16xf32>
      %swap3A_55 = vector.shape_cast %while3A_33#1 : vector<16xf32> to vector<16xf32>
      tpu.vector_store %arg7[%swap3A_52], %swap3A_55 {strides = array<i32>} : memref<10240xf32, #tpu.memory_space<vmem>>, vector<16xf32>,
      %mul3A_56 = arith.constant 256 : i32
      %mul3A_57 = arith.muli %sub3A, %mul3A_56 : i32
      %add3A_58 = arith.constant 32 : i32
      %add3A_59 = arith.addi %mul3A_57, %add3A_58 : i32
      %swap3A_60 = arith.index_cast %add3A_59 : i32 to index
      %swap3A_61 = tpu.vector_load %arg7[%swap3A_60] {strides = array<i32>} : memref<10240xf32, #tpu.memory_space<vmem>>, vector<16xf32>,
      %swap3A_62 = vector.shape_cast %swap3A_61 : vector<16xf32> to vector<16xf32>
      %swap3A_63 = vector.shape_cast %while3A_33#2 : vector<16xf32> to vector<16xf32>
      tpu.vector_store %arg7[%swap3A_60], %swap3A_63 {strides = array<i32>} : memref<10240xf32, #tpu.memory_space<vmem>>, vector<16xf32>,
      %mul3A_64 = arith.constant 256 : i32
      %mul3A_65 = arith.muli %sub3A, %mul3A_64 : i32
      %add3A_66 = arith.constant 48 : i32
      %add3A_67 = arith.addi %mul3A_65, %add3A_66 : i32
      %swap3A_68 = arith.index_cast %add3A_67 : i32 to index
      %swap3A_69 = tpu.vector_load %arg7[%swap3A_68] {strides = array<i32>} : memref<10240xf32, #tpu.memory_space<vmem>>, vector<16xf32>,
      %swap3A_70 = vector.shape_cast %swap3A_69 : vector<16xf32> to vector<16xf32>
      %swap3A_71 = vector.shape_cast %while3A_33#3 : vector<16xf32> to vector<16xf32>
      tpu.vector_store %arg7[%swap3A_68], %swap3A_71 {strides = array<i32>} : memref<10240xf32, #tpu.memory_space<vmem>>, vector<16xf32>,
      %mul3A_72 = arith.constant 256 : i32
      %mul3A_73 = arith.muli %sub3A, %mul3A_72 : i32
      %add3A_74 = arith.constant 64 : i32
      %add3A_75 = arith.addi %mul3A_73, %add3A_74 : i32
      %swap3A_76 = arith.index_cast %add3A_75 : i32 to index
      %swap3A_77 = tpu.vector_load %arg7[%swap3A_76] {strides = array<i32>} : memref<10240xf32, #tpu.memory_space<vmem>>, vector<16xf32>,
      %swap3A_78 = vector.shape_cast %swap3A_77 : vector<16xf32> to vector<16xf32>
      %swap3A_79 = vector.shape_cast %while3A_33#4 : vector<16xf32> to vector<16xf32>
      tpu.vector_store %arg7[%swap3A_76], %swap3A_79 {strides = array<i32>} : memref<10240xf32, #tpu.memory_space<vmem>>, vector<16xf32>,
      %mul3A_80 = arith.constant 256 : i32
      %mul3A_81 = arith.muli %sub3A, %mul3A_80 : i32
      %add3A_82 = arith.constant 80 : i32
      %add3A_83 = arith.addi %mul3A_81, %add3A_82 : i32
      %swap3A_84 = arith.index_cast %add3A_83 : i32 to index
      %swap3A_85 = tpu.vector_load %arg7[%swap3A_84] {strides = array<i32>} : memref<10240xf32, #tpu.memory_space<vmem>>, vector<16xf32>,
      %swap3A_86 = vector.shape_cast %swap3A_85 : vector<16xf32> to vector<16xf32>
      %swap3A_87 = vector.shape_cast %while3A_33#5 : vector<16xf32> to vector<16xf32>
      tpu.vector_store %arg7[%swap3A_84], %swap3A_87 {strides = array<i32>} : memref<10240xf32, #tpu.memory_space<vmem>>, vector<16xf32>,
      %mul3A_88 = arith.constant 256 : i32
      %mul3A_89 = arith.muli %sub3A, %mul3A_88 : i32
      %add3A_90 = arith.constant 96 : i32
      %add3A_91 = arith.addi %mul3A_89, %add3A_90 : i32
      %swap3A_92 = arith.index_cast %add3A_91 : i32 to index
      %swap3A_93 = tpu.vector_load %arg7[%swap3A_92] {strides = array<i32>} : memref<10240xf32, #tpu.memory_space<vmem>>, vector<16xf32>,
      %swap3A_94 = vector.shape_cast %swap3A_93 : vector<16xf32> to vector<16xf32>
      %swap3A_95 = vector.shape_cast %while3A_33#6 : vector<16xf32> to vector<16xf32>
      tpu.vector_store %arg7[%swap3A_92], %swap3A_95 {strides = array<i32>} : memref<10240xf32, #tpu.memory_space<vmem>>, vector<16xf32>,
      %mul3A_96 = arith.constant 256 : i32
      %mul3A_97 = arith.muli %sub3A, %mul3A_96 : i32
      %add3A_98 = arith.constant 112 : i32
      %add3A_99 = arith.addi %mul3A_97, %add3A_98 : i32
      %swap3A_100 = arith.index_cast %add3A_99 : i32 to index
      %swap3A_101 = tpu.vector_load %arg7[%swap3A_100] {strides = array<i32>} : memref<10240xf32, #tpu.memory_space<vmem>>, vector<16xf32>,
      %swap3A_102 = vector.shape_cast %swap3A_101 : vector<16xf32> to vector<16xf32>
      %swap3A_103 = vector.shape_cast %while3A_33#7 : vector<16xf32> to vector<16xf32>
      tpu.vector_store %arg7[%swap3A_100], %swap3A_103 {strides = array<i32>} : memref<10240xf32, #tpu.memory_space<vmem>>, vector<16xf32>,
      %mul3A_104 = arith.constant 256 : i32
      %mul3A_105 = arith.muli %sub3A, %mul3A_104 : i32
      %add3A_106 = arith.constant 128 : i32
      %add3A_107 = arith.addi %mul3A_105, %add3A_106 : i32
      %swap3A_108 = arith.index_cast %add3A_107 : i32 to index
      %swap3A_109 = tpu.vector_load %arg7[%swap3A_108] {strides = array<i32>} : memref<10240xf32, #tpu.memory_space<vmem>>, vector<16xf32>,
      %swap3A_110 = vector.shape_cast %swap3A_109 : vector<16xf32> to vector<16xf32>
      %swap3A_111 = vector.shape_cast %while3A_33#8 : vector<16xf32> to vector<16xf32>
      tpu.vector_store %arg7[%swap3A_108], %swap3A_111 {strides = array<i32>} : memref<10240xf32, #tpu.memory_space<vmem>>, vector<16xf32>,
      %mul3A_112 = arith.constant 256 : i32
      %mul3A_113 = arith.muli %sub3A, %mul3A_112 : i32
      %add3A_114 = arith.constant 144 : i32
      %add3A_115 = arith.addi %mul3A_113, %add3A_114 : i32
      %swap3A_116 = arith.index_cast %add3A_115 : i32 to index
      %swap3A_117 = tpu.vector_load %arg7[%swap3A_116] {strides = array<i32>} : memref<10240xf32, #tpu.memory_space<vmem>>, vector<16xf32>,
      %swap3A_118 = vector.shape_cast %swap3A_117 : vector<16xf32> to vector<16xf32>
      %swap3A_119 = vector.shape_cast %while3A_33#9 : vector<16xf32> to vector<16xf32>
      tpu.vector_store %arg7[%swap3A_116], %swap3A_119 {strides = array<i32>} : memref<10240xf32, #tpu.memory_space<vmem>>, vector<16xf32>,
      %mul3A_120 = arith.constant 256 : i32
      %mul3A_121 = arith.muli %sub3A, %mul3A_120 : i32
      %add3A_122 = arith.constant 160 : i32
      %add3A_123 = arith.addi %mul3A_121, %add3A_122 : i32
      %swap3A_124 = arith.index_cast %add3A_123 : i32 to index
      %swap3A_125 = tpu.vector_load %arg7[%swap3A_124] {strides = array<i32>} : memref<10240xf32, #tpu.memory_space<vmem>>, vector<16xf32>,
      %swap3A_126 = vector.shape_cast %swap3A_125 : vector<16xf32> to vector<16xf32>
      %swap3A_127 = vector.shape_cast %while3A_33#10 : vector<16xf32> to vector<16xf32>
      tpu.vector_store %arg7[%swap3A_124], %swap3A_127 {strides = array<i32>} : memref<10240xf32, #tpu.memory_space<vmem>>, vector<16xf32>,
      %mul3A_128 = arith.constant 256 : i32
      %mul3A_129 = arith.muli %sub3A, %mul3A_128 : i32
      %add3A_130 = arith.constant 176 : i32
      %add3A_131 = arith.addi %mul3A_129, %add3A_130 : i32
      %swap3A_132 = arith.index_cast %add3A_131 : i32 to index
      %swap3A_133 = tpu.vector_load %arg7[%swap3A_132] {strides = array<i32>} : memref<10240xf32, #tpu.memory_space<vmem>>, vector<16xf32>,
      %swap3A_134 = vector.shape_cast %swap3A_133 : vector<16xf32> to vector<16xf32>
      %swap3A_135 = vector.shape_cast %while3A_33#11 : vector<16xf32> to vector<16xf32>
      tpu.vector_store %arg7[%swap3A_132], %swap3A_135 {strides = array<i32>} : memref<10240xf32, #tpu.memory_space<vmem>>, vector<16xf32>,
      %mul3A_136 = arith.constant 256 : i32
      %mul3A_137 = arith.muli %sub3A, %mul3A_136 : i32
      %add3A_138 = arith.constant 192 : i32
      %add3A_139 = arith.addi %mul3A_137, %add3A_138 : i32
      %swap3A_140 = arith.index_cast %add3A_139 : i32 to index
      %swap3A_141 = tpu.vector_load %arg7[%swap3A_140] {strides = array<i32>} : memref<10240xf32, #tpu.memory_space<vmem>>, vector<16xf32>,
      %swap3A_142 = vector.shape_cast %swap3A_141 : vector<16xf32> to vector<16xf32>
      %swap3A_143 = vector.shape_cast %while3A_33#12 : vector<16xf32> to vector<16xf32>
      tpu.vector_store %arg7[%swap3A_140], %swap3A_143 {strides = array<i32>} : memref<10240xf32, #tpu.memory_space<vmem>>, vector<16xf32>,
      %mul3A_144 = arith.constant 256 : i32
      %mul3A_145 = arith.muli %sub3A, %mul3A_144 : i32
      %add3A_146 = arith.constant 208 : i32
      %add3A_147 = arith.addi %mul3A_145, %add3A_146 : i32
      %swap3A_148 = arith.index_cast %add3A_147 : i32 to index
      %swap3A_149 = tpu.vector_load %arg7[%swap3A_148] {strides = array<i32>} : memref<10240xf32, #tpu.memory_space<vmem>>, vector<16xf32>,
      %swap3A_150 = vector.shape_cast %swap3A_149 : vector<16xf32> to vector<16xf32>
      %swap3A_151 = vector.shape_cast %while3A_33#13 : vector<16xf32> to vector<16xf32>
      tpu.vector_store %arg7[%swap3A_148], %swap3A_151 {strides = array<i32>} : memref<10240xf32, #tpu.memory_space<vmem>>, vector<16xf32>,
      %mul3A_152 = arith.constant 256 : i32
      %mul3A_153 = arith.muli %sub3A, %mul3A_152 : i32
      %add3A_154 = arith.constant 224 : i32
      %add3A_155 = arith.addi %mul3A_153, %add3A_154 : i32
      %swap3A_156 = arith.index_cast %add3A_155 : i32 to index
      %swap3A_157 = tpu.vector_load %arg7[%swap3A_156] {strides = array<i32>} : memref<10240xf32, #tpu.memory_space<vmem>>, vector<16xf32>,
      %swap3A_158 = vector.shape_cast %swap3A_157 : vector<16xf32> to vector<16xf32>
      %swap3A_159 = vector.shape_cast %while3A_33#14 : vector<16xf32> to vector<16xf32>
      tpu.vector_store %arg7[%swap3A_156], %swap3A_159 {strides = array<i32>} : memref<10240xf32, #tpu.memory_space<vmem>>, vector<16xf32>,
      %mul3A_160 = arith.constant 256 : i32
      %mul3A_161 = arith.muli %sub3A, %mul3A_160 : i32
      %add3A_162 = arith.constant 240 : i32
      %add3A_163 = arith.addi %mul3A_161, %add3A_162 : i32
      %swap3A_164 = arith.index_cast %add3A_163 : i32 to index
      %swap3A_165 = tpu.vector_load %arg7[%swap3A_164] {strides = array<i32>} : memref<10240xf32, #tpu.memory_space<vmem>>, vector<16xf32>,
      %swap3A_166 = vector.shape_cast %swap3A_165 : vector<16xf32> to vector<16xf32>
      %swap3A_167 = vector.shape_cast %while3A_33#15 : vector<16xf32> to vector<16xf32>
      tpu.vector_store %arg7[%swap3A_164], %swap3A_167 {strides = array<i32>} : memref<10240xf32, #tpu.memory_space<vmem>>, vector<16xf32>,
    } else {
    }
    %mul3A_38 = arith.constant 256 : i32
    %mul3A_39 = arith.muli %multiple_of3A, %mul3A_38 : i32
    "tpu.region"() ({
      %run_scoped3A = tpu.sem_alloc : memref<!tpu.dma_semaphore, #tpu.memory_space<semaphore_mem>>
      %dma_start3A = tpu.memref_slice %arg5[%mul3A_39] : memref<327680xf32, #tpu.memory_space<hbm>> -> memref<10240xf32, #tpu.memory_space<hbm>>
      %dma_start3A_40 = tpu.memref_slice %arg5[%mul3A_39] : memref<327680xf32, #tpu.memory_space<hbm>> -> memref<10240xf32, #tpu.memory_space<hbm>>
      tpu.enqueue_dma source(%arg7 : memref<10240xf32, #tpu.memory_space<vmem>>) target(%dma_start3A_40 : memref<10240xf32, #tpu.memory_space<hbm>>) target_semaphore(%run_scoped3A : memref<!tpu.dma_semaphore, #tpu.memory_space<semaphore_mem>>)
      %dma_wait3A = tpu.memref_slice %arg5[%mul3A_39] : memref<327680xf32, #tpu.memory_space<hbm>> -> memref<10240xf32, #tpu.memory_space<hbm>>
      %dma_wait3A_41 = tpu.memref_slice %arg5[%mul3A_39] : memref<327680xf32, #tpu.memory_space<hbm>> -> memref<10240xf32, #tpu.memory_space<hbm>>
      tpu.wait_dma2 semaphore(%run_scoped3A : memref<!tpu.dma_semaphore, #tpu.memory_space<semaphore_mem>>) src(%arg7 : memref<10240xf32, #tpu.memory_space<vmem>>) dst(%dma_wait3A_41 : memref<10240xf32, #tpu.memory_space<hbm>>)
      tpu.yield
    }) : () -> ()
    return
  }
}

module attributes {stable_mosaic.version = 14 : i64} {
  func.func @_mlp1_body(%arg0: i32, %arg1: memref<512x16xf32, #tpu.memory_space<vmem>>, %arg2: memref<16x64xf32, #tpu.memory_space<vmem>>, %arg3: memref<1x64xf32, #tpu.memory_space<vmem>>, %arg4: memref<64x64xf32, #tpu.memory_space<vmem>>, %arg5: memref<1x64xf32, #tpu.memory_space<vmem>>, %arg6: memref<64x128xf32, #tpu.memory_space<vmem>>, %arg7: memref<1x128xf32, #tpu.memory_space<vmem>>, %arg8: memref<512x128xf32, #tpu.memory_space<vmem>>) attributes {dimension_semantics = [#tpu.dimension_semantics<arbitrary>], iteration_bounds = array<i64: 626>, scalar_prefetch = 0 : i64, scratch_operands = 0 : i64, tpu.core_type = #tpu.core_type<tc>, window_params = [{transform_indices = @transform_0, window_bounds = array<i64: 512, 16>}, {pipeline_mode = #tpu.pipeline_mode<synchronous>, transform_indices = @transform_1, window_bounds = array<i64: 16, 64>}, {pipeline_mode = #tpu.pipeline_mode<synchronous>, transform_indices = @transform_2, window_bounds = array<i64: 1, 64>}, {pipeline_mode = #tpu.pipeline_mode<synchronous>, transform_indices = @transform_3, window_bounds = array<i64: 64, 64>}, {pipeline_mode = #tpu.pipeline_mode<synchronous>, transform_indices = @transform_4, window_bounds = array<i64: 1, 64>}, {pipeline_mode = #tpu.pipeline_mode<synchronous>, transform_indices = @transform_5, window_bounds = array<i64: 64, 128>}, {pipeline_mode = #tpu.pipeline_mode<synchronous>, transform_indices = @transform_6, window_bounds = array<i64: 1, 128>}, {transform_indices = @transform_7, window_bounds = array<i64: 512, 128>}]} {
    %get3A = arith.constant 0 : index
    %get3A_0 = arith.constant 0 : index
    %get3A_1 = vector.load %arg1[%get3A, %get3A_0] : memref<512x16xf32, #tpu.memory_space<vmem>>, vector<512x16xf32>
    %get3A_2 = arith.constant 0 : index
    %get3A_3 = arith.constant 0 : index
    %get3A_4 = vector.load %arg2[%get3A_2, %get3A_3] : memref<16x64xf32, #tpu.memory_space<vmem>>, vector<16x64xf32>
    %dot_general3A = arith.constant dense<0.000000e+00> : vector<512x64xf32>
    %dot_general3A_5 = tpu.matmul %get3A_1, %get3A_4, %dot_general3A {dimension_numbers = #tpu.dot_dimension_numbers<[1], [0], [0], [1], [0, 0, 1, 1], [], []>, transpose_lhs_hint = false} : vector<512x16xf32>, vector<16x64xf32>, vector<512x64xf32> -> vector<512x64xf32>
    %get3A_6 = arith.constant 0 : index
    %get3A_7 = arith.constant 0 : index
    %get3A_8 = vector.load %arg3[%get3A_6, %get3A_7] : memref<1x64xf32, #tpu.memory_space<vmem>>, vector<1x64xf32>
    %add3A = vector.broadcast %get3A_8 : vector<1x64xf32> to vector<512x64xf32>
    %add3A_9 = arith.addf %dot_general3A_5, %add3A : vector<512x64xf32>
    %max3A = arith.constant 0.000000e+00 : f32
    %max3A_10 = vector.broadcast %max3A : f32 to vector<512x64xf32>
    %max3A_11 = arith.maximumf %add3A_9, %max3A_10 : vector<512x64xf32>
    %get3A_12 = arith.constant 0 : index
    %get3A_13 = arith.constant 0 : index
    %get3A_14 = vector.load %arg4[%get3A_12, %get3A_13] : memref<64x64xf32, #tpu.memory_space<vmem>>, vector<64x64xf32>
    %dot_general3A_15 = arith.constant dense<0.000000e+00> : vector<512x64xf32>
    %dot_general3A_16 = tpu.matmul %max3A_11, %get3A_14, %dot_general3A_15 {dimension_numbers = #tpu.dot_dimension_numbers<[1], [0], [0], [1], [0, 0, 1, 1], [], []>, transpose_lhs_hint = false} : vector<512x64xf32>, vector<64x64xf32>, vector<512x64xf32> -> vector<512x64xf32>
    %get3A_17 = arith.constant 0 : index
    %get3A_18 = arith.constant 0 : index
    %get3A_19 = vector.load %arg5[%get3A_17, %get3A_18] : memref<1x64xf32, #tpu.memory_space<vmem>>, vector<1x64xf32>
    %add3A_20 = vector.broadcast %get3A_19 : vector<1x64xf32> to vector<512x64xf32>
    %add3A_21 = arith.addf %dot_general3A_16, %add3A_20 : vector<512x64xf32>
    %max3A_22 = arith.constant 0.000000e+00 : f32
    %max3A_23 = vector.broadcast %max3A_22 : f32 to vector<512x64xf32>
    %max3A_24 = arith.maximumf %add3A_21, %max3A_23 : vector<512x64xf32>
    %get3A_25 = arith.constant 0 : index
    %get3A_26 = arith.constant 0 : index
    %get3A_27 = vector.load %arg6[%get3A_25, %get3A_26] : memref<64x128xf32, #tpu.memory_space<vmem>>, vector<64x128xf32>
    %dot_general3A_28 = arith.constant dense<0.000000e+00> : vector<512x128xf32>
    %dot_general3A_29 = tpu.matmul %max3A_24, %get3A_27, %dot_general3A_28 {dimension_numbers = #tpu.dot_dimension_numbers<[1], [0], [0], [1], [0, 0, 1, 1], [], []>, transpose_lhs_hint = false} : vector<512x64xf32>, vector<64x128xf32>, vector<512x128xf32> -> vector<512x128xf32>
    %get3A_30 = arith.constant 0 : index
    %get3A_31 = arith.constant 0 : index
    %get3A_32 = vector.load %arg7[%get3A_30, %get3A_31] : memref<1x128xf32, #tpu.memory_space<vmem>>, vector<1x128xf32>
    %add3A_33 = vector.broadcast %get3A_32 : vector<1x128xf32> to vector<512x128xf32>
    %add3A_34 = arith.addf %dot_general3A_29, %add3A_33 : vector<512x128xf32>
    %swap3A = arith.constant 0 : index
    %swap3A_35 = arith.constant 0 : index
    %swap3A_36 = vector.load %arg8[%swap3A, %swap3A_35] : memref<512x128xf32, #tpu.memory_space<vmem>>, vector<512x128xf32>
    tpu.vector_store %arg8[%swap3A, %swap3A_35], %add3A_34 {strides = array<i32>} : memref<512x128xf32, #tpu.memory_space<vmem>>, vector<512x128xf32>,
    return
  }
  func.func @transform_0(%arg0: i32) -> (i32, i32) {
    %c0_i32 = arith.constant 0 : i32
    %c0_i32_0 = arith.constant 0 : i32
    return %arg0, %c0_i32 : i32, i32
  }
  func.func @transform_1(%arg0: i32) -> (i32, i32) {
    %c0_i32 = arith.constant 0 : i32
    %c0_i32_0 = arith.constant 0 : i32
    %c0_i32_1 = arith.constant 0 : i32
    return %c0_i32, %c0_i32_0 : i32, i32
  }
  func.func @transform_2(%arg0: i32) -> (i32, i32) {
    %c0_i32 = arith.constant 0 : i32
    %c0_i32_0 = arith.constant 0 : i32
    %c0_i32_1 = arith.constant 0 : i32
    return %c0_i32, %c0_i32_0 : i32, i32
  }
  func.func @transform_3(%arg0: i32) -> (i32, i32) {
    %c0_i32 = arith.constant 0 : i32
    %c0_i32_0 = arith.constant 0 : i32
    %c0_i32_1 = arith.constant 0 : i32
    return %c0_i32, %c0_i32_0 : i32, i32
  }
  func.func @transform_4(%arg0: i32) -> (i32, i32) {
    %c0_i32 = arith.constant 0 : i32
    %c0_i32_0 = arith.constant 0 : i32
    %c0_i32_1 = arith.constant 0 : i32
    return %c0_i32, %c0_i32_0 : i32, i32
  }
  func.func @transform_5(%arg0: i32) -> (i32, i32) {
    %c0_i32 = arith.constant 0 : i32
    %c0_i32_0 = arith.constant 0 : i32
    %c0_i32_1 = arith.constant 0 : i32
    return %c0_i32, %c0_i32_0 : i32, i32
  }
  func.func @transform_6(%arg0: i32) -> (i32, i32) {
    %c0_i32 = arith.constant 0 : i32
    %c0_i32_0 = arith.constant 0 : i32
    %c0_i32_1 = arith.constant 0 : i32
    return %c0_i32, %c0_i32_0 : i32, i32
  }
  func.func @transform_7(%arg0: i32) -> (i32, i32) {
    %c0_i32 = arith.constant 0 : i32
    %c0_i32_0 = arith.constant 0 : i32
    return %arg0, %c0_i32 : i32, i32
  }
}

module attributes {stable_mosaic.version = 14 : i64} {
  func.func @_mlp2_body(%arg0: i32, %arg1: memref<512x128xf32, #tpu.memory_space<vmem>>, %arg2: memref<512x16xf32, #tpu.memory_space<vmem>>, %arg3: memref<128x128xf32, #tpu.memory_space<vmem>>, %arg4: memref<16x128xf32, #tpu.memory_space<vmem>>, %arg5: memref<1x128xf32, #tpu.memory_space<vmem>>, %arg6: memref<128x128xf32, #tpu.memory_space<vmem>>, %arg7: memref<1x128xf32, #tpu.memory_space<vmem>>, %arg8: memref<128x256xf32, #tpu.memory_space<vmem>>, %arg9: memref<1x256xf32, #tpu.memory_space<vmem>>, %arg10: memref<512x256xf32, #tpu.memory_space<vmem>>) attributes {dimension_semantics = [#tpu.dimension_semantics<arbitrary>], iteration_bounds = array<i64: 160>, scalar_prefetch = 0 : i64, scratch_operands = 0 : i64, tpu.core_type = #tpu.core_type<tc>, window_params = [{transform_indices = @transform_0, window_bounds = array<i64: 512, 128>}, {transform_indices = @transform_1, window_bounds = array<i64: 512, 16>}, {pipeline_mode = #tpu.pipeline_mode<synchronous>, transform_indices = @transform_2, window_bounds = array<i64: 128, 128>}, {pipeline_mode = #tpu.pipeline_mode<synchronous>, transform_indices = @transform_3, window_bounds = array<i64: 16, 128>}, {pipeline_mode = #tpu.pipeline_mode<synchronous>, transform_indices = @transform_4, window_bounds = array<i64: 1, 128>}, {pipeline_mode = #tpu.pipeline_mode<synchronous>, transform_indices = @transform_5, window_bounds = array<i64: 128, 128>}, {pipeline_mode = #tpu.pipeline_mode<synchronous>, transform_indices = @transform_6, window_bounds = array<i64: 1, 128>}, {pipeline_mode = #tpu.pipeline_mode<synchronous>, transform_indices = @transform_7, window_bounds = array<i64: 128, 256>}, {pipeline_mode = #tpu.pipeline_mode<synchronous>, transform_indices = @transform_8, window_bounds = array<i64: 1, 256>}, {transform_indices = @transform_9, window_bounds = array<i64: 512, 256>}]} {
    %get3A = arith.constant 0 : index
    %get3A_0 = arith.constant 0 : index
    %get3A_1 = vector.load %arg2[%get3A, %get3A_0] : memref<512x16xf32, #tpu.memory_space<vmem>>, vector<512x16xf32>
    %get3A_2 = arith.constant 0 : index
    %get3A_3 = arith.constant 0 : index
    %get3A_4 = vector.load %arg1[%get3A_2, %get3A_3] : memref<512x128xf32, #tpu.memory_space<vmem>>, vector<512x128xf32>
    %get3A_5 = arith.constant 0 : index
    %get3A_6 = arith.constant 0 : index
    %get3A_7 = vector.load %arg3[%get3A_5, %get3A_6] : memref<128x128xf32, #tpu.memory_space<vmem>>, vector<128x128xf32>
    %dot_general3A = arith.constant dense<0.000000e+00> : vector<512x128xf32>
    %dot_general3A_8 = tpu.matmul %get3A_4, %get3A_7, %dot_general3A {dimension_numbers = #tpu.dot_dimension_numbers<[1], [0], [0], [1], [0, 0, 1, 1], [], []>, transpose_lhs_hint = false} : vector<512x128xf32>, vector<128x128xf32>, vector<512x128xf32> -> vector<512x128xf32>
    %get3A_9 = arith.constant 0 : index
    %get3A_10 = arith.constant 0 : index
    %get3A_11 = vector.load %arg4[%get3A_9, %get3A_10] : memref<16x128xf32, #tpu.memory_space<vmem>>, vector<16x128xf32>
    %dot_general3A_12 = arith.constant dense<0.000000e+00> : vector<512x128xf32>
    %dot_general3A_13 = tpu.matmul %get3A_1, %get3A_11, %dot_general3A_12 {dimension_numbers = #tpu.dot_dimension_numbers<[1], [0], [0], [1], [0, 0, 1, 1], [], []>, transpose_lhs_hint = false} : vector<512x16xf32>, vector<16x128xf32>, vector<512x128xf32> -> vector<512x128xf32>
    %add3A = arith.addf %dot_general3A_8, %dot_general3A_13 : vector<512x128xf32>
    %get3A_14 = arith.constant 0 : index
    %get3A_15 = arith.constant 0 : index
    %get3A_16 = vector.load %arg5[%get3A_14, %get3A_15] : memref<1x128xf32, #tpu.memory_space<vmem>>, vector<1x128xf32>
    %add3A_17 = vector.broadcast %get3A_16 : vector<1x128xf32> to vector<512x128xf32>
    %add3A_18 = arith.addf %add3A, %add3A_17 : vector<512x128xf32>
    %max3A = arith.constant 0.000000e+00 : f32
    %max3A_19 = vector.broadcast %max3A : f32 to vector<512x128xf32>
    %max3A_20 = arith.maximumf %add3A_18, %max3A_19 : vector<512x128xf32>
    %get3A_21 = arith.constant 0 : index
    %get3A_22 = arith.constant 0 : index
    %get3A_23 = vector.load %arg6[%get3A_21, %get3A_22] : memref<128x128xf32, #tpu.memory_space<vmem>>, vector<128x128xf32>
    %dot_general3A_24 = arith.constant dense<0.000000e+00> : vector<512x128xf32>
    %dot_general3A_25 = tpu.matmul %max3A_20, %get3A_23, %dot_general3A_24 {dimension_numbers = #tpu.dot_dimension_numbers<[1], [0], [0], [1], [0, 0, 1, 1], [], []>, transpose_lhs_hint = false} : vector<512x128xf32>, vector<128x128xf32>, vector<512x128xf32> -> vector<512x128xf32>
    %get3A_26 = arith.constant 0 : index
    %get3A_27 = arith.constant 0 : index
    %get3A_28 = vector.load %arg7[%get3A_26, %get3A_27] : memref<1x128xf32, #tpu.memory_space<vmem>>, vector<1x128xf32>
    %add3A_29 = vector.broadcast %get3A_28 : vector<1x128xf32> to vector<512x128xf32>
    %add3A_30 = arith.addf %dot_general3A_25, %add3A_29 : vector<512x128xf32>
    %max3A_31 = arith.constant 0.000000e+00 : f32
    %max3A_32 = vector.broadcast %max3A_31 : f32 to vector<512x128xf32>
    %max3A_33 = arith.maximumf %add3A_30, %max3A_32 : vector<512x128xf32>
    %get3A_34 = arith.constant 0 : index
    %get3A_35 = arith.constant 0 : index
    %get3A_36 = vector.load %arg8[%get3A_34, %get3A_35] : memref<128x256xf32, #tpu.memory_space<vmem>>, vector<128x256xf32>
    %dot_general3A_37 = arith.constant dense<0.000000e+00> : vector<512x256xf32>
    %dot_general3A_38 = tpu.matmul %max3A_33, %get3A_36, %dot_general3A_37 {dimension_numbers = #tpu.dot_dimension_numbers<[1], [0], [0], [1], [0, 0, 1, 1], [], []>, transpose_lhs_hint = false} : vector<512x128xf32>, vector<128x256xf32>, vector<512x256xf32> -> vector<512x256xf32>
    %get3A_39 = arith.constant 0 : index
    %get3A_40 = arith.constant 0 : index
    %get3A_41 = vector.load %arg9[%get3A_39, %get3A_40] : memref<1x256xf32, #tpu.memory_space<vmem>>, vector<1x256xf32>
    %add3A_42 = vector.broadcast %get3A_41 : vector<1x256xf32> to vector<512x256xf32>
    %add3A_43 = arith.addf %dot_general3A_38, %add3A_42 : vector<512x256xf32>
    %swap3A = arith.constant 0 : index
    %swap3A_44 = arith.constant 0 : index
    %swap3A_45 = vector.load %arg10[%swap3A, %swap3A_44] : memref<512x256xf32, #tpu.memory_space<vmem>>, vector<512x256xf32>
    tpu.vector_store %arg10[%swap3A, %swap3A_44], %add3A_43 {strides = array<i32>} : memref<512x256xf32, #tpu.memory_space<vmem>>, vector<512x256xf32>,
    return
  }
  func.func @transform_0(%arg0: i32) -> (i32, i32) {
    %c0_i32 = arith.constant 0 : i32
    %c0_i32_0 = arith.constant 0 : i32
    return %arg0, %c0_i32 : i32, i32
  }
  func.func @transform_1(%arg0: i32) -> (i32, i32) {
    %c0_i32 = arith.constant 0 : i32
    %c0_i32_0 = arith.constant 0 : i32
    return %arg0, %c0_i32 : i32, i32
  }
  func.func @transform_2(%arg0: i32) -> (i32, i32) {
    %c0_i32 = arith.constant 0 : i32
    %c0_i32_0 = arith.constant 0 : i32
    %c0_i32_1 = arith.constant 0 : i32
    return %c0_i32, %c0_i32_0 : i32, i32
  }
  func.func @transform_3(%arg0: i32) -> (i32, i32) {
    %c0_i32 = arith.constant 0 : i32
    %c0_i32_0 = arith.constant 0 : i32
    %c0_i32_1 = arith.constant 0 : i32
    return %c0_i32, %c0_i32_0 : i32, i32
  }
  func.func @transform_4(%arg0: i32) -> (i32, i32) {
    %c0_i32 = arith.constant 0 : i32
    %c0_i32_0 = arith.constant 0 : i32
    %c0_i32_1 = arith.constant 0 : i32
    return %c0_i32, %c0_i32_0 : i32, i32
  }
  func.func @transform_5(%arg0: i32) -> (i32, i32) {
    %c0_i32 = arith.constant 0 : i32
    %c0_i32_0 = arith.constant 0 : i32
    %c0_i32_1 = arith.constant 0 : i32
    return %c0_i32, %c0_i32_0 : i32, i32
  }
  func.func @transform_6(%arg0: i32) -> (i32, i32) {
    %c0_i32 = arith.constant 0 : i32
    %c0_i32_0 = arith.constant 0 : i32
    %c0_i32_1 = arith.constant 0 : i32
    return %c0_i32, %c0_i32_0 : i32, i32
  }
  func.func @transform_7(%arg0: i32) -> (i32, i32) {
    %c0_i32 = arith.constant 0 : i32
    %c0_i32_0 = arith.constant 0 : i32
    %c0_i32_1 = arith.constant 0 : i32
    return %c0_i32, %c0_i32_0 : i32, i32
  }
  func.func @transform_8(%arg0: i32) -> (i32, i32) {
    %c0_i32 = arith.constant 0 : i32
    %c0_i32_0 = arith.constant 0 : i32
    %c0_i32_1 = arith.constant 0 : i32
    return %c0_i32, %c0_i32_0 : i32, i32
  }
  func.func @transform_9(%arg0: i32) -> (i32, i32) {
    %c0_i32 = arith.constant 0 : i32
    %c0_i32_0 = arith.constant 0 : i32
    return %arg0, %c0_i32 : i32, i32
  }
}

module attributes {stable_mosaic.version = 14 : i64} {
  func.func @_head_body(%arg0: i32, %arg1: memref<1280x256xf32, #tpu.memory_space<vmem>>, %arg2: memref<256x256xf32, #tpu.memory_space<vmem>>, %arg3: memref<1x256xf32, #tpu.memory_space<vmem>>, %arg4: memref<256x128xf32, #tpu.memory_space<vmem>>, %arg5: memref<1x128xf32, #tpu.memory_space<vmem>>, %arg6: memref<1x128xf32, #tpu.memory_space<vmem>>, %arg7: memref<1x1xf32, #tpu.memory_space<vmem>>, %arg8: memref<1280x1xf32, #tpu.memory_space<vmem>>) attributes {dimension_semantics = [#tpu.dimension_semantics<arbitrary>], iteration_bounds = array<i64: 1>, scalar_prefetch = 0 : i64, scratch_operands = 0 : i64, tpu.core_type = #tpu.core_type<tc>, window_params = [{pipeline_mode = #tpu.pipeline_mode<synchronous>, transform_indices = @transform_0, window_bounds = array<i64: 1280, 256>}, {pipeline_mode = #tpu.pipeline_mode<synchronous>, transform_indices = @transform_1, window_bounds = array<i64: 256, 256>}, {pipeline_mode = #tpu.pipeline_mode<synchronous>, transform_indices = @transform_2, window_bounds = array<i64: 1, 256>}, {pipeline_mode = #tpu.pipeline_mode<synchronous>, transform_indices = @transform_3, window_bounds = array<i64: 256, 128>}, {pipeline_mode = #tpu.pipeline_mode<synchronous>, transform_indices = @transform_4, window_bounds = array<i64: 1, 128>}, {pipeline_mode = #tpu.pipeline_mode<synchronous>, transform_indices = @transform_5, window_bounds = array<i64: 1, 128>}, {pipeline_mode = #tpu.pipeline_mode<synchronous>, transform_indices = @transform_6, window_bounds = array<i64: 1, 1>}, {pipeline_mode = #tpu.pipeline_mode<synchronous>, transform_indices = @transform_7, window_bounds = array<i64: 1280, 1>}]} {
    %get3A = arith.constant 0 : index
    %get3A_0 = arith.constant 0 : index
    %get3A_1 = vector.load %arg1[%get3A, %get3A_0] : memref<1280x256xf32, #tpu.memory_space<vmem>>, vector<1280x256xf32>
    %get3A_2 = arith.constant 0 : index
    %get3A_3 = arith.constant 0 : index
    %get3A_4 = vector.load %arg2[%get3A_2, %get3A_3] : memref<256x256xf32, #tpu.memory_space<vmem>>, vector<256x256xf32>
    %dot_general3A = arith.constant dense<0.000000e+00> : vector<1280x256xf32>
    %dot_general3A_5 = tpu.matmul %get3A_1, %get3A_4, %dot_general3A {dimension_numbers = #tpu.dot_dimension_numbers<[1], [0], [0], [1], [0, 0, 1, 1], [], []>, transpose_lhs_hint = false} : vector<1280x256xf32>, vector<256x256xf32>, vector<1280x256xf32> -> vector<1280x256xf32>
    %get3A_6 = arith.constant 0 : index
    %get3A_7 = arith.constant 0 : index
    %get3A_8 = vector.load %arg3[%get3A_6, %get3A_7] : memref<1x256xf32, #tpu.memory_space<vmem>>, vector<1x256xf32>
    %add3A = vector.broadcast %get3A_8 : vector<1x256xf32> to vector<1280x256xf32>
    %add3A_9 = arith.addf %dot_general3A_5, %add3A : vector<1280x256xf32>
    %max3A = arith.constant 0.000000e+00 : f32
    %max3A_10 = vector.broadcast %max3A : f32 to vector<1280x256xf32>
    %max3A_11 = arith.maximumf %add3A_9, %max3A_10 : vector<1280x256xf32>
    %get3A_12 = arith.constant 0 : index
    %get3A_13 = arith.constant 0 : index
    %get3A_14 = vector.load %arg4[%get3A_12, %get3A_13] : memref<256x128xf32, #tpu.memory_space<vmem>>, vector<256x128xf32>
    %dot_general3A_15 = arith.constant dense<0.000000e+00> : vector<1280x128xf32>
    %dot_general3A_16 = tpu.matmul %max3A_11, %get3A_14, %dot_general3A_15 {dimension_numbers = #tpu.dot_dimension_numbers<[1], [0], [0], [1], [0, 0, 1, 1], [], []>, transpose_lhs_hint = false} : vector<1280x256xf32>, vector<256x128xf32>, vector<1280x128xf32> -> vector<1280x128xf32>
    %get3A_17 = arith.constant 0 : index
    %get3A_18 = arith.constant 0 : index
    %get3A_19 = vector.load %arg5[%get3A_17, %get3A_18] : memref<1x128xf32, #tpu.memory_space<vmem>>, vector<1x128xf32>
    %add3A_20 = vector.broadcast %get3A_19 : vector<1x128xf32> to vector<1280x128xf32>
    %add3A_21 = arith.addf %dot_general3A_16, %add3A_20 : vector<1280x128xf32>
    %max3A_22 = arith.constant 0.000000e+00 : f32
    %max3A_23 = vector.broadcast %max3A_22 : f32 to vector<1280x128xf32>
    %max3A_24 = arith.maximumf %add3A_21, %max3A_23 : vector<1280x128xf32>
    %get3A_25 = arith.constant 0 : index
    %get3A_26 = arith.constant 0 : index
    %get3A_27 = vector.load %arg6[%get3A_25, %get3A_26] : memref<1x128xf32, #tpu.memory_space<vmem>>, vector<1x128xf32>
    %mul3A = vector.broadcast %get3A_27 : vector<1x128xf32> to vector<1280x128xf32>
    %mul3A_28 = arith.mulf %max3A_24, %mul3A : vector<1280x128xf32>
    %reduce_sum3A = arith.constant dense<0.000000e+00> : vector<1280xf32>
    %reduce_sum3A_29 = vector.multi_reduction <add>, %mul3A_28, %reduce_sum3A [1] : vector<1280x128xf32> to vector<1280xf32>
    %broadcast_in_dim3A = vector.shape_cast %reduce_sum3A_29 : vector<1280xf32> to vector<1280x1xf32>
    %get3A_30 = arith.constant 0 : index
    %get3A_31 = arith.constant 0 : index
    %get3A_32 = vector.load %arg7[%get3A_30, %get3A_31] : memref<1x1xf32, #tpu.memory_space<vmem>>, vector<1x1xf32>
    %add3A_33 = vector.broadcast %get3A_32 : vector<1x1xf32> to vector<1280x1xf32>
    %add3A_34 = arith.addf %broadcast_in_dim3A, %add3A_33 : vector<1280x1xf32>
    %logistic3A = arith.negf %add3A_34 : vector<1280x1xf32>
    %logistic3A_35 = math.exp %logistic3A : vector<1280x1xf32>
    %logistic3A_36 = arith.constant 1.000000e+00 : f32
    %logistic3A_37 = vector.broadcast %logistic3A_36 : f32 to vector<1280x1xf32>
    %logistic3A_38 = arith.addf %logistic3A_37, %logistic3A_35 : vector<1280x1xf32>
    %logistic3A_39 = arith.divf %logistic3A_37, %logistic3A_38 : vector<1280x1xf32>
    %swap3A = arith.constant 0 : index
    %swap3A_40 = arith.constant 0 : index
    %swap3A_41 = vector.load %arg8[%swap3A, %swap3A_40] : memref<1280x1xf32, #tpu.memory_space<vmem>>, vector<1280x1xf32>
    tpu.vector_store %arg8[%swap3A, %swap3A_40], %logistic3A_39 {strides = array<i32>} : memref<1280x1xf32, #tpu.memory_space<vmem>>, vector<1280x1xf32>,
    return
  }
  func.func @transform_0(%arg0: i32) -> (i32, i32) {
    %c0_i32 = arith.constant 0 : i32
    %c0_i32_0 = arith.constant 0 : i32
    %c0_i32_1 = arith.constant 0 : i32
    return %c0_i32, %c0_i32_0 : i32, i32
  }
  func.func @transform_1(%arg0: i32) -> (i32, i32) {
    %c0_i32 = arith.constant 0 : i32
    %c0_i32_0 = arith.constant 0 : i32
    %c0_i32_1 = arith.constant 0 : i32
    return %c0_i32, %c0_i32_0 : i32, i32
  }
  func.func @transform_2(%arg0: i32) -> (i32, i32) {
    %c0_i32 = arith.constant 0 : i32
    %c0_i32_0 = arith.constant 0 : i32
    %c0_i32_1 = arith.constant 0 : i32
    return %c0_i32, %c0_i32_0 : i32, i32
  }
  func.func @transform_3(%arg0: i32) -> (i32, i32) {
    %c0_i32 = arith.constant 0 : i32
    %c0_i32_0 = arith.constant 0 : i32
    %c0_i32_1 = arith.constant 0 : i32
    return %c0_i32, %c0_i32_0 : i32, i32
  }
  func.func @transform_4(%arg0: i32) -> (i32, i32) {
    %c0_i32 = arith.constant 0 : i32
    %c0_i32_0 = arith.constant 0 : i32
    %c0_i32_1 = arith.constant 0 : i32
    return %c0_i32, %c0_i32_0 : i32, i32
  }
  func.func @transform_5(%arg0: i32) -> (i32, i32) {
    %c0_i32 = arith.constant 0 : i32
    %c0_i32_0 = arith.constant 0 : i32
    %c0_i32_1 = arith.constant 0 : i32
    return %c0_i32, %c0_i32_0 : i32, i32
  }
  func.func @transform_6(%arg0: i32) -> (i32, i32) {
    %c0_i32 = arith.constant 0 : i32
    %c0_i32_0 = arith.constant 0 : i32
    %c0_i32_1 = arith.constant 0 : i32
    return %c0_i32, %c0_i32_0 : i32, i32
  }
  func.func @transform_7(%arg0: i32) -> (i32, i32) {
    %c0_i32 = arith.constant 0 : i32
    %c0_i32_0 = arith.constant 0 : i32
    %c0_i32_1 = arith.constant 0 : i32
    return %c0_i32, %c0_i32_0 : i32, i32
  }
}

</mosaic_0001>

<sc_bundles>
// kernel: kernel.12.cloned.1.call-start
scs
__scs_entry_jumppad:
0x0: {  	(pc) =	sbr.rel $0x88, $3  }
0x1: {  	(tag) =	ssettag $0x0;
	lr =	simm.s32 $0x1  }
0x2: {  	[smem:$0x3F88] =	sst lr;
	_ =	strace $0xD0000000  }
0x3: {  	_ = 	snop  }
0x4: {  	_ = 	snop  }
0x5: {  	_ = 	snop  }
0x6: {  	_ = 	snop  }
0x7: {  	_ = 	snop  }
__scs_overlays_trampoline_lowered:
0x8: {  	[smem:$0x3F97] =	sst s0  }
0x9: {  	[smem:$0x3F98] =	sst s1  }
0xa: {  	[smem:$0x3F99] =	sst s2  }
0xb: {  	[smem:$0x3F9A] =	sst s3  }
0xc: {  	[smem:$0x3F9B] =	sst s4  }
0xd: {  	[smem:$0x3F9C] =	sst s5  }
0xe: {  	[smem:$0x3F9D] =	sst s6  }
0xf: {  	[smem:$0x3F9E] =	sst s7  }
0x10: {  	[smem:$0x3F9F] =	sst s8  }
0x11: {  	[smem:$0x3FA0] =	sst s9;
	s0 =	simm.s32 @!p0 $0x0  }
0x12: {  	s1 =	sld [smem:$0x3F86];
	s0 =	simm.s32 @p0 $0x1  }
0x13: {  	[smem:$0x3FA1] =	sst s0;
	s0 =	simm.s32 @!p1 $0x0  }
0x14: {  	s2 =	sld [smem:$0x3F85];
	s0 =	simm.s32 @p1 $0x1  }
0x15: {  	[smem:$0x3FA2] =	sst s0;
	s0 =	simm.s32 @!p2 $0x0  }
0x16: {  	s3 =	sld [smem:$0x3FDB];
	s0 =	simm.s32 @p2 $0x1  }
0x17: {  	s4 =	simm.s32 $0x1BF5;
	[smem:$0x3FA4] =	sst s0  }
0x18: {  	s0 =	sld [smem:$0x3F87];
	_ =	swait.ge [sflag:s4], $0x0  }
0x19: {  	s7 =	sld [smem:$0x3F88]  }
0x1a: {  	s8 =	sadd.s32 $0xFFFFE003, lr  }
0x1b: {  	s9 =	sadd.s32 $0xFFFFFEF7, lr;
	s5 =	simm.s32 $0xFFFFFFFF;
	p2 =	slt.u32 s8, $0xFFFFF086  }
0x1c: {  	p1 =	slt.u32 s9, $0xF7A;
	s5 =	simm.s32 @!p2 $0x0  }
0x1d: {  	s5 =	simm.s32 @p1 $0x1;
	p0 =	seq.s32 s7, s2  }
0x1e: {  	s7 =	smul.u32 @!p0 $0xF7A, s2;
	p2 =	seq.s32 @!p0 s5, $0x0  }
0x1f: {  	s9 =	smul.u32 $0xF7A, s1;
	s8 =	simm.s32 @!p0 $0x1BF5;
	p2 =	por !p2, p0  }
0x20: {  	[sflag:s8] =	ssyncset.s32 @!p0 $0xFFFFF086;
	s6 =	sadd.s32 @!p0 s3, s7;
	s7 =	simm.s32 @!p0 $0x108  }
0x21: {  	s3 =	sadd.s32 s3, s9;
	s6 =	sadd.s32 @!p0 $0x88, s6;
	s7 =	simm.s32 @p2 $0x1082  }
0x22: {  	[simem:s7], [sflag:s8] =	dma.local @!p0 [hbm:s6], $0xF7A  }
0x23: {  	s9 =	sor.u32 $0xD0000000, s2;
	s6 =	simm.s32 $0x108;
	_ =	swait.ge @!p0 [sflag:s8], $0x0  }
0x24: {  	s3 =	sadd.s32 $0x88, s3;
	s6 =	simm.s32 @!p1 $0x1082;
	[sflag:s4] =	ssyncset.s32 $0xFFFFF086  }
0x25: {  	[simem:s6], [sflag:s4] =	dma.local [hbm:s3], $0xF7A  }
0x26: {  	[smem:$0x3F88] =	sst s1;
	(tag) =	ssettag s2;
	_ =	strace s9  }
0x27: {  	s1 =	sld [smem:$0x3F98]  }
0x28: {  	s2 =	sld [smem:$0x3F99]  }
0x29: {  	s4 =	sld [smem:$0x3F9B]  }
0x2a: {  	p0 =	seq.s32 s5, $0x0;
	s5 =	sld [smem:$0x3F9C]  }
0x2b: {  	s6 =	sld [smem:$0x3F9D]  }
0x2c: {  	s7 =	sld [smem:$0x3F9E]  }
0x2d: {  	s3 =	simm.s32 $0x108;
	s8 =	sld [smem:$0x3F9F]  }
0x2e: {  	s3 =	simm.s32 @!p0 $0x1082;
	s9 =	sld [smem:$0x3FA0]  }
0x2f: {  	lr =	sadd.s32 s0, s3;
	s0 =	sld [smem:$0x3F97]  }
0x30: {  	s3 =	sld [smem:$0x3F9A]  }
0x31: {  	[smem:$0x3FA3] =	sst s10  }
0x32: {  	s10 =	sld [smem:$0x3FA1];
	_ =	sdelay $0x3  }
0x33: {  	p0 =	seq.s32 s10, $0x1;
	s10 =	sld [smem:$0x3FA3];
	_ =	sdelay $0x3  }
0x34: {  	[smem:$0x3FA3] =	sst s10  }
0x35: {  	s10 =	sld [smem:$0x3FA2];
	_ =	sdelay $0x3  }
0x36: {  	p1 =	seq.s32 s10, $0x1;
	s10 =	sld [smem:$0x3FA3];
	_ =	sdelay $0x3  }
0x37: {  	[smem:$0x3FA3] =	sst s10  }
0x38: {  	s10 =	sld [smem:$0x3FA4]  }
0x39: {  	_ = 	snop;
	(pc) =	sbr.ind lr, $3  }
0x3a: {  	_ = 	snop  }
0x3b: {  	_ = 	snop  }
0x3c: {  	p2 =	seq.s32 s10, $0x1;
	s10 =	sld [smem:$0x3FA3]  }
0x3d: {  	_ =	shalt  }
0x3e: {  	_ =	shalt  }
0x3f: {  	_ =	shalt  }
0x40: {  	_ =	shalt  }
0x41: {  	_ =	shalt  }
0x42: {  	_ =	shalt  }
0x43: {  	_ =	shalt  }
0x44: {  	_ =	shalt  }
0x45: {  	_ =	shalt  }
0x46: {  	_ =	shalt  }
0x47: {  	_ =	shalt  }
0x48: {  	_ =	shalt  }
0x49: {  	_ =	shalt  }
0x4a: {  	_ =	shalt  }
0x4b: {  	_ =	shalt  }
0x4c: {  	_ =	shalt  }
0x4d: {  	_ =	shalt  }
0x4e: {  	_ =	shalt  }
0x4f: {  	_ =	shalt  }
0x50: {  	_ =	shalt  }
0x51: {  	_ =	shalt  }
0x52: {  	_ =	shalt  }
0x53: {  	_ =	shalt  }
0x54: {  	_ =	shalt  }
0x55: {  	_ =	shalt  }
0x56: {  	_ =	shalt  }
0x57: {  	_ =	shalt  }
0x58: {  	_ =	shalt  }
0x59: {  	_ =	shalt  }
0x5a: {  	_ =	shalt  }
0x5b: {  	_ =	shalt  }
0x5c: {  	_ =	shalt  }
0x5d: {  	_ =	shalt  }
0x5e: {  	_ =	shalt  }
0x5f: {  	_ =	shalt  }
0x60: {  	_ =	shalt  }
0x61: {  	_ =	shalt  }
0x62: {  	_ =	shalt  }
0x63: {  	_ =	shalt  }
0x64: {  	_ =	shalt  }
0x65: {  	_ =	shalt  }
0x66: {  	_ =	shalt  }
0x67: {  	_ =	shalt  }
0x68: {  	_ =	shalt  }
0x69: {  	_ =	shalt  }
0x6a: {  	_ =	shalt  }
0x6b: {  	_ =	shalt  }
0x6c: {  	_ =	shalt  }
0x6d: {  	_ =	shalt  }
0x6e: {  	_ =	shalt  }
0x6f: {  	_ =	shalt  }
0x70: {  	_ =	shalt  }
0x71: {  	_ =	shalt  }
0x72: {  	_ =	shalt  }
0x73: {  	_ =	shalt  }
0x74: {  	_ =	shalt  }
0x75: {  	_ =	shalt  }
0x76: {  	_ =	shalt  }
0x77: {  	_ =	shalt  }
0x78: {  	_ =	shalt  }
0x79: {  	_ =	shalt  }
0x7a: {  	_ =	shalt  }
0x7b: {  	_ =	shalt  }
0x7c: {  	_ =	shalt  }
0x7d: {  	_ =	shalt  }
0x7e: {  	_ =	shalt  }
0x7f: {  	_ =	shalt  }
0x80: {  	_ =	shalt  }
0x81: {  	_ =	shalt  }
0x82: {  	_ =	shalt  }
0x83: {  	_ =	shalt  }
0x84: {  	_ =	shalt  }
0x85: {  	_ =	shalt  }
0x86: {  	_ =	shalt  }
0x87: {  	_ =	shalt  }
.Lfunc_end0:
.L_simem_size_0:
called_computation.2_lowered:
.L_overlay_start_0:
0x88: {  	s2 =	sld [smem:$0x3FD9]  }
0x89: {  	s3 =	sld [smem:$0x3FFE];
	_ =	sdelay $0x1  }
0x8a: {  	s1 =	srdreg.scid  }
0x8b: {  	s0 =	sand.u32 $0x1, s1  }
0x8c: {  	s16 =	sshll.u32 s0, $0xA;
	s2 =	sadd.s32 s3, s2  }
0x8d: {  	s2 =	sadd.s32 s2, s16  }
0x8e: {  	[smem:$0x3FAF] =	sst s2  }
0x8f: {  	_ = 	snop  }
0x90: {  	(tm) =	ssettm $0x1  }
0x91: {  	s17 =	sld [smem:$0x3FFB];
	_ =	sdelay $0x3  }
0x92: {  	_ =	strace s17  }
0x93: {  	s2 =	sld [smem:$0x3FFC];
	_ =	sdelay $0x3  }
0x94: {  	_ =	strace s2  }
0x95: {  	s2 =	sld [smem:$0x3FFD];
	_ =	sdelay $0x3  }
0x96: {  	_ =	strace s2  }
0x97: {  	_ =	strace $0x8FFFFFFF  }
0x98: {  	s18 =	sld [smem:$0x3FDB];
	_ =	sdelay $0x1  }
0x99: {  	s19 =	simm.s32 $_scs_section_size  }
0x9a: {  	s4 =	simm.s32 $_size__tile_overlayer_lowered;
	s5 =	simm.s32 $_tile_overlayer_lowered  }
0x9b: {  	s22 =	simm.s32 $0x1BFF;
	s21 =	sshll.u32 s5, $0x1;
	s2 =	sadd.s32 s19, s18  }
0x9c: {  	s6 =	simm.s32 $0x0;
	s20 =	sshll.u32 s4, $0x1;
	s4 =	sadd.s32 s21, s2  }
0x9d: {  	[timem:s6], [sflag:s22] =	dma.local [hbm:s4], s20  }
0x9e: {  	_ =	swait.ge [sflag:s22], s20  }
0x9f: {  	s3 =	ssub.s32 $0x0, s20;
	[sflag:s22] =	ssyncset.done $0x0  }
0xa0: {  	[sflag:s22] =	ssyncadd.s32 s3;
	_ =	sdelay $0x1  }
0xa1: {  	s23 =	simm.s32 $0x1B8B  }
0xa2: {  	_ =	swait.ge [sflag:s23], $0x1  }
0xa3: {  	[sflag:s23] =	ssyncset.done $0x0  }
0xa4: {  	s25 =	simm.s32 $0x1B8E;
	s24 =	sld [smem:$0x3FFE];
	[sflag:s23] =	ssyncadd.s32 $0xFFFFFFFF  }
0xa5: {  	s26 =	simm.s32 $execute0_lowered;
	[smem:$0x3FD2] =	sst s25  }
0xa6: {  	s4 =	sshll.u32 s26, $0x1;
	_ =	strace $0x80000049;
	[dreg:$0x1] =	wrdreg $0xFFFFFFFF  }
0xa7: {  	s28 =	simm.s32 $_size_execute0_lowered;
	s2 =	sadd.s32 s2, s4;
	[dreg:$0x0] =	wrdreg $0x0  }
0xa8: {  	s4 =	sshll.u32 s28, $0x1;
	[dreg:$0x2] =	wrdreg s2  }
0xa9: {  	[dreg:$0x3] =	wrdreg s4  }
0xaa: {  	[dreg:$0x4] =	wrdreg $0xC0  }
0xab: {  	_ =	task [dreg:s6], $0x5FFFF  }
0xac: {  	[dreg:$0x1] =	wrdreg $0xFFFFFFFF  }
0xad: {  	[dreg:$0x0] =	wrdreg $0x60  }
0xae: {  	[dreg:$0x2] =	wrdreg s24  }
0xaf: {  	[dreg:$0x3] =	wrdreg $0x9  }
0xb0: {  	_ =	task.clear_ibuf [dreg:s6], $0x4FFFF;
	_ =	strace $0x90000049  }
0xb1: {  	s29 =	simm.s32 $0x9;
	_ =	strace $0x8000004B  }
0xb2: {  	_ =	swait.ge [sflag:s29], $0x1  }
0xb3: {  	[sflag:s29] =	ssyncadd.s32 $0xFFFFFFFF  }
0xb4: {  	_ =	strace $0x9000004B  }
0xb5: {  	_ =	sfence  }
0xb6: {  	s30 =	sld [smem:$0x0];
	_ =	sdelay $0x2  }
0xb7: {  	s31 =	sshll.u32 s1, $0xD;
	s1 =	sshrl.u32 s1, $0x2  }
0xb8: {  	s3 =	sand.u32 $0x4000, s31;
	s1 =	sadd.s32 s1, s30  }
0xb9: {  	s0 =	sor.u32 s3, s0;
	s1 =	sshll.u32 s1, $0x11  }
0xba: {  	s0 =	sor.u32 s1, s0  }
0xbb: {  	s0 =	sadd.s32 $0x8F2B, s0  }
0xbc: {  	[sflag:s0] =	ssyncadd.remote.s32 $0x1  }
0xbd: {  	_ =	sfence.sel $0xFFFF  }
0xbe: {  	[dreg:$0x0] =	wrdreg $0xFFFFFFFF;
	(pc) =	sbr.abs _section_cstart, $3  }
0xbf: {  	[dreg:$0x1] =	wrdreg $0xFFFFFFFF  }
0xc0: {  	_ =	task.clear_ibuf [dreg:s6], $0x2FFFF;
	_ =	strace $0x9FFFFFFF  }
0xc1: {  	(tm) =	ssettm $0x7FFFFFFF  }
tec
execute0_lowered:
.L_overlay_start_1:
0x0: {  	(tag) =	ssettag $0x1  }
0x1: {  	s5 =	rddreg [dreg:$0x0]  }
0x2: {  	s0 =	rddreg [dreg:$0x1];
	s1 =	simm.s32 $0x0;
	s2 =	srdreg.scid  }
0x3: {  	s10 =	simm.s32 $0x15000;
	s11 =	simm.s32 $0x10000;
	s12 =	simm.s32 $0x0  }
0x4: {  	[smem:$0x7FF] =	sst s1;
	s3 =	sadd.s32 $0x5C0800, s5;
	s4 =	sand.u32 $0x1, s2  }
.Ltmp0:
0x5: {  	s2 =	stileid.u32;
	_ =	strace $0x8000004A;
	(pc) =	sbr.rel .LBB2_1-.Ltmp0, $4  }
0x6: {  	s6 =	sadd.s32 s4, s5;
	s7 =	ssub.s32 $0x2, s4;
	s8 =	sshll.u32 s2, $0x1  }
0x7: {  	s4 =	sadd.s32 $0xD2800, s5;
	s5 =	sadd.s32 $0xDE00, s5;
	s9 =	sshrl.u32 s7, $0x1  }
0x8: {  	s6 =	sadd.s32 s8, s6;
	s8 =	simm.s32 $0x15280;
	s7 =	ssub.s32 s7, s9  }
0x9: {  	v0 =	vimm.f32 $0.0e+00;
	s6 =	sadd.s32 $0xDC600, s6;
	s9 =	simm.s32 $0x1;
	s7 =	smax.u32 s7, $0x1  }
.LBB2_7:
0xa: {  	p0 =	slt.s32 s19, s13  }
0xb: {  	p1 =	sge.s32 @!p0 s19, s15  }
0xc: {  	p0 =	por p1, p0  }
0xd: {  	s14 =	ssub.s32 @!p0 s19, s13  }
0xe: {  	s14 =	sshll.u32 @!p0 s14, $0x9  }
0xf: {  	s14 =	sshra.s32 @!p0 s14, $0x2  }
0x10: {  	[tilespmem:s14+$0x10000] =	vst @!p0 v6  }
0x11: {  	[tilespmem:s14+$0x10010] =	vst @!p0 v5  }
0x12: {  	[tilespmem:s14+$0x10020] =	vst @!p0 v8  }
0x13: {  	[tilespmem:s14+$0x10030] =	vst @!p0 v2  }
0x14: {  	[tilespmem:s14+$0x10040] =	vst @!p0 v4  }
0x15: {  	[tilespmem:s14+$0x10050] =	vst @!p0 v7  }
0x16: {  	s31 =	sshll.u32 s13, $0x4;
	s12 =	sadd.s32 $0x1, s12;
	[tilespmem:s14+$0x10060] =	vst @!p0 v3  }
0x17: {  	s13 =	sand.u32 $0x1FFFFF80, s31;
	[tilespmem:s14+$0x10070] =	vst @!p0 v1;
	p0 =	sne.s32 s12, s7  }
.Ltmp1:
0x18: {  	s13 =	sadd.s32 s5, s13;
	(pc) =	sbr.rel @!p0 .LBB2_8-.Ltmp1, $4  }
0x19: {  	[hbm4b:s13+s1] =	stream.linear.scatter [tilespmem:s11], [sflag:$0x1], $0x5000, $0x38;
	[tilespmem:$0x15300] =	vst v63  }
0x1a: {  	_ =	swait.ge [sflag:s9], $0x5000  }
0x1b: {  	[sflag:s9] =	ssyncset.done $0x0  }
0x1c: {  	[sflag:s9] =	ssyncadd.s32 $0xFFFFB000  }
.LBB2_1:
0x1d: {  	[tilespmem:s8], [sflag:$0x1] =	stream.linear.gather [hbm4b:s6+s1], $0x8, $0x38;
	[tilespmem:$0x15300] =	vst v63  }
0x1e: {  	_ =	swait.ge [sflag:s9], $0x8  }
0x1f: {  	[sflag:s9] =	ssyncset.done $0x0  }
0x20: {  	[sflag:s9] =	ssyncadd.s32 $0xFFFFFFF8  }
0x21: {  	v1 =	vld [tilespmem:$0x15280];
	_ =	sdelay $0x4  }
0x22: {  	(v2sf) =	vpush v1, $0x0  }
0x23: {  	(v2sf) =	vpush v1, $0x2;
	_ =	sdelay $0xd  }
0x24: {  	s13 =	spop (v2sf)  }
0x25: {  	s15 =	simm.s32 $0x40;
	s17 =	simm.s32 $0x0;
	s14 =	spop (v2sf)  }
.LBB2_2:
0x26: {  	p0 =	sne.s32 s15, $0x13FC0;
	[tilespmem:s17+$0x10000] =	vst v0;
	s16 =	smov.u32 s15;
	s15 =	sadd.s32 $0x40, s15  }
.Ltmp2:
0x27: {  	(pc) =	sbr.rel @p0 .LBB2_2-.Ltmp2, $2  }
0x28: {  	_ =	sdelay $0x2  }
0x29: {  	s17 =	sshra.s32 s16, $0x2  }
0x2a: {  	(v2sf) =	vpush v1, $0x1  }
0x2b: {  	(v2sf) =	vpush v1, $0x3;
	_ =	sdelay $0xd  }
0x2c: {  	s15 =	spop (v2sf)  }
0x2d: {  	s16 =	spop (v2sf)  }
0x2e: {  	p0 =	slt.s32 s16, $0x1  }
.Ltmp3:
0x2f: {  	_ = 	snop;
	(pc) =	sbr.rel @p0 .LBB2_7-.Ltmp3, $4  }
0x30: {  	_ = 	snop  }
0x31: {  	v3 =	vimm.f32 $-Inf;
	v7 =	vimm.f32 $-Inf  }
0x32: {  	s19 =	simm.s32 $0xFFFFFFFF;
	v4 =	vimm.f32 $-Inf;
	v2 =	vimm.f32 $-Inf;
	v8 =	vimm.f32 $-Inf  }
0x33: {  	[tilespmem:s17+$0x10000] =	vst v0;
	s17 =	simm.s32 $0x0;
	v5 =	vimm.f32 $-Inf;
	v6 =	vimm.f32 $-Inf;
	s18 =	simm.s32 $0x0;
	v1 =	vimm.f32 $-Inf;
	[smem:$0x0] =	sst s19  }
.LBB2_4:
0x34: {  	s20 =	sshll.u32 s18, $0x9  }
0x35: {  	s20 =	sadd.s32 s14, s20  }
0x36: {  	s21 =	sshll.u32 s20, $0x4  }
0x37: {  	s21 =	sand.u32 $0x1FFFFF80, s21  }
0x38: {  	s21 =	sadd.s32 s3, s21  }
0x39: {  	[tilespmem:s17], [sflag:$0x1] =	stream.linear.gather [hbm4b:s21+s17], $0x10000, $0x38;
	[tilespmem:$0x15300] =	vst v63  }
0x3a: {  	_ =	swait.ge [sflag:s9], $0x10000  }
0x3b: {  	s20 =	sshrl.u32 s20, $0x3;
	[sflag:s9] =	ssyncset.done $0x0  }
0x3c: {  	s20 =	sadd.s32 s4, s20;
	[sflag:s9] =	ssyncadd.s32 $0xFFFF0000  }
0x3d: {  	[tilespmem:s10], [sflag:$0x1] =	stream.linear.gather [hbm4b:s20+s17], $0x200, $0x38;
	[tilespmem:$0x15300] =	vst v63  }
0x3e: {  	_ =	swait.ge [sflag:s9], $0x200  }
0x3f: {  	[sflag:s9] =	ssyncset.done $0x0  }
0x40: {  	s31 =	simm.s32 $0x0;
	[sflag:s9] =	ssyncadd.s32 $0xFFFFFE00  }
0x41: {  	v9 =	vld [tilespmem:s31+$0x15000];
	_ =	sdelay $0x4  }
0x42: {  	(v2sf) =	vpush v9, $0x0;
	_ =	sdelay $0xd  }
0x43: {  	s24 =	simm.s32 $0x40;
	s22 =	simm.s32 $0x8  }
0x44: {  	s26 =	simm.s32 $0xC;
	s25 =	simm.s32 $0x1;
	s23 =	spop (v2sf)  }
0x45: {  	s21 =	simm.s32 $0xC0;
	s20 =	simm.s32 $0x140;
	p1 =	seq.s32 s23, s19  }
.LBB2_5:
0x46: {  	s28 =	sshra.s32 s22, $0x2  }
0x47: {  	p2 =	slt.s32 @!p1 s19, s13;
	s22 =	smov.u32 s26;
	s26 =	sadd.s32 $0x4, s26  }
0x48: {  	p0 =	sne.s32 s26, $0x800;
	p3 =	por p2, p1  }
0x49: {  	p3 =	sge.s32 @!p3 s19, s15  }
0x4a: {  	p2 =	por @!p1 p3, p2  }
0x4b: {  	p1 =	por p2, p1  }
0x4c: {  	s29 =	ssub.s32 @!p1 s19, s13  }
0x4d: {  	s29 =	sshll.u32 @!p1 s29, $0x9  }
0x4e: {  	s29 =	sshra.s32 @!p1 s29, $0x2  }
0x4f: {  	[tilespmem:s29+$0x10070] =	vst @!p1 v1  }
0x50: {  	[tilespmem:s29+$0x10060] =	vst @!p1 v3  }
0x51: {  	[tilespmem:s29+$0x10050] =	vst @!p1 v7  }
0x52: {  	[tilespmem:s29+$0x10040] =	vst @!p1 v4  }
0x53: {  	[tilespmem:s29+$0x10030] =	vst @!p1 v2  }
0x54: {  	[tilespmem:s29+$0x10020] =	vst @!p1 v8  }
0x55: {  	[tilespmem:s29+$0x10000] =	vst @!p1 v6  }
0x56: {  	[tilespmem:s29+$0x10010] =	vst @!p1 v5  }
0x57: {  	v9 =	vld [tilespmem:s25+$0x15000];
	s25 =	smov.u32 s28  }
0x58: {  	v10 =	vld [tilespmem:s24+$0x30]  }
0x59: {  	v11 =	vld [tilespmem:s24+$0xFFFFFFF0]  }
0x5a: {  	v12 =	vld [tilespmem:s24+$0x0]  }
0x5b: {  	v13 =	vld [tilespmem:s24+$0x20]  }
0x5c: {  	(v2sf) =	vpush v9, $0x0;
	v9 =	vld [tilespmem:s24+$0xFFFFFFC0]  }
0x5d: {  	p1 =	sne.s32 s23, s19;
	s19 =	smov.u32 s23;
	v14 =	vld [tilespmem:s24+$0xFFFFFFD0];
	v1 =	vmax.f32 v1, v10  }
0x5e: {  	v15 =	vld [tilespmem:s24+$0xFFFFFFE0];
	v1 =	vpsel p1, v10, v1  }
0x5f: {  	v10 =	vld [tilespmem:s24+$0x10];
	s24 =	smov.u32 s21;
	s21 =	smov.u32 s20  }
0x60: {  	v2 =	vmax.f32 v2, v11;
	v3 =	vmax.f32 v3, v13  }
0x61: {  	v2 =	vpsel p1, v11, v2;
	v4 =	vmax.f32 v4, v12;
	v3 =	vpsel p1, v13, v3  }
0x62: {  	v4 =	vpsel p1, v12, v4;
	v6 =	vmax.f32 v6, v9  }
0x63: {  	v6 =	vpsel p1, v9, v6;
	v5 =	vmax.f32 v5, v14;
	v8 =	vmax.f32 v8, v15  }
0x64: {  	v5 =	vpsel p1, v14, v5;
	v8 =	vpsel p1, v15, v8;
	v7 =	vmax.f32 v7, v10  }
0x65: {  	v7 =	vpsel p1, v10, v7;
	_ =	sdelay $0x2  }
.Ltmp4:
0x66: {  	(pc) =	sbr.rel @p0 .LBB2_5-.Ltmp4, $3  }
0x67: {  	_ =	sdelay $0x1  }
0x68: {  	s23 =	spop (v2sf)  }
0x69: {  	s20 =	sadd.s32 $0x80, s20;
	p1 =	seq.s32 s23, s19  }
0x6a: {  	p0 =	slt.s32 @!p1 s19, s13  }
0x6b: {  	p2 =	por p0, p1  }
0x6c: {  	p2 =	sge.s32 @!p2 s19, s15  }
0x6d: {  	p0 =	por @!p1 p2, p0  }
0x6e: {  	p0 =	por p0, p1  }
0x6f: {  	s26 =	ssub.s32 @!p0 s19, s13  }
0x70: {  	s26 =	sshll.u32 @!p0 s26, $0x9  }
0x71: {  	s26 =	sshra.s32 @!p0 s26, $0x2  }
0x72: {  	[tilespmem:s26+$0x10070] =	vst @!p0 v1  }
0x73: {  	[tilespmem:s26+$0x10060] =	vst @!p0 v3  }
0x74: {  	[tilespmem:s26+$0x10050] =	vst @!p0 v7  }
0x75: {  	[tilespmem:s26+$0x10040] =	vst @!p0 v4  }
0x76: {  	[tilespmem:s26+$0x10030] =	vst @!p0 v2  }
0x77: {  	[tilespmem:s26+$0x10020] =	vst @!p0 v8  }
0x78: {  	[tilespmem:s26+$0x10000] =	vst @!p0 v6  }
0x79: {  	[tilespmem:s26+$0x10010] =	vst @!p0 v5  }
0x7a: {  	v9 =	vld [tilespmem:s25+$0x15000];
	_ =	sdelay $0x4  }
0x7b: {  	(v2sf) =	vpush v9, $0x0;
	_ =	sdelay $0xe  }
0x7c: {  	s25 =	spop (v2sf)  }
0x7d: {  	p0 =	seq.s32 s25, s23  }
0x7e: {  	p1 =	slt.s32 @!p0 s23, s13  }
0x7f: {  	v9 =	vld [tilespmem:s24+$0x30];
	p2 =	por p1, p0  }
0x80: {  	v11 =	vld [tilespmem:s24+$0x20];
	p2 =	sge.s32 @!p2 s23, s15  }
0x81: {  	v12 =	vld [tilespmem:s24+$0x10];
	p1 =	por @!p0 p2, p1  }
0x82: {  	v13 =	vld [tilespmem:s24+$0x0];
	p0 =	por p1, p0  }
0x83: {  	v10 =	vld [tilespmem:s24+$0xFFFFFFF0];
	s26 =	ssub.s32 @!p0 s23, s13  }
0x84: {  	p4 =	sne.s32 s23, s19;
	v15 =	vld [tilespmem:s24+$0xFFFFFFE0];
	v1 =	vmax.f32 v1, v9;
	s19 =	sshll.u32 @!p0 s26, $0x9  }
0x85: {  	v14 =	vld [tilespmem:s24+$0xFFFFFFC0];
	v3 =	vmax.f32 v3, v11;
	v1 =	vpsel p4, v9, v1;
	s19 =	sshra.s32 @!p0 s19, $0x2  }
0x86: {  	v16 =	vld [tilespmem:s24+$0xFFFFFFD0];
	v7 =	vmax.f32 v7, v12;
	v3 =	vpsel p4, v11, v3;
	[tilespmem:s19+$0x10070] =	vst @!p0 v1  }
0x87: {  	v4 =	vmax.f32 v4, v13;
	v7 =	vpsel p4, v12, v7;
	[tilespmem:s19+$0x10060] =	vst @!p0 v3  }
0x88: {  	v2 =	vmax.f32 v2, v10;
	v4 =	vpsel p4, v13, v4;
	[tilespmem:s19+$0x10050] =	vst @!p0 v7  }
0x89: {  	v8 =	vmax.f32 v8, v15;
	v2 =	vpsel p4, v10, v2;
	[tilespmem:s19+$0x10040] =	vst @!p0 v4  }
0x8a: {  	v6 =	vmax.f32 v6, v14;
	v8 =	vpsel p4, v15, v8;
	[tilespmem:s19+$0x10030] =	vst @!p0 v2  }
0x8b: {  	v5 =	vmax.f32 v5, v16;
	v6 =	vpsel p4, v14, v6;
	[tilespmem:s19+$0x10020] =	vst @!p0 v8  }
0x8c: {  	v5 =	vpsel p4, v16, v5;
	[tilespmem:s19+$0x10000] =	vst @!p0 v6  }
0x8d: {  	s22 =	sshra.s32 s22, $0x2;
	[tilespmem:s19+$0x10010] =	vst @!p0 v5  }
0x8e: {  	v9 =	vld [tilespmem:s22+$0x15000];
	_ =	sdelay $0x4  }
0x8f: {  	(v2sf) =	vpush v9, $0x0;
	_ =	sdelay $0xe  }
0x90: {  	s19 =	spop (v2sf)  }
0x91: {  	p0 =	seq.s32 s19, s25  }
0x92: {  	v10 =	vld [tilespmem:s21+$0xFFFFFFF0];
	p1 =	slt.s32 @!p0 s25, s13  }
0x93: {  	v9 =	vld [tilespmem:s21+$0x30];
	p2 =	por p1, p0  }
0x94: {  	v11 =	vld [tilespmem:s21+$0x20];
	p2 =	sge.s32 @!p2 s25, s15  }
0x95: {  	v54 =	vld [tilespmem:s21+$0x10];
	p1 =	por @!p0 p2, p1  }
0x96: {  	v55 =	vld [tilespmem:s21+$0x0];
	p0 =	por p1, p0  }
0x97: {  	v56 =	vld [tilespmem:s21+$0xFFFFFFC0];
	s22 =	ssub.s32 @!p0 s25, s13  }
0x98: {  	p5 =	sne.s32 s25, s23;
	v57 =	vld [tilespmem:s21+$0xFFFFFFE0];
	v1 =	vmax.f32 v1, v9;
	s22 =	sshll.u32 @!p0 s22, $0x9  }
0x99: {  	v58 =	vld [tilespmem:s21+$0xFFFFFFD0];
	v3 =	vmax.f32 v3, v11;
	v1 =	vpsel p5, v9, v1;
	s21 =	sshra.s32 @!p0 s22, $0x2  }
0x9a: {  	v7 =	vmax.f32 v7, v54;
	v3 =	vpsel p5, v11, v3;
	[tilespmem:s21+$0x10070] =	vst @!p0 v1  }
0x9b: {  	v4 =	vmax.f32 v4, v55;
	v7 =	vpsel p5, v54, v7;
	[tilespmem:s21+$0x10060] =	vst @!p0 v3  }
0x9c: {  	v2 =	vmax.f32 v2, v10;
	v4 =	vpsel p5, v55, v4;
	[tilespmem:s21+$0x10050] =	vst @!p0 v7  }
0x9d: {  	v8 =	vmax.f32 v8, v57;
	v2 =	vpsel p5, v10, v2;
	[tilespmem:s21+$0x10040] =	vst @!p0 v4  }
0x9e: {  	v6 =	vmax.f32 v6, v56;
	v8 =	vpsel p5, v57, v8;
	[tilespmem:s21+$0x10030] =	vst @!p0 v2  }
0x9f: {  	v5 =	vmax.f32 v5, v58;
	v6 =	vpsel p5, v56, v6;
	[tilespmem:s21+$0x10020] =	vst @!p0 v8  }
0xa0: {  	v5 =	vpsel p5, v58, v5;
	[tilespmem:s21+$0x10000] =	vst @!p0 v6  }
0xa1: {  	[tilespmem:s21+$0x10010] =	vst @!p0 v5  }
0xa2: {  	v9 =	vld [tilespmem:s20+$0x30]  }
0xa3: {  	v10 =	vld [tilespmem:s20+$0xFFFFFFF0]  }
0xa4: {  	v11 =	vld [tilespmem:s20+$0x0]  }
0xa5: {  	v59 =	vld [tilespmem:s20+$0x20]  }
0xa6: {  	v60 =	vld [tilespmem:s20+$0xFFFFFFC0]  }
0xa7: {  	v61 =	vld [tilespmem:s20+$0xFFFFFFD0]  }
0xa8: {  	v62 =	vld [tilespmem:s20+$0xFFFFFFE0]  }
0xa9: {  	v63 =	vld [tilespmem:s20+$0x10]  }
0xaa: {  	s18 =	sadd.s32 $0x1, s18  }
0xab: {  	p1 =	sne.s32 s18, s16;
	v1 =	vmax.f32 v1, v9  }
.Ltmp5:
0xac: {  	v2 =	vmax.f32 v2, v10;
	v3 =	vmax.f32 v3, v59;
	v4 =	vmax.f32 v4, v11;
	(pc) =	sbr.rel @p1 .LBB2_4-.Ltmp5, $4  }
.Ltmp6:
0xad: {  	p6 =	sne.s32 s19, s25;
	v6 =	vmax.f32 v6, v60;
	v5 =	vmax.f32 v5, v61;
	v8 =	vmax.f32 v8, v62;
	(pc) =	sbr.rel @!p1 .LBB2_7-.Ltmp6, $4  }
0xae: {  	v7 =	vmax.f32 v7, v63;
	v1 =	vpsel p6, v9, v1;
	v2 =	vpsel p6, v10, v2  }
0xaf: {  	v3 =	vpsel p6, v59, v3;
	v4 =	vpsel p6, v11, v4;
	v6 =	vpsel p6, v60, v6  }
0xb0: {  	[smem:$0x0] =	sst s19;
	v5 =	vpsel p6, v61, v5;
	v8 =	vpsel p6, v62, v8;
	v7 =	vpsel p6, v63, v7  }
0xb1: {  	_ = 	snop  }
.LBB2_8:
0xb2: {  	_ =	sfence.sel $0x180000  }
0xb3: {  	[bflag:$0x0] =	sbarrier.arrive $0xFFFF  }
0xb4: {  	p0 =	sne.s32 s2, $0x0;
	_ =	strace $0x9000004A  }
0xb5: {  	s0 =	sadd.s32 @!p0 $0x100000, s0;
	[bflag:$0x2] =	sbarrier.arrive $0xFFFF  }
0xb6: {  	[sflag:s0] =	ssyncadd.tile.s32 @!p0 $0x1;
	_ =	shalt  }
.Lfunc_end2:
_tile_overlayer_lowered:
.L_overlay_start_2:
0xb7: {  	(tag) =	ssettag $0x2  }
0xb8: {  	s0 =	rddreg [dreg:$0x0];
	s2 =	stileid.u32  }
0xb9: {  	s1 =	rddreg [dreg:$0x1];
	p0 =	sne.s32 s2, $0x0  }
0xba: {  	s3 =	rddreg [dreg:$0x2];
	[bflag:$0x3] =	sbarrier.arrive $0xFFFF;
	s2 =	simm.s32 @!p0 $0x1C01  }
0xbb: {  	[timem:s3], [sflag:s2] =	dma.local @!p0 [hbm:s0], s1  }
0xbc: {  	s0 =	simm.s32 @!p0 $0x1  }
0xbd: {  	_ =	swait.ge @!p0 [sflag:s0], s1  }
0xbe: {  	s1 =	ssub.s32 @!p0 $0x0, s1;
	[sflag:s0] =	ssyncset.done @!p0 $0x0  }
0xbf: {  	[sflag:s0] =	ssyncadd.s32 @!p0 s1  }
0xc0: {  	[bflag:$0x3] =	sbarrier.arrive $0xFFFF  }
0xc1: {  	_ =	shalt  }

// kernel: kernel.15.cloned.1.call-start
scs
__scs_entry_jumppad:
0x0: {  	(pc) =	sbr.rel $0x88, $3  }
0x1: {  	(tag) =	ssettag $0x0;
	lr =	simm.s32 $0x1  }
0x2: {  	[smem:$0x3F88] =	sst lr;
	_ =	strace $0xD0000000  }
0x3: {  	_ = 	snop  }
0x4: {  	_ = 	snop  }
0x5: {  	_ = 	snop  }
0x6: {  	_ = 	snop  }
0x7: {  	_ = 	snop  }
__scs_overlays_trampoline_lowered:
0x8: {  	[smem:$0x3F97] =	sst s0  }
0x9: {  	[smem:$0x3F98] =	sst s1  }
0xa: {  	[smem:$0x3F99] =	sst s2  }
0xb: {  	[smem:$0x3F9A] =	sst s3  }
0xc: {  	[smem:$0x3F9B] =	sst s4  }
0xd: {  	[smem:$0x3F9C] =	sst s5  }
0xe: {  	[smem:$0x3F9D] =	sst s6  }
0xf: {  	[smem:$0x3F9E] =	sst s7  }
0x10: {  	[smem:$0x3F9F] =	sst s8  }
0x11: {  	[smem:$0x3FA0] =	sst s9;
	s0 =	simm.s32 @!p0 $0x0  }
0x12: {  	s1 =	sld [smem:$0x3F86];
	s0 =	simm.s32 @p0 $0x1  }
0x13: {  	[smem:$0x3FA1] =	sst s0;
	s0 =	simm.s32 @!p1 $0x0  }
0x14: {  	s2 =	sld [smem:$0x3F85];
	s0 =	simm.s32 @p1 $0x1  }
0x15: {  	[smem:$0x3FA2] =	sst s0;
	s0 =	simm.s32 @!p2 $0x0  }
0x16: {  	s3 =	sld [smem:$0x3FDB];
	s0 =	simm.s32 @p2 $0x1  }
0x17: {  	s4 =	simm.s32 $0x1BF5;
	[smem:$0x3FA4] =	sst s0  }
0x18: {  	s0 =	sld [smem:$0x3F87];
	_ =	swait.ge [sflag:s4], $0x0  }
0x19: {  	s7 =	sld [smem:$0x3F88]  }
0x1a: {  	s8 =	sadd.s32 $0xFFFFE003, lr  }
0x1b: {  	s9 =	sadd.s32 $0xFFFFFEF7, lr;
	s5 =	simm.s32 $0xFFFFFFFF;
	p2 =	slt.u32 s8, $0xFFFFF086  }
0x1c: {  	p1 =	slt.u32 s9, $0xF7A;
	s5 =	simm.s32 @!p2 $0x0  }
0x1d: {  	s5 =	simm.s32 @p1 $0x1;
	p0 =	seq.s32 s7, s2  }
0x1e: {  	s7 =	smul.u32 @!p0 $0xF7A, s2;
	p2 =	seq.s32 @!p0 s5, $0x0  }
0x1f: {  	s9 =	smul.u32 $0xF7A, s1;
	s8 =	simm.s32 @!p0 $0x1BF5;
	p2 =	por !p2, p0  }
0x20: {  	[sflag:s8] =	ssyncset.s32 @!p0 $0xFFFFF086;
	s6 =	sadd.s32 @!p0 s3, s7;
	s7 =	simm.s32 @!p0 $0x108  }
0x21: {  	s3 =	sadd.s32 s3, s9;
	s6 =	sadd.s32 @!p0 $0x88, s6;
	s7 =	simm.s32 @p2 $0x1082  }
0x22: {  	[simem:s7], [sflag:s8] =	dma.local @!p0 [hbm:s6], $0xF7A  }
0x23: {  	s9 =	sor.u32 $0xD0000000, s2;
	s6 =	simm.s32 $0x108;
	_ =	swait.ge @!p0 [sflag:s8], $0x0  }
0x24: {  	s3 =	sadd.s32 $0x88, s3;
	s6 =	simm.s32 @!p1 $0x1082;
	[sflag:s4] =	ssyncset.s32 $0xFFFFF086  }
0x25: {  	[simem:s6], [sflag:s4] =	dma.local [hbm:s3], $0xF7A  }
0x26: {  	[smem:$0x3F88] =	sst s1;
	(tag) =	ssettag s2;
	_ =	strace s9  }
0x27: {  	s1 =	sld [smem:$0x3F98]  }
0x28: {  	s2 =	sld [smem:$0x3F99]  }
0x29: {  	s4 =	sld [smem:$0x3F9B]  }
0x2a: {  	p0 =	seq.s32 s5, $0x0;
	s5 =	sld [smem:$0x3F9C]  }
0x2b: {  	s6 =	sld [smem:$0x3F9D]  }
0x2c: {  	s7 =	sld [smem:$0x3F9E]  }
0x2d: {  	s3 =	simm.s32 $0x108;
	s8 =	sld [smem:$0x3F9F]  }
0x2e: {  	s3 =	simm.s32 @!p0 $0x1082;
	s9 =	sld [smem:$0x3FA0]  }
0x2f: {  	lr =	sadd.s32 s0, s3;
	s0 =	sld [smem:$0x3F97]  }
0x30: {  	s3 =	sld [smem:$0x3F9A]  }
0x31: {  	[smem:$0x3FA3] =	sst s10  }
0x32: {  	s10 =	sld [smem:$0x3FA1];
	_ =	sdelay $0x3  }
0x33: {  	p0 =	seq.s32 s10, $0x1;
	s10 =	sld [smem:$0x3FA3];
	_ =	sdelay $0x3  }
0x34: {  	[smem:$0x3FA3] =	sst s10  }
0x35: {  	s10 =	sld [smem:$0x3FA2];
	_ =	sdelay $0x3  }
0x36: {  	p1 =	seq.s32 s10, $0x1;
	s10 =	sld [smem:$0x3FA3];
	_ =	sdelay $0x3  }
0x37: {  	[smem:$0x3FA3] =	sst s10  }
0x38: {  	s10 =	sld [smem:$0x3FA4]  }
0x39: {  	_ = 	snop;
	(pc) =	sbr.ind lr, $3  }
0x3a: {  	_ = 	snop  }
0x3b: {  	_ = 	snop  }
0x3c: {  	p2 =	seq.s32 s10, $0x1;
	s10 =	sld [smem:$0x3FA3]  }
0x3d: {  	_ =	shalt  }
0x3e: {  	_ =	shalt  }
0x3f: {  	_ =	shalt  }
0x40: {  	_ =	shalt  }
0x41: {  	_ =	shalt  }
0x42: {  	_ =	shalt  }
0x43: {  	_ =	shalt  }
0x44: {  	_ =	shalt  }
0x45: {  	_ =	shalt  }
0x46: {  	_ =	shalt  }
0x47: {  	_ =	shalt  }
0x48: {  	_ =	shalt  }
0x49: {  	_ =	shalt  }
0x4a: {  	_ =	shalt  }
0x4b: {  	_ =	shalt  }
0x4c: {  	_ =	shalt  }
0x4d: {  	_ =	shalt  }
0x4e: {  	_ =	shalt  }
0x4f: {  	_ =	shalt  }
0x50: {  	_ =	shalt  }
0x51: {  	_ =	shalt  }
0x52: {  	_ =	shalt  }
0x53: {  	_ =	shalt  }
0x54: {  	_ =	shalt  }
0x55: {  	_ =	shalt  }
0x56: {  	_ =	shalt  }
0x57: {  	_ =	shalt  }
0x58: {  	_ =	shalt  }
0x59: {  	_ =	shalt  }
0x5a: {  	_ =	shalt  }
0x5b: {  	_ =	shalt  }
0x5c: {  	_ =	shalt  }
0x5d: {  	_ =	shalt  }
0x5e: {  	_ =	shalt  }
0x5f: {  	_ =	shalt  }
0x60: {  	_ =	shalt  }
0x61: {  	_ =	shalt  }
0x62: {  	_ =	shalt  }
0x63: {  	_ =	shalt  }
0x64: {  	_ =	shalt  }
0x65: {  	_ =	shalt  }
0x66: {  	_ =	shalt  }
0x67: {  	_ =	shalt  }
0x68: {  	_ =	shalt  }
0x69: {  	_ =	shalt  }
0x6a: {  	_ =	shalt  }
0x6b: {  	_ =	shalt  }
0x6c: {  	_ =	shalt  }
0x6d: {  	_ =	shalt  }
0x6e: {  	_ =	shalt  }
0x6f: {  	_ =	shalt  }
0x70: {  	_ =	shalt  }
0x71: {  	_ =	shalt  }
0x72: {  	_ =	shalt  }
0x73: {  	_ =	shalt  }
0x74: {  	_ =	shalt  }
0x75: {  	_ =	shalt  }
0x76: {  	_ =	shalt  }
0x77: {  	_ =	shalt  }
0x78: {  	_ =	shalt  }
0x79: {  	_ =	shalt  }
0x7a: {  	_ =	shalt  }
0x7b: {  	_ =	shalt  }
0x7c: {  	_ =	shalt  }
0x7d: {  	_ =	shalt  }
0x7e: {  	_ =	shalt  }
0x7f: {  	_ =	shalt  }
0x80: {  	_ =	shalt  }
0x81: {  	_ =	shalt  }
0x82: {  	_ =	shalt  }
0x83: {  	_ =	shalt  }
0x84: {  	_ =	shalt  }
0x85: {  	_ =	shalt  }
0x86: {  	_ =	shalt  }
0x87: {  	_ =	shalt  }
.Lfunc_end0:
.L_simem_size_0:
called_computation.3_lowered:
.L_overlay_start_0:
0x88: {  	s2 =	sld [smem:$0x3FD9]  }
0x89: {  	s3 =	sld [smem:$0x3FFE];
	_ =	sdelay $0x1  }
0x8a: {  	s1 =	srdreg.scid  }
0x8b: {  	s0 =	sand.u32 $0x1, s1  }
0x8c: {  	s16 =	sshll.u32 s0, $0xA;
	s2 =	sadd.s32 s3, s2  }
0x8d: {  	s2 =	sadd.s32 s2, s16  }
0x8e: {  	[smem:$0x3FAF] =	sst s2  }
0x8f: {  	_ = 	snop  }
0x90: {  	(tm) =	ssettm $0x1  }
0x91: {  	s17 =	sld [smem:$0x3FFB];
	_ =	sdelay $0x3  }
0x92: {  	_ =	strace s17  }
0x93: {  	s2 =	sld [smem:$0x3FFC];
	_ =	sdelay $0x3  }
0x94: {  	_ =	strace s2  }
0x95: {  	s2 =	sld [smem:$0x3FFD];
	_ =	sdelay $0x3  }
0x96: {  	_ =	strace s2  }
0x97: {  	_ =	strace $0x8FFFFFFF  }
0x98: {  	s18 =	sld [smem:$0x3FDB];
	_ =	sdelay $0x1  }
0x99: {  	s19 =	simm.s32 $_scs_section_size  }
0x9a: {  	s4 =	simm.s32 $_size__tile_overlayer_lowered;
	s5 =	simm.s32 $_tile_overlayer_lowered  }
0x9b: {  	s22 =	simm.s32 $0x1BFF;
	s21 =	sshll.u32 s5, $0x1;
	s2 =	sadd.s32 s19, s18  }
0x9c: {  	s6 =	simm.s32 $0x0;
	s20 =	sshll.u32 s4, $0x1;
	s4 =	sadd.s32 s21, s2  }
0x9d: {  	[timem:s6], [sflag:s22] =	dma.local [hbm:s4], s20  }
0x9e: {  	_ =	swait.ge [sflag:s22], s20  }
0x9f: {  	s3 =	ssub.s32 $0x0, s20;
	[sflag:s22] =	ssyncset.done $0x0  }
0xa0: {  	[sflag:s22] =	ssyncadd.s32 s3;
	_ =	sdelay $0x1  }
0xa1: {  	s23 =	simm.s32 $0x1B8B  }
0xa2: {  	_ =	swait.ge [sflag:s23], $0x1  }
0xa3: {  	[sflag:s23] =	ssyncset.done $0x0  }
0xa4: {  	s25 =	simm.s32 $0x1B8E;
	s24 =	sld [smem:$0x3FFE];
	[sflag:s23] =	ssyncadd.s32 $0xFFFFFFFF  }
0xa5: {  	s26 =	simm.s32 $execute0_lowered;
	[smem:$0x3FD2] =	sst s25  }
0xa6: {  	s4 =	sshll.u32 s26, $0x1;
	_ =	strace $0x8000004C;
	[dreg:$0x1] =	wrdreg $0xFFFFFFFF  }
0xa7: {  	s28 =	simm.s32 $_size_execute0_lowered;
	s2 =	sadd.s32 s2, s4;
	[dreg:$0x0] =	wrdreg $0x0  }
0xa8: {  	s4 =	sshll.u32 s28, $0x1;
	[dreg:$0x2] =	wrdreg s2  }
0xa9: {  	[dreg:$0x3] =	wrdreg s4  }
0xaa: {  	[dreg:$0x4] =	wrdreg $0xC0  }
0xab: {  	_ =	task [dreg:s6], $0x5FFFF  }
0xac: {  	[dreg:$0x1] =	wrdreg $0xFFFFFFFF  }
0xad: {  	[dreg:$0x0] =	wrdreg $0x60  }
0xae: {  	[dreg:$0x2] =	wrdreg s24  }
0xaf: {  	[dreg:$0x3] =	wrdreg $0x9  }
0xb0: {  	_ =	task.clear_ibuf [dreg:s6], $0x4FFFF;
	_ =	strace $0x9000004C  }
0xb1: {  	s29 =	simm.s32 $0x9;
	_ =	strace $0x8000004E  }
0xb2: {  	_ =	swait.ge [sflag:s29], $0x1  }
0xb3: {  	[sflag:s29] =	ssyncadd.s32 $0xFFFFFFFF  }
0xb4: {  	_ =	strace $0x9000004E  }
0xb5: {  	_ =	sfence  }
0xb6: {  	s30 =	sld [smem:$0x0];
	_ =	sdelay $0x2  }
0xb7: {  	s31 =	sshll.u32 s1, $0xD;
	s1 =	sshrl.u32 s1, $0x2  }
0xb8: {  	s3 =	sand.u32 $0x4000, s31;
	s1 =	sadd.s32 s1, s30  }
0xb9: {  	s0 =	sor.u32 s3, s0;
	s1 =	sshll.u32 s1, $0x11  }
0xba: {  	s0 =	sor.u32 s1, s0  }
0xbb: {  	s0 =	sadd.s32 $0x8F2B, s0  }
0xbc: {  	[sflag:s0] =	ssyncadd.remote.s32 $0x1  }
0xbd: {  	_ =	sfence.sel $0xFFFF  }
0xbe: {  	[dreg:$0x0] =	wrdreg $0xFFFFFFFF;
	(pc) =	sbr.abs _section_cstart, $3  }
0xbf: {  	[dreg:$0x1] =	wrdreg $0xFFFFFFFF  }
0xc0: {  	_ =	task.clear_ibuf [dreg:s6], $0x2FFFF;
	_ =	strace $0x9FFFFFFF  }
0xc1: {  	(tm) =	ssettm $0x7FFFFFFF  }
tec
execute0_lowered:
.L_overlay_start_1:
0x0: {  	(tag) =	ssettag $0x1  }
0x1: {  	s1 =	srdreg.scid;
	s0 =	stileid.u32  }
0x2: {  	s16 =	sand.u32 $0x1, s1;
	s26 =	sshll.u32 s0, $0x1  }
0x3: {  	s8 =	sor.u32 s16, s26  }
0x4: {  	s9 =	rddreg [dreg:$0x0];
	s17 =	smul.u32 $0xA00, s8  }
0x5: {  	s2 =	simm.s32 $0x0;
	s1 =	rddreg [dreg:$0x1]  }
0x6: {  	[smem:$0x7FF] =	sst s2;
	s15 =	sadd.s32 $0x7E00, s9;
	s3 =	sshrl.u32 s17, $0x3  }
0x7: {  	_ =	strace $0x8000004D;
	s4 =	sadd.s32 s15, s3;
	s3 =	simm.s32 $0x2  }
0x8: {  	[tilespmem:s2], [sflag:$0x2] =	stream.linear.gather [hbm4b:s4+s2], $0x200, $0x38;
	[tilespmem:$0x10200] =	vst v63  }
0x9: {  	_ =	swait.ge [sflag:s3], $0x200  }
0xa: {  	s6 =	simm.s32 $0x200;
	[sflag:s3] =	ssyncset.done $0x0  }
0xb: {  	s7 =	simm.s32 $0x1;
	s5 =	sadd.s32 $0xDE00, s9;
	[sflag:s3] =	ssyncadd.s32 $0xFFFFFE00  }
0xc: {  	[tilespmem:s6], [sflag:$0x1] =	stream.indirect.gather [hbm4b:s5+s6], $0x80, s2, s6, $0xb8;
	[tilespmem:$0x10200] =	vst v63  }
0xd: {  	s8 =	smul.u32 $0xA000, s8;
	_ =	swait.ge [sflag:s7], $0x10000  }
0xe: {  	s18 =	sadd.s32 $0xD2600, s9;
	[sflag:s7] =	ssyncset.done $0x0  }
0xf: {  	s8 =	sadd.s32 s18, s8;
	[sflag:s7] =	ssyncadd.s32 $0xFFFF0000  }
0x10: {  	[hbm4b:s8+s2] =	stream.linear.scatter [tilespmem:s6], [sflag:$0x2], $0x10000, $0x38;
	[tilespmem:$0x10200] =	vst v63  }
0x11: {  	s10 =	sadd.s32 $0x200, s17;
	_ =	swait.ge [sflag:s3], $0x10000  }
0x12: {  	s28 =	sshrl.u32 s10, $0x3;
	[sflag:s3] =	ssyncset.done $0x0  }
0x13: {  	s9 =	sadd.s32 s15, s28;
	[sflag:s3] =	ssyncadd.s32 $0xFFFF0000  }
0x14: {  	[tilespmem:s2], [sflag:$0x2] =	stream.linear.gather [hbm4b:s9+s2], $0x200, $0x38;
	[tilespmem:$0x10200] =	vst v63  }
0x15: {  	_ =	swait.ge [sflag:s3], $0x200  }
0x16: {  	[sflag:s3] =	ssyncset.done $0x0  }
0x17: {  	[sflag:s3] =	ssyncadd.s32 $0xFFFFFE00  }
0x18: {  	[tilespmem:s6], [sflag:$0x1] =	stream.indirect.gather [hbm4b:s5+s6], $0x80, s2, s6, $0xb8;
	[tilespmem:$0x10200] =	vst v63  }
0x19: {  	_ =	swait.ge [sflag:s7], $0x10000  }
0x1a: {  	s10 =	sshll.u32 s10, $0x4;
	[sflag:s7] =	ssyncset.done $0x0  }
0x1b: {  	s10 =	sadd.s32 s18, s10;
	[sflag:s7] =	ssyncadd.s32 $0xFFFF0000  }
0x1c: {  	[hbm4b:s10+s2] =	stream.linear.scatter [tilespmem:s6], [sflag:$0x2], $0x10000, $0x38;
	[tilespmem:$0x10200] =	vst v63  }
0x1d: {  	s12 =	sadd.s32 $0x400, s17;
	_ =	swait.ge [sflag:s3], $0x10000  }
0x1e: {  	s11 =	sshrl.u32 s12, $0x3;
	[sflag:s3] =	ssyncset.done $0x0  }
0x1f: {  	s11 =	sadd.s32 s15, s11;
	[sflag:s3] =	ssyncadd.s32 $0xFFFF0000  }
0x20: {  	[tilespmem:s2], [sflag:$0x2] =	stream.linear.gather [hbm4b:s11+s2], $0x200, $0x38;
	[tilespmem:$0x10200] =	vst v63  }
0x21: {  	_ =	swait.ge [sflag:s3], $0x200  }
0x22: {  	[sflag:s3] =	ssyncset.done $0x0  }
0x23: {  	[sflag:s3] =	ssyncadd.s32 $0xFFFFFE00  }
0x24: {  	[tilespmem:s6], [sflag:$0x1] =	stream.indirect.gather [hbm4b:s5+s6], $0x80, s2, s6, $0xb8;
	[tilespmem:$0x10200] =	vst v63  }
0x25: {  	_ =	swait.ge [sflag:s7], $0x10000  }
0x26: {  	s12 =	sshll.u32 s12, $0x4;
	[sflag:s7] =	ssyncset.done $0x0  }
0x27: {  	s12 =	sadd.s32 s18, s12;
	[sflag:s7] =	ssyncadd.s32 $0xFFFF0000  }
0x28: {  	[hbm4b:s12+s2] =	stream.linear.scatter [tilespmem:s6], [sflag:$0x2], $0x10000, $0x38;
	[tilespmem:$0x10200] =	vst v63  }
0x29: {  	s14 =	sadd.s32 $0x600, s17;
	_ =	swait.ge [sflag:s3], $0x10000  }
0x2a: {  	s13 =	sshrl.u32 s14, $0x3;
	[sflag:s3] =	ssyncset.done $0x0  }
0x2b: {  	s13 =	sadd.s32 s15, s13;
	[sflag:s3] =	ssyncadd.s32 $0xFFFF0000  }
0x2c: {  	[tilespmem:s2], [sflag:$0x2] =	stream.linear.gather [hbm4b:s13+s2], $0x200, $0x38;
	[tilespmem:$0x10200] =	vst v63  }
0x2d: {  	_ =	swait.ge [sflag:s3], $0x200  }
0x2e: {  	[sflag:s3] =	ssyncset.done $0x0  }
0x2f: {  	[sflag:s3] =	ssyncadd.s32 $0xFFFFFE00  }
0x30: {  	[tilespmem:s6], [sflag:$0x1] =	stream.indirect.gather [hbm4b:s5+s6], $0x80, s2, s6, $0xb8;
	[tilespmem:$0x10200] =	vst v63  }
0x31: {  	_ =	swait.ge [sflag:s7], $0x10000  }
0x32: {  	s14 =	sshll.u32 s14, $0x4;
	[sflag:s7] =	ssyncset.done $0x0  }
0x33: {  	s14 =	sadd.s32 s18, s14;
	[sflag:s7] =	ssyncadd.s32 $0xFFFF0000  }
0x34: {  	[hbm4b:s14+s2] =	stream.linear.scatter [tilespmem:s6], [sflag:$0x2], $0x10000, $0x38;
	[tilespmem:$0x10200] =	vst v63  }
0x35: {  	s17 =	sadd.s32 $0x800, s17;
	_ =	swait.ge [sflag:s3], $0x10000  }
0x36: {  	s19 =	sshrl.u32 s17, $0x3;
	[sflag:s3] =	ssyncset.done $0x0  }
0x37: {  	s16 =	ssub.s32 $0x2, s16;
	s15 =	sadd.s32 s15, s19;
	[sflag:s3] =	ssyncadd.s32 $0xFFFF0000  }
0x38: {  	[tilespmem:s2], [sflag:$0x2] =	stream.linear.gather [hbm4b:s15+s2], $0x200, $0x38;
	[tilespmem:$0x10200] =	vst v63  }
0x39: {  	s29 =	sshrl.u32 s16, $0x1;
	_ =	swait.ge [sflag:s3], $0x200  }
0x3a: {  	s19 =	ssub.s32 s16, s29;
	[sflag:s3] =	ssyncset.done $0x0  }
0x3b: {  	s31 =	smax.u32 s19, $0x1;
	[sflag:s3] =	ssyncadd.s32 $0xFFFFFE00  }
0x3c: {  	[tilespmem:s6], [sflag:$0x1] =	stream.indirect.gather [hbm4b:s5+s6], $0x80, s2, s6, $0xb8;
	[tilespmem:$0x10200] =	vst v63  }
0x3d: {  	p0 =	sne.s32 s31, $0x1;
	_ =	swait.ge [sflag:s7], $0x10000  }
.Ltmp0:
0x3e: {  	s30 =	sshll.u32 s17, $0x4;
	[sflag:s7] =	ssyncset.done $0x0;
	(pc) =	sbr.rel @!p0 .LBB2_2-.Ltmp0, $4  }
0x3f: {  	s16 =	sadd.s32 s18, s30;
	[sflag:s7] =	ssyncadd.s32 $0xFFFF0000  }
0x40: {  	[hbm4b:s16+s2] =	stream.linear.scatter [tilespmem:s6], [sflag:$0x2], $0x10000, $0x38;
	[tilespmem:$0x10200] =	vst v63  }
0x41: {  	_ =	swait.ge [sflag:s3], $0x10000  }
0x42: {  	s17 =	sadd.s32 $0xFFFFFFFF, s31;
	[sflag:s3] =	ssyncset.done $0x0  }
.LBB2_1:
0x43: {  	p0 =	sne.s32 s17, $0x1;
	s17 =	sadd.s32 $0xFFFFFFFF, s17;
	[sflag:s3] =	ssyncadd.s32 $0xFFFF0000  }
0x44: {  	[tilespmem:s2], [sflag:$0x2] =	stream.linear.gather [hbm4b:s4+s2], $0x200, $0x38;
	[tilespmem:$0x10200] =	vst v63  }
0x45: {  	_ =	swait.ge [sflag:s3], $0x200  }
0x46: {  	[sflag:s3] =	ssyncset.done $0x0  }
0x47: {  	[sflag:s3] =	ssyncadd.s32 $0xFFFFFE00  }
0x48: {  	[tilespmem:s6], [sflag:$0x1] =	stream.indirect.gather [hbm4b:s5+s6], $0x80, s2, s6, $0xb8;
	[tilespmem:$0x10200] =	vst v63  }
0x49: {  	_ =	swait.ge [sflag:s7], $0x10000  }
0x4a: {  	[sflag:s7] =	ssyncset.done $0x0  }
0x4b: {  	[sflag:s7] =	ssyncadd.s32 $0xFFFF0000  }
0x4c: {  	[hbm4b:s8+s2] =	stream.linear.scatter [tilespmem:s6], [sflag:$0x2], $0x10000, $0x38;
	[tilespmem:$0x10200] =	vst v63  }
0x4d: {  	_ =	swait.ge [sflag:s3], $0x10000  }
0x4e: {  	[sflag:s3] =	ssyncset.done $0x0  }
0x4f: {  	[sflag:s3] =	ssyncadd.s32 $0xFFFF0000  }
0x50: {  	[tilespmem:s2], [sflag:$0x2] =	stream.linear.gather [hbm4b:s9+s2], $0x200, $0x38;
	[tilespmem:$0x10200] =	vst v63  }
0x51: {  	_ =	swait.ge [sflag:s3], $0x200  }
0x52: {  	[sflag:s3] =	ssyncset.done $0x0  }
0x53: {  	[sflag:s3] =	ssyncadd.s32 $0xFFFFFE00  }
0x54: {  	[tilespmem:s6], [sflag:$0x1] =	stream.indirect.gather [hbm4b:s5+s6], $0x80, s2, s6, $0xb8;
	[tilespmem:$0x10200] =	vst v63  }
0x55: {  	_ =	swait.ge [sflag:s7], $0x10000  }
0x56: {  	[sflag:s7] =	ssyncset.done $0x0  }
0x57: {  	[sflag:s7] =	ssyncadd.s32 $0xFFFF0000  }
0x58: {  	[hbm4b:s10+s2] =	stream.linear.scatter [tilespmem:s6], [sflag:$0x2], $0x10000, $0x38;
	[tilespmem:$0x10200] =	vst v63  }
0x59: {  	_ =	swait.ge [sflag:s3], $0x10000  }
0x5a: {  	[sflag:s3] =	ssyncset.done $0x0  }
0x5b: {  	[sflag:s3] =	ssyncadd.s32 $0xFFFF0000  }
0x5c: {  	[tilespmem:s2], [sflag:$0x2] =	stream.linear.gather [hbm4b:s11+s2], $0x200, $0x38;
	[tilespmem:$0x10200] =	vst v63  }
0x5d: {  	_ =	swait.ge [sflag:s3], $0x200  }
0x5e: {  	[sflag:s3] =	ssyncset.done $0x0  }
0x5f: {  	[sflag:s3] =	ssyncadd.s32 $0xFFFFFE00  }
0x60: {  	[tilespmem:s6], [sflag:$0x1] =	stream.indirect.gather [hbm4b:s5+s6], $0x80, s2, s6, $0xb8;
	[tilespmem:$0x10200] =	vst v63  }
0x61: {  	_ =	swait.ge [sflag:s7], $0x10000  }
0x62: {  	[sflag:s7] =	ssyncset.done $0x0  }
0x63: {  	[sflag:s7] =	ssyncadd.s32 $0xFFFF0000  }
0x64: {  	[hbm4b:s12+s2] =	stream.linear.scatter [tilespmem:s6], [sflag:$0x2], $0x10000, $0x38;
	[tilespmem:$0x10200] =	vst v63  }
0x65: {  	_ =	swait.ge [sflag:s3], $0x10000  }
0x66: {  	[sflag:s3] =	ssyncset.done $0x0  }
0x67: {  	[sflag:s3] =	ssyncadd.s32 $0xFFFF0000  }
0x68: {  	[tilespmem:s2], [sflag:$0x2] =	stream.linear.gather [hbm4b:s13+s2], $0x200, $0x38;
	[tilespmem:$0x10200] =	vst v63  }
0x69: {  	_ =	swait.ge [sflag:s3], $0x200  }
0x6a: {  	[sflag:s3] =	ssyncset.done $0x0  }
0x6b: {  	[sflag:s3] =	ssyncadd.s32 $0xFFFFFE00  }
0x6c: {  	[tilespmem:s6], [sflag:$0x1] =	stream.indirect.gather [hbm4b:s5+s6], $0x80, s2, s6, $0xb8;
	[tilespmem:$0x10200] =	vst v63  }
0x6d: {  	_ =	swait.ge [sflag:s7], $0x10000  }
0x6e: {  	[sflag:s7] =	ssyncset.done $0x0  }
0x6f: {  	[sflag:s7] =	ssyncadd.s32 $0xFFFF0000  }
0x70: {  	[hbm4b:s14+s2] =	stream.linear.scatter [tilespmem:s6], [sflag:$0x2], $0x10000, $0x38;
	[tilespmem:$0x10200] =	vst v63  }
0x71: {  	_ =	swait.ge [sflag:s3], $0x10000  }
0x72: {  	[sflag:s3] =	ssyncset.done $0x0  }
0x73: {  	[sflag:s3] =	ssyncadd.s32 $0xFFFF0000  }
0x74: {  	[tilespmem:s2], [sflag:$0x2] =	stream.linear.gather [hbm4b:s15+s2], $0x200, $0x38;
	[tilespmem:$0x10200] =	vst v63  }
0x75: {  	_ =	swait.ge [sflag:s3], $0x200  }
0x76: {  	[sflag:s3] =	ssyncset.done $0x0  }
0x77: {  	[sflag:s3] =	ssyncadd.s32 $0xFFFFFE00  }
0x78: {  	[tilespmem:s6], [sflag:$0x1] =	stream.indirect.gather [hbm4b:s5+s6], $0x80, s2, s6, $0xb8;
	[tilespmem:$0x10200] =	vst v63  }
0x79: {  	_ =	swait.ge [sflag:s7], $0x10000  }
.Ltmp1:
0x7a: {  	[sflag:s7] =	ssyncset.done $0x0;
	(pc) =	sbr.rel @p0 .LBB2_1-.Ltmp1, $4  }
0x7b: {  	[sflag:s7] =	ssyncadd.s32 $0xFFFF0000  }
0x7c: {  	[hbm4b:s16+s2] =	stream.linear.scatter [tilespmem:s6], [sflag:$0x2], $0x10000, $0x38;
	[tilespmem:$0x10200] =	vst v63  }
0x7d: {  	_ =	swait.ge [sflag:s3], $0x10000  }
0x7e: {  	[sflag:s3] =	ssyncset.done $0x0  }
.LBB2_2:
0x7f: {  	[sflag:s3] =	ssyncadd.s32 $0xFFFF0000  }
0x80: {  	_ =	sfence.sel $0x180000  }
0x81: {  	[bflag:$0x0] =	sbarrier.arrive $0xFFFF  }
0x82: {  	p0 =	sne.s32 s0, $0x0;
	_ =	strace $0x9000004D  }
0x83: {  	s0 =	sadd.s32 @!p0 $0x100000, s1;
	[bflag:$0x2] =	sbarrier.arrive $0xFFFF  }
0x84: {  	[sflag:s0] =	ssyncadd.tile.s32 @!p0 $0x1;
	_ =	shalt  }
.Lfunc_end2:
_tile_overlayer_lowered:
.L_overlay_start_2:
0x85: {  	(tag) =	ssettag $0x2  }
0x86: {  	s0 =	rddreg [dreg:$0x0];
	s2 =	stileid.u32  }
0x87: {  	s1 =	rddreg [dreg:$0x1];
	p0 =	sne.s32 s2, $0x0  }
0x88: {  	s3 =	rddreg [dreg:$0x2];
	[bflag:$0x3] =	sbarrier.arrive $0xFFFF;
	s2 =	simm.s32 @!p0 $0x1C02  }
0x89: {  	[timem:s3], [sflag:s2] =	dma.local @!p0 [hbm:s0], s1  }
0x8a: {  	s0 =	simm.s32 @!p0 $0x2  }
0x8b: {  	_ =	swait.ge @!p0 [sflag:s0], s1  }
0x8c: {  	s1 =	ssub.s32 @!p0 $0x0, s1;
	[sflag:s0] =	ssyncset.done @!p0 $0x0  }
0x8d: {  	[sflag:s0] =	ssyncadd.s32 @!p0 s1  }
0x8e: {  	[bflag:$0x3] =	sbarrier.arrive $0xFFFF  }
0x8f: {  	_ =	shalt  }

// kernel: kernel.18.cloned.1.call-start
scs
__scs_entry_jumppad:
0x0: {  	(pc) =	sbr.rel $0x88, $3  }
0x1: {  	(tag) =	ssettag $0x0;
	lr =	simm.s32 $0x1  }
0x2: {  	[smem:$0x3F88] =	sst lr;
	_ =	strace $0xD0000000  }
0x3: {  	_ = 	snop  }
0x4: {  	_ = 	snop  }
0x5: {  	_ = 	snop  }
0x6: {  	_ = 	snop  }
0x7: {  	_ = 	snop  }
__scs_overlays_trampoline_lowered:
0x8: {  	[smem:$0x3F97] =	sst s0  }
0x9: {  	[smem:$0x3F98] =	sst s1  }
0xa: {  	[smem:$0x3F99] =	sst s2  }
0xb: {  	[smem:$0x3F9A] =	sst s3  }
0xc: {  	[smem:$0x3F9B] =	sst s4  }
0xd: {  	[smem:$0x3F9C] =	sst s5  }
0xe: {  	[smem:$0x3F9D] =	sst s6  }
0xf: {  	[smem:$0x3F9E] =	sst s7  }
0x10: {  	[smem:$0x3F9F] =	sst s8  }
0x11: {  	[smem:$0x3FA0] =	sst s9;
	s0 =	simm.s32 @!p0 $0x0  }
0x12: {  	s1 =	sld [smem:$0x3F86];
	s0 =	simm.s32 @p0 $0x1  }
0x13: {  	[smem:$0x3FA1] =	sst s0;
	s0 =	simm.s32 @!p1 $0x0  }
0x14: {  	s2 =	sld [smem:$0x3F85];
	s0 =	simm.s32 @p1 $0x1  }
0x15: {  	[smem:$0x3FA2] =	sst s0;
	s0 =	simm.s32 @!p2 $0x0  }
0x16: {  	s3 =	sld [smem:$0x3FDB];
	s0 =	simm.s32 @p2 $0x1  }
0x17: {  	s4 =	simm.s32 $0x1BF5;
	[smem:$0x3FA4] =	sst s0  }
0x18: {  	s0 =	sld [smem:$0x3F87];
	_ =	swait.ge [sflag:s4], $0x0  }
0x19: {  	s7 =	sld [smem:$0x3F88]  }
0x1a: {  	s8 =	sadd.s32 $0xFFFFE003, lr  }
0x1b: {  	s9 =	sadd.s32 $0xFFFFFEF7, lr;
	s5 =	simm.s32 $0xFFFFFFFF;
	p2 =	slt.u32 s8, $0xFFFFF086  }
0x1c: {  	p1 =	slt.u32 s9, $0xF7A;
	s5 =	simm.s32 @!p2 $0x0  }
0x1d: {  	s5 =	simm.s32 @p1 $0x1;
	p0 =	seq.s32 s7, s2  }
0x1e: {  	s7 =	smul.u32 @!p0 $0xF7A, s2;
	p2 =	seq.s32 @!p0 s5, $0x0  }
0x1f: {  	s9 =	smul.u32 $0xF7A, s1;
	s8 =	simm.s32 @!p0 $0x1BF5;
	p2 =	por !p2, p0  }
0x20: {  	[sflag:s8] =	ssyncset.s32 @!p0 $0xFFFFF086;
	s6 =	sadd.s32 @!p0 s3, s7;
	s7 =	simm.s32 @!p0 $0x108  }
0x21: {  	s3 =	sadd.s32 s3, s9;
	s6 =	sadd.s32 @!p0 $0x88, s6;
	s7 =	simm.s32 @p2 $0x1082  }
0x22: {  	[simem:s7], [sflag:s8] =	dma.local @!p0 [hbm:s6], $0xF7A  }
0x23: {  	s9 =	sor.u32 $0xD0000000, s2;
	s6 =	simm.s32 $0x108;
	_ =	swait.ge @!p0 [sflag:s8], $0x0  }
0x24: {  	s3 =	sadd.s32 $0x88, s3;
	s6 =	simm.s32 @!p1 $0x1082;
	[sflag:s4] =	ssyncset.s32 $0xFFFFF086  }
0x25: {  	[simem:s6], [sflag:s4] =	dma.local [hbm:s3], $0xF7A  }
0x26: {  	[smem:$0x3F88] =	sst s1;
	(tag) =	ssettag s2;
	_ =	strace s9  }
0x27: {  	s1 =	sld [smem:$0x3F98]  }
0x28: {  	s2 =	sld [smem:$0x3F99]  }
0x29: {  	s4 =	sld [smem:$0x3F9B]  }
0x2a: {  	p0 =	seq.s32 s5, $0x0;
	s5 =	sld [smem:$0x3F9C]  }
0x2b: {  	s6 =	sld [smem:$0x3F9D]  }
0x2c: {  	s7 =	sld [smem:$0x3F9E]  }
0x2d: {  	s3 =	simm.s32 $0x108;
	s8 =	sld [smem:$0x3F9F]  }
0x2e: {  	s3 =	simm.s32 @!p0 $0x1082;
	s9 =	sld [smem:$0x3FA0]  }
0x2f: {  	lr =	sadd.s32 s0, s3;
	s0 =	sld [smem:$0x3F97]  }
0x30: {  	s3 =	sld [smem:$0x3F9A]  }
0x31: {  	[smem:$0x3FA3] =	sst s10  }
0x32: {  	s10 =	sld [smem:$0x3FA1];
	_ =	sdelay $0x3  }
0x33: {  	p0 =	seq.s32 s10, $0x1;
	s10 =	sld [smem:$0x3FA3];
	_ =	sdelay $0x3  }
0x34: {  	[smem:$0x3FA3] =	sst s10  }
0x35: {  	s10 =	sld [smem:$0x3FA2];
	_ =	sdelay $0x3  }
0x36: {  	p1 =	seq.s32 s10, $0x1;
	s10 =	sld [smem:$0x3FA3];
	_ =	sdelay $0x3  }
0x37: {  	[smem:$0x3FA3] =	sst s10  }
0x38: {  	s10 =	sld [smem:$0x3FA4]  }
0x39: {  	_ = 	snop;
	(pc) =	sbr.ind lr, $3  }
0x3a: {  	_ = 	snop  }
0x3b: {  	_ = 	snop  }
0x3c: {  	p2 =	seq.s32 s10, $0x1;
	s10 =	sld [smem:$0x3FA3]  }
0x3d: {  	_ =	shalt  }
0x3e: {  	_ =	shalt  }
0x3f: {  	_ =	shalt  }
0x40: {  	_ =	shalt  }
0x41: {  	_ =	shalt  }
0x42: {  	_ =	shalt  }
0x43: {  	_ =	shalt  }
0x44: {  	_ =	shalt  }
0x45: {  	_ =	shalt  }
0x46: {  	_ =	shalt  }
0x47: {  	_ =	shalt  }
0x48: {  	_ =	shalt  }
0x49: {  	_ =	shalt  }
0x4a: {  	_ =	shalt  }
0x4b: {  	_ =	shalt  }
0x4c: {  	_ =	shalt  }
0x4d: {  	_ =	shalt  }
0x4e: {  	_ =	shalt  }
0x4f: {  	_ =	shalt  }
0x50: {  	_ =	shalt  }
0x51: {  	_ =	shalt  }
0x52: {  	_ =	shalt  }
0x53: {  	_ =	shalt  }
0x54: {  	_ =	shalt  }
0x55: {  	_ =	shalt  }
0x56: {  	_ =	shalt  }
0x57: {  	_ =	shalt  }
0x58: {  	_ =	shalt  }
0x59: {  	_ =	shalt  }
0x5a: {  	_ =	shalt  }
0x5b: {  	_ =	shalt  }
0x5c: {  	_ =	shalt  }
0x5d: {  	_ =	shalt  }
0x5e: {  	_ =	shalt  }
0x5f: {  	_ =	shalt  }
0x60: {  	_ =	shalt  }
0x61: {  	_ =	shalt  }
0x62: {  	_ =	shalt  }
0x63: {  	_ =	shalt  }
0x64: {  	_ =	shalt  }
0x65: {  	_ =	shalt  }
0x66: {  	_ =	shalt  }
0x67: {  	_ =	shalt  }
0x68: {  	_ =	shalt  }
0x69: {  	_ =	shalt  }
0x6a: {  	_ =	shalt  }
0x6b: {  	_ =	shalt  }
0x6c: {  	_ =	shalt  }
0x6d: {  	_ =	shalt  }
0x6e: {  	_ =	shalt  }
0x6f: {  	_ =	shalt  }
0x70: {  	_ =	shalt  }
0x71: {  	_ =	shalt  }
0x72: {  	_ =	shalt  }
0x73: {  	_ =	shalt  }
0x74: {  	_ =	shalt  }
0x75: {  	_ =	shalt  }
0x76: {  	_ =	shalt  }
0x77: {  	_ =	shalt  }
0x78: {  	_ =	shalt  }
0x79: {  	_ =	shalt  }
0x7a: {  	_ =	shalt  }
0x7b: {  	_ =	shalt  }
0x7c: {  	_ =	shalt  }
0x7d: {  	_ =	shalt  }
0x7e: {  	_ =	shalt  }
0x7f: {  	_ =	shalt  }
0x80: {  	_ =	shalt  }
0x81: {  	_ =	shalt  }
0x82: {  	_ =	shalt  }
0x83: {  	_ =	shalt  }
0x84: {  	_ =	shalt  }
0x85: {  	_ =	shalt  }
0x86: {  	_ =	shalt  }
0x87: {  	_ =	shalt  }
.Lfunc_end0:
.L_simem_size_0:
called_computation.4_lowered:
.L_overlay_start_0:
0x88: {  	s2 =	sld [smem:$0x3FD9]  }
0x89: {  	s3 =	sld [smem:$0x3FFE];
	_ =	sdelay $0x1  }
0x8a: {  	s1 =	srdreg.scid  }
0x8b: {  	s0 =	sand.u32 $0x1, s1  }
0x8c: {  	s17 =	sshll.u32 s0, $0xA;
	s2 =	sadd.s32 s3, s2  }
0x8d: {  	s2 =	sadd.s32 s2, s17  }
0x8e: {  	[smem:$0x3FAF] =	sst s2  }
0x8f: {  	_ = 	snop  }
0x90: {  	s2 =	sld [smem:$0x3FD0];
	(tm) =	ssettm $0x1  }
0x91: {  	s18 =	sld [smem:$0x3FFB];
	_ =	sdelay $0x3  }
0x92: {  	_ =	strace s18  }
0x93: {  	s3 =	sld [smem:$0x3FFC];
	_ =	sdelay $0x3  }
0x94: {  	_ =	strace s3  }
0x95: {  	s3 =	sld [smem:$0x3FFD];
	_ =	sdelay $0x3  }
0x96: {  	_ =	strace s3  }
0x97: {  	_ =	strace $0x8FFFFFFF  }
0x98: {  	s19 =	sld [smem:$0x3FDB];
	_ =	sdelay $0x1  }
0x99: {  	s4 =	simm.s32 $_scs_section_size  }
0x9a: {  	s5 =	simm.s32 $_size__tile_overlayer_lowered;
	s6 =	simm.s32 $_tile_overlayer_lowered  }
0x9b: {  	s22 =	simm.s32 $0x1BFF;
	s21 =	sshll.u32 s6, $0x1;
	s3 =	sadd.s32 s4, s19  }
0x9c: {  	s7 =	simm.s32 $0x0;
	s20 =	sshll.u32 s5, $0x1;
	s5 =	sadd.s32 s21, s3  }
0x9d: {  	[timem:s7], [sflag:s22] =	dma.local [hbm:s5], s20  }
0x9e: {  	_ =	swait.ge [sflag:s22], s20  }
0x9f: {  	s4 =	ssub.s32 $0x0, s20;
	[sflag:s22] =	ssyncset.done $0x0  }
0xa0: {  	[sflag:s22] =	ssyncadd.s32 s4;
	_ =	sdelay $0x1  }
0xa1: {  	s23 =	simm.s32 $0x1B8B  }
0xa2: {  	_ =	swait.ge [sflag:s23], $0x1  }
0xa3: {  	[sflag:s23] =	ssyncset.done $0x0  }
0xa4: {  	s25 =	simm.s32 $0x1B8E;
	s24 =	sld [smem:$0x3FFE];
	[sflag:s23] =	ssyncadd.s32 $0xFFFFFFFF  }
0xa5: {  	s26 =	simm.s32 $execute0_lowered;
	[smem:$0x3FD2] =	sst s25  }
0xa6: {  	s5 =	sshll.u32 s26, $0x1;
	_ =	strace $0x80000052;
	[dreg:$0x1] =	wrdreg $0xFFFFFFFF  }
0xa7: {  	s28 =	simm.s32 $_size_execute0_lowered;
	s3 =	sadd.s32 s3, s5;
	[dreg:$0x0] =	wrdreg $0x0  }
0xa8: {  	s5 =	sshll.u32 s28, $0x1;
	[dreg:$0x2] =	wrdreg s3  }
0xa9: {  	[dreg:$0x3] =	wrdreg s5  }
0xaa: {  	[dreg:$0x4] =	wrdreg $0xC0  }
0xab: {  	_ =	task [dreg:s7], $0x5FFFF  }
0xac: {  	[dreg:$0x1] =	wrdreg $0xFFFFFFFF  }
0xad: {  	[dreg:$0x0] =	wrdreg $0x60  }
0xae: {  	[dreg:$0x2] =	wrdreg s24  }
0xaf: {  	[dreg:$0x3] =	wrdreg s2  }
0xb0: {  	[dreg:$0x4] =	wrdreg $0x9  }
0xb1: {  	_ =	task.clear_ibuf [dreg:s7], $0x5FFFF;
	_ =	strace $0x90000052  }
0xb2: {  	s29 =	simm.s32 $0x9;
	_ =	strace $0x80000054  }
0xb3: {  	_ =	swait.ge [sflag:s29], $0x1  }
0xb4: {  	[sflag:s29] =	ssyncadd.s32 $0xFFFFFFFF  }
0xb5: {  	_ =	strace $0x90000054  }
0xb6: {  	_ =	sfence  }
0xb7: {  	s30 =	sld [smem:$0x0];
	_ =	sdelay $0x2  }
0xb8: {  	s31 =	sshll.u32 s1, $0xD;
	s1 =	sshrl.u32 s1, $0x2  }
0xb9: {  	s3 =	sand.u32 $0x4000, s31;
	s1 =	sadd.s32 s1, s30  }
0xba: {  	s0 =	sor.u32 s3, s0;
	s1 =	sshll.u32 s1, $0x11  }
0xbb: {  	s0 =	sor.u32 s1, s0  }
0xbc: {  	s0 =	sadd.s32 $0x8F2B, s0  }
0xbd: {  	[sflag:s0] =	ssyncadd.remote.s32 $0x1  }
0xbe: {  	_ =	sfence.sel $0xFFFF  }
0xbf: {  	[dreg:$0x0] =	wrdreg $0xFFFFFFFF;
	(pc) =	sbr.abs _section_cstart, $3  }
0xc0: {  	[dreg:$0x1] =	wrdreg $0xFFFFFFFF  }
0xc1: {  	_ =	task.clear_ibuf [dreg:s7], $0x2FFFF;
	_ =	strace $0x9FFFFFFF  }
0xc2: {  	(tm) =	ssettm $0x7FFFFFFF  }
0xc3: {  	_ =	shalt  }
tec
execute0_lowered:
.L_overlay_start_1:
0x0: {  	(tag) =	ssettag $0x1  }
0x1: {  	s5 =	rddreg [dreg:$0x0]  }
0x2: {  	s6 =	rddreg [dreg:$0x1]  }
0x3: {  	s0 =	rddreg [dreg:$0x2];
	s1 =	simm.s32 $0x0  }
0x4: {  	s2 =	srdreg.scid;
	s11 =	simm.s32 $0xC000;
	s12 =	simm.s32 $0x0  }
0x5: {  	[smem:$0x7FF] =	sst s1;
	s3 =	sadd.s32 $0xDE00, s5;
	s7 =	sand.u32 $0x1, s2  }
.Ltmp0:
0x6: {  	s4 =	sadd.s32 $0xB600, s5;
	s2 =	stileid.u32;
	(pc) =	sbr.rel .LBB2_1-.Ltmp0, $4  }
0x7: {  	s5 =	sadd.s32 $0x28DE00, s5;
	_ =	strace $0x80000053;
	s8 =	ssub.s32 $0x2, s7  }
0x8: {  	s10 =	sshll.u32 s2, $0x1;
	s6 =	sadd.s32 s6, s7;
	s9 =	sshrl.u32 s8, $0x1  }
0x9: {  	s6 =	sadd.s32 s10, s6;
	s10 =	simm.s32 $0xE800;
	s31 =	ssub.s32 s8, s9  }
0xa: {  	v0 =	vimm.f32 $0.0e+00;
	s8 =	simm.s32 $0xE900;
	s9 =	simm.s32 $0x1;
	s7 =	smax.u32 s31, $0x1  }
.LBB2_7:
0xb: {  	p0 =	slt.s32 s19, s13  }
0xc: {  	p1 =	sge.s32 @!p0 s19, s15  }
0xd: {  	p0 =	por p1, p0  }
0xe: {  	s14 =	ssub.s32 @!p0 s19, s13  }
0xf: {  	s14 =	sshll.u32 @!p0 s14, $0xA  }
0x10: {  	s14 =	sshra.s32 @!p0 s14, $0x2  }
0x11: {  	[tilespmem:s14+$0xC000] =	vst @!p0 v14  }
0x12: {  	[tilespmem:s14+$0xC010] =	vst @!p0 v13  }
0x13: {  	[tilespmem:s14+$0xC020] =	vst @!p0 v16  }
0x14: {  	[tilespmem:s14+$0xC030] =	vst @!p0 v11  }
0x15: {  	[tilespmem:s14+$0xC040] =	vst @!p0 v9  }
0x16: {  	[tilespmem:s14+$0xC050] =	vst @!p0 v8  }
0x17: {  	[tilespmem:s14+$0xC060] =	vst @!p0 v10  }
0x18: {  	[tilespmem:s14+$0xC070] =	vst @!p0 v15  }
0x19: {  	[tilespmem:s14+$0xC080] =	vst @!p0 v12  }
0x1a: {  	[tilespmem:s14+$0xC090] =	vst @!p0 v7  }
0x1b: {  	[tilespmem:s14+$0xC0A0] =	vst @!p0 v6  }
0x1c: {  	[tilespmem:s14+$0xC0B0] =	vst @!p0 v5  }
0x1d: {  	[tilespmem:s14+$0xC0C0] =	vst @!p0 v4  }
0x1e: {  	[tilespmem:s14+$0xC0D0] =	vst @!p0 v3  }
0x1f: {  	s31 =	sshll.u32 s13, $0x5;
	s12 =	sadd.s32 $0x1, s12;
	[tilespmem:s14+$0xC0E0] =	vst @!p0 v2  }
0x20: {  	s13 =	sand.u32 $0x1FFFFF00, s31;
	[tilespmem:s14+$0xC0F0] =	vst @!p0 v1;
	p0 =	sne.s32 s12, s7  }
.Ltmp1:
0x21: {  	s13 =	sadd.s32 s5, s13;
	(pc) =	sbr.rel @!p0 .LBB2_8-.Ltmp1, $4  }
0x22: {  	[hbm4b:s13+s1] =	stream.linear.scatter [tilespmem:s11], [sflag:$0x1], $0x2800, $0x38;
	[tilespmem:$0xE980] =	vst v63  }
0x23: {  	_ =	swait.ge [sflag:s9], $0x2800  }
0x24: {  	[sflag:s9] =	ssyncset.done $0x0  }
0x25: {  	[sflag:s9] =	ssyncadd.s32 $0xFFFFD800  }
.LBB2_1:
0x26: {  	[tilespmem:s8], [sflag:$0x1] =	stream.linear.gather [hbm4b:s6+s1], $0x8, $0x38;
	[tilespmem:$0xE980] =	vst v63  }
0x27: {  	_ =	swait.ge [sflag:s9], $0x8  }
0x28: {  	[sflag:s9] =	ssyncset.done $0x0  }
0x29: {  	[sflag:s9] =	ssyncadd.s32 $0xFFFFFFF8  }
0x2a: {  	v1 =	vld [tilespmem:$0xE900];
	_ =	sdelay $0x4  }
0x2b: {  	(v2sf) =	vpush v1, $0x0  }
0x2c: {  	(v2sf) =	vpush v1, $0x2;
	_ =	sdelay $0xd  }
0x2d: {  	s13 =	spop (v2sf)  }
0x2e: {  	s15 =	simm.s32 $0x40;
	s17 =	simm.s32 $0x0;
	s14 =	spop (v2sf)  }
.LBB2_2:
0x2f: {  	p0 =	sne.s32 s15, $0x9FC0;
	[tilespmem:s17+$0xC000] =	vst v0;
	s16 =	smov.u32 s15;
	s15 =	sadd.s32 $0x40, s15  }
.Ltmp2:
0x30: {  	(pc) =	sbr.rel @p0 .LBB2_2-.Ltmp2, $2  }
0x31: {  	_ =	sdelay $0x2  }
0x32: {  	s17 =	sshra.s32 s16, $0x2  }
0x33: {  	(v2sf) =	vpush v1, $0x1  }
0x34: {  	(v2sf) =	vpush v1, $0x3;
	_ =	sdelay $0xd  }
0x35: {  	s15 =	spop (v2sf)  }
0x36: {  	s16 =	spop (v2sf)  }
0x37: {  	v2 =	vimm.f32 $-Inf;
	p0 =	slt.s32 s16, $0x1  }
.Ltmp3:
0x38: {  	v3 =	vimm.f32 $-Inf;
	v4 =	vimm.f32 $-Inf;
	v5 =	vimm.f32 $-Inf;
	(pc) =	sbr.rel @p0 .LBB2_7-.Ltmp3, $4  }
0x39: {  	v6 =	vimm.f32 $-Inf;
	v7 =	vimm.f32 $-Inf;
	v12 =	vimm.f32 $-Inf  }
0x3a: {  	v15 =	vimm.f32 $-Inf;
	v10 =	vimm.f32 $-Inf;
	v8 =	vimm.f32 $-Inf  }
0x3b: {  	s19 =	simm.s32 $0xFFFFFFFF;
	v9 =	vimm.f32 $-Inf;
	v11 =	vimm.f32 $-Inf;
	v16 =	vimm.f32 $-Inf  }
0x3c: {  	[tilespmem:s17+$0xC000] =	vst v0;
	s17 =	simm.s32 $0x0;
	v13 =	vimm.f32 $-Inf;
	v14 =	vimm.f32 $-Inf;
	s18 =	simm.s32 $0x0;
	v1 =	vimm.f32 $-Inf;
	[smem:$0x0] =	sst s19  }
.LBB2_4:
0x3d: {  	s20 =	smul.u32 $0xC0, s18;
	_ =	sdelay $0x1  }
0x3e: {  	s20 =	sadd.s32 s14, s20  }
0x3f: {  	s21 =	sshll.u32 s20, $0x5  }
0x40: {  	s21 =	sand.u32 $0x1FFFFF00, s21  }
0x41: {  	s21 =	sadd.s32 s3, s21  }
0x42: {  	[tilespmem:s17], [sflag:$0x1] =	stream.linear.gather [hbm4b:s21+s17], $0xC000, $0x38;
	[tilespmem:$0xE980] =	vst v63  }
0x43: {  	_ =	swait.ge [sflag:s9], $0xC000  }
0x44: {  	s20 =	sshrl.u32 s20, $0x3;
	[sflag:s9] =	ssyncset.done $0x0  }
0x45: {  	s20 =	sadd.s32 s4, s20;
	[sflag:s9] =	ssyncadd.s32 $0xFFFF4000  }
0x46: {  	[tilespmem:s10], [sflag:$0x1] =	stream.linear.gather [hbm4b:s20+s17], $0xC0, $0x38;
	[tilespmem:$0xE980] =	vst v63  }
0x47: {  	_ =	swait.ge [sflag:s9], $0xC0  }
0x48: {  	[sflag:s9] =	ssyncset.done $0x0  }
0x49: {  	s31 =	simm.s32 $0x0;
	[sflag:s9] =	ssyncadd.s32 $0xFFFFFF40  }
0x4a: {  	v17 =	vld [tilespmem:s31+$0xE800];
	_ =	sdelay $0x4  }
0x4b: {  	(v2sf) =	vpush v17, $0x0;
	_ =	sdelay $0xe  }
0x4c: {  	s20 =	smov.u32 s19;
	s19 =	spop (v2sf)  }
0x4d: {  	p0 =	seq.s32 s19, s20  }
0x4e: {  	p1 =	slt.s32 @!p0 s20, s13  }
0x4f: {  	p2 =	por p1, p0  }
0x50: {  	p2 =	sge.s32 @!p2 s20, s15  }
0x51: {  	p1 =	por @!p0 p2, p1  }
0x52: {  	p1 =	por p1, p0  }
0x53: {  	s21 =	ssub.s32 @!p1 s20, s13  }
0x54: {  	s21 =	sshll.u32 @!p1 s21, $0xA  }
0x55: {  	s24 =	sshra.s32 @!p1 s21, $0x2  }
0x56: {  	[tilespmem:s24+$0xC0F0] =	vst @!p1 v1  }
0x57: {  	[tilespmem:s24+$0xC0D0] =	vst @!p1 v3  }
0x58: {  	[tilespmem:s24+$0xC0E0] =	vst @!p1 v2  }
0x59: {  	[tilespmem:s24+$0xC0C0] =	vst @!p1 v4  }
0x5a: {  	[tilespmem:s24+$0xC0B0] =	vst @!p1 v5  }
0x5b: {  	[tilespmem:s24+$0xC0A0] =	vst @!p1 v6  }
0x5c: {  	s22 =	simm.s32 $0x80;
	s23 =	simm.s32 $0x4;
	s21 =	simm.s32 $0x80;
	[tilespmem:s24+$0xC090] =	vst @!p1 v7  }
.LBB2_5:
0x5d: {  	[tilespmem:s24+$0xC080] =	vst @!p1 v12;
	s22 =	sadd.s32 $0x100, s22;
	s25 =	smov.u32 s23;
	s23 =	sadd.s32 $0x4, s23  }
0x5e: {  	p0 =	sne.s32 s23, $0x300;
	[tilespmem:s24+$0xC070] =	vst @!p1 v15  }
0x5f: {  	[tilespmem:s24+$0xC060] =	vst @!p1 v10  }
0x60: {  	[tilespmem:s24+$0xC050] =	vst @!p1 v8  }
0x61: {  	[tilespmem:s24+$0xC040] =	vst @!p1 v9  }
0x62: {  	[tilespmem:s24+$0xC030] =	vst @!p1 v11  }
0x63: {  	[tilespmem:s24+$0xC020] =	vst @!p1 v16  }
0x64: {  	[tilespmem:s24+$0xC000] =	vst @!p1 v14  }
0x65: {  	[tilespmem:s24+$0xC010] =	vst @!p1 v13  }
0x66: {  	v17 =	vld [tilespmem:s21+$0x70]  }
0x67: {  	v18 =	vld [tilespmem:s21+$0xFFFFFF90]  }
0x68: {  	v19 =	vld [tilespmem:s21+$0x30]  }
0x69: {  	v20 =	vld [tilespmem:s21+$0x40]  }
0x6a: {  	v21 =	vld [tilespmem:s21+$0x60]  }
0x6b: {  	p1 =	sne.s32 s19, s20;
	s20 =	smov.u32 s19;
	v22 =	vld [tilespmem:s21+$0xFFFFFF80];
	v1 =	vmax.f32 v1, v17  }
0x6c: {  	v13 =	vmax.f32 v13, v18;
	v23 =	vld [tilespmem:s21+$0xFFFFFFC0];
	v1 =	vpsel p1, v17, v1  }
0x6d: {  	v13 =	vpsel p1, v18, v13;
	v17 =	vld [tilespmem:s21+$0x20]  }
0x6e: {  	v18 =	vld [tilespmem:s21+$0xFFFFFFD0]  }
0x6f: {  	v24 =	vld [tilespmem:s21+$0xFFFFFFB0]  }
0x70: {  	v14 =	vmax.f32 v14, v22;
	v25 =	vld [tilespmem:s21+$0x50]  }
0x71: {  	v14 =	vpsel p1, v22, v14;
	v9 =	vmax.f32 v9, v23;
	v22 =	vld [tilespmem:s21+$0xFFFFFFF0]  }
0x72: {  	v26 =	vld [tilespmem:s21+$0xFFFFFFA0];
	v9 =	vpsel p1, v23, v9  }
0x73: {  	v8 =	vmax.f32 v8, v18;
	v23 =	vld [tilespmem:s21+$0xFFFFFFE0]  }
0x74: {  	s19 =	sshra.s32 s25, $0x2;
	v11 =	vmax.f32 v11, v24;
	v8 =	vpsel p1, v18, v8;
	v18 =	vld [tilespmem:s21+$0x0]  }
0x75: {  	v6 =	vmax.f32 v6, v17;
	v27 =	vld [tilespmem:s19+$0xE800];
	v11 =	vpsel p1, v24, v11  }
0x76: {  	v5 =	vmax.f32 v5, v19;
	v6 =	vpsel p1, v17, v6;
	v15 =	vmax.f32 v15, v22;
	v24 =	vld [tilespmem:s21+$0x10];
	s21 =	smov.u32 s22  }
0x77: {  	v5 =	vpsel p1, v19, v5;
	v4 =	vmax.f32 v4, v20;
	v16 =	vmax.f32 v16, v26  }
0x78: {  	v4 =	vpsel p1, v20, v4;
	v3 =	vmax.f32 v3, v25  }
0x79: {  	v2 =	vmax.f32 v2, v21;
	v3 =	vpsel p1, v25, v3;
	v12 =	vmax.f32 v12, v18  }
0x7a: {  	v2 =	vpsel p1, v21, v2;
	v10 =	vmax.f32 v10, v23;
	(v2sf) =	vpush v27, $0x0  }
0x7b: {  	v15 =	vpsel p1, v22, v15;
	v16 =	vpsel p1, v26, v16;
	v7 =	vmax.f32 v7, v24  }
0x7c: {  	v10 =	vpsel p1, v23, v10;
	v12 =	vpsel p1, v18, v12;
	v7 =	vpsel p1, v24, v7;
	_ =	sdelay $0xc  }
0x7d: {  	s19 =	spop (v2sf)  }
0x7e: {  	p1 =	seq.s32 s19, s20  }
0x7f: {  	p2 =	slt.s32 @!p1 s20, s13  }
0x80: {  	p3 =	por p2, p1  }
0x81: {  	p3 =	sge.s32 @!p3 s20, s15  }
0x82: {  	p2 =	por @!p1 p3, p2  }
0x83: {  	p1 =	por p2, p1  }
0x84: {  	s24 =	ssub.s32 @!p1 s20, s13  }
0x85: {  	s24 =	sshll.u32 @!p1 s24, $0xA  }
0x86: {  	s24 =	sshra.s32 @!p1 s24, $0x2  }
0x87: {  	[tilespmem:s24+$0xC0F0] =	vst @!p1 v1  }
0x88: {  	[tilespmem:s24+$0xC0D0] =	vst @!p1 v3  }
.Ltmp4:
0x89: {  	[tilespmem:s24+$0xC0E0] =	vst @!p1 v2;
	(pc) =	sbr.rel @p0 .LBB2_5-.Ltmp4, $4  }
0x8a: {  	[tilespmem:s24+$0xC0C0] =	vst @!p1 v4  }
0x8b: {  	[tilespmem:s24+$0xC0B0] =	vst @!p1 v5  }
0x8c: {  	[tilespmem:s24+$0xC0A0] =	vst @!p1 v6  }
0x8d: {  	[tilespmem:s24+$0xC090] =	vst @!p1 v7  }
0x8e: {  	[tilespmem:s24+$0xC080] =	vst @!p1 v12  }
0x8f: {  	[tilespmem:s24+$0xC070] =	vst @!p1 v15  }
0x90: {  	[tilespmem:s24+$0xC060] =	vst @!p1 v10  }
0x91: {  	[tilespmem:s24+$0xC050] =	vst @!p1 v8  }
0x92: {  	[tilespmem:s24+$0xC040] =	vst @!p1 v9  }
0x93: {  	[tilespmem:s24+$0xC030] =	vst @!p1 v11  }
0x94: {  	[tilespmem:s24+$0xC020] =	vst @!p1 v16  }
0x95: {  	[tilespmem:s24+$0xC000] =	vst @!p1 v14  }
0x96: {  	[tilespmem:s24+$0xC010] =	vst @!p1 v13  }
0x97: {  	v17 =	vld [tilespmem:s21+$0x70]  }
0x98: {  	v18 =	vld [tilespmem:s21+$0xFFFFFF90]  }
0x99: {  	v19 =	vld [tilespmem:s21+$0x30]  }
0x9a: {  	v20 =	vld [tilespmem:s21+$0x40]  }
0x9b: {  	v21 =	vld [tilespmem:s21+$0x60]  }
0x9c: {  	v22 =	vld [tilespmem:s21+$0xFFFFFF80]  }
0x9d: {  	v23 =	vld [tilespmem:s21+$0xFFFFFFC0]  }
0x9e: {  	v24 =	vld [tilespmem:s21+$0x20]  }
0x9f: {  	v25 =	vld [tilespmem:s21+$0xFFFFFFD0]  }
0xa0: {  	v26 =	vld [tilespmem:s21+$0xFFFFFFB0]  }
0xa1: {  	v27 =	vld [tilespmem:s21+$0xFFFFFFF0]  }
0xa2: {  	v28 =	vld [tilespmem:s21+$0x50]  }
0xa3: {  	v62 =	vld [tilespmem:s21+$0xFFFFFFE0]  }
0xa4: {  	v63 =	vld [tilespmem:s21+$0x10];
	v1 =	vmax.f32 v1, v17;
	v13 =	vmax.f32 v13, v18  }
0xa5: {  	v14 =	vmax.f32 v14, v22;
	v9 =	vmax.f32 v9, v23;
	v8 =	vmax.f32 v8, v25  }
0xa6: {  	p0 =	sne.s32 s19, s20;
	v11 =	vmax.f32 v11, v26;
	v6 =	vmax.f32 v6, v24;
	v15 =	vmax.f32 v15, v27  }
0xa7: {  	v5 =	vmax.f32 v5, v19;
	v4 =	vmax.f32 v4, v20;
	v1 =	vpsel p0, v17, v1;
	v17 =	vld [tilespmem:s21+$0xFFFFFFA0]  }
0xa8: {  	s18 =	sadd.s32 $0x1, s18;
	v3 =	vmax.f32 v3, v28;
	v2 =	vmax.f32 v2, v21;
	v13 =	vpsel p0, v18, v13;
	v18 =	vld [tilespmem:s21+$0x0]  }
0xa9: {  	p1 =	sne.s32 s18, s16;
	v10 =	vmax.f32 v10, v62;
	v7 =	vmax.f32 v7, v63;
	v14 =	vpsel p0, v22, v14  }
.Ltmp5:
0xaa: {  	v9 =	vpsel p0, v23, v9;
	v8 =	vpsel p0, v25, v8;
	v11 =	vpsel p0, v26, v11;
	(pc) =	sbr.rel @p1 .LBB2_4-.Ltmp5, $4  }
.Ltmp6:
0xab: {  	v6 =	vpsel p0, v24, v6;
	v5 =	vpsel p0, v19, v5;
	v4 =	vpsel p0, v20, v4;
	(pc) =	sbr.rel @!p1 .LBB2_7-.Ltmp6, $4  }
0xac: {  	v3 =	vpsel p0, v28, v3;
	v2 =	vpsel p0, v21, v2;
	v15 =	vpsel p0, v27, v15  }
0xad: {  	v10 =	vpsel p0, v62, v10;
	v16 =	vmax.f32 v16, v17;
	v12 =	vmax.f32 v12, v18  }
0xae: {  	[smem:$0x0] =	sst s19;
	v7 =	vpsel p0, v63, v7;
	v16 =	vpsel p0, v17, v16;
	v12 =	vpsel p0, v18, v12  }
0xaf: {  	_ = 	snop  }
.LBB2_8:
0xb0: {  	_ =	sfence.sel $0x180000  }
0xb1: {  	[bflag:$0x0] =	sbarrier.arrive $0xFFFF  }
0xb2: {  	p0 =	sne.s32 s2, $0x0;
	_ =	strace $0x90000053  }
0xb3: {  	s0 =	sadd.s32 @!p0 $0x100000, s0;
	[bflag:$0x2] =	sbarrier.arrive $0xFFFF  }
0xb4: {  	[sflag:s0] =	ssyncadd.tile.s32 @!p0 $0x1;
	_ =	shalt  }
.Lfunc_end2:
_tile_overlayer_lowered:
.L_overlay_start_2:
0xb5: {  	(tag) =	ssettag $0x2  }
0xb6: {  	s0 =	rddreg [dreg:$0x0];
	s2 =	stileid.u32  }
0xb7: {  	s1 =	rddreg [dreg:$0x1];
	p0 =	sne.s32 s2, $0x0  }
0xb8: {  	s3 =	rddreg [dreg:$0x2];
	[bflag:$0x3] =	sbarrier.arrive $0xFFFF;
	s2 =	simm.s32 @!p0 $0x1C01  }
0xb9: {  	[timem:s3], [sflag:s2] =	dma.local @!p0 [hbm:s0], s1  }
0xba: {  	s0 =	simm.s32 @!p0 $0x1  }
0xbb: {  	_ =	swait.ge @!p0 [sflag:s0], s1  }
0xbc: {  	s1 =	ssub.s32 @!p0 $0x0, s1;
	[sflag:s0] =	ssyncset.done @!p0 $0x0  }
0xbd: {  	[sflag:s0] =	ssyncadd.s32 @!p0 s1  }
0xbe: {  	[bflag:$0x3] =	sbarrier.arrive $0xFFFF  }
0xbf: {  	_ =	shalt  }

// kernel: kernel.9.cloned.1.call-start
scs
__scs_entry_jumppad:
0x0: {  	(pc) =	sbr.rel $0x88, $3  }
0x1: {  	(tag) =	ssettag $0x0;
	lr =	simm.s32 $0x1  }
0x2: {  	[smem:$0x3F88] =	sst lr;
	_ =	strace $0xD0000000  }
0x3: {  	_ = 	snop  }
0x4: {  	_ = 	snop  }
0x5: {  	_ = 	snop  }
0x6: {  	_ = 	snop  }
0x7: {  	_ = 	snop  }
__scs_overlays_trampoline_lowered:
0x8: {  	[smem:$0x3F97] =	sst s0  }
0x9: {  	[smem:$0x3F98] =	sst s1  }
0xa: {  	[smem:$0x3F99] =	sst s2  }
0xb: {  	[smem:$0x3F9A] =	sst s3  }
0xc: {  	[smem:$0x3F9B] =	sst s4  }
0xd: {  	[smem:$0x3F9C] =	sst s5  }
0xe: {  	[smem:$0x3F9D] =	sst s6  }
0xf: {  	[smem:$0x3F9E] =	sst s7  }
0x10: {  	[smem:$0x3F9F] =	sst s8  }
0x11: {  	[smem:$0x3FA0] =	sst s9;
	s0 =	simm.s32 @!p0 $0x0  }
0x12: {  	s1 =	sld [smem:$0x3F86];
	s0 =	simm.s32 @p0 $0x1  }
0x13: {  	[smem:$0x3FA1] =	sst s0;
	s0 =	simm.s32 @!p1 $0x0  }
0x14: {  	s2 =	sld [smem:$0x3F85];
	s0 =	simm.s32 @p1 $0x1  }
0x15: {  	[smem:$0x3FA2] =	sst s0;
	s0 =	simm.s32 @!p2 $0x0  }
0x16: {  	s3 =	sld [smem:$0x3FDB];
	s0 =	simm.s32 @p2 $0x1  }
0x17: {  	s4 =	simm.s32 $0x1BF5;
	[smem:$0x3FA4] =	sst s0  }
0x18: {  	s0 =	sld [smem:$0x3F87];
	_ =	swait.ge [sflag:s4], $0x0  }
0x19: {  	s7 =	sld [smem:$0x3F88]  }
0x1a: {  	s8 =	sadd.s32 $0xFFFFE003, lr  }
0x1b: {  	s9 =	sadd.s32 $0xFFFFFEF7, lr;
	s5 =	simm.s32 $0xFFFFFFFF;
	p2 =	slt.u32 s8, $0xFFFFF086  }
0x1c: {  	p1 =	slt.u32 s9, $0xF7A;
	s5 =	simm.s32 @!p2 $0x0  }
0x1d: {  	s5 =	simm.s32 @p1 $0x1;
	p0 =	seq.s32 s7, s2  }
0x1e: {  	s7 =	smul.u32 @!p0 $0xF7A, s2;
	p2 =	seq.s32 @!p0 s5, $0x0  }
0x1f: {  	s9 =	smul.u32 $0xF7A, s1;
	s8 =	simm.s32 @!p0 $0x1BF5;
	p2 =	por !p2, p0  }
0x20: {  	[sflag:s8] =	ssyncset.s32 @!p0 $0xFFFFF086;
	s6 =	sadd.s32 @!p0 s3, s7;
	s7 =	simm.s32 @!p0 $0x108  }
0x21: {  	s3 =	sadd.s32 s3, s9;
	s6 =	sadd.s32 @!p0 $0x88, s6;
	s7 =	simm.s32 @p2 $0x1082  }
0x22: {  	[simem:s7], [sflag:s8] =	dma.local @!p0 [hbm:s6], $0xF7A  }
0x23: {  	s9 =	sor.u32 $0xD0000000, s2;
	s6 =	simm.s32 $0x108;
	_ =	swait.ge @!p0 [sflag:s8], $0x0  }
0x24: {  	s3 =	sadd.s32 $0x88, s3;
	s6 =	simm.s32 @!p1 $0x1082;
	[sflag:s4] =	ssyncset.s32 $0xFFFFF086  }
0x25: {  	[simem:s6], [sflag:s4] =	dma.local [hbm:s3], $0xF7A  }
0x26: {  	[smem:$0x3F88] =	sst s1;
	(tag) =	ssettag s2;
	_ =	strace s9  }
0x27: {  	s1 =	sld [smem:$0x3F98]  }
0x28: {  	s2 =	sld [smem:$0x3F99]  }
0x29: {  	s4 =	sld [smem:$0x3F9B]  }
0x2a: {  	p0 =	seq.s32 s5, $0x0;
	s5 =	sld [smem:$0x3F9C]  }
0x2b: {  	s6 =	sld [smem:$0x3F9D]  }
0x2c: {  	s7 =	sld [smem:$0x3F9E]  }
0x2d: {  	s3 =	simm.s32 $0x108;
	s8 =	sld [smem:$0x3F9F]  }
0x2e: {  	s3 =	simm.s32 @!p0 $0x1082;
	s9 =	sld [smem:$0x3FA0]  }
0x2f: {  	lr =	sadd.s32 s0, s3;
	s0 =	sld [smem:$0x3F97]  }
0x30: {  	s3 =	sld [smem:$0x3F9A]  }
0x31: {  	[smem:$0x3FA3] =	sst s10  }
0x32: {  	s10 =	sld [smem:$0x3FA1];
	_ =	sdelay $0x3  }
0x33: {  	p0 =	seq.s32 s10, $0x1;
	s10 =	sld [smem:$0x3FA3];
	_ =	sdelay $0x3  }
0x34: {  	[smem:$0x3FA3] =	sst s10  }
0x35: {  	s10 =	sld [smem:$0x3FA2];
	_ =	sdelay $0x3  }
0x36: {  	p1 =	seq.s32 s10, $0x1;
	s10 =	sld [smem:$0x3FA3];
	_ =	sdelay $0x3  }
0x37: {  	[smem:$0x3FA3] =	sst s10  }
0x38: {  	s10 =	sld [smem:$0x3FA4]  }
0x39: {  	_ = 	snop;
	(pc) =	sbr.ind lr, $3  }
0x3a: {  	_ = 	snop  }
0x3b: {  	_ = 	snop  }
0x3c: {  	p2 =	seq.s32 s10, $0x1;
	s10 =	sld [smem:$0x3FA3]  }
0x3d: {  	_ =	shalt  }
0x3e: {  	_ =	shalt  }
0x3f: {  	_ =	shalt  }
0x40: {  	_ =	shalt  }
0x41: {  	_ =	shalt  }
0x42: {  	_ =	shalt  }
0x43: {  	_ =	shalt  }
0x44: {  	_ =	shalt  }
0x45: {  	_ =	shalt  }
0x46: {  	_ =	shalt  }
0x47: {  	_ =	shalt  }
0x48: {  	_ =	shalt  }
0x49: {  	_ =	shalt  }
0x4a: {  	_ =	shalt  }
0x4b: {  	_ =	shalt  }
0x4c: {  	_ =	shalt  }
0x4d: {  	_ =	shalt  }
0x4e: {  	_ =	shalt  }
0x4f: {  	_ =	shalt  }
0x50: {  	_ =	shalt  }
0x51: {  	_ =	shalt  }
0x52: {  	_ =	shalt  }
0x53: {  	_ =	shalt  }
0x54: {  	_ =	shalt  }
0x55: {  	_ =	shalt  }
0x56: {  	_ =	shalt  }
0x57: {  	_ =	shalt  }
0x58: {  	_ =	shalt  }
0x59: {  	_ =	shalt  }
0x5a: {  	_ =	shalt  }
0x5b: {  	_ =	shalt  }
0x5c: {  	_ =	shalt  }
0x5d: {  	_ =	shalt  }
0x5e: {  	_ =	shalt  }
0x5f: {  	_ =	shalt  }
0x60: {  	_ =	shalt  }
0x61: {  	_ =	shalt  }
0x62: {  	_ =	shalt  }
0x63: {  	_ =	shalt  }
0x64: {  	_ =	shalt  }
0x65: {  	_ =	shalt  }
0x66: {  	_ =	shalt  }
0x67: {  	_ =	shalt  }
0x68: {  	_ =	shalt  }
0x69: {  	_ =	shalt  }
0x6a: {  	_ =	shalt  }
0x6b: {  	_ =	shalt  }
0x6c: {  	_ =	shalt  }
0x6d: {  	_ =	shalt  }
0x6e: {  	_ =	shalt  }
0x6f: {  	_ =	shalt  }
0x70: {  	_ =	shalt  }
0x71: {  	_ =	shalt  }
0x72: {  	_ =	shalt  }
0x73: {  	_ =	shalt  }
0x74: {  	_ =	shalt  }
0x75: {  	_ =	shalt  }
0x76: {  	_ =	shalt  }
0x77: {  	_ =	shalt  }
0x78: {  	_ =	shalt  }
0x79: {  	_ =	shalt  }
0x7a: {  	_ =	shalt  }
0x7b: {  	_ =	shalt  }
0x7c: {  	_ =	shalt  }
0x7d: {  	_ =	shalt  }
0x7e: {  	_ =	shalt  }
0x7f: {  	_ =	shalt  }
0x80: {  	_ =	shalt  }
0x81: {  	_ =	shalt  }
0x82: {  	_ =	shalt  }
0x83: {  	_ =	shalt  }
0x84: {  	_ =	shalt  }
0x85: {  	_ =	shalt  }
0x86: {  	_ =	shalt  }
0x87: {  	_ =	shalt  }
.Lfunc_end0:
.L_simem_size_0:
called_computation.1_lowered:
.L_overlay_start_0:
0x88: {  	s2 =	sld [smem:$0x3FD9]  }
0x89: {  	s3 =	sld [smem:$0x3FFE];
	_ =	sdelay $0x1  }
0x8a: {  	s1 =	srdreg.scid  }
0x8b: {  	s0 =	sand.u32 $0x1, s1  }
0x8c: {  	s17 =	sshll.u32 s0, $0xA;
	s2 =	sadd.s32 s3, s2  }
0x8d: {  	s2 =	sadd.s32 s2, s17  }
0x8e: {  	[smem:$0x3FAF] =	sst s2  }
0x8f: {  	_ = 	snop  }
0x90: {  	s2 =	sld [smem:$0x3FC7]  }
0x91: {  	s18 =	sld [smem:$0x3FC6];
	(tm) =	ssettm $0x1  }
0x92: {  	s4 =	sld [smem:$0x3FFB];
	_ =	sdelay $0x3  }
0x93: {  	_ =	strace s4  }
0x94: {  	s4 =	sld [smem:$0x3FFC];
	_ =	sdelay $0x3  }
0x95: {  	_ =	strace s4  }
0x96: {  	s4 =	sld [smem:$0x3FFD];
	_ =	sdelay $0x3  }
0x97: {  	_ =	strace s4  }
0x98: {  	_ =	strace $0x8FFFFFFF  }
0x99: {  	s19 =	sld [smem:$0x3FDB];
	_ =	sdelay $0x1  }
0x9a: {  	s5 =	simm.s32 $_scs_section_size  }
0x9b: {  	s6 =	simm.s32 $_size__tile_overlayer_lowered;
	s7 =	simm.s32 $_tile_overlayer_lowered  }
0x9c: {  	s22 =	simm.s32 $0x1BFF;
	s21 =	sshll.u32 s7, $0x1;
	s4 =	sadd.s32 s5, s19  }
0x9d: {  	s8 =	simm.s32 $0x0;
	s20 =	sshll.u32 s6, $0x1;
	s6 =	sadd.s32 s21, s4  }
0x9e: {  	[timem:s8], [sflag:s22] =	dma.local [hbm:s6], s20  }
0x9f: {  	_ =	swait.ge [sflag:s22], s20  }
0xa0: {  	s5 =	ssub.s32 $0x0, s20;
	[sflag:s22] =	ssyncset.done $0x0  }
0xa1: {  	[sflag:s22] =	ssyncadd.s32 s5;
	_ =	sdelay $0x1  }
0xa2: {  	s23 =	simm.s32 $0x1B8B  }
0xa3: {  	_ =	swait.ge [sflag:s23], $0x1  }
0xa4: {  	[sflag:s23] =	ssyncset.done $0x0  }
0xa5: {  	s25 =	simm.s32 $0x1B8E;
	s24 =	sld [smem:$0x3FFE];
	[sflag:s23] =	ssyncadd.s32 $0xFFFFFFFF  }
0xa6: {  	s26 =	simm.s32 $execute0_lowered;
	[smem:$0x3FD2] =	sst s25  }
0xa7: {  	s6 =	sshll.u32 s26, $0x1;
	_ =	strace $0x80000046;
	[dreg:$0x1] =	wrdreg $0xFFFFFFFF  }
0xa8: {  	s28 =	simm.s32 $_size_execute0_lowered;
	s4 =	sadd.s32 s4, s6;
	[dreg:$0x0] =	wrdreg $0x0  }
0xa9: {  	s6 =	sshll.u32 s28, $0x1;
	[dreg:$0x2] =	wrdreg s4  }
0xaa: {  	[dreg:$0x3] =	wrdreg s6  }
0xab: {  	[dreg:$0x4] =	wrdreg $0xC0  }
0xac: {  	_ =	task [dreg:s8], $0x5FFFF  }
0xad: {  	[dreg:$0x1] =	wrdreg $0xFFFFFFFF  }
0xae: {  	[dreg:$0x0] =	wrdreg $0x60  }
0xaf: {  	[dreg:$0x2] =	wrdreg s24  }
0xb0: {  	[dreg:$0x3] =	wrdreg s2  }
0xb1: {  	[dreg:$0x4] =	wrdreg s18  }
0xb2: {  	[dreg:$0x5] =	wrdreg $0x9  }
0xb3: {  	_ =	task.clear_ibuf [dreg:s8], $0x6FFFF;
	_ =	strace $0x90000046  }
0xb4: {  	s29 =	simm.s32 $0x9;
	_ =	strace $0x80000048  }
0xb5: {  	_ =	swait.ge [sflag:s29], $0x1  }
0xb6: {  	[sflag:s29] =	ssyncadd.s32 $0xFFFFFFFF  }
0xb7: {  	_ =	strace $0x90000048  }
0xb8: {  	_ =	sfence  }
0xb9: {  	s30 =	sld [smem:$0x0];
	_ =	sdelay $0x2  }
0xba: {  	s31 =	sshll.u32 s1, $0xD;
	s1 =	sshrl.u32 s1, $0x2  }
0xbb: {  	s3 =	sand.u32 $0x4000, s31;
	s1 =	sadd.s32 s1, s30  }
0xbc: {  	s0 =	sor.u32 s3, s0;
	s1 =	sshll.u32 s1, $0x11  }
0xbd: {  	s0 =	sor.u32 s1, s0  }
0xbe: {  	s0 =	sadd.s32 $0x8F2B, s0  }
0xbf: {  	[sflag:s0] =	ssyncadd.remote.s32 $0x1  }
0xc0: {  	_ =	sfence.sel $0xFFFF  }
0xc1: {  	[dreg:$0x0] =	wrdreg $0xFFFFFFFF;
	(pc) =	sbr.abs _section_cstart, $3  }
0xc2: {  	[dreg:$0x1] =	wrdreg $0xFFFFFFFF  }
0xc3: {  	_ =	task.clear_ibuf [dreg:s8], $0x2FFFF;
	_ =	strace $0x9FFFFFFF  }
0xc4: {  	(tm) =	ssettm $0x7FFFFFFF  }
0xc5: {  	_ =	shalt  }
tec
execute0_lowered:
.L_overlay_start_1:
0x0: {  	(tag) =	ssettag $0x1  }
0x1: {  	s12 =	rddreg [dreg:$0x0]  }
0x2: {  	s1 =	rddreg [dreg:$0x1]  }
0x3: {  	s2 =	rddreg [dreg:$0x2]  }
0x4: {  	s0 =	rddreg [dreg:$0x3];
	s3 =	simm.s32 $0x0;
	s9 =	srdreg.scid  }
0x5: {  	s4 =	stileid.u32;
	s16 =	simm.s32 $0x7580;
	s17 =	simm.s32 $0x8980  }
0x6: {  	s18 =	simm.s32 $0x8F00;
	s19 =	simm.s32 $0x9300;
	s20 =	simm.s32 $0x9700  }
0x7: {  	s21 =	simm.s32 $0xD580;
	s22 =	simm.s32 $0x0;
	[smem:$0x7FF] =	sst s3  }
0x8: {  	s5 =	sadd.s32 $0xA600, s12;
	s6 =	sadd.s32 $0x7800, s12;
	s7 =	sadd.s32 $0x7C00, s12  }
0x9: {  	s8 =	sadd.s32 $0xB600, s12;
	s10 =	sand.u32 $0x1, s9;
	s11 =	sshll.u32 s4, $0x1  }
0xa: {  	s9 =	sadd.s32 $0x7E00, s12;
	_ =	strace $0x80000047;
	s13 =	ssub.s32 $0x2, s10  }
0xb: {  	s14 =	sor.u32 s10, s11;
	s10 =	sadd.s32 $0xDE00, s12;
	s15 =	sshrl.u32 s13, $0x1  }
0xc: {  	s12 =	sadd.s32 $0xAA600, s12;
	s11 =	smul.u32 $0x2710, s14;
	s15 =	ssub.s32 s13, s15  }
0xd: {  	s13 =	smul.u32 $0xA00, s14;
	s14 =	smax.u32 s15, $0x1;
	s15 =	simm.s32 $0x1  }
.LBB2_1:
0xe: {  	[tilespmem:s3], [sflag:$0x1] =	stream.linear.gather [hbm4b:s5+s3], $0x7580, $0x38;
	[tilespmem:$0xF580] =	vst v63  }
0xf: {  	_ =	swait.ge [sflag:s15], $0x7580  }
0x10: {  	[sflag:s15] =	ssyncset.done $0x0  }
0x11: {  	[sflag:s15] =	ssyncadd.s32 $0xFFFF8A80  }
0x12: {  	[tilespmem:s16], [sflag:$0x1] =	stream.linear.gather [hbm4b:s6+s3], $0x1400, $0x38;
	[tilespmem:$0xF580] =	vst v63  }
0x13: {  	_ =	swait.ge [sflag:s15], $0x1400  }
0x14: {  	[sflag:s15] =	ssyncset.done $0x0  }
0x15: {  	[sflag:s15] =	ssyncadd.s32 $0xFFFFEC00  }
0x16: {  	[tilespmem:s17], [sflag:$0x1] =	stream.linear.gather [hbm4b:s7+s3], $0x580, $0x38;
	[tilespmem:$0xF580] =	vst v63  }
0x17: {  	_ =	swait.ge [sflag:s15], $0x580  }
0x18: {  	[sflag:s15] =	ssyncset.done $0x0  }
0x19: {  	s24 =	simm.s32 $0x0;
	[sflag:s15] =	ssyncadd.s32 $0xFFFFFA80  }
.LBB2_2:
0x1a: {  	s23 =	smul.u32 $0x3E8, s24;
	_ =	sdelay $0x1  }
0x1b: {  	s23 =	sadd.s32 s11, s23  }
0x1c: {  	s25 =	sshrl.u32 s23, $0x3  }
0x1d: {  	s28 =	simm.s32 $0x0;
	s26 =	sadd.s32 s1, s25  }
0x1e: {  	[tilespmem:s18], [sflag:$0x1] =	stream.linear.gather [hbm4b:s26+s28], $0x3E8, $0x38;
	[tilespmem:$0xF580] =	vst v63  }
0x1f: {  	_ =	swait.ge [sflag:s15], $0x3E8  }
0x20: {  	[sflag:s15] =	ssyncset.done $0x0  }
0x21: {  	s25 =	sadd.s32 s2, s25;
	[sflag:s15] =	ssyncadd.s32 $0xFFFFFC18  }
0x22: {  	[tilespmem:s19], [sflag:$0x1] =	stream.linear.gather [hbm4b:s25+s28], $0x3E8, $0x38;
	[tilespmem:$0xF580] =	vst v63  }
0x23: {  	_ =	swait.ge [sflag:s15], $0x3E8  }
0x24: {  	[sflag:s15] =	ssyncset.done $0x0  }
0x25: {  	s31 =	simm.s32 $0x0;
	[sflag:s15] =	ssyncadd.s32 $0xFFFFFC18  }
0x26: {  	v0 =	vld [tilespmem:s31+$0x8F00];
	_ =	sdelay $0x4  }
0x27: {  	(v2sf) =	vpush v0, $0x0;
	_ =	sdelay $0xe  }
0x28: {  	v61 =	vld [tilespmem:s31+$0x9300];
	s26 =	spop (v2sf)  }
0x29: {  	v1 =	vld [tilespmem:s26+$0x7580];
	_ =	sdelay $0x3  }
0x2a: {  	(v2sf) =	vpush v61, $0x0  }
0x2b: {  	(v2sf) =	vpush v1, $0x0;
	_ =	sdelay $0xd  }
0x2c: {  	s29 =	spop (v2sf)  }
0x2d: {  	s25 =	smul.u32 $0xC, s29;
	s30 =	spop (v2sf)  }
0x2e: {  	s26 =	smul.u32 $0xC, s30  }
0x2f: {  	s25 =	sshra.s32 s25, $0x2  }
0x30: {  	v62 =	vld [tilespmem:s25+$0x0];
	s31 =	sshra.s32 s26, $0x2  }
0x31: {  	v63 =	vld [tilespmem:s31+$0x0];
	_ =	sdelay $0x4  }
0x32: {  	v0 =	vsub.f32 v62, v63  }
0x33: {  	s25 =	simm.s32 $0x9700  }
0x34: {  	s28 =	simm.s32 $0x1;
	s26 =	simm.s32 $0x8;
	[tilespmem:s25+$0x0] =	vst v0  }
.LBB2_3:
0x35: {  	p0 =	sne.s32 s26, $0xF9C;
	v0 =	vld [tilespmem:s28+$0x8F00];
	_ =	sdelay $0x4  }
0x36: {  	(v2sf) =	vpush v0, $0x0;
	_ =	sdelay $0xe  }
0x37: {  	v0 =	vld [tilespmem:s28+$0x9300];
	s28 =	spop (v2sf)  }
0x38: {  	v1 =	vld [tilespmem:s28+$0x7580];
	_ =	sdelay $0x3  }
0x39: {  	(v2sf) =	vpush v0, $0x0  }
0x3a: {  	(v2sf) =	vpush v1, $0x0;
	_ =	sdelay $0xd  }
0x3b: {  	s28 =	spop (v2sf)  }
0x3c: {  	s28 =	smul.u32 $0xC, s28;
	s29 =	spop (v2sf)  }
0x3d: {  	s29 =	smul.u32 $0xC, s29  }
0x3e: {  	s28 =	sshra.s32 s28, $0x2  }
0x3f: {  	v0 =	vld [tilespmem:s28+$0x0];
	s28 =	sshra.s32 s29, $0x2  }
0x40: {  	v1 =	vld [tilespmem:s28+$0x0];
	_ =	sdelay $0x2  }
.Ltmp0:
0x41: {  	(pc) =	sbr.rel @p0 .LBB2_3-.Ltmp0, $4  }
0x42: {  	_ = 	snop  }
0x43: {  	v0 =	vsub.f32 v0, v1  }
0x44: {  	s25 =	sadd.s32 $0x10, s25  }
0x45: {  	s28 =	sshra.s32 s26, $0x2;
	s26 =	sadd.s32 $0x4, s26;
	[tilespmem:s25+$0x0] =	vst v0  }
0x46: {  	v0 =	vld [tilespmem:s28+$0x8F00];
	_ =	sdelay $0x4  }
0x47: {  	(v2sf) =	vpush v0, $0x0;
	_ =	sdelay $0xe  }
0x48: {  	v61 =	vld [tilespmem:s28+$0x9300];
	s26 =	spop (v2sf)  }
0x49: {  	v1 =	vld [tilespmem:s26+$0x7580];
	_ =	sdelay $0x3  }
0x4a: {  	(v2sf) =	vpush v61, $0x0  }
0x4b: {  	(v2sf) =	vpush v1, $0x0;
	_ =	sdelay $0xd  }
0x4c: {  	s28 =	spop (v2sf)  }
0x4d: {  	s26 =	smul.u32 $0xC, s28;
	s29 =	spop (v2sf)  }
0x4e: {  	s28 =	smul.u32 $0xC, s29  }
0x4f: {  	s26 =	sshra.s32 s26, $0x2  }
0x50: {  	v62 =	vld [tilespmem:s26+$0x0];
	s30 =	sshra.s32 s28, $0x2  }
0x51: {  	v63 =	vld [tilespmem:s30+$0x0];
	_ =	sdelay $0x4  }
0x52: {  	s24 =	sadd.s32 $0x1, s24;
	v0 =	vsub.f32 v62, v63  }
0x53: {  	s25 =	sadd.s32 $0x10, s25;
	s23 =	sshll.u32 s23, $0x1;
	p0 =	sne.s32 s24, $0xA  }
.Ltmp1:
0x54: {  	s31 =	sadd.s32 s10, s23;
	s23 =	simm.s32 $0x0;
	[tilespmem:s25+$0x0] =	vst v0;
	(pc) =	sbr.rel @p0 .LBB2_2-.Ltmp1, $4  }
0x55: {  	[hbm4b:s31+s23] =	stream.linear.scatter [tilespmem:s20], [sflag:$0x1], $0x3E80, $0x38;
	[tilespmem:$0xF580] =	vst v63  }
0x56: {  	_ =	swait.ge [sflag:s15], $0x3E80  }
0x57: {  	[sflag:s15] =	ssyncset.done $0x0  }
0x58: {  	[sflag:s15] =	ssyncadd.s32 $0xFFFFC180  }
0x59: {  	s24 =	simm.s32 $0x0  }
.LBB2_6:
0x5a: {  	s25 =	sshll.u32 s24, $0x9  }
0x5b: {  	s25 =	sadd.s32 s13, s25  }
0x5c: {  	s26 =	sshrl.u32 s25, $0x3  }
0x5d: {  	s28 =	sadd.s32 s8, s26  }
0x5e: {  	[tilespmem:s18], [sflag:$0x1] =	stream.linear.gather [hbm4b:s28+s23], $0x200, $0x38;
	[tilespmem:$0xF580] =	vst v63  }
0x5f: {  	_ =	swait.ge [sflag:s15], $0x200  }
0x60: {  	[sflag:s15] =	ssyncset.done $0x0  }
0x61: {  	s26 =	sadd.s32 s9, s26;
	[sflag:s15] =	ssyncadd.s32 $0xFFFFFE00  }
0x62: {  	[tilespmem:s19], [sflag:$0x1] =	stream.linear.gather [hbm4b:s26+s23], $0x200, $0x38;
	[tilespmem:$0xF580] =	vst v63  }
0x63: {  	_ =	swait.ge [sflag:s15], $0x200  }
0x64: {  	[sflag:s15] =	ssyncset.done $0x0  }
0x65: {  	s31 =	simm.s32 $0x0;
	[sflag:s15] =	ssyncadd.s32 $0xFFFFFE00  }
0x66: {  	v0 =	vld [tilespmem:s31+$0x8F00];
	_ =	sdelay $0x4  }
0x67: {  	(v2sf) =	vpush v0, $0x0;
	_ =	sdelay $0xe  }
0x68: {  	s28 =	spop (v2sf)  }
0x69: {  	p0 =	slt.s32 s28, $0x4E1  }
0x6a: {  	v59 =	vld [tilespmem:s31+$0x9300];
	s28 =	simm.s32 @!p0 $0x4E1  }
0x6b: {  	v1 =	vld [tilespmem:s28+$0x8980];
	_ =	sdelay $0x3  }
0x6c: {  	(v2sf) =	vpush v59, $0x0  }
0x6d: {  	(v2sf) =	vpush v1, $0x0;
	_ =	sdelay $0xd  }
0x6e: {  	s30 =	spop (v2sf)  }
0x6f: {  	v60 =	vld [tilespmem:s30+$0x7580];
	s31 =	spop (v2sf)  }
0x70: {  	v61 =	vld [tilespmem:s31+$0x7580];
	_ =	sdelay $0x3  }
0x71: {  	(v2sf) =	vpush v60, $0x0  }
0x72: {  	(v2sf) =	vpush v61, $0x0;
	_ =	sdelay $0xd  }
0x73: {  	s30 =	spop (v2sf)  }
0x74: {  	s26 =	smul.u32 $0xC, s30;
	s28 =	spop (v2sf)  }
0x75: {  	s28 =	smul.u32 $0xC, s28  }
0x76: {  	s26 =	sshra.s32 s26, $0x2  }
0x77: {  	v62 =	vld [tilespmem:s26+$0x0];
	s31 =	sshra.s32 s28, $0x2  }
0x78: {  	v63 =	vld [tilespmem:s31+$0x0];
	_ =	sdelay $0x4  }
0x79: {  	v0 =	vsub.f32 v62, v63  }
0x7a: {  	s26 =	simm.s32 $0xD580  }
0x7b: {  	s29 =	simm.s32 $0x1;
	s28 =	simm.s32 $0x8;
	[tilespmem:s26+$0x0] =	vst v0  }
.LBB2_7:
0x7c: {  	p0 =	sne.s32 s28, $0x7FC;
	v0 =	vld [tilespmem:s29+$0x8F00];
	_ =	sdelay $0x4  }
0x7d: {  	(v2sf) =	vpush v0, $0x0;
	_ =	sdelay $0xe  }
0x7e: {  	s30 =	spop (v2sf)  }
0x7f: {  	p1 =	slt.s32 s30, $0x4E1  }
0x80: {  	v0 =	vld [tilespmem:s29+$0x9300];
	s30 =	simm.s32 @!p1 $0x4E1  }
0x81: {  	v1 =	vld [tilespmem:s30+$0x8980];
	_ =	sdelay $0x3  }
0x82: {  	(v2sf) =	vpush v0, $0x0  }
0x83: {  	(v2sf) =	vpush v1, $0x0;
	_ =	sdelay $0xd  }
0x84: {  	s29 =	spop (v2sf)  }
0x85: {  	v0 =	vld [tilespmem:s29+$0x7580];
	s29 =	spop (v2sf)  }
0x86: {  	v1 =	vld [tilespmem:s29+$0x7580];
	_ =	sdelay $0x3  }
0x87: {  	(v2sf) =	vpush v0, $0x0  }
0x88: {  	(v2sf) =	vpush v1, $0x0;
	_ =	sdelay $0xd  }
0x89: {  	s29 =	spop (v2sf)  }
0x8a: {  	s29 =	smul.u32 $0xC, s29;
	s30 =	spop (v2sf)  }
0x8b: {  	s30 =	smul.u32 $0xC, s30  }
0x8c: {  	s29 =	sshra.s32 s29, $0x2  }
0x8d: {  	v0 =	vld [tilespmem:s29+$0x0];
	s29 =	sshra.s32 s30, $0x2  }
0x8e: {  	v1 =	vld [tilespmem:s29+$0x0];
	_ =	sdelay $0x2  }
.Ltmp2:
0x8f: {  	(pc) =	sbr.rel @p0 .LBB2_7-.Ltmp2, $4  }
0x90: {  	_ = 	snop  }
0x91: {  	v0 =	vsub.f32 v0, v1  }
0x92: {  	s26 =	sadd.s32 $0x10, s26  }
0x93: {  	s29 =	sshra.s32 s28, $0x2;
	s28 =	sadd.s32 $0x4, s28;
	[tilespmem:s26+$0x0] =	vst v0  }
0x94: {  	v0 =	vld [tilespmem:s29+$0x8F00];
	_ =	sdelay $0x4  }
0x95: {  	(v2sf) =	vpush v0, $0x0;
	_ =	sdelay $0xe  }
0x96: {  	s28 =	spop (v2sf)  }
0x97: {  	p0 =	slt.s32 s28, $0x4E1  }
0x98: {  	v59 =	vld [tilespmem:s29+$0x9300];
	s28 =	simm.s32 @!p0 $0x4E1  }
0x99: {  	v1 =	vld [tilespmem:s28+$0x8980];
	_ =	sdelay $0x3  }
0x9a: {  	(v2sf) =	vpush v59, $0x0  }
0x9b: {  	(v2sf) =	vpush v1, $0x0;
	_ =	sdelay $0xd  }
0x9c: {  	s30 =	spop (v2sf)  }
0x9d: {  	v60 =	vld [tilespmem:s30+$0x7580];
	s31 =	spop (v2sf)  }
0x9e: {  	v61 =	vld [tilespmem:s31+$0x7580];
	_ =	sdelay $0x3  }
0x9f: {  	(v2sf) =	vpush v60, $0x0  }
0xa0: {  	(v2sf) =	vpush v61, $0x0;
	_ =	sdelay $0xd  }
0xa1: {  	s29 =	spop (v2sf)  }
0xa2: {  	s28 =	smul.u32 $0xC, s29;
	s30 =	spop (v2sf)  }
0xa3: {  	s29 =	smul.u32 $0xC, s30  }
0xa4: {  	s28 =	sshra.s32 s28, $0x2  }
0xa5: {  	v62 =	vld [tilespmem:s28+$0x0];
	s31 =	sshra.s32 s29, $0x2  }
0xa6: {  	v63 =	vld [tilespmem:s31+$0x0];
	_ =	sdelay $0x4  }
0xa7: {  	s24 =	sadd.s32 $0x1, s24;
	v0 =	vsub.f32 v62, v63  }
0xa8: {  	s26 =	sadd.s32 $0x10, s26;
	s25 =	sshll.u32 s25, $0x1;
	p0 =	sne.s32 s24, $0x5  }
.Ltmp3:
0xa9: {  	s25 =	sadd.s32 s12, s25;
	[tilespmem:s26+$0x0] =	vst v0;
	(pc) =	sbr.rel @p0 .LBB2_6-.Ltmp3, $4  }
0xaa: {  	[hbm4b:s25+s3] =	stream.linear.scatter [tilespmem:s21], [sflag:$0x1], $0x2000, $0x38;
	[tilespmem:$0xF580] =	vst v63  }
0xab: {  	_ =	swait.ge [sflag:s15], $0x2000  }
0xac: {  	[sflag:s15] =	ssyncset.done $0x0  }
0xad: {  	[sflag:s15] =	ssyncadd.s32 $0xFFFFE000  }
0xae: {  	s22 =	sadd.s32 $0x1, s22  }
0xaf: {  	p0 =	sne.s32 s22, s14  }
.Ltmp4:
0xb0: {  	_ = 	snop;
	(pc) =	sbr.rel @p0 .LBB2_1-.Ltmp4, $1  }
0xb1: {  	_ =	sdelay $0x3  }
0xb2: {  	_ =	sfence.sel $0x180000  }
0xb3: {  	[bflag:$0x0] =	sbarrier.arrive $0xFFFF  }
0xb4: {  	p0 =	sne.s32 s4, $0x0;
	_ =	strace $0x90000047  }
0xb5: {  	s0 =	sadd.s32 @!p0 $0x100000, s0;
	[bflag:$0x2] =	sbarrier.arrive $0xFFFF  }
0xb6: {  	[sflag:s0] =	ssyncadd.tile.s32 @!p0 $0x1;
	_ =	shalt  }
.Lfunc_end2:
_tile_overlayer_lowered:
.L_overlay_start_2:
0xb7: {  	(tag) =	ssettag $0x2  }
0xb8: {  	s0 =	rddreg [dreg:$0x0];
	s2 =	stileid.u32  }
0xb9: {  	s1 =	rddreg [dreg:$0x1];
	p0 =	sne.s32 s2, $0x0  }
0xba: {  	s3 =	rddreg [dreg:$0x2];
	[bflag:$0x3] =	sbarrier.arrive $0xFFFF;
	s2 =	simm.s32 @!p0 $0x1C01  }
0xbb: {  	[timem:s3], [sflag:s2] =	dma.local @!p0 [hbm:s0], s1  }
0xbc: {  	s0 =	simm.s32 @!p0 $0x1  }
0xbd: {  	_ =	swait.ge @!p0 [sflag:s0], s1  }
0xbe: {  	s1 =	ssub.s32 @!p0 $0x0, s1;
	[sflag:s0] =	ssyncset.done @!p0 $0x0  }
0xbf: {  	[sflag:s0] =	ssyncadd.s32 @!p0 s1  }
0xc0: {  	[bflag:$0x3] =	sbarrier.arrive $0xFFFF  }
0xc1: {  	_ =	shalt  }

// kernel: sparse-core-data-format-call.cloned.1.call-start
scs
called_computation_lowered:
.L_overlay_start_0:
0x0: {  	s1 =	sld [smem:$0x3FD9]  }
0x1: {  	s2 =	sld [smem:$0x3FFE];
	_ =	sdelay $0x1  }
0x2: {  	s3 =	srdreg.scid  }
0x3: {  	s0 =	sand.u32 $0x1, s3  }
0x4: {  	s17 =	sshll.u32 s0, $0xA;
	s1 =	sadd.s32 s2, s1  }
0x5: {  	s1 =	sadd.s32 s1, s17  }
0x6: {  	[smem:$0x3FAF] =	sst s1  }
0x7: {  	_ = 	snop  }
0x8: {  	(tm) =	ssettm $0x1  }
0x9: {  	s18 =	sld [smem:$0x3FFB];
	_ =	sdelay $0x3  }
0xa: {  	_ =	strace s18  }
0xb: {  	s1 =	sld [smem:$0x3FFC];
	_ =	sdelay $0x3  }
0xc: {  	_ =	strace s1  }
0xd: {  	s1 =	sld [smem:$0x3FFD];
	_ =	sdelay $0x3  }
0xe: {  	_ =	strace s1  }
0xf: {  	_ =	strace $0x8FFFFFFF  }
0x10: {  	s19 =	sld [smem:$0x3FDB];
	_ =	sdelay $0x1  }
0x11: {  	s20 =	simm.s32 $_scs_section_size  }
0x12: {  	s4 =	simm.s32 $_size__tile_overlayer_lowered;
	s5 =	simm.s32 $_tile_overlayer_lowered  }
0x13: {  	s23 =	simm.s32 $0x1BFF;
	s22 =	sshll.u32 s5, $0x1;
	s1 =	sadd.s32 s20, s19  }
0x14: {  	s6 =	simm.s32 $0x0;
	s21 =	sshll.u32 s4, $0x1;
	s4 =	sadd.s32 s22, s1  }
0x15: {  	[timem:s6], [sflag:s23] =	dma.local [hbm:s4], s21  }
0x16: {  	_ =	swait.ge [sflag:s23], s21  }
0x17: {  	s2 =	ssub.s32 $0x0, s21;
	[sflag:s23] =	ssyncset.done $0x0  }
0x18: {  	[sflag:s23] =	ssyncadd.s32 s2;
	_ =	sdelay $0x1  }
0x19: {  	s24 =	simm.s32 $0x1B8B  }
0x1a: {  	_ =	swait.ge [sflag:s24], $0x1  }
0x1b: {  	[sflag:s24] =	ssyncset.done $0x0  }
0x1c: {  	s26 =	simm.s32 $0x1B8E;
	s25 =	sld [smem:$0x3FFE];
	[sflag:s24] =	ssyncadd.s32 $0xFFFFFFFF  }
0x1d: {  	s27 =	simm.s32 $execute0_lowered;
	[smem:$0x3FD2] =	sst s26  }
0x1e: {  	s4 =	sshll.u32 s27, $0x1;
	_ =	strace $0x8000004F;
	[dreg:$0x1] =	wrdreg $0xFFFFFFFF  }
0x1f: {  	s28 =	simm.s32 $_size_execute0_lowered;
	s1 =	sadd.s32 s1, s4;
	[dreg:$0x0] =	wrdreg $0x0  }
0x20: {  	s4 =	sshll.u32 s28, $0x1;
	[dreg:$0x2] =	wrdreg s1  }
0x21: {  	[dreg:$0x3] =	wrdreg s4  }
0x22: {  	[dreg:$0x4] =	wrdreg $0xC0  }
0x23: {  	_ =	task [dreg:s6], $0x5FFFF  }
0x24: {  	[dreg:$0x1] =	wrdreg $0xFFFFFFFF  }
0x25: {  	[dreg:$0x0] =	wrdreg $0x60  }
0x26: {  	[dreg:$0x2] =	wrdreg s25  }
0x27: {  	[dreg:$0x3] =	wrdreg $0x9  }
0x28: {  	_ =	task.clear_ibuf [dreg:s6], $0x4FFFF;
	_ =	strace $0x9000004F  }
0x29: {  	s29 =	simm.s32 $0x9;
	_ =	strace $0x80000051  }
0x2a: {  	_ =	swait.ge [sflag:s29], $0x1  }
0x2b: {  	[sflag:s29] =	ssyncadd.s32 $0xFFFFFFFF  }
0x2c: {  	_ =	strace $0x90000051  }
0x2d: {  	_ =	sfence  }
0x2e: {  	s30 =	sld [smem:$0x0];
	_ =	sdelay $0x2  }
0x2f: {  	s31 =	sshll.u32 s3, $0xD;
	s3 =	sshrl.u32 s3, $0x2  }
0x30: {  	s2 =	sand.u32 $0x4000, s31;
	s1 =	sadd.s32 s3, s30  }
0x31: {  	s0 =	sor.u32 s2, s0;
	s1 =	sshll.u32 s1, $0x11  }
0x32: {  	s0 =	sor.u32 s1, s0  }
0x33: {  	s0 =	sadd.s32 $0x8F2B, s0  }
0x34: {  	[sflag:s0] =	ssyncadd.remote.s32 $0x1  }
0x35: {  	_ =	sfence.sel $0xFFFF  }
0x36: {  	[dreg:$0x0] =	wrdreg $0xFFFFFFFF;
	(pc) =	sbr.abs _section_cstart, $3  }
0x37: {  	[dreg:$0x1] =	wrdreg $0xFFFFFFFF  }
0x38: {  	_ =	task.clear_ibuf [dreg:s6], $0x2FFFF;
	_ =	strace $0x9FFFFFFF  }
0x39: {  	(tm) =	ssettm $0x7FFFFFFF  }
tec
execute0_lowered:
.L_overlay_start_1:
0x0: {  	(tag) =	ssettag $0x1  }
0x1: {  	s0 =	srdreg.scid  }
0x2: {  	s1 =	sshll.u32 s0, $0x4  }
0x3: {  	s4 =	rddreg [dreg:$0x0];
	s0 =	stileid.u32;
	s1 =	sand.u32 $0x10, s1  }
0x4: {  	s7 =	simm.s32 $0x1;
	s8 =	simm.s32 $0x2;
	s2 =	sor.u32 s0, s1  }
0x5: {  	s9 =	simm.s32 $0x0;
	s12 =	simm.s32 $0x0;
	s2 =	sshll.u32 s2, $0x3  }
0x6: {  	s11 =	simm.s32 $0x0;
	s3 =	sadd.s32 $0x352600, s4;
	s6 =	ssub.s32 $0x2800, s2  }
.Ltmp0:
0x7: {  	s4 =	sadd.s32 $0xDE00, s4;
	s5 =	sand.u32 $0xF8, s6;
	(pc) =	sbr.rel .LBB1_1-.Ltmp0, $4  }
0x8: {  	s1 =	rddreg [dreg:$0x1];
	_ =	strace $0x80000050;
	p0 =	sne.s32 s5, $0x0  }
0x9: {  	s6 =	sshrl.u32 s6, $0x8;
	s5 =	simm.s32 $0x1;
	s7 =	simm.s32 @!p0 $0x0  }
0xa: {  	s10 =	smov.u32 s2;
	[sflag:s5] =	ssyncpa.u1 $0x0;
	s6 =	sadd.s32 s7, s6  }
0xb: {  	[sflag:s8] =	ssyncpa.u1 $0x0;
	s8 =	simm.s32 $0x0;
	s7 =	sadd.s32 $0x1, s6  }
.LBB1_9:
0xc: {  	s14 =	sadd.s32 $0x100, s10  }
0xd: {  	p1 =	sgt.s32 s14, $0x27FF  }
0xe: {  	s14 =	smov.u32 @p1 s2;
	p1 =	sne.s32 s11, s7  }
.Ltmp1:
0xf: {  	p0 =	slt.u32 s11, $0x2;
	(pc) =	sbr.rel @!p1 .LBB1_10-.Ltmp1, $4  }
0x10: {  	s13 =	simm.s32 @!p0 $0x2  }
0x11: {  	s15 =	sadd.s32 $0x1, s11;
	_ =	swait.ge @!p0 [sflag:s13], $0x4000  }
0x12: {  	s12 =	smov.u32 s10;
	s9 =	sadd.s32 $0x4000, s9;
	[sflag:s13] =	ssyncset.done @!p0 $0x0  }
0x13: {  	s11 =	smov.u32 s15;
	s10 =	smov.u32 s14;
	[sflag:s13] =	ssyncadd.s32 @!p0 $0xFFFFC000  }
.LBB1_1:
0x14: {  	p0 =	sge.u32 s11, s6  }
0x15: {  	s13 =	sxor.u32 @!p0 $0xFFFFFFFF, s11  }
0x16: {  	s31 =	sadd.s32 $0xFFFFFFFF, s11;
	s14 =	sshll.u32 @!p0 s10, $0x8;
	s13 =	sshll.u32 @!p0 s13, $0xE  }
0x17: {  	s15 =	simm.s32 @!p0 $0x0;
	s14 =	sadd.s32 @!p0 s3, s14;
	s13 =	sand.u32 @!p0 $0x4000, s13  }
0x18: {  	[tilespmem:s13], [sflag:$0x1] =	stream.linear.gather @!p0 [hbm4b:s14+s15], $0x4000, $0x38;
	[tilespmem:$0x10000] =	vst v63  }
0x19: {  	p0 =	sge.u32 s31, s6  }
.Ltmp2:
0x1a: {  	_ = 	snop;
	(pc) =	sbr.rel @p0 .LBB1_9-.Ltmp2, $1  }
0x1b: {  	_ =	sdelay $0x3  }
0x1c: {  	s13 =	sshll.u32 s9, $0x2;
	_ =	swait.ge [sflag:s5], $0x4000;
	s14 =	sshll.u32 s11, $0xE  }
0x1d: {  	s16 =	simm.s32 $0x0;
	s17 =	simm.s32 $0x0;
	s15 =	sand.u32 $0x10000, s13  }
0x1e: {  	[sflag:s5] =	ssyncset.done $0x0;
	s31 =	sand.u32 $0x4000, s14;
	s14 =	sshrl.u32 s15, $0x2  }
0x1f: {  	[sflag:s5] =	ssyncadd.s32 $0xFFFFC000;
	s13 =	sor.u32 $0x8000, s31;
	s15 =	sor.u32 $0x8000, s14  }
.LBB1_3:
0x20: {  	s18 =	sshra.s32 s16, $0x2  }
0x21: {  	v0 =	vmov s18;
	_ =	sdelay $0x3  }
0x22: {  	p1 =	por $0x1, $0x1;
	s18 =	simm.s32 $0x0  }
.LBB1_4:
0x23: {  	_ = 	snop  }
0x24: {  	s19 =	sshll.u32 s18, $0xA  }
0x25: {  	s19 =	sand.u32 $0x3FFFFC00, s19  }
0x26: {  	s19 =	sadd.s32 s19, s14  }
0x27: {  	v5 =	vld.idx.msk [tilespmem:v0+s19+$0x70 ss:$0x1], $0xffff  }
0x28: {  	v6 =	vld.idx.msk [tilespmem:v0+s19+$0x10 ss:$0x1], $0xffff  }
0x29: {  	v7 =	vld.idx.msk [tilespmem:v0+s19+$0x20 ss:$0x1], $0xffff  }
0x2a: {  	s31 =	sshll.u32 s18, $0x7;
	v1 =	vld.idx.msk [tilespmem:v0+s19+$0x30 ss:$0x1], $0xffff  }
0x2b: {  	s18 =	sand.u32 $0x3FFFFF80, s31;
	v2 =	vld.idx.msk [tilespmem:v0+s19+$0x40 ss:$0x1], $0xffff  }
0x2c: {  	s18 =	sadd.s32 s18, s15;
	v3 =	vld.idx.msk [tilespmem:v0+s19+$0x50 ss:$0x1], $0xffff  }
0x2d: {  	v4 =	vld.idx.msk [tilespmem:v0+s19+$0x60 ss:$0x1], $0xffff;
	[tilespmem:v0+s18+$0x70 ss:$0x1] =	vst.idx.msk $0xffff, v5  }
0x2e: {  	v5 =	vld.idx.msk [tilespmem:v0+s19+$0x0 ss:$0x1], $0xffff;
	[tilespmem:v0+s18+$0x10 ss:$0x1] =	vst.idx.msk $0xffff, v6;
	s19 =	sadd.s32 $0x80, s19  }
0x2f: {  	p0 =	por p1, p1;
	s20 =	simm.s32 $0x6;
	[tilespmem:v0+s18+$0x20 ss:$0x1] =	vst.idx.msk $0xffff, v7;
	v6 =	vld.idx.msk [tilespmem:v0+s19+$0x70 ss:$0x1], $0xffff  }
.LBB1_5:
0x30: {  	p1 =	sne.s32 s20, $0x1;
	v7 =	vld.idx.msk [tilespmem:v0+s19+$0x10 ss:$0x1], $0xffff;
	[tilespmem:v0+s18+$0x30 ss:$0x1] =	vst.idx.msk $0xffff, v1  }
0x31: {  	v8 =	vld.idx.msk [tilespmem:v0+s19+$0x20 ss:$0x1], $0xffff;
	[tilespmem:v0+s18+$0x40 ss:$0x1] =	vst.idx.msk $0xffff, v2  }
0x32: {  	v1 =	vld.idx.msk [tilespmem:v0+s19+$0x30 ss:$0x1], $0xffff;
	[tilespmem:v0+s18+$0x50 ss:$0x1] =	vst.idx.msk $0xffff, v3  }
.Ltmp3:
0x33: {  	v2 =	vld.idx.msk [tilespmem:v0+s19+$0x40 ss:$0x1], $0xffff;
	[tilespmem:v0+s18+$0x60 ss:$0x1] =	vst.idx.msk $0xffff, v4;
	(pc) =	sbr.rel @p1 .LBB1_5-.Ltmp3, $4  }
0x34: {  	v3 =	vld.idx.msk [tilespmem:v0+s19+$0x50 ss:$0x1], $0xffff;
	[tilespmem:v0+s18+$0x0 ss:$0x1] =	vst.idx.msk $0xffff, v5;
	s18 =	sadd.s32 $0x100, s18  }
0x35: {  	v4 =	vld.idx.msk [tilespmem:v0+s19+$0x60 ss:$0x1], $0xffff;
	[tilespmem:v0+s18+$0x70 ss:$0x1] =	vst.idx.msk $0xffff, v6  }
0x36: {  	v5 =	vld.idx.msk [tilespmem:v0+s19+$0x0 ss:$0x1], $0xffff;
	[tilespmem:v0+s18+$0x10 ss:$0x1] =	vst.idx.msk $0xffff, v7;
	s19 =	sadd.s32 $0x80, s19  }
0x37: {  	s20 =	sadd.s32 $0xFFFFFFFF, s20;
	v6 =	vld.idx.msk [tilespmem:v0+s19+$0x70 ss:$0x1], $0xffff;
	[tilespmem:v0+s18+$0x20 ss:$0x1] =	vst.idx.msk $0xffff, v8  }
0x38: {  	_ =	sdelay $0x3  }
0x39: {  	[tilespmem:v0+s18+$0x30 ss:$0x1] =	vst.idx.msk $0xffff, v1  }
0x3a: {  	v1 =	vld.idx.msk [tilespmem:v0+s19+$0x10 ss:$0x1], $0xffff;
	[tilespmem:v0+s18+$0x40 ss:$0x1] =	vst.idx.msk $0xffff, v2  }
0x3b: {  	v2 =	vld.idx.msk [tilespmem:v0+s19+$0x20 ss:$0x1], $0xffff;
	[tilespmem:v0+s18+$0x50 ss:$0x1] =	vst.idx.msk $0xffff, v3  }
0x3c: {  	v61 =	vld.idx.msk [tilespmem:v0+s19+$0x40 ss:$0x1], $0xffff;
	[tilespmem:v0+s18+$0x60 ss:$0x1] =	vst.idx.msk $0xffff, v4  }
0x3d: {  	s31 =	sadd.s32 $0x100, s18;
	v62 =	vld.idx.msk [tilespmem:v0+s19+$0x50 ss:$0x1], $0xffff;
	[tilespmem:v0+s18+$0x0 ss:$0x1] =	vst.idx.msk $0xffff, v5  }
0x3e: {  	v63 =	vld.idx.msk [tilespmem:v0+s19+$0x60 ss:$0x1], $0xffff;
	[tilespmem:v0+s31+$0x70 ss:$0x1] =	vst.idx.msk $0xffff, v6  }
0x3f: {  	v3 =	vld.idx.msk [tilespmem:v0+s19+$0x30 ss:$0x1], $0xffff;
	[tilespmem:v0+s31+$0x10 ss:$0x1] =	vst.idx.msk $0xffff, v1  }
0x40: {  	v1 =	vld.idx.msk [tilespmem:v0+s19+$0x0 ss:$0x1], $0xffff;
	[tilespmem:v0+s31+$0x20 ss:$0x1] =	vst.idx.msk $0xffff, v2  }
.Ltmp4:
0x41: {  	[tilespmem:v0+s31+$0x40 ss:$0x1] =	vst.idx.msk $0xffff, v61;
	(pc) =	sbr.rel @p0 .LBB1_4-.Ltmp4, $4  }
0x42: {  	[tilespmem:v0+s31+$0x50 ss:$0x1] =	vst.idx.msk $0xffff, v62  }
0x43: {  	[tilespmem:v0+s31+$0x60 ss:$0x1] =	vst.idx.msk $0xffff, v63  }
0x44: {  	[tilespmem:v0+s31+$0x30 ss:$0x1] =	vst.idx.msk $0xffff, v3  }
0x45: {  	p1 =	por $0x0, $0x0;
	s18 =	simm.s32 $0x1;
	[tilespmem:v0+s31+$0x0 ss:$0x1] =	vst.idx.msk $0xffff, v1  }
0x46: {  	s17 =	sadd.s32 $0x1, s17  }
0x47: {  	p0 =	sne.s32 s17, $0x8  }
.Ltmp5:
0x48: {  	_ = 	snop;
	(pc) =	sbr.rel @p0 .LBB1_3-.Ltmp5, $2  }
0x49: {  	_ =	sdelay $0x2  }
0x4a: {  	s16 =	sadd.s32 $0x2000, s16  }
.Ltmp6:
0x4b: {  	(pc) =	sbr.rel .LBB1_9-.Ltmp6, $4  }
0x4c: {  	_ = 	snop  }
0x4d: {  	s12 =	sshll.u32 s12, $0x8  }
0x4e: {  	s12 =	sadd.s32 s4, s12  }
0x4f: {  	[hbm4b:s12+s8] =	stream.linear.scatter [tilespmem:s13], [sflag:$0x2], $0x4000, $0x38;
	[tilespmem:$0x10000] =	vst v63  }
.LBB1_10:
0x50: {  	_ =	sfence.sel $0x180000  }
0x51: {  	s2 =	simm.s32 $0x1;
	[bflag:$0x0] =	sbarrier.arrive $0xFFFF  }
0x52: {  	s31 =	simm.s32 $0x2;
	[sflag:s2] =	ssyncpa.u1 $0x1  }
0x53: {  	[sflag:s31] =	ssyncpa.u1 $0x1  }
0x54: {  	p0 =	sne.s32 s0, $0x0;
	_ =	strace $0x90000050  }
0x55: {  	s0 =	sadd.s32 @!p0 $0x100000, s1;
	[bflag:$0x2] =	sbarrier.arrive $0xFFFF  }
0x56: {  	[sflag:s0] =	ssyncadd.tile.s32 @!p0 $0x1;
	_ =	shalt  }
.Lfunc_end1:
_tile_overlayer_lowered:
.L_overlay_start_2:
0x57: {  	(tag) =	ssettag $0x2  }
0x58: {  	s0 =	rddreg [dreg:$0x0];
	s2 =	stileid.u32  }
0x59: {  	s1 =	rddreg [dreg:$0x1];
	p0 =	sne.s32 s2, $0x0  }
0x5a: {  	s3 =	rddreg [dreg:$0x2];
	[bflag:$0x3] =	sbarrier.arrive $0xFFFF;
	s2 =	simm.s32 @!p0 $0x1C01  }
0x5b: {  	[timem:s3], [sflag:s2] =	dma.local @!p0 [hbm:s0], s1  }
0x5c: {  	s0 =	simm.s32 @!p0 $0x1  }
0x5d: {  	_ =	swait.ge @!p0 [sflag:s0], s1  }
0x5e: {  	s1 =	ssub.s32 @!p0 $0x0, s1;
	[sflag:s0] =	ssyncset.done @!p0 $0x0  }
0x5f: {  	[sflag:s0] =	ssyncadd.s32 @!p0 s1  }
0x60: {  	[bflag:$0x3] =	sbarrier.arrive $0xFFFF  }
0x61: {  	_ =	shalt  }

</sc_bundles>
